<compile_context>
chip_gen: v7x
topology: tpu7x:2x2x1
jax: 0.10.2.dev20260603
libtpu: 0.0.44.dev20260713+nightly
codegen_flags: <defaults>
</compile_context>

<pallas_src>
import functools

import jax
import jax.numpy as jnp
from jax import lax
from jax.experimental import pallas as pl
from jax.experimental.pallas import tpu as pltpu
from jax.experimental.pallas import tpu_sc as plsc

_EMBED = 32
_BATCH = 16384
_HIST = 50
_LINES = 250000
_BB = 256
_NBLK = _HIST * (_BATCH // _BB)
_NW = 32
_BLK_PER_W = _NBLK // _NW

_mesh = plsc.VectorSubcoreMesh(core_axis_name="c", subcore_axis_name="s")


@functools.partial(
    pl.kernel,
    mesh=_mesh,
    out_type=jax.ShapeDtypeStruct((_HIST, _EMBED, _BATCH), jnp.float32),
    scratch_types=[
        pltpu.VMEM((_BB,), jnp.int32),
        pltpu.VMEM((_BB,), jnp.int32),
        pltpu.VMEM((_BB,), jnp.int32),
        pltpu.VMEM((_BB,), jnp.int32),
        pltpu.VMEM((_BB,), jnp.int32),
        pltpu.VMEM((_BB,), jnp.int32),
        pltpu.VMEM((_BB, 128), jnp.float32),
        pltpu.VMEM((_BB, 128), jnp.float32),
        pltpu.VMEM((_EMBED, _BB), jnp.float32),
        pltpu.VMEM((_EMBED, _BB), jnp.float32),
        pltpu.SemaphoreType.DMA,
        pltpu.SemaphoreType.DMA,
        pltpu.SemaphoreType.DMA,
        pltpu.SemaphoreType.DMA,
    ],
    compiler_params=pltpu.CompilerParams(needs_layout_passes=False),
)
def _embed_gather(idxt_hbm, table_hbm, out_hbm,
                  idx_v0, idx_v1, row_v0, row_v1, sub_v0, sub_v1,
                  gath_v0, gath_v1, st_v0, st_v1,
                  gsem0, gsem1, ssem0, ssem1):
    wid = lax.axis_index("s") * 2 + lax.axis_index("c")
    base = wid * _BLK_PER_W

    def hb(c):
        blk = base + c
        return blk // (_BATCH // _BB), (blk % (_BATCH // _BB)) * _BB

    def load_and_fire(c, idx_v, row_v, sub_v, gath_v, gsem):
        h, b0 = hb(c)
        pltpu.sync_copy(idxt_hbm.at[h, pl.ds(b0, _BB)], idx_v)
        for jb in range(_BB // 16):
            v = idx_v[pl.ds(jb * 16, 16)]
            row_v[pl.ds(jb * 16, 16)] = lax.shift_right_logical(v, 2)
            sub_v[pl.ds(jb * 16, 16)] = lax.shift_left(
                lax.bitwise_and(v, 3), 5)
        pltpu.async_copy(table_hbm.at[row_v], gath_v, gsem)

    def wait_gather(gath_v, row_v, gsem):
        pltpu.make_async_copy(table_hbm.at[row_v], gath_v, gsem).wait()

    def select(sub_v, gath_v, st_v):
        iota16 = lax.iota(jnp.int32, 16)
        rows = [jb * 16 + iota16 for jb in range(_BB // 16)]
        subs = [sub_v[pl.ds(jb * 16, 16)] for jb in range(_BB // 16)]

        @plsc.parallel_loop(0, _EMBED, unroll=8)
        def e_body(e):
            for jb in range(_BB // 16):
                vals = plsc.load_gather(gath_v, [rows[jb], subs[jb] + e])
                st_v[e, pl.ds(jb * 16, 16)] = vals

    def fire_store(c, st_v, ssem):
        h, b0 = hb(c)
        pltpu.async_copy(st_v, out_hbm.at[h, :, pl.ds(b0, _BB)], ssem)

    def wait_store(c, st_v, ssem):
        h, b0 = hb(c)
        pltpu.make_async_copy(st_v, out_hbm.at[h, :, pl.ds(b0, _BB)],
                              ssem).wait()

    load_and_fire(0, idx_v0, row_v0, sub_v0, gath_v0, gsem0)

    def body(g, carry):
        c0 = 2 * g

        @pl.when(g > 0)
        def _():
            wait_store(c0 - 1, st_v1, ssem1)

        load_and_fire(c0 + 1, idx_v1, row_v1, sub_v1, gath_v1, gsem1)
        wait_gather(gath_v0, row_v0, gsem0)
        select(sub_v0, gath_v0, st_v0)
        fire_store(c0, st_v0, ssem0)

        wait_store(c0, st_v0, ssem0)

        @pl.when(g < _BLK_PER_W // 2 - 1)
        def _():
            load_and_fire(c0 + 2, idx_v0, row_v0, sub_v0, gath_v0, gsem0)

        wait_gather(gath_v1, row_v1, gsem1)
        select(sub_v1, gath_v1, st_v1)
        fire_store(c0 + 1, st_v1, ssem1)
        return carry

    lax.fori_loop(0, _BLK_PER_W // 2, body, 0)
    wait_store(_BLK_PER_W - 1, st_v1, ssem1)


def kernel(label_ids, table):
    idx_t = jnp.transpose(label_ids, (1, 0))
    table_lines = jnp.reshape(table, (_LINES, 128))
    out_t = _embed_gather(idx_t, table_lines)
    return jnp.transpose(out_t, (2, 0, 1))

# --- scband reference (transcript-rebuilt; emitter-appended) ---
"""Pipeline reference for scband-output-embedder-9809705304946 (READ-ONLY COPY).

The authoritative reference and input builder live on the scoring server;
editing this copy changes nothing except your own understanding.
"""

import jax, jax.numpy as jnp
import numpy as np

NUM_LABELS = 1000000
EMBED_DIM = 32
BATCH = 16384
HIST = 50

def setup_inputs(seed: int = 0) -> dict:
    key = jax.random.key(seed)
    k1, k2 = jax.random.split(key)
    label_ids = jax.random.randint(k1, (BATCH, HIST), 0, NUM_LABELS, dtype=jnp.int64 if jax.config.read('jax_enable_x64') else jnp.int32)
    table = jax.random.normal(k2, (NUM_LABELS, EMBED_DIM), dtype=jnp.float32)
    return {"label_ids": label_ids, "table": table}

def reference(label_ids, table):
    # torch.nn.Embedding forward: row-gather from the table
    return jnp.take(table, label_ids, axis=0)

if __name__ == "__main__":
    import jax
    _d = setup_inputs()
    print(jax.jit(kernel)(*tuple(_d.values())))

</pallas_src>

<mosaic_0001>
#map = affine_map<(d0, d1) -> (0, 0)>
#map1 = affine_map<(d0, d1) -> (0, 0, 0)>
module attributes {stable_mosaic.version = 14 : i64} {
  func.func @_embed_gather(%arg0: i32, %arg1: i32, %arg2: memref<50x16384xi32, #tpu.memory_space<hbm>>, %arg3: memref<250000x128xf32, #tpu.memory_space<hbm>>, %arg4: memref<50x32x16384xf32, #tpu.memory_space<hbm>>, %arg5: memref<256xi32, #tpu.memory_space<vmem>>, %arg6: memref<256xi32, #tpu.memory_space<vmem>>, %arg7: memref<256xi32, #tpu.memory_space<vmem>>, %arg8: memref<256xi32, #tpu.memory_space<vmem>>, %arg9: memref<256xi32, #tpu.memory_space<vmem>>, %arg10: memref<256xi32, #tpu.memory_space<vmem>>, %arg11: memref<256x128xf32, #tpu.memory_space<vmem>>, %arg12: memref<256x128xf32, #tpu.memory_space<vmem>>, %arg13: memref<32x256xf32, #tpu.memory_space<vmem>>, %arg14: memref<32x256xf32, #tpu.memory_space<vmem>>, %arg15: memref<!tpu.dma_semaphore, #tpu.memory_space<semaphore_mem>>, %arg16: memref<!tpu.dma_semaphore, #tpu.memory_space<semaphore_mem>>, %arg17: memref<!tpu.dma_semaphore, #tpu.memory_space<semaphore_mem>>, %arg18: memref<!tpu.dma_semaphore, #tpu.memory_space<semaphore_mem>>) attributes {dimension_semantics = [#tpu.dimension_semantics<core_parallel>, #tpu.dimension_semantics<subcore_parallel>], iteration_bounds = array<i64: 2, 16>, scalar_prefetch = 0 : i64, scratch_operands = 14 : i64, tpu.core_type = #tpu.core_type<sc_vector_subcore>, window_params = [{transform_indices = #map}, {transform_indices = #map}, {transform_indices = #map1}]} {
    %mul3A = arith.constant 2 : i32
    %mul3A_0 = arith.muli %arg1, %mul3A : i32
    %add3A = arith.addi %mul3A_0, %arg0 : i32
    %mul3A_1 = arith.constant 100 : i32
    %mul3A_2 = arith.muli %add3A, %mul3A_1 : i32
    %add3A_3 = arith.constant 0 : i32
    %add3A_4 = arith.addi %mul3A_2, %add3A_3 : i32
    %jit3A = arith.constant 64 : i32
    %div3A = arith.divsi %add3A_4, %jit3A : i32
    %sign3A = arith.constant 0 : i32
    %sign3A_5 = arith.cmpi sgt, %add3A_4, %sign3A : i32
    %sign3A_6 = arith.extui %sign3A_5 : i1 to i32
    %sign3A_7 = arith.constant 0 : i32
    %sign3A_8 = arith.cmpi slt, %add3A_4, %sign3A_7 : i32
    %sign3A_9 = arith.extui %sign3A_8 : i1 to i32
    %sign3A_10 = arith.subi %sign3A_6, %sign3A_9 : i32
    %sign3A_11 = arith.constant 0 : i32
    %sign3A_12 = arith.cmpi sgt, %jit3A, %sign3A_11 : i32
    %sign3A_13 = arith.extui %sign3A_12 : i1 to i32
    %sign3A_14 = arith.constant 0 : i32
    %sign3A_15 = arith.cmpi slt, %jit3A, %sign3A_14 : i32
    %sign3A_16 = arith.extui %sign3A_15 : i1 to i32
    %sign3A_17 = arith.subi %sign3A_13, %sign3A_16 : i32
    %ne3A = arith.cmpi ne, %sign3A_10, %sign3A_17 : i32
    %rem3A = arith.remsi %add3A_4, %jit3A : i32
    %ne3A_18 = arith.constant 0 : i32
    %ne3A_19 = arith.cmpi ne, %rem3A, %ne3A_18 : i32
    %and3A = arith.andi %ne3A, %ne3A_19 : i1
    %sub3A = arith.constant 1 : i32
    %sub3A_20 = arith.subi %div3A, %sub3A : i32
    %select_n3A = arith.select %and3A, %sub3A_20, %div3A : i32
    %jit3A_21 = arith.constant 64 : i32
    %eq3A = arith.constant 0 : i32
    %eq3A_22 = arith.cmpi eq, %jit3A_21, %eq3A : i32
    %jit3A_23 = arith.constant 1 : i32
    %select_n3A_24 = arith.select %eq3A_22, %jit3A_23, %jit3A_21 : i32
    %rem3A_25 = arith.remsi %add3A_4, %select_n3A_24 : i32
    %ne3A_26 = arith.constant 0 : i32
    %ne3A_27 = arith.cmpi ne, %rem3A_25, %ne3A_26 : i32
    %lt3A = arith.constant 0 : i32
    %lt3A_28 = arith.cmpi slt, %rem3A_25, %lt3A : i32
    %lt3A_29 = arith.constant 0 : i32
    %lt3A_30 = arith.cmpi slt, %select_n3A_24, %lt3A_29 : i32
    %ne3A_31 = arith.xori %lt3A_28, %lt3A_30 : i1
    %and3A_32 = arith.andi %ne3A_31, %ne3A_27 : i1
    %add3A_33 = arith.addi %rem3A_25, %select_n3A_24 : i32
    %select_n3A_34 = arith.select %and3A_32, %add3A_33, %rem3A_25 : i32
    %mul3A_35 = arith.constant 256 : i32
    %mul3A_36 = arith.muli %select_n3A_34, %mul3A_35 : i32
    "tpu.region"() ({
      %run_scoped3A = tpu.sem_alloc : memref<!tpu.dma_semaphore, #tpu.memory_space<semaphore_mem>>
      %dma_start3A_329 = tpu.memref_slice %arg2[%select_n3A, %mul3A_36] : memref<50x16384xi32, #tpu.memory_space<hbm>> -> memref<1x256xi32, #tpu.memory_space<hbm>>
      %dma_start3A_330 = tpu.memref_squeeze %dma_start3A_329 : memref<1x256xi32, #tpu.memory_space<hbm>> -> memref<256xi32, #tpu.memory_space<hbm>>
      %dma_start3A_331 = tpu.memref_slice %arg2[%select_n3A, %mul3A_36] : memref<50x16384xi32, #tpu.memory_space<hbm>> -> memref<1x256xi32, #tpu.memory_space<hbm>>
      %dma_start3A_332 = tpu.memref_squeeze %dma_start3A_331 : memref<1x256xi32, #tpu.memory_space<hbm>> -> memref<256xi32, #tpu.memory_space<hbm>>
      tpu.enqueue_dma source(%dma_start3A_332 : memref<256xi32, #tpu.memory_space<hbm>>) target(%arg5 : memref<256xi32, #tpu.memory_space<vmem>>) target_semaphore(%run_scoped3A : memref<!tpu.dma_semaphore, #tpu.memory_space<semaphore_mem>>)
      %dma_wait3A_333 = tpu.memref_slice %arg2[%select_n3A, %mul3A_36] : memref<50x16384xi32, #tpu.memory_space<hbm>> -> memref<1x256xi32, #tpu.memory_space<hbm>>
      %dma_wait3A_334 = tpu.memref_squeeze %dma_wait3A_333 : memref<1x256xi32, #tpu.memory_space<hbm>> -> memref<256xi32, #tpu.memory_space<hbm>>
      %dma_wait3A_335 = tpu.memref_slice %arg2[%select_n3A, %mul3A_36] : memref<50x16384xi32, #tpu.memory_space<hbm>> -> memref<1x256xi32, #tpu.memory_space<hbm>>
      %dma_wait3A_336 = tpu.memref_squeeze %dma_wait3A_335 : memref<1x256xi32, #tpu.memory_space<hbm>> -> memref<256xi32, #tpu.memory_space<hbm>>
      tpu.wait_dma2 semaphore(%run_scoped3A : memref<!tpu.dma_semaphore, #tpu.memory_space<semaphore_mem>>) src(%dma_wait3A_336 : memref<256xi32, #tpu.memory_space<hbm>>) dst(%arg5 : memref<256xi32, #tpu.memory_space<vmem>>)
      tpu.yield
    }) : () -> ()
    %get3A = arith.constant 0 : index
    %get3A_37 = tpu.vector_load %arg5[%get3A] {strides = array<i32>} : memref<256xi32, #tpu.memory_space<vmem>>, vector<16xi32>,
    %shift_right_logical3A = arith.constant 2 : i32
    %shift_right_logical3A_38 = vector.broadcast %shift_right_logical3A : i32 to vector<16xi32>
    %shift_right_logical3A_39 = arith.shrui %get3A_37, %shift_right_logical3A_38 : vector<16xi32>
    %swap3A = arith.constant 0 : index
    %swap3A_40 = tpu.vector_load %arg7[%swap3A] {strides = array<i32>} : memref<256xi32, #tpu.memory_space<vmem>>, vector<16xi32>,
    tpu.vector_store %arg7[%swap3A], %shift_right_logical3A_39 {strides = array<i32>} : memref<256xi32, #tpu.memory_space<vmem>>, vector<16xi32>,
    %and3A_41 = arith.constant 3 : i32
    %and3A_42 = vector.broadcast %and3A_41 : i32 to vector<16xi32>
    %and3A_43 = arith.andi %get3A_37, %and3A_42 : vector<16xi32>
    %shift_left3A = arith.constant 5 : i32
    %shift_left3A_44 = vector.broadcast %shift_left3A : i32 to vector<16xi32>
    %shift_left3A_45 = arith.shli %and3A_43, %shift_left3A_44 : vector<16xi32>
    %swap3A_46 = arith.constant 0 : index
    %swap3A_47 = tpu.vector_load %arg9[%swap3A_46] {strides = array<i32>} : memref<256xi32, #tpu.memory_space<vmem>>, vector<16xi32>,
    tpu.vector_store %arg9[%swap3A_46], %shift_left3A_45 {strides = array<i32>} : memref<256xi32, #tpu.memory_space<vmem>>, vector<16xi32>,
    %get3A_48 = arith.constant 16 : index
    %get3A_49 = tpu.vector_load %arg5[%get3A_48] {strides = array<i32>} : memref<256xi32, #tpu.memory_space<vmem>>, vector<16xi32>,
    %shift_right_logical3A_50 = arith.constant 2 : i32
    %shift_right_logical3A_51 = vector.broadcast %shift_right_logical3A_50 : i32 to vector<16xi32>
    %shift_right_logical3A_52 = arith.shrui %get3A_49, %shift_right_logical3A_51 : vector<16xi32>
    %swap3A_53 = arith.constant 16 : index
    %swap3A_54 = tpu.vector_load %arg7[%swap3A_53] {strides = array<i32>} : memref<256xi32, #tpu.memory_space<vmem>>, vector<16xi32>,
    tpu.vector_store %arg7[%swap3A_53], %shift_right_logical3A_52 {strides = array<i32>} : memref<256xi32, #tpu.memory_space<vmem>>, vector<16xi32>,
    %and3A_55 = arith.constant 3 : i32
    %and3A_56 = vector.broadcast %and3A_55 : i32 to vector<16xi32>
    %and3A_57 = arith.andi %get3A_49, %and3A_56 : vector<16xi32>
    %shift_left3A_58 = arith.constant 5 : i32
    %shift_left3A_59 = vector.broadcast %shift_left3A_58 : i32 to vector<16xi32>
    %shift_left3A_60 = arith.shli %and3A_57, %shift_left3A_59 : vector<16xi32>
    %swap3A_61 = arith.constant 16 : index
    %swap3A_62 = tpu.vector_load %arg9[%swap3A_61] {strides = array<i32>} : memref<256xi32, #tpu.memory_space<vmem>>, vector<16xi32>,
    tpu.vector_store %arg9[%swap3A_61], %shift_left3A_60 {strides = array<i32>} : memref<256xi32, #tpu.memory_space<vmem>>, vector<16xi32>,
    %get3A_63 = arith.constant 32 : index
    %get3A_64 = tpu.vector_load %arg5[%get3A_63] {strides = array<i32>} : memref<256xi32, #tpu.memory_space<vmem>>, vector<16xi32>,
    %shift_right_logical3A_65 = arith.constant 2 : i32
    %shift_right_logical3A_66 = vector.broadcast %shift_right_logical3A_65 : i32 to vector<16xi32>
    %shift_right_logical3A_67 = arith.shrui %get3A_64, %shift_right_logical3A_66 : vector<16xi32>
    %swap3A_68 = arith.constant 32 : index
    %swap3A_69 = tpu.vector_load %arg7[%swap3A_68] {strides = array<i32>} : memref<256xi32, #tpu.memory_space<vmem>>, vector<16xi32>,
    tpu.vector_store %arg7[%swap3A_68], %shift_right_logical3A_67 {strides = array<i32>} : memref<256xi32, #tpu.memory_space<vmem>>, vector<16xi32>,
    %and3A_70 = arith.constant 3 : i32
    %and3A_71 = vector.broadcast %and3A_70 : i32 to vector<16xi32>
    %and3A_72 = arith.andi %get3A_64, %and3A_71 : vector<16xi32>
    %shift_left3A_73 = arith.constant 5 : i32
    %shift_left3A_74 = vector.broadcast %shift_left3A_73 : i32 to vector<16xi32>
    %shift_left3A_75 = arith.shli %and3A_72, %shift_left3A_74 : vector<16xi32>
    %swap3A_76 = arith.constant 32 : index
    %swap3A_77 = tpu.vector_load %arg9[%swap3A_76] {strides = array<i32>} : memref<256xi32, #tpu.memory_space<vmem>>, vector<16xi32>,
    tpu.vector_store %arg9[%swap3A_76], %shift_left3A_75 {strides = array<i32>} : memref<256xi32, #tpu.memory_space<vmem>>, vector<16xi32>,
    %get3A_78 = arith.constant 48 : index
    %get3A_79 = tpu.vector_load %arg5[%get3A_78] {strides = array<i32>} : memref<256xi32, #tpu.memory_space<vmem>>, vector<16xi32>,
    %shift_right_logical3A_80 = arith.constant 2 : i32
    %shift_right_logical3A_81 = vector.broadcast %shift_right_logical3A_80 : i32 to vector<16xi32>
    %shift_right_logical3A_82 = arith.shrui %get3A_79, %shift_right_logical3A_81 : vector<16xi32>
    %swap3A_83 = arith.constant 48 : index
    %swap3A_84 = tpu.vector_load %arg7[%swap3A_83] {strides = array<i32>} : memref<256xi32, #tpu.memory_space<vmem>>, vector<16xi32>,
    tpu.vector_store %arg7[%swap3A_83], %shift_right_logical3A_82 {strides = array<i32>} : memref<256xi32, #tpu.memory_space<vmem>>, vector<16xi32>,
    %and3A_85 = arith.constant 3 : i32
    %and3A_86 = vector.broadcast %and3A_85 : i32 to vector<16xi32>
    %and3A_87 = arith.andi %get3A_79, %and3A_86 : vector<16xi32>
    %shift_left3A_88 = arith.constant 5 : i32
    %shift_left3A_89 = vector.broadcast %shift_left3A_88 : i32 to vector<16xi32>
    %shift_left3A_90 = arith.shli %and3A_87, %shift_left3A_89 : vector<16xi32>
    %swap3A_91 = arith.constant 48 : index
    %swap3A_92 = tpu.vector_load %arg9[%swap3A_91] {strides = array<i32>} : memref<256xi32, #tpu.memory_space<vmem>>, vector<16xi32>,
    tpu.vector_store %arg9[%swap3A_91], %shift_left3A_90 {strides = array<i32>} : memref<256xi32, #tpu.memory_space<vmem>>, vector<16xi32>,
    %get3A_93 = arith.constant 64 : index
    %get3A_94 = tpu.vector_load %arg5[%get3A_93] {strides = array<i32>} : memref<256xi32, #tpu.memory_space<vmem>>, vector<16xi32>,
    %shift_right_logical3A_95 = arith.constant 2 : i32
    %shift_right_logical3A_96 = vector.broadcast %shift_right_logical3A_95 : i32 to vector<16xi32>
    %shift_right_logical3A_97 = arith.shrui %get3A_94, %shift_right_logical3A_96 : vector<16xi32>
    %swap3A_98 = arith.constant 64 : index
    %swap3A_99 = tpu.vector_load %arg7[%swap3A_98] {strides = array<i32>} : memref<256xi32, #tpu.memory_space<vmem>>, vector<16xi32>,
    tpu.vector_store %arg7[%swap3A_98], %shift_right_logical3A_97 {strides = array<i32>} : memref<256xi32, #tpu.memory_space<vmem>>, vector<16xi32>,
    %and3A_100 = arith.constant 3 : i32
    %and3A_101 = vector.broadcast %and3A_100 : i32 to vector<16xi32>
    %and3A_102 = arith.andi %get3A_94, %and3A_101 : vector<16xi32>
    %shift_left3A_103 = arith.constant 5 : i32
    %shift_left3A_104 = vector.broadcast %shift_left3A_103 : i32 to vector<16xi32>
    %shift_left3A_105 = arith.shli %and3A_102, %shift_left3A_104 : vector<16xi32>
    %swap3A_106 = arith.constant 64 : index
    %swap3A_107 = tpu.vector_load %arg9[%swap3A_106] {strides = array<i32>} : memref<256xi32, #tpu.memory_space<vmem>>, vector<16xi32>,
    tpu.vector_store %arg9[%swap3A_106], %shift_left3A_105 {strides = array<i32>} : memref<256xi32, #tpu.memory_space<vmem>>, vector<16xi32>,
    %get3A_108 = arith.constant 80 : index
    %get3A_109 = tpu.vector_load %arg5[%get3A_108] {strides = array<i32>} : memref<256xi32, #tpu.memory_space<vmem>>, vector<16xi32>,
    %shift_right_logical3A_110 = arith.constant 2 : i32
    %shift_right_logical3A_111 = vector.broadcast %shift_right_logical3A_110 : i32 to vector<16xi32>
    %shift_right_logical3A_112 = arith.shrui %get3A_109, %shift_right_logical3A_111 : vector<16xi32>
    %swap3A_113 = arith.constant 80 : index
    %swap3A_114 = tpu.vector_load %arg7[%swap3A_113] {strides = array<i32>} : memref<256xi32, #tpu.memory_space<vmem>>, vector<16xi32>,
    tpu.vector_store %arg7[%swap3A_113], %shift_right_logical3A_112 {strides = array<i32>} : memref<256xi32, #tpu.memory_space<vmem>>, vector<16xi32>,
    %and3A_115 = arith.constant 3 : i32
    %and3A_116 = vector.broadcast %and3A_115 : i32 to vector<16xi32>
    %and3A_117 = arith.andi %get3A_109, %and3A_116 : vector<16xi32>
    %shift_left3A_118 = arith.constant 5 : i32
    %shift_left3A_119 = vector.broadcast %shift_left3A_118 : i32 to vector<16xi32>
    %shift_left3A_120 = arith.shli %and3A_117, %shift_left3A_119 : vector<16xi32>
    %swap3A_121 = arith.constant 80 : index
    %swap3A_122 = tpu.vector_load %arg9[%swap3A_121] {strides = array<i32>} : memref<256xi32, #tpu.memory_space<vmem>>, vector<16xi32>,
    tpu.vector_store %arg9[%swap3A_121], %shift_left3A_120 {strides = array<i32>} : memref<256xi32, #tpu.memory_space<vmem>>, vector<16xi32>,
    %get3A_123 = arith.constant 96 : index
    %get3A_124 = tpu.vector_load %arg5[%get3A_123] {strides = array<i32>} : memref<256xi32, #tpu.memory_space<vmem>>, vector<16xi32>,
    %shift_right_logical3A_125 = arith.constant 2 : i32
    %shift_right_logical3A_126 = vector.broadcast %shift_right_logical3A_125 : i32 to vector<16xi32>
    %shift_right_logical3A_127 = arith.shrui %get3A_124, %shift_right_logical3A_126 : vector<16xi32>
    %swap3A_128 = arith.constant 96 : index
    %swap3A_129 = tpu.vector_load %arg7[%swap3A_128] {strides = array<i32>} : memref<256xi32, #tpu.memory_space<vmem>>, vector<16xi32>,
    tpu.vector_store %arg7[%swap3A_128], %shift_right_logical3A_127 {strides = array<i32>} : memref<256xi32, #tpu.memory_space<vmem>>, vector<16xi32>,
    %and3A_130 = arith.constant 3 : i32
    %and3A_131 = vector.broadcast %and3A_130 : i32 to vector<16xi32>
    %and3A_132 = arith.andi %get3A_124, %and3A_131 : vector<16xi32>
    %shift_left3A_133 = arith.constant 5 : i32
    %shift_left3A_134 = vector.broadcast %shift_left3A_133 : i32 to vector<16xi32>
    %shift_left3A_135 = arith.shli %and3A_132, %shift_left3A_134 : vector<16xi32>
    %swap3A_136 = arith.constant 96 : index
    %swap3A_137 = tpu.vector_load %arg9[%swap3A_136] {strides = array<i32>} : memref<256xi32, #tpu.memory_space<vmem>>, vector<16xi32>,
    tpu.vector_store %arg9[%swap3A_136], %shift_left3A_135 {strides = array<i32>} : memref<256xi32, #tpu.memory_space<vmem>>, vector<16xi32>,
    %get3A_138 = arith.constant 112 : index
    %get3A_139 = tpu.vector_load %arg5[%get3A_138] {strides = array<i32>} : memref<256xi32, #tpu.memory_space<vmem>>, vector<16xi32>,
    %shift_right_logical3A_140 = arith.constant 2 : i32
    %shift_right_logical3A_141 = vector.broadcast %shift_right_logical3A_140 : i32 to vector<16xi32>
    %shift_right_logical3A_142 = arith.shrui %get3A_139, %shift_right_logical3A_141 : vector<16xi32>
    %swap3A_143 = arith.constant 112 : index
    %swap3A_144 = tpu.vector_load %arg7[%swap3A_143] {strides = array<i32>} : memref<256xi32, #tpu.memory_space<vmem>>, vector<16xi32>,
    tpu.vector_store %arg7[%swap3A_143], %shift_right_logical3A_142 {strides = array<i32>} : memref<256xi32, #tpu.memory_space<vmem>>, vector<16xi32>,
    %and3A_145 = arith.constant 3 : i32
    %and3A_146 = vector.broadcast %and3A_145 : i32 to vector<16xi32>
    %and3A_147 = arith.andi %get3A_139, %and3A_146 : vector<16xi32>
    %shift_left3A_148 = arith.constant 5 : i32
    %shift_left3A_149 = vector.broadcast %shift_left3A_148 : i32 to vector<16xi32>
    %shift_left3A_150 = arith.shli %and3A_147, %shift_left3A_149 : vector<16xi32>
    %swap3A_151 = arith.constant 112 : index
    %swap3A_152 = tpu.vector_load %arg9[%swap3A_151] {strides = array<i32>} : memref<256xi32, #tpu.memory_space<vmem>>, vector<16xi32>,
    tpu.vector_store %arg9[%swap3A_151], %shift_left3A_150 {strides = array<i32>} : memref<256xi32, #tpu.memory_space<vmem>>, vector<16xi32>,
    %get3A_153 = arith.constant 128 : index
    %get3A_154 = tpu.vector_load %arg5[%get3A_153] {strides = array<i32>} : memref<256xi32, #tpu.memory_space<vmem>>, vector<16xi32>,
    %shift_right_logical3A_155 = arith.constant 2 : i32
    %shift_right_logical3A_156 = vector.broadcast %shift_right_logical3A_155 : i32 to vector<16xi32>
    %shift_right_logical3A_157 = arith.shrui %get3A_154, %shift_right_logical3A_156 : vector<16xi32>
    %swap3A_158 = arith.constant 128 : index
    %swap3A_159 = tpu.vector_load %arg7[%swap3A_158] {strides = array<i32>} : memref<256xi32, #tpu.memory_space<vmem>>, vector<16xi32>,
    tpu.vector_store %arg7[%swap3A_158], %shift_right_logical3A_157 {strides = array<i32>} : memref<256xi32, #tpu.memory_space<vmem>>, vector<16xi32>,
    %and3A_160 = arith.constant 3 : i32
    %and3A_161 = vector.broadcast %and3A_160 : i32 to vector<16xi32>
    %and3A_162 = arith.andi %get3A_154, %and3A_161 : vector<16xi32>
    %shift_left3A_163 = arith.constant 5 : i32
    %shift_left3A_164 = vector.broadcast %shift_left3A_163 : i32 to vector<16xi32>
    %shift_left3A_165 = arith.shli %and3A_162, %shift_left3A_164 : vector<16xi32>
    %swap3A_166 = arith.constant 128 : index
    %swap3A_167 = tpu.vector_load %arg9[%swap3A_166] {strides = array<i32>} : memref<256xi32, #tpu.memory_space<vmem>>, vector<16xi32>,
    tpu.vector_store %arg9[%swap3A_166], %shift_left3A_165 {strides = array<i32>} : memref<256xi32, #tpu.memory_space<vmem>>, vector<16xi32>,
    %get3A_168 = arith.constant 144 : index
    %get3A_169 = tpu.vector_load %arg5[%get3A_168] {strides = array<i32>} : memref<256xi32, #tpu.memory_space<vmem>>, vector<16xi32>,
    %shift_right_logical3A_170 = arith.constant 2 : i32
    %shift_right_logical3A_171 = vector.broadcast %shift_right_logical3A_170 : i32 to vector<16xi32>
    %shift_right_logical3A_172 = arith.shrui %get3A_169, %shift_right_logical3A_171 : vector<16xi32>
    %swap3A_173 = arith.constant 144 : index
    %swap3A_174 = tpu.vector_load %arg7[%swap3A_173] {strides = array<i32>} : memref<256xi32, #tpu.memory_space<vmem>>, vector<16xi32>,
    tpu.vector_store %arg7[%swap3A_173], %shift_right_logical3A_172 {strides = array<i32>} : memref<256xi32, #tpu.memory_space<vmem>>, vector<16xi32>,
    %and3A_175 = arith.constant 3 : i32
    %and3A_176 = vector.broadcast %and3A_175 : i32 to vector<16xi32>
    %and3A_177 = arith.andi %get3A_169, %and3A_176 : vector<16xi32>
    %shift_left3A_178 = arith.constant 5 : i32
    %shift_left3A_179 = vector.broadcast %shift_left3A_178 : i32 to vector<16xi32>
    %shift_left3A_180 = arith.shli %and3A_177, %shift_left3A_179 : vector<16xi32>
    %swap3A_181 = arith.constant 144 : index
    %swap3A_182 = tpu.vector_load %arg9[%swap3A_181] {strides = array<i32>} : memref<256xi32, #tpu.memory_space<vmem>>, vector<16xi32>,
    tpu.vector_store %arg9[%swap3A_181], %shift_left3A_180 {strides = array<i32>} : memref<256xi32, #tpu.memory_space<vmem>>, vector<16xi32>,
    %get3A_183 = arith.constant 160 : index
    %get3A_184 = tpu.vector_load %arg5[%get3A_183] {strides = array<i32>} : memref<256xi32, #tpu.memory_space<vmem>>, vector<16xi32>,
    %shift_right_logical3A_185 = arith.constant 2 : i32
    %shift_right_logical3A_186 = vector.broadcast %shift_right_logical3A_185 : i32 to vector<16xi32>
    %shift_right_logical3A_187 = arith.shrui %get3A_184, %shift_right_logical3A_186 : vector<16xi32>
    %swap3A_188 = arith.constant 160 : index
    %swap3A_189 = tpu.vector_load %arg7[%swap3A_188] {strides = array<i32>} : memref<256xi32, #tpu.memory_space<vmem>>, vector<16xi32>,
    tpu.vector_store %arg7[%swap3A_188], %shift_right_logical3A_187 {strides = array<i32>} : memref<256xi32, #tpu.memory_space<vmem>>, vector<16xi32>,
    %and3A_190 = arith.constant 3 : i32
    %and3A_191 = vector.broadcast %and3A_190 : i32 to vector<16xi32>
    %and3A_192 = arith.andi %get3A_184, %and3A_191 : vector<16xi32>
    %shift_left3A_193 = arith.constant 5 : i32
    %shift_left3A_194 = vector.broadcast %shift_left3A_193 : i32 to vector<16xi32>
    %shift_left3A_195 = arith.shli %and3A_192, %shift_left3A_194 : vector<16xi32>
    %swap3A_196 = arith.constant 160 : index
    %swap3A_197 = tpu.vector_load %arg9[%swap3A_196] {strides = array<i32>} : memref<256xi32, #tpu.memory_space<vmem>>, vector<16xi32>,
    tpu.vector_store %arg9[%swap3A_196], %shift_left3A_195 {strides = array<i32>} : memref<256xi32, #tpu.memory_space<vmem>>, vector<16xi32>,
    %get3A_198 = arith.constant 176 : index
    %get3A_199 = tpu.vector_load %arg5[%get3A_198] {strides = array<i32>} : memref<256xi32, #tpu.memory_space<vmem>>, vector<16xi32>,
    %shift_right_logical3A_200 = arith.constant 2 : i32
    %shift_right_logical3A_201 = vector.broadcast %shift_right_logical3A_200 : i32 to vector<16xi32>
    %shift_right_logical3A_202 = arith.shrui %get3A_199, %shift_right_logical3A_201 : vector<16xi32>
    %swap3A_203 = arith.constant 176 : index
    %swap3A_204 = tpu.vector_load %arg7[%swap3A_203] {strides = array<i32>} : memref<256xi32, #tpu.memory_space<vmem>>, vector<16xi32>,
    tpu.vector_store %arg7[%swap3A_203], %shift_right_logical3A_202 {strides = array<i32>} : memref<256xi32, #tpu.memory_space<vmem>>, vector<16xi32>,
    %and3A_205 = arith.constant 3 : i32
    %and3A_206 = vector.broadcast %and3A_205 : i32 to vector<16xi32>
    %and3A_207 = arith.andi %get3A_199, %and3A_206 : vector<16xi32>
    %shift_left3A_208 = arith.constant 5 : i32
    %shift_left3A_209 = vector.broadcast %shift_left3A_208 : i32 to vector<16xi32>
    %shift_left3A_210 = arith.shli %and3A_207, %shift_left3A_209 : vector<16xi32>
    %swap3A_211 = arith.constant 176 : index
    %swap3A_212 = tpu.vector_load %arg9[%swap3A_211] {strides = array<i32>} : memref<256xi32, #tpu.memory_space<vmem>>, vector<16xi32>,
    tpu.vector_store %arg9[%swap3A_211], %shift_left3A_210 {strides = array<i32>} : memref<256xi32, #tpu.memory_space<vmem>>, vector<16xi32>,
    %get3A_213 = arith.constant 192 : index
    %get3A_214 = tpu.vector_load %arg5[%get3A_213] {strides = array<i32>} : memref<256xi32, #tpu.memory_space<vmem>>, vector<16xi32>,
    %shift_right_logical3A_215 = arith.constant 2 : i32
    %shift_right_logical3A_216 = vector.broadcast %shift_right_logical3A_215 : i32 to vector<16xi32>
    %shift_right_logical3A_217 = arith.shrui %get3A_214, %shift_right_logical3A_216 : vector<16xi32>
    %swap3A_218 = arith.constant 192 : index
    %swap3A_219 = tpu.vector_load %arg7[%swap3A_218] {strides = array<i32>} : memref<256xi32, #tpu.memory_space<vmem>>, vector<16xi32>,
    tpu.vector_store %arg7[%swap3A_218], %shift_right_logical3A_217 {strides = array<i32>} : memref<256xi32, #tpu.memory_space<vmem>>, vector<16xi32>,
    %and3A_220 = arith.constant 3 : i32
    %and3A_221 = vector.broadcast %and3A_220 : i32 to vector<16xi32>
    %and3A_222 = arith.andi %get3A_214, %and3A_221 : vector<16xi32>
    %shift_left3A_223 = arith.constant 5 : i32
    %shift_left3A_224 = vector.broadcast %shift_left3A_223 : i32 to vector<16xi32>
    %shift_left3A_225 = arith.shli %and3A_222, %shift_left3A_224 : vector<16xi32>
    %swap3A_226 = arith.constant 192 : index
    %swap3A_227 = tpu.vector_load %arg9[%swap3A_226] {strides = array<i32>} : memref<256xi32, #tpu.memory_space<vmem>>, vector<16xi32>,
    tpu.vector_store %arg9[%swap3A_226], %shift_left3A_225 {strides = array<i32>} : memref<256xi32, #tpu.memory_space<vmem>>, vector<16xi32>,
    %get3A_228 = arith.constant 208 : index
    %get3A_229 = tpu.vector_load %arg5[%get3A_228] {strides = array<i32>} : memref<256xi32, #tpu.memory_space<vmem>>, vector<16xi32>,
    %shift_right_logical3A_230 = arith.constant 2 : i32
    %shift_right_logical3A_231 = vector.broadcast %shift_right_logical3A_230 : i32 to vector<16xi32>
    %shift_right_logical3A_232 = arith.shrui %get3A_229, %shift_right_logical3A_231 : vector<16xi32>
    %swap3A_233 = arith.constant 208 : index
    %swap3A_234 = tpu.vector_load %arg7[%swap3A_233] {strides = array<i32>} : memref<256xi32, #tpu.memory_space<vmem>>, vector<16xi32>,
    tpu.vector_store %arg7[%swap3A_233], %shift_right_logical3A_232 {strides = array<i32>} : memref<256xi32, #tpu.memory_space<vmem>>, vector<16xi32>,
    %and3A_235 = arith.constant 3 : i32
    %and3A_236 = vector.broadcast %and3A_235 : i32 to vector<16xi32>
    %and3A_237 = arith.andi %get3A_229, %and3A_236 : vector<16xi32>
    %shift_left3A_238 = arith.constant 5 : i32
    %shift_left3A_239 = vector.broadcast %shift_left3A_238 : i32 to vector<16xi32>
    %shift_left3A_240 = arith.shli %and3A_237, %shift_left3A_239 : vector<16xi32>
    %swap3A_241 = arith.constant 208 : index
    %swap3A_242 = tpu.vector_load %arg9[%swap3A_241] {strides = array<i32>} : memref<256xi32, #tpu.memory_space<vmem>>, vector<16xi32>,
    tpu.vector_store %arg9[%swap3A_241], %shift_left3A_240 {strides = array<i32>} : memref<256xi32, #tpu.memory_space<vmem>>, vector<16xi32>,
    %get3A_243 = arith.constant 224 : index
    %get3A_244 = tpu.vector_load %arg5[%get3A_243] {strides = array<i32>} : memref<256xi32, #tpu.memory_space<vmem>>, vector<16xi32>,
    %shift_right_logical3A_245 = arith.constant 2 : i32
    %shift_right_logical3A_246 = vector.broadcast %shift_right_logical3A_245 : i32 to vector<16xi32>
    %shift_right_logical3A_247 = arith.shrui %get3A_244, %shift_right_logical3A_246 : vector<16xi32>
    %swap3A_248 = arith.constant 224 : index
    %swap3A_249 = tpu.vector_load %arg7[%swap3A_248] {strides = array<i32>} : memref<256xi32, #tpu.memory_space<vmem>>, vector<16xi32>,
    tpu.vector_store %arg7[%swap3A_248], %shift_right_logical3A_247 {strides = array<i32>} : memref<256xi32, #tpu.memory_space<vmem>>, vector<16xi32>,
    %and3A_250 = arith.constant 3 : i32
    %and3A_251 = vector.broadcast %and3A_250 : i32 to vector<16xi32>
    %and3A_252 = arith.andi %get3A_244, %and3A_251 : vector<16xi32>
    %shift_left3A_253 = arith.constant 5 : i32
    %shift_left3A_254 = vector.broadcast %shift_left3A_253 : i32 to vector<16xi32>
    %shift_left3A_255 = arith.shli %and3A_252, %shift_left3A_254 : vector<16xi32>
    %swap3A_256 = arith.constant 224 : index
    %swap3A_257 = tpu.vector_load %arg9[%swap3A_256] {strides = array<i32>} : memref<256xi32, #tpu.memory_space<vmem>>, vector<16xi32>,
    tpu.vector_store %arg9[%swap3A_256], %shift_left3A_255 {strides = array<i32>} : memref<256xi32, #tpu.memory_space<vmem>>, vector<16xi32>,
    %get3A_258 = arith.constant 240 : index
    %get3A_259 = tpu.vector_load %arg5[%get3A_258] {strides = array<i32>} : memref<256xi32, #tpu.memory_space<vmem>>, vector<16xi32>,
    %shift_right_logical3A_260 = arith.constant 2 : i32
    %shift_right_logical3A_261 = vector.broadcast %shift_right_logical3A_260 : i32 to vector<16xi32>
    %shift_right_logical3A_262 = arith.shrui %get3A_259, %shift_right_logical3A_261 : vector<16xi32>
    %swap3A_263 = arith.constant 240 : index
    %swap3A_264 = tpu.vector_load %arg7[%swap3A_263] {strides = array<i32>} : memref<256xi32, #tpu.memory_space<vmem>>, vector<16xi32>,
    tpu.vector_store %arg7[%swap3A_263], %shift_right_logical3A_262 {strides = array<i32>} : memref<256xi32, #tpu.memory_space<vmem>>, vector<16xi32>,
    %and3A_265 = arith.constant 3 : i32
    %and3A_266 = vector.broadcast %and3A_265 : i32 to vector<16xi32>
    %and3A_267 = arith.andi %get3A_259, %and3A_266 : vector<16xi32>
    %shift_left3A_268 = arith.constant 5 : i32
    %shift_left3A_269 = vector.broadcast %shift_left3A_268 : i32 to vector<16xi32>
    %shift_left3A_270 = arith.shli %and3A_267, %shift_left3A_269 : vector<16xi32>
    %swap3A_271 = arith.constant 240 : index
    %swap3A_272 = tpu.vector_load %arg9[%swap3A_271] {strides = array<i32>} : memref<256xi32, #tpu.memory_space<vmem>>, vector<16xi32>,
    tpu.vector_store %arg9[%swap3A_271], %shift_left3A_270 {strides = array<i32>} : memref<256xi32, #tpu.memory_space<vmem>>, vector<16xi32>,
    %dma_start3A = arith.constant 0 : i32
    %dma_start3A_273 = arith.constant 0 : i32
    %dma_start3A_274 = tpu.memref_slice %arg3[%dma_start3A, %dma_start3A_273] : memref<250000x128xf32, #tpu.memory_space<hbm>> -> memref<250000x128xf32, #tpu.memory_space<hbm>>
    tpu.enqueue_indirect_dma source(%dma_start3A_274 : memref<250000x128xf32, #tpu.memory_space<hbm>>) target(%arg11 : memref<256x128xf32, #tpu.memory_space<vmem>>) offsets(%arg7 : memref<256xi32, #tpu.memory_space<vmem>>) semaphore(%arg15 : memref<!tpu.dma_semaphore, #tpu.memory_space<semaphore_mem>>)
    %scan3A = arith.constant 0 : i32
    %scan3A_275 = arith.constant 0 : i32
    %scan3A_276 = arith.constant 50 : i32
    %scan3A_277 = arith.addi %scan3A_275, %scan3A_276 : i32
    %scan3A_278 = arith.constant 1 : i32
    scf.for %scan3A_329 = %scan3A_275 to %scan3A_277 step %scan3A_278  : i32 {
      %mul3A_330 = arith.constant 2 : i32
      %mul3A_331 = arith.muli %mul3A_330, %scan3A_329 : i32
      %gt3A = arith.constant 0 : i32
      %gt3A_332 = arith.cmpi sgt, %scan3A_329, %gt3A : i32
      %convert_element_type3A = arith.extui %gt3A_332 : i1 to i32
      %cond3A = arith.constant 0 : i32
      %cond3A_333 = arith.cmpi ne, %convert_element_type3A, %cond3A : i32
      scf.if %cond3A_333 {
        %sub3A_948 = arith.constant 1 : i32
        %sub3A_949 = arith.subi %mul3A_331, %sub3A_948 : i32
        %add3A_950 = arith.addi %mul3A_2, %sub3A_949 : i32
        %jit3A_951 = arith.constant 64 : i32
        %div3A_952 = arith.divsi %add3A_950, %jit3A_951 : i32
        %sign3A_953 = arith.constant 0 : i32
        %sign3A_954 = arith.cmpi sgt, %add3A_950, %sign3A_953 : i32
        %sign3A_955 = arith.extui %sign3A_954 : i1 to i32
        %sign3A_956 = arith.constant 0 : i32
        %sign3A_957 = arith.cmpi slt, %add3A_950, %sign3A_956 : i32
        %sign3A_958 = arith.extui %sign3A_957 : i1 to i32
        %sign3A_959 = arith.subi %sign3A_955, %sign3A_958 : i32
        %sign3A_960 = arith.constant 0 : i32
        %sign3A_961 = arith.cmpi sgt, %jit3A_951, %sign3A_960 : i32
        %sign3A_962 = arith.extui %sign3A_961 : i1 to i32
        %sign3A_963 = arith.constant 0 : i32
        %sign3A_964 = arith.cmpi slt, %jit3A_951, %sign3A_963 : i32
        %sign3A_965 = arith.extui %sign3A_964 : i1 to i32
        %sign3A_966 = arith.subi %sign3A_962, %sign3A_965 : i32
        %ne3A_967 = arith.cmpi ne, %sign3A_959, %sign3A_966 : i32
        %rem3A_968 = arith.remsi %add3A_950, %jit3A_951 : i32
        %ne3A_969 = arith.constant 0 : i32
        %ne3A_970 = arith.cmpi ne, %rem3A_968, %ne3A_969 : i32
        %and3A_971 = arith.andi %ne3A_967, %ne3A_970 : i1
        %sub3A_972 = arith.constant 1 : i32
        %sub3A_973 = arith.subi %div3A_952, %sub3A_972 : i32
        %select_n3A_974 = arith.select %and3A_971, %sub3A_973, %div3A_952 : i32
        %jit3A_975 = arith.constant 64 : i32
        %eq3A_976 = arith.constant 0 : i32
        %eq3A_977 = arith.cmpi eq, %jit3A_975, %eq3A_976 : i32
        %jit3A_978 = arith.constant 1 : i32
        %select_n3A_979 = arith.select %eq3A_977, %jit3A_978, %jit3A_975 : i32
        %rem3A_980 = arith.remsi %add3A_950, %select_n3A_979 : i32
        %ne3A_981 = arith.constant 0 : i32
        %ne3A_982 = arith.cmpi ne, %rem3A_980, %ne3A_981 : i32
        %lt3A_983 = arith.constant 0 : i32
        %lt3A_984 = arith.cmpi slt, %rem3A_980, %lt3A_983 : i32
        %lt3A_985 = arith.constant 0 : i32
        %lt3A_986 = arith.cmpi slt, %select_n3A_979, %lt3A_985 : i32
        %ne3A_987 = arith.xori %lt3A_984, %lt3A_986 : i1
        %and3A_988 = arith.andi %ne3A_987, %ne3A_982 : i1
        %add3A_989 = arith.addi %rem3A_980, %select_n3A_979 : i32
        %select_n3A_990 = arith.select %and3A_988, %add3A_989, %rem3A_980 : i32
        %mul3A_991 = arith.constant 256 : i32
        %mul3A_992 = arith.muli %select_n3A_990, %mul3A_991 : i32
        %dma_wait3A_993 = arith.constant 0 : i32
        %dma_wait3A_994 = tpu.memref_slice %arg4[%select_n3A_974, %dma_wait3A_993, %mul3A_992] : memref<50x32x16384xf32, #tpu.memory_space<hbm>> -> memref<1x32x256xf32, #tpu.memory_space<hbm>>
        %dma_wait3A_995 = tpu.memref_squeeze %dma_wait3A_994 : memref<1x32x256xf32, #tpu.memory_space<hbm>> -> memref<32x256xf32, #tpu.memory_space<hbm>>
        %dma_wait3A_996 = arith.constant 0 : i32
        %dma_wait3A_997 = tpu.memref_slice %arg4[%select_n3A_974, %dma_wait3A_996, %mul3A_992] : memref<50x32x16384xf32, #tpu.memory_space<hbm>> -> memref<1x32x256xf32, #tpu.memory_space<hbm>>
        %dma_wait3A_998 = tpu.memref_squeeze %dma_wait3A_997 : memref<1x32x256xf32, #tpu.memory_space<hbm>> -> memref<32x256xf32, #tpu.memory_space<hbm>>
        tpu.wait_dma2 semaphore(%arg18 : memref<!tpu.dma_semaphore, #tpu.memory_space<semaphore_mem>>) src(%arg14 : memref<32x256xf32, #tpu.memory_space<vmem>>) dst(%dma_wait3A_998 : memref<32x256xf32, #tpu.memory_space<hbm>>)
      } else {
      }
      %add3A_334 = arith.constant 1 : i32
      %add3A_335 = arith.addi %mul3A_331, %add3A_334 : i32
      %add3A_336 = arith.addi %mul3A_2, %add3A_335 : i32
      %jit3A_337 = arith.constant 64 : i32
      %div3A_338 = arith.divsi %add3A_336, %jit3A_337 : i32
      %sign3A_339 = arith.constant 0 : i32
      %sign3A_340 = arith.cmpi sgt, %add3A_336, %sign3A_339 : i32
      %sign3A_341 = arith.extui %sign3A_340 : i1 to i32
      %sign3A_342 = arith.constant 0 : i32
      %sign3A_343 = arith.cmpi slt, %add3A_336, %sign3A_342 : i32
      %sign3A_344 = arith.extui %sign3A_343 : i1 to i32
      %sign3A_345 = arith.subi %sign3A_341, %sign3A_344 : i32
      %sign3A_346 = arith.constant 0 : i32
      %sign3A_347 = arith.cmpi sgt, %jit3A_337, %sign3A_346 : i32
      %sign3A_348 = arith.extui %sign3A_347 : i1 to i32
      %sign3A_349 = arith.constant 0 : i32
      %sign3A_350 = arith.cmpi slt, %jit3A_337, %sign3A_349 : i32
      %sign3A_351 = arith.extui %sign3A_350 : i1 to i32
      %sign3A_352 = arith.subi %sign3A_348, %sign3A_351 : i32
      %ne3A_353 = arith.cmpi ne, %sign3A_345, %sign3A_352 : i32
      %rem3A_354 = arith.remsi %add3A_336, %jit3A_337 : i32
      %ne3A_355 = arith.constant 0 : i32
      %ne3A_356 = arith.cmpi ne, %rem3A_354, %ne3A_355 : i32
      %and3A_357 = arith.andi %ne3A_353, %ne3A_356 : i1
      %sub3A_358 = arith.constant 1 : i32
      %sub3A_359 = arith.subi %div3A_338, %sub3A_358 : i32
      %select_n3A_360 = arith.select %and3A_357, %sub3A_359, %div3A_338 : i32
      %jit3A_361 = arith.constant 64 : i32
      %eq3A_362 = arith.constant 0 : i32
      %eq3A_363 = arith.cmpi eq, %jit3A_361, %eq3A_362 : i32
      %jit3A_364 = arith.constant 1 : i32
      %select_n3A_365 = arith.select %eq3A_363, %jit3A_364, %jit3A_361 : i32
      %rem3A_366 = arith.remsi %add3A_336, %select_n3A_365 : i32
      %ne3A_367 = arith.constant 0 : i32
      %ne3A_368 = arith.cmpi ne, %rem3A_366, %ne3A_367 : i32
      %lt3A_369 = arith.constant 0 : i32
      %lt3A_370 = arith.cmpi slt, %rem3A_366, %lt3A_369 : i32
      %lt3A_371 = arith.constant 0 : i32
      %lt3A_372 = arith.cmpi slt, %select_n3A_365, %lt3A_371 : i32
      %ne3A_373 = arith.xori %lt3A_370, %lt3A_372 : i1
      %and3A_374 = arith.andi %ne3A_373, %ne3A_368 : i1
      %add3A_375 = arith.addi %rem3A_366, %select_n3A_365 : i32
      %select_n3A_376 = arith.select %and3A_374, %add3A_375, %rem3A_366 : i32
      %mul3A_377 = arith.constant 256 : i32
      %mul3A_378 = arith.muli %select_n3A_376, %mul3A_377 : i32
      "tpu.region"() ({
        %run_scoped3A = tpu.sem_alloc : memref<!tpu.dma_semaphore, #tpu.memory_space<semaphore_mem>>
        %dma_start3A_948 = tpu.memref_slice %arg2[%select_n3A_360, %mul3A_378] : memref<50x16384xi32, #tpu.memory_space<hbm>> -> memref<1x256xi32, #tpu.memory_space<hbm>>
        %dma_start3A_949 = tpu.memref_squeeze %dma_start3A_948 : memref<1x256xi32, #tpu.memory_space<hbm>> -> memref<256xi32, #tpu.memory_space<hbm>>
        %dma_start3A_950 = tpu.memref_slice %arg2[%select_n3A_360, %mul3A_378] : memref<50x16384xi32, #tpu.memory_space<hbm>> -> memref<1x256xi32, #tpu.memory_space<hbm>>
        %dma_start3A_951 = tpu.memref_squeeze %dma_start3A_950 : memref<1x256xi32, #tpu.memory_space<hbm>> -> memref<256xi32, #tpu.memory_space<hbm>>
        tpu.enqueue_dma source(%dma_start3A_951 : memref<256xi32, #tpu.memory_space<hbm>>) target(%arg6 : memref<256xi32, #tpu.memory_space<vmem>>) target_semaphore(%run_scoped3A : memref<!tpu.dma_semaphore, #tpu.memory_space<semaphore_mem>>)
        %dma_wait3A_952 = tpu.memref_slice %arg2[%select_n3A_360, %mul3A_378] : memref<50x16384xi32, #tpu.memory_space<hbm>> -> memref<1x256xi32, #tpu.memory_space<hbm>>
        %dma_wait3A_953 = tpu.memref_squeeze %dma_wait3A_952 : memref<1x256xi32, #tpu.memory_space<hbm>> -> memref<256xi32, #tpu.memory_space<hbm>>
        %dma_wait3A_954 = tpu.memref_slice %arg2[%select_n3A_360, %mul3A_378] : memref<50x16384xi32, #tpu.memory_space<hbm>> -> memref<1x256xi32, #tpu.memory_space<hbm>>
        %dma_wait3A_955 = tpu.memref_squeeze %dma_wait3A_954 : memref<1x256xi32, #tpu.memory_space<hbm>> -> memref<256xi32, #tpu.memory_space<hbm>>
        tpu.wait_dma2 semaphore(%run_scoped3A : memref<!tpu.dma_semaphore, #tpu.memory_space<semaphore_mem>>) src(%dma_wait3A_955 : memref<256xi32, #tpu.memory_space<hbm>>) dst(%arg6 : memref<256xi32, #tpu.memory_space<vmem>>)
        tpu.yield
      }) : () -> ()
      %get3A_379 = arith.constant 0 : index
      %get3A_380 = tpu.vector_load %arg6[%get3A_379] {strides = array<i32>} : memref<256xi32, #tpu.memory_space<vmem>>, vector<16xi32>,
      %shift_right_logical3A_381 = arith.constant 2 : i32
      %shift_right_logical3A_382 = vector.broadcast %shift_right_logical3A_381 : i32 to vector<16xi32>
      %shift_right_logical3A_383 = arith.shrui %get3A_380, %shift_right_logical3A_382 : vector<16xi32>
      %swap3A_384 = arith.constant 0 : index
      %swap3A_385 = tpu.vector_load %arg8[%swap3A_384] {strides = array<i32>} : memref<256xi32, #tpu.memory_space<vmem>>, vector<16xi32>,
      tpu.vector_store %arg8[%swap3A_384], %shift_right_logical3A_383 {strides = array<i32>} : memref<256xi32, #tpu.memory_space<vmem>>, vector<16xi32>,
      %and3A_386 = arith.constant 3 : i32
      %and3A_387 = vector.broadcast %and3A_386 : i32 to vector<16xi32>
      %and3A_388 = arith.andi %get3A_380, %and3A_387 : vector<16xi32>
      %shift_left3A_389 = arith.constant 5 : i32
      %shift_left3A_390 = vector.broadcast %shift_left3A_389 : i32 to vector<16xi32>
      %shift_left3A_391 = arith.shli %and3A_388, %shift_left3A_390 : vector<16xi32>
      %swap3A_392 = arith.constant 0 : index
      %swap3A_393 = tpu.vector_load %arg10[%swap3A_392] {strides = array<i32>} : memref<256xi32, #tpu.memory_space<vmem>>, vector<16xi32>,
      tpu.vector_store %arg10[%swap3A_392], %shift_left3A_391 {strides = array<i32>} : memref<256xi32, #tpu.memory_space<vmem>>, vector<16xi32>,
      %get3A_394 = arith.constant 16 : index
      %get3A_395 = tpu.vector_load %arg6[%get3A_394] {strides = array<i32>} : memref<256xi32, #tpu.memory_space<vmem>>, vector<16xi32>,
      %shift_right_logical3A_396 = arith.constant 2 : i32
      %shift_right_logical3A_397 = vector.broadcast %shift_right_logical3A_396 : i32 to vector<16xi32>
      %shift_right_logical3A_398 = arith.shrui %get3A_395, %shift_right_logical3A_397 : vector<16xi32>
      %swap3A_399 = arith.constant 16 : index
      %swap3A_400 = tpu.vector_load %arg8[%swap3A_399] {strides = array<i32>} : memref<256xi32, #tpu.memory_space<vmem>>, vector<16xi32>,
      tpu.vector_store %arg8[%swap3A_399], %shift_right_logical3A_398 {strides = array<i32>} : memref<256xi32, #tpu.memory_space<vmem>>, vector<16xi32>,
      %and3A_401 = arith.constant 3 : i32
      %and3A_402 = vector.broadcast %and3A_401 : i32 to vector<16xi32>
      %and3A_403 = arith.andi %get3A_395, %and3A_402 : vector<16xi32>
      %shift_left3A_404 = arith.constant 5 : i32
      %shift_left3A_405 = vector.broadcast %shift_left3A_404 : i32 to vector<16xi32>
      %shift_left3A_406 = arith.shli %and3A_403, %shift_left3A_405 : vector<16xi32>
      %swap3A_407 = arith.constant 16 : index
      %swap3A_408 = tpu.vector_load %arg10[%swap3A_407] {strides = array<i32>} : memref<256xi32, #tpu.memory_space<vmem>>, vector<16xi32>,
      tpu.vector_store %arg10[%swap3A_407], %shift_left3A_406 {strides = array<i32>} : memref<256xi32, #tpu.memory_space<vmem>>, vector<16xi32>,
      %get3A_409 = arith.constant 32 : index
      %get3A_410 = tpu.vector_load %arg6[%get3A_409] {strides = array<i32>} : memref<256xi32, #tpu.memory_space<vmem>>, vector<16xi32>,
      %shift_right_logical3A_411 = arith.constant 2 : i32
      %shift_right_logical3A_412 = vector.broadcast %shift_right_logical3A_411 : i32 to vector<16xi32>
      %shift_right_logical3A_413 = arith.shrui %get3A_410, %shift_right_logical3A_412 : vector<16xi32>
      %swap3A_414 = arith.constant 32 : index
      %swap3A_415 = tpu.vector_load %arg8[%swap3A_414] {strides = array<i32>} : memref<256xi32, #tpu.memory_space<vmem>>, vector<16xi32>,
      tpu.vector_store %arg8[%swap3A_414], %shift_right_logical3A_413 {strides = array<i32>} : memref<256xi32, #tpu.memory_space<vmem>>, vector<16xi32>,
      %and3A_416 = arith.constant 3 : i32
      %and3A_417 = vector.broadcast %and3A_416 : i32 to vector<16xi32>
      %and3A_418 = arith.andi %get3A_410, %and3A_417 : vector<16xi32>
      %shift_left3A_419 = arith.constant 5 : i32
      %shift_left3A_420 = vector.broadcast %shift_left3A_419 : i32 to vector<16xi32>
      %shift_left3A_421 = arith.shli %and3A_418, %shift_left3A_420 : vector<16xi32>
      %swap3A_422 = arith.constant 32 : index
      %swap3A_423 = tpu.vector_load %arg10[%swap3A_422] {strides = array<i32>} : memref<256xi32, #tpu.memory_space<vmem>>, vector<16xi32>,
      tpu.vector_store %arg10[%swap3A_422], %shift_left3A_421 {strides = array<i32>} : memref<256xi32, #tpu.memory_space<vmem>>, vector<16xi32>,
      %get3A_424 = arith.constant 48 : index
      %get3A_425 = tpu.vector_load %arg6[%get3A_424] {strides = array<i32>} : memref<256xi32, #tpu.memory_space<vmem>>, vector<16xi32>,
      %shift_right_logical3A_426 = arith.constant 2 : i32
      %shift_right_logical3A_427 = vector.broadcast %shift_right_logical3A_426 : i32 to vector<16xi32>
      %shift_right_logical3A_428 = arith.shrui %get3A_425, %shift_right_logical3A_427 : vector<16xi32>
      %swap3A_429 = arith.constant 48 : index
      %swap3A_430 = tpu.vector_load %arg8[%swap3A_429] {strides = array<i32>} : memref<256xi32, #tpu.memory_space<vmem>>, vector<16xi32>,
      tpu.vector_store %arg8[%swap3A_429], %shift_right_logical3A_428 {strides = array<i32>} : memref<256xi32, #tpu.memory_space<vmem>>, vector<16xi32>,
      %and3A_431 = arith.constant 3 : i32
      %and3A_432 = vector.broadcast %and3A_431 : i32 to vector<16xi32>
      %and3A_433 = arith.andi %get3A_425, %and3A_432 : vector<16xi32>
      %shift_left3A_434 = arith.constant 5 : i32
      %shift_left3A_435 = vector.broadcast %shift_left3A_434 : i32 to vector<16xi32>
      %shift_left3A_436 = arith.shli %and3A_433, %shift_left3A_435 : vector<16xi32>
      %swap3A_437 = arith.constant 48 : index
      %swap3A_438 = tpu.vector_load %arg10[%swap3A_437] {strides = array<i32>} : memref<256xi32, #tpu.memory_space<vmem>>, vector<16xi32>,
      tpu.vector_store %arg10[%swap3A_437], %shift_left3A_436 {strides = array<i32>} : memref<256xi32, #tpu.memory_space<vmem>>, vector<16xi32>,
      %get3A_439 = arith.constant 64 : index
      %get3A_440 = tpu.vector_load %arg6[%get3A_439] {strides = array<i32>} : memref<256xi32, #tpu.memory_space<vmem>>, vector<16xi32>,
      %shift_right_logical3A_441 = arith.constant 2 : i32
      %shift_right_logical3A_442 = vector.broadcast %shift_right_logical3A_441 : i32 to vector<16xi32>
      %shift_right_logical3A_443 = arith.shrui %get3A_440, %shift_right_logical3A_442 : vector<16xi32>
      %swap3A_444 = arith.constant 64 : index
      %swap3A_445 = tpu.vector_load %arg8[%swap3A_444] {strides = array<i32>} : memref<256xi32, #tpu.memory_space<vmem>>, vector<16xi32>,
      tpu.vector_store %arg8[%swap3A_444], %shift_right_logical3A_443 {strides = array<i32>} : memref<256xi32, #tpu.memory_space<vmem>>, vector<16xi32>,
      %and3A_446 = arith.constant 3 : i32
      %and3A_447 = vector.broadcast %and3A_446 : i32 to vector<16xi32>
      %and3A_448 = arith.andi %get3A_440, %and3A_447 : vector<16xi32>
      %shift_left3A_449 = arith.constant 5 : i32
      %shift_left3A_450 = vector.broadcast %shift_left3A_449 : i32 to vector<16xi32>
      %shift_left3A_451 = arith.shli %and3A_448, %shift_left3A_450 : vector<16xi32>
      %swap3A_452 = arith.constant 64 : index
      %swap3A_453 = tpu.vector_load %arg10[%swap3A_452] {strides = array<i32>} : memref<256xi32, #tpu.memory_space<vmem>>, vector<16xi32>,
      tpu.vector_store %arg10[%swap3A_452], %shift_left3A_451 {strides = array<i32>} : memref<256xi32, #tpu.memory_space<vmem>>, vector<16xi32>,
      %get3A_454 = arith.constant 80 : index
      %get3A_455 = tpu.vector_load %arg6[%get3A_454] {strides = array<i32>} : memref<256xi32, #tpu.memory_space<vmem>>, vector<16xi32>,
      %shift_right_logical3A_456 = arith.constant 2 : i32
      %shift_right_logical3A_457 = vector.broadcast %shift_right_logical3A_456 : i32 to vector<16xi32>
      %shift_right_logical3A_458 = arith.shrui %get3A_455, %shift_right_logical3A_457 : vector<16xi32>
      %swap3A_459 = arith.constant 80 : index
      %swap3A_460 = tpu.vector_load %arg8[%swap3A_459] {strides = array<i32>} : memref<256xi32, #tpu.memory_space<vmem>>, vector<16xi32>,
      tpu.vector_store %arg8[%swap3A_459], %shift_right_logical3A_458 {strides = array<i32>} : memref<256xi32, #tpu.memory_space<vmem>>, vector<16xi32>,
      %and3A_461 = arith.constant 3 : i32
      %and3A_462 = vector.broadcast %and3A_461 : i32 to vector<16xi32>
      %and3A_463 = arith.andi %get3A_455, %and3A_462 : vector<16xi32>
      %shift_left3A_464 = arith.constant 5 : i32
      %shift_left3A_465 = vector.broadcast %shift_left3A_464 : i32 to vector<16xi32>
      %shift_left3A_466 = arith.shli %and3A_463, %shift_left3A_465 : vector<16xi32>
      %swap3A_467 = arith.constant 80 : index
      %swap3A_468 = tpu.vector_load %arg10[%swap3A_467] {strides = array<i32>} : memref<256xi32, #tpu.memory_space<vmem>>, vector<16xi32>,
      tpu.vector_store %arg10[%swap3A_467], %shift_left3A_466 {strides = array<i32>} : memref<256xi32, #tpu.memory_space<vmem>>, vector<16xi32>,
      %get3A_469 = arith.constant 96 : index
      %get3A_470 = tpu.vector_load %arg6[%get3A_469] {strides = array<i32>} : memref<256xi32, #tpu.memory_space<vmem>>, vector<16xi32>,
      %shift_right_logical3A_471 = arith.constant 2 : i32
      %shift_right_logical3A_472 = vector.broadcast %shift_right_logical3A_471 : i32 to vector<16xi32>
      %shift_right_logical3A_473 = arith.shrui %get3A_470, %shift_right_logical3A_472 : vector<16xi32>
      %swap3A_474 = arith.constant 96 : index
      %swap3A_475 = tpu.vector_load %arg8[%swap3A_474] {strides = array<i32>} : memref<256xi32, #tpu.memory_space<vmem>>, vector<16xi32>,
      tpu.vector_store %arg8[%swap3A_474], %shift_right_logical3A_473 {strides = array<i32>} : memref<256xi32, #tpu.memory_space<vmem>>, vector<16xi32>,
      %and3A_476 = arith.constant 3 : i32
      %and3A_477 = vector.broadcast %and3A_476 : i32 to vector<16xi32>
      %and3A_478 = arith.andi %get3A_470, %and3A_477 : vector<16xi32>
      %shift_left3A_479 = arith.constant 5 : i32
      %shift_left3A_480 = vector.broadcast %shift_left3A_479 : i32 to vector<16xi32>
      %shift_left3A_481 = arith.shli %and3A_478, %shift_left3A_480 : vector<16xi32>
      %swap3A_482 = arith.constant 96 : index
      %swap3A_483 = tpu.vector_load %arg10[%swap3A_482] {strides = array<i32>} : memref<256xi32, #tpu.memory_space<vmem>>, vector<16xi32>,
      tpu.vector_store %arg10[%swap3A_482], %shift_left3A_481 {strides = array<i32>} : memref<256xi32, #tpu.memory_space<vmem>>, vector<16xi32>,
      %get3A_484 = arith.constant 112 : index
      %get3A_485 = tpu.vector_load %arg6[%get3A_484] {strides = array<i32>} : memref<256xi32, #tpu.memory_space<vmem>>, vector<16xi32>,
      %shift_right_logical3A_486 = arith.constant 2 : i32
      %shift_right_logical3A_487 = vector.broadcast %shift_right_logical3A_486 : i32 to vector<16xi32>
      %shift_right_logical3A_488 = arith.shrui %get3A_485, %shift_right_logical3A_487 : vector<16xi32>
      %swap3A_489 = arith.constant 112 : index
      %swap3A_490 = tpu.vector_load %arg8[%swap3A_489] {strides = array<i32>} : memref<256xi32, #tpu.memory_space<vmem>>, vector<16xi32>,
      tpu.vector_store %arg8[%swap3A_489], %shift_right_logical3A_488 {strides = array<i32>} : memref<256xi32, #tpu.memory_space<vmem>>, vector<16xi32>,
      %and3A_491 = arith.constant 3 : i32
      %and3A_492 = vector.broadcast %and3A_491 : i32 to vector<16xi32>
      %and3A_493 = arith.andi %get3A_485, %and3A_492 : vector<16xi32>
      %shift_left3A_494 = arith.constant 5 : i32
      %shift_left3A_495 = vector.broadcast %shift_left3A_494 : i32 to vector<16xi32>
      %shift_left3A_496 = arith.shli %and3A_493, %shift_left3A_495 : vector<16xi32>
      %swap3A_497 = arith.constant 112 : index
      %swap3A_498 = tpu.vector_load %arg10[%swap3A_497] {strides = array<i32>} : memref<256xi32, #tpu.memory_space<vmem>>, vector<16xi32>,
      tpu.vector_store %arg10[%swap3A_497], %shift_left3A_496 {strides = array<i32>} : memref<256xi32, #tpu.memory_space<vmem>>, vector<16xi32>,
      %get3A_499 = arith.constant 128 : index
      %get3A_500 = tpu.vector_load %arg6[%get3A_499] {strides = array<i32>} : memref<256xi32, #tpu.memory_space<vmem>>, vector<16xi32>,
      %shift_right_logical3A_501 = arith.constant 2 : i32
      %shift_right_logical3A_502 = vector.broadcast %shift_right_logical3A_501 : i32 to vector<16xi32>
      %shift_right_logical3A_503 = arith.shrui %get3A_500, %shift_right_logical3A_502 : vector<16xi32>
      %swap3A_504 = arith.constant 128 : index
      %swap3A_505 = tpu.vector_load %arg8[%swap3A_504] {strides = array<i32>} : memref<256xi32, #tpu.memory_space<vmem>>, vector<16xi32>,
      tpu.vector_store %arg8[%swap3A_504], %shift_right_logical3A_503 {strides = array<i32>} : memref<256xi32, #tpu.memory_space<vmem>>, vector<16xi32>,
      %and3A_506 = arith.constant 3 : i32
      %and3A_507 = vector.broadcast %and3A_506 : i32 to vector<16xi32>
      %and3A_508 = arith.andi %get3A_500, %and3A_507 : vector<16xi32>
      %shift_left3A_509 = arith.constant 5 : i32
      %shift_left3A_510 = vector.broadcast %shift_left3A_509 : i32 to vector<16xi32>
      %shift_left3A_511 = arith.shli %and3A_508, %shift_left3A_510 : vector<16xi32>
      %swap3A_512 = arith.constant 128 : index
      %swap3A_513 = tpu.vector_load %arg10[%swap3A_512] {strides = array<i32>} : memref<256xi32, #tpu.memory_space<vmem>>, vector<16xi32>,
      tpu.vector_store %arg10[%swap3A_512], %shift_left3A_511 {strides = array<i32>} : memref<256xi32, #tpu.memory_space<vmem>>, vector<16xi32>,
      %get3A_514 = arith.constant 144 : index
      %get3A_515 = tpu.vector_load %arg6[%get3A_514] {strides = array<i32>} : memref<256xi32, #tpu.memory_space<vmem>>, vector<16xi32>,
      %shift_right_logical3A_516 = arith.constant 2 : i32
      %shift_right_logical3A_517 = vector.broadcast %shift_right_logical3A_516 : i32 to vector<16xi32>
      %shift_right_logical3A_518 = arith.shrui %get3A_515, %shift_right_logical3A_517 : vector<16xi32>
      %swap3A_519 = arith.constant 144 : index
      %swap3A_520 = tpu.vector_load %arg8[%swap3A_519] {strides = array<i32>} : memref<256xi32, #tpu.memory_space<vmem>>, vector<16xi32>,
      tpu.vector_store %arg8[%swap3A_519], %shift_right_logical3A_518 {strides = array<i32>} : memref<256xi32, #tpu.memory_space<vmem>>, vector<16xi32>,
      %and3A_521 = arith.constant 3 : i32
      %and3A_522 = vector.broadcast %and3A_521 : i32 to vector<16xi32>
      %and3A_523 = arith.andi %get3A_515, %and3A_522 : vector<16xi32>
      %shift_left3A_524 = arith.constant 5 : i32
      %shift_left3A_525 = vector.broadcast %shift_left3A_524 : i32 to vector<16xi32>
      %shift_left3A_526 = arith.shli %and3A_523, %shift_left3A_525 : vector<16xi32>
      %swap3A_527 = arith.constant 144 : index
      %swap3A_528 = tpu.vector_load %arg10[%swap3A_527] {strides = array<i32>} : memref<256xi32, #tpu.memory_space<vmem>>, vector<16xi32>,
      tpu.vector_store %arg10[%swap3A_527], %shift_left3A_526 {strides = array<i32>} : memref<256xi32, #tpu.memory_space<vmem>>, vector<16xi32>,
      %get3A_529 = arith.constant 160 : index
      %get3A_530 = tpu.vector_load %arg6[%get3A_529] {strides = array<i32>} : memref<256xi32, #tpu.memory_space<vmem>>, vector<16xi32>,
      %shift_right_logical3A_531 = arith.constant 2 : i32
      %shift_right_logical3A_532 = vector.broadcast %shift_right_logical3A_531 : i32 to vector<16xi32>
      %shift_right_logical3A_533 = arith.shrui %get3A_530, %shift_right_logical3A_532 : vector<16xi32>
      %swap3A_534 = arith.constant 160 : index
      %swap3A_535 = tpu.vector_load %arg8[%swap3A_534] {strides = array<i32>} : memref<256xi32, #tpu.memory_space<vmem>>, vector<16xi32>,
      tpu.vector_store %arg8[%swap3A_534], %shift_right_logical3A_533 {strides = array<i32>} : memref<256xi32, #tpu.memory_space<vmem>>, vector<16xi32>,
      %and3A_536 = arith.constant 3 : i32
      %and3A_537 = vector.broadcast %and3A_536 : i32 to vector<16xi32>
      %and3A_538 = arith.andi %get3A_530, %and3A_537 : vector<16xi32>
      %shift_left3A_539 = arith.constant 5 : i32
      %shift_left3A_540 = vector.broadcast %shift_left3A_539 : i32 to vector<16xi32>
      %shift_left3A_541 = arith.shli %and3A_538, %shift_left3A_540 : vector<16xi32>
      %swap3A_542 = arith.constant 160 : index
      %swap3A_543 = tpu.vector_load %arg10[%swap3A_542] {strides = array<i32>} : memref<256xi32, #tpu.memory_space<vmem>>, vector<16xi32>,
      tpu.vector_store %arg10[%swap3A_542], %shift_left3A_541 {strides = array<i32>} : memref<256xi32, #tpu.memory_space<vmem>>, vector<16xi32>,
      %get3A_544 = arith.constant 176 : index
      %get3A_545 = tpu.vector_load %arg6[%get3A_544] {strides = array<i32>} : memref<256xi32, #tpu.memory_space<vmem>>, vector<16xi32>,
      %shift_right_logical3A_546 = arith.constant 2 : i32
      %shift_right_logical3A_547 = vector.broadcast %shift_right_logical3A_546 : i32 to vector<16xi32>
      %shift_right_logical3A_548 = arith.shrui %get3A_545, %shift_right_logical3A_547 : vector<16xi32>
      %swap3A_549 = arith.constant 176 : index
      %swap3A_550 = tpu.vector_load %arg8[%swap3A_549] {strides = array<i32>} : memref<256xi32, #tpu.memory_space<vmem>>, vector<16xi32>,
      tpu.vector_store %arg8[%swap3A_549], %shift_right_logical3A_548 {strides = array<i32>} : memref<256xi32, #tpu.memory_space<vmem>>, vector<16xi32>,
      %and3A_551 = arith.constant 3 : i32
      %and3A_552 = vector.broadcast %and3A_551 : i32 to vector<16xi32>
      %and3A_553 = arith.andi %get3A_545, %and3A_552 : vector<16xi32>
      %shift_left3A_554 = arith.constant 5 : i32
      %shift_left3A_555 = vector.broadcast %shift_left3A_554 : i32 to vector<16xi32>
      %shift_left3A_556 = arith.shli %and3A_553, %shift_left3A_555 : vector<16xi32>
      %swap3A_557 = arith.constant 176 : index
      %swap3A_558 = tpu.vector_load %arg10[%swap3A_557] {strides = array<i32>} : memref<256xi32, #tpu.memory_space<vmem>>, vector<16xi32>,
      tpu.vector_store %arg10[%swap3A_557], %shift_left3A_556 {strides = array<i32>} : memref<256xi32, #tpu.memory_space<vmem>>, vector<16xi32>,
      %get3A_559 = arith.constant 192 : index
      %get3A_560 = tpu.vector_load %arg6[%get3A_559] {strides = array<i32>} : memref<256xi32, #tpu.memory_space<vmem>>, vector<16xi32>,
      %shift_right_logical3A_561 = arith.constant 2 : i32
      %shift_right_logical3A_562 = vector.broadcast %shift_right_logical3A_561 : i32 to vector<16xi32>
      %shift_right_logical3A_563 = arith.shrui %get3A_560, %shift_right_logical3A_562 : vector<16xi32>
      %swap3A_564 = arith.constant 192 : index
      %swap3A_565 = tpu.vector_load %arg8[%swap3A_564] {strides = array<i32>} : memref<256xi32, #tpu.memory_space<vmem>>, vector<16xi32>,
      tpu.vector_store %arg8[%swap3A_564], %shift_right_logical3A_563 {strides = array<i32>} : memref<256xi32, #tpu.memory_space<vmem>>, vector<16xi32>,
      %and3A_566 = arith.constant 3 : i32
      %and3A_567 = vector.broadcast %and3A_566 : i32 to vector<16xi32>
      %and3A_568 = arith.andi %get3A_560, %and3A_567 : vector<16xi32>
      %shift_left3A_569 = arith.constant 5 : i32
      %shift_left3A_570 = vector.broadcast %shift_left3A_569 : i32 to vector<16xi32>
      %shift_left3A_571 = arith.shli %and3A_568, %shift_left3A_570 : vector<16xi32>
      %swap3A_572 = arith.constant 192 : index
      %swap3A_573 = tpu.vector_load %arg10[%swap3A_572] {strides = array<i32>} : memref<256xi32, #tpu.memory_space<vmem>>, vector<16xi32>,
      tpu.vector_store %arg10[%swap3A_572], %shift_left3A_571 {strides = array<i32>} : memref<256xi32, #tpu.memory_space<vmem>>, vector<16xi32>,
      %get3A_574 = arith.constant 208 : index
      %get3A_575 = tpu.vector_load %arg6[%get3A_574] {strides = array<i32>} : memref<256xi32, #tpu.memory_space<vmem>>, vector<16xi32>,
      %shift_right_logical3A_576 = arith.constant 2 : i32
      %shift_right_logical3A_577 = vector.broadcast %shift_right_logical3A_576 : i32 to vector<16xi32>
      %shift_right_logical3A_578 = arith.shrui %get3A_575, %shift_right_logical3A_577 : vector<16xi32>
      %swap3A_579 = arith.constant 208 : index
      %swap3A_580 = tpu.vector_load %arg8[%swap3A_579] {strides = array<i32>} : memref<256xi32, #tpu.memory_space<vmem>>, vector<16xi32>,
      tpu.vector_store %arg8[%swap3A_579], %shift_right_logical3A_578 {strides = array<i32>} : memref<256xi32, #tpu.memory_space<vmem>>, vector<16xi32>,
      %and3A_581 = arith.constant 3 : i32
      %and3A_582 = vector.broadcast %and3A_581 : i32 to vector<16xi32>
      %and3A_583 = arith.andi %get3A_575, %and3A_582 : vector<16xi32>
      %shift_left3A_584 = arith.constant 5 : i32
      %shift_left3A_585 = vector.broadcast %shift_left3A_584 : i32 to vector<16xi32>
      %shift_left3A_586 = arith.shli %and3A_583, %shift_left3A_585 : vector<16xi32>
      %swap3A_587 = arith.constant 208 : index
      %swap3A_588 = tpu.vector_load %arg10[%swap3A_587] {strides = array<i32>} : memref<256xi32, #tpu.memory_space<vmem>>, vector<16xi32>,
      tpu.vector_store %arg10[%swap3A_587], %shift_left3A_586 {strides = array<i32>} : memref<256xi32, #tpu.memory_space<vmem>>, vector<16xi32>,
      %get3A_589 = arith.constant 224 : index
      %get3A_590 = tpu.vector_load %arg6[%get3A_589] {strides = array<i32>} : memref<256xi32, #tpu.memory_space<vmem>>, vector<16xi32>,
      %shift_right_logical3A_591 = arith.constant 2 : i32
      %shift_right_logical3A_592 = vector.broadcast %shift_right_logical3A_591 : i32 to vector<16xi32>
      %shift_right_logical3A_593 = arith.shrui %get3A_590, %shift_right_logical3A_592 : vector<16xi32>
      %swap3A_594 = arith.constant 224 : index
      %swap3A_595 = tpu.vector_load %arg8[%swap3A_594] {strides = array<i32>} : memref<256xi32, #tpu.memory_space<vmem>>, vector<16xi32>,
      tpu.vector_store %arg8[%swap3A_594], %shift_right_logical3A_593 {strides = array<i32>} : memref<256xi32, #tpu.memory_space<vmem>>, vector<16xi32>,
      %and3A_596 = arith.constant 3 : i32
      %and3A_597 = vector.broadcast %and3A_596 : i32 to vector<16xi32>
      %and3A_598 = arith.andi %get3A_590, %and3A_597 : vector<16xi32>
      %shift_left3A_599 = arith.constant 5 : i32
      %shift_left3A_600 = vector.broadcast %shift_left3A_599 : i32 to vector<16xi32>
      %shift_left3A_601 = arith.shli %and3A_598, %shift_left3A_600 : vector<16xi32>
      %swap3A_602 = arith.constant 224 : index
      %swap3A_603 = tpu.vector_load %arg10[%swap3A_602] {strides = array<i32>} : memref<256xi32, #tpu.memory_space<vmem>>, vector<16xi32>,
      tpu.vector_store %arg10[%swap3A_602], %shift_left3A_601 {strides = array<i32>} : memref<256xi32, #tpu.memory_space<vmem>>, vector<16xi32>,
      %get3A_604 = arith.constant 240 : index
      %get3A_605 = tpu.vector_load %arg6[%get3A_604] {strides = array<i32>} : memref<256xi32, #tpu.memory_space<vmem>>, vector<16xi32>,
      %shift_right_logical3A_606 = arith.constant 2 : i32
      %shift_right_logical3A_607 = vector.broadcast %shift_right_logical3A_606 : i32 to vector<16xi32>
      %shift_right_logical3A_608 = arith.shrui %get3A_605, %shift_right_logical3A_607 : vector<16xi32>
      %swap3A_609 = arith.constant 240 : index
      %swap3A_610 = tpu.vector_load %arg8[%swap3A_609] {strides = array<i32>} : memref<256xi32, #tpu.memory_space<vmem>>, vector<16xi32>,
      tpu.vector_store %arg8[%swap3A_609], %shift_right_logical3A_608 {strides = array<i32>} : memref<256xi32, #tpu.memory_space<vmem>>, vector<16xi32>,
      %and3A_611 = arith.constant 3 : i32
      %and3A_612 = vector.broadcast %and3A_611 : i32 to vector<16xi32>
      %and3A_613 = arith.andi %get3A_605, %and3A_612 : vector<16xi32>
      %shift_left3A_614 = arith.constant 5 : i32
      %shift_left3A_615 = vector.broadcast %shift_left3A_614 : i32 to vector<16xi32>
      %shift_left3A_616 = arith.shli %and3A_613, %shift_left3A_615 : vector<16xi32>
      %swap3A_617 = arith.constant 240 : index
      %swap3A_618 = tpu.vector_load %arg10[%swap3A_617] {strides = array<i32>} : memref<256xi32, #tpu.memory_space<vmem>>, vector<16xi32>,
      tpu.vector_store %arg10[%swap3A_617], %shift_left3A_616 {strides = array<i32>} : memref<256xi32, #tpu.memory_space<vmem>>, vector<16xi32>,
      %dma_start3A_619 = arith.constant 0 : i32
      %dma_start3A_620 = arith.constant 0 : i32
      %dma_start3A_621 = tpu.memref_slice %arg3[%dma_start3A_619, %dma_start3A_620] : memref<250000x128xf32, #tpu.memory_space<hbm>> -> memref<250000x128xf32, #tpu.memory_space<hbm>>
      tpu.enqueue_indirect_dma source(%dma_start3A_621 : memref<250000x128xf32, #tpu.memory_space<hbm>>) target(%arg12 : memref<256x128xf32, #tpu.memory_space<vmem>>) offsets(%arg8 : memref<256xi32, #tpu.memory_space<vmem>>) semaphore(%arg16 : memref<!tpu.dma_semaphore, #tpu.memory_space<semaphore_mem>>)
      %dma_wait3A_622 = arith.constant 0 : i32
      %dma_wait3A_623 = arith.constant 0 : i32
      %dma_wait3A_624 = tpu.memref_slice %arg3[%dma_wait3A_622, %dma_wait3A_623] : memref<250000x128xf32, #tpu.memory_space<hbm>> -> memref<250000x128xf32, #tpu.memory_space<hbm>>
      tpu.wait_indirect_dma semaphore(%arg15 : memref<!tpu.dma_semaphore, #tpu.memory_space<semaphore_mem>>) src(%dma_wait3A_624 : memref<250000x128xf32, #tpu.memory_space<hbm>>) dst(%arg11 : memref<256x128xf32, #tpu.memory_space<vmem>>)
      %iota3A = tpu.iota {dimensions = array<i32: 0>} : vector<16xi32>
      %add3A_625 = arith.constant 0 : i32
      %add3A_626 = vector.broadcast %add3A_625 : i32 to vector<16xi32>
      %add3A_627 = arith.addi %add3A_626, %iota3A : vector<16xi32>
      %add3A_628 = arith.constant 16 : i32
      %add3A_629 = vector.broadcast %add3A_628 : i32 to vector<16xi32>
      %add3A_630 = arith.addi %add3A_629, %iota3A : vector<16xi32>
      %add3A_631 = arith.constant 32 : i32
      %add3A_632 = vector.broadcast %add3A_631 : i32 to vector<16xi32>
      %add3A_633 = arith.addi %add3A_632, %iota3A : vector<16xi32>
      %add3A_634 = arith.constant 48 : i32
      %add3A_635 = vector.broadcast %add3A_634 : i32 to vector<16xi32>
      %add3A_636 = arith.addi %add3A_635, %iota3A : vector<16xi32>
      %add3A_637 = arith.constant 64 : i32
      %add3A_638 = vector.broadcast %add3A_637 : i32 to vector<16xi32>
      %add3A_639 = arith.addi %add3A_638, %iota3A : vector<16xi32>
      %add3A_640 = arith.constant 80 : i32
      %add3A_641 = vector.broadcast %add3A_640 : i32 to vector<16xi32>
      %add3A_642 = arith.addi %add3A_641, %iota3A : vector<16xi32>
      %add3A_643 = arith.constant 96 : i32
      %add3A_644 = vector.broadcast %add3A_643 : i32 to vector<16xi32>
      %add3A_645 = arith.addi %add3A_644, %iota3A : vector<16xi32>
      %add3A_646 = arith.constant 112 : i32
      %add3A_647 = vector.broadcast %add3A_646 : i32 to vector<16xi32>
      %add3A_648 = arith.addi %add3A_647, %iota3A : vector<16xi32>
      %add3A_649 = arith.constant 128 : i32
      %add3A_650 = vector.broadcast %add3A_649 : i32 to vector<16xi32>
      %add3A_651 = arith.addi %add3A_650, %iota3A : vector<16xi32>
      %add3A_652 = arith.constant 144 : i32
      %add3A_653 = vector.broadcast %add3A_652 : i32 to vector<16xi32>
      %add3A_654 = arith.addi %add3A_653, %iota3A : vector<16xi32>
      %add3A_655 = arith.constant 160 : i32
      %add3A_656 = vector.broadcast %add3A_655 : i32 to vector<16xi32>
      %add3A_657 = arith.addi %add3A_656, %iota3A : vector<16xi32>
      %add3A_658 = arith.constant 176 : i32
      %add3A_659 = vector.broadcast %add3A_658 : i32 to vector<16xi32>
      %add3A_660 = arith.addi %add3A_659, %iota3A : vector<16xi32>
      %add3A_661 = arith.constant 192 : i32
      %add3A_662 = vector.broadcast %add3A_661 : i32 to vector<16xi32>
      %add3A_663 = arith.addi %add3A_662, %iota3A : vector<16xi32>
      %add3A_664 = arith.constant 208 : i32
      %add3A_665 = vector.broadcast %add3A_664 : i32 to vector<16xi32>
      %add3A_666 = arith.addi %add3A_665, %iota3A : vector<16xi32>
      %add3A_667 = arith.constant 224 : i32
      %add3A_668 = vector.broadcast %add3A_667 : i32 to vector<16xi32>
      %add3A_669 = arith.addi %add3A_668, %iota3A : vector<16xi32>
      %add3A_670 = arith.constant 240 : i32
      %add3A_671 = vector.broadcast %add3A_670 : i32 to vector<16xi32>
      %add3A_672 = arith.addi %add3A_671, %iota3A : vector<16xi32>
      %get3A_673 = arith.constant 0 : index
      %get3A_674 = tpu.vector_load %arg9[%get3A_673] {strides = array<i32>} : memref<256xi32, #tpu.memory_space<vmem>>, vector<16xi32>,
      %get3A_675 = arith.constant 16 : index
      %get3A_676 = tpu.vector_load %arg9[%get3A_675] {strides = array<i32>} : memref<256xi32, #tpu.memory_space<vmem>>, vector<16xi32>,
      %get3A_677 = arith.constant 32 : index
      %get3A_678 = tpu.vector_load %arg9[%get3A_677] {strides = array<i32>} : memref<256xi32, #tpu.memory_space<vmem>>, vector<16xi32>,
      %get3A_679 = arith.constant 48 : index
      %get3A_680 = tpu.vector_load %arg9[%get3A_679] {strides = array<i32>} : memref<256xi32, #tpu.memory_space<vmem>>, vector<16xi32>,
      %get3A_681 = arith.constant 64 : index
      %get3A_682 = tpu.vector_load %arg9[%get3A_681] {strides = array<i32>} : memref<256xi32, #tpu.memory_space<vmem>>, vector<16xi32>,
      %get3A_683 = arith.constant 80 : index
      %get3A_684 = tpu.vector_load %arg9[%get3A_683] {strides = array<i32>} : memref<256xi32, #tpu.memory_space<vmem>>, vector<16xi32>,
      %get3A_685 = arith.constant 96 : index
      %get3A_686 = tpu.vector_load %arg9[%get3A_685] {strides = array<i32>} : memref<256xi32, #tpu.memory_space<vmem>>, vector<16xi32>,
      %get3A_687 = arith.constant 112 : index
      %get3A_688 = tpu.vector_load %arg9[%get3A_687] {strides = array<i32>} : memref<256xi32, #tpu.memory_space<vmem>>, vector<16xi32>,
      %get3A_689 = arith.constant 128 : index
      %get3A_690 = tpu.vector_load %arg9[%get3A_689] {strides = array<i32>} : memref<256xi32, #tpu.memory_space<vmem>>, vector<16xi32>,
      %get3A_691 = arith.constant 144 : index
      %get3A_692 = tpu.vector_load %arg9[%get3A_691] {strides = array<i32>} : memref<256xi32, #tpu.memory_space<vmem>>, vector<16xi32>,
      %get3A_693 = arith.constant 160 : index
      %get3A_694 = tpu.vector_load %arg9[%get3A_693] {strides = array<i32>} : memref<256xi32, #tpu.memory_space<vmem>>, vector<16xi32>,
      %get3A_695 = arith.constant 176 : index
      %get3A_696 = tpu.vector_load %arg9[%get3A_695] {strides = array<i32>} : memref<256xi32, #tpu.memory_space<vmem>>, vector<16xi32>,
      %get3A_697 = arith.constant 192 : index
      %get3A_698 = tpu.vector_load %arg9[%get3A_697] {strides = array<i32>} : memref<256xi32, #tpu.memory_space<vmem>>, vector<16xi32>,
      %get3A_699 = arith.constant 208 : index
      %get3A_700 = tpu.vector_load %arg9[%get3A_699] {strides = array<i32>} : memref<256xi32, #tpu.memory_space<vmem>>, vector<16xi32>,
      %get3A_701 = arith.constant 224 : index
      %get3A_702 = tpu.vector_load %arg9[%get3A_701] {strides = array<i32>} : memref<256xi32, #tpu.memory_space<vmem>>, vector<16xi32>,
      %get3A_703 = arith.constant 240 : index
      %get3A_704 = tpu.vector_load %arg9[%get3A_703] {strides = array<i32>} : memref<256xi32, #tpu.memory_space<vmem>>, vector<16xi32>,
      %parallel_loop3A = arith.constant 0 : i32
      %parallel_loop3A_705 = arith.constant 32 : i32
      %parallel_loop3A_706 = arith.constant 1 : i32
      scf.for %parallel_loop3A_948 = %parallel_loop3A to %parallel_loop3A_705 step %parallel_loop3A_706  : i32 {
        %parallel_loop3A_949 = vector.broadcast %parallel_loop3A_948 : i32 to vector<16xi32>
        %parallel_loop3A_950 = arith.addi %get3A_674, %parallel_loop3A_949 : vector<16xi32>
        %parallel_loop3A_951 = tpu.vector_load_idx %arg11[%add3A_627, %parallel_loop3A_950] : memref<256x128xf32, #tpu.memory_space<vmem>>[vector<16xi32>, vector<16xi32>], vector<16xf32>,
        %parallel_loop3A_952 = arith.index_cast %parallel_loop3A_948 : i32 to index
        %parallel_loop3A_953 = arith.constant 0 : index
        %parallel_loop3A_954 = tpu.vector_load %arg13[%parallel_loop3A_952, %parallel_loop3A_953] {strides = array<i32>} : memref<32x256xf32, #tpu.memory_space<vmem>>, vector<16xf32>,
        tpu.vector_store %arg13[%parallel_loop3A_952, %parallel_loop3A_953], %parallel_loop3A_951 {strides = array<i32>} : memref<32x256xf32, #tpu.memory_space<vmem>>, vector<16xf32>,
        %parallel_loop3A_955 = vector.broadcast %parallel_loop3A_948 : i32 to vector<16xi32>
        %parallel_loop3A_956 = arith.addi %get3A_676, %parallel_loop3A_955 : vector<16xi32>
        %parallel_loop3A_957 = tpu.vector_load_idx %arg11[%add3A_630, %parallel_loop3A_956] : memref<256x128xf32, #tpu.memory_space<vmem>>[vector<16xi32>, vector<16xi32>], vector<16xf32>,
        %parallel_loop3A_958 = arith.index_cast %parallel_loop3A_948 : i32 to index
        %parallel_loop3A_959 = arith.constant 16 : index
        %parallel_loop3A_960 = tpu.vector_load %arg13[%parallel_loop3A_958, %parallel_loop3A_959] {strides = array<i32>} : memref<32x256xf32, #tpu.memory_space<vmem>>, vector<16xf32>,
        tpu.vector_store %arg13[%parallel_loop3A_958, %parallel_loop3A_959], %parallel_loop3A_957 {strides = array<i32>} : memref<32x256xf32, #tpu.memory_space<vmem>>, vector<16xf32>,
        %parallel_loop3A_961 = vector.broadcast %parallel_loop3A_948 : i32 to vector<16xi32>
        %parallel_loop3A_962 = arith.addi %get3A_678, %parallel_loop3A_961 : vector<16xi32>
        %parallel_loop3A_963 = tpu.vector_load_idx %arg11[%add3A_633, %parallel_loop3A_962] : memref<256x128xf32, #tpu.memory_space<vmem>>[vector<16xi32>, vector<16xi32>], vector<16xf32>,
        %parallel_loop3A_964 = arith.index_cast %parallel_loop3A_948 : i32 to index
        %parallel_loop3A_965 = arith.constant 32 : index
        %parallel_loop3A_966 = tpu.vector_load %arg13[%parallel_loop3A_964, %parallel_loop3A_965] {strides = array<i32>} : memref<32x256xf32, #tpu.memory_space<vmem>>, vector<16xf32>,
        tpu.vector_store %arg13[%parallel_loop3A_964, %parallel_loop3A_965], %parallel_loop3A_963 {strides = array<i32>} : memref<32x256xf32, #tpu.memory_space<vmem>>, vector<16xf32>,
        %parallel_loop3A_967 = vector.broadcast %parallel_loop3A_948 : i32 to vector<16xi32>
        %parallel_loop3A_968 = arith.addi %get3A_680, %parallel_loop3A_967 : vector<16xi32>
        %parallel_loop3A_969 = tpu.vector_load_idx %arg11[%add3A_636, %parallel_loop3A_968] : memref<256x128xf32, #tpu.memory_space<vmem>>[vector<16xi32>, vector<16xi32>], vector<16xf32>,
        %parallel_loop3A_970 = arith.index_cast %parallel_loop3A_948 : i32 to index
        %parallel_loop3A_971 = arith.constant 48 : index
        %parallel_loop3A_972 = tpu.vector_load %arg13[%parallel_loop3A_970, %parallel_loop3A_971] {strides = array<i32>} : memref<32x256xf32, #tpu.memory_space<vmem>>, vector<16xf32>,
        tpu.vector_store %arg13[%parallel_loop3A_970, %parallel_loop3A_971], %parallel_loop3A_969 {strides = array<i32>} : memref<32x256xf32, #tpu.memory_space<vmem>>, vector<16xf32>,
        %parallel_loop3A_973 = vector.broadcast %parallel_loop3A_948 : i32 to vector<16xi32>
        %parallel_loop3A_974 = arith.addi %get3A_682, %parallel_loop3A_973 : vector<16xi32>
        %parallel_loop3A_975 = tpu.vector_load_idx %arg11[%add3A_639, %parallel_loop3A_974] : memref<256x128xf32, #tpu.memory_space<vmem>>[vector<16xi32>, vector<16xi32>], vector<16xf32>,
        %parallel_loop3A_976 = arith.index_cast %parallel_loop3A_948 : i32 to index
        %parallel_loop3A_977 = arith.constant 64 : index
        %parallel_loop3A_978 = tpu.vector_load %arg13[%parallel_loop3A_976, %parallel_loop3A_977] {strides = array<i32>} : memref<32x256xf32, #tpu.memory_space<vmem>>, vector<16xf32>,
        tpu.vector_store %arg13[%parallel_loop3A_976, %parallel_loop3A_977], %parallel_loop3A_975 {strides = array<i32>} : memref<32x256xf32, #tpu.memory_space<vmem>>, vector<16xf32>,
        %parallel_loop3A_979 = vector.broadcast %parallel_loop3A_948 : i32 to vector<16xi32>
        %parallel_loop3A_980 = arith.addi %get3A_684, %parallel_loop3A_979 : vector<16xi32>
        %parallel_loop3A_981 = tpu.vector_load_idx %arg11[%add3A_642, %parallel_loop3A_980] : memref<256x128xf32, #tpu.memory_space<vmem>>[vector<16xi32>, vector<16xi32>], vector<16xf32>,
        %parallel_loop3A_982 = arith.index_cast %parallel_loop3A_948 : i32 to index
        %parallel_loop3A_983 = arith.constant 80 : index
        %parallel_loop3A_984 = tpu.vector_load %arg13[%parallel_loop3A_982, %parallel_loop3A_983] {strides = array<i32>} : memref<32x256xf32, #tpu.memory_space<vmem>>, vector<16xf32>,
        tpu.vector_store %arg13[%parallel_loop3A_982, %parallel_loop3A_983], %parallel_loop3A_981 {strides = array<i32>} : memref<32x256xf32, #tpu.memory_space<vmem>>, vector<16xf32>,
        %parallel_loop3A_985 = vector.broadcast %parallel_loop3A_948 : i32 to vector<16xi32>
        %parallel_loop3A_986 = arith.addi %get3A_686, %parallel_loop3A_985 : vector<16xi32>
        %parallel_loop3A_987 = tpu.vector_load_idx %arg11[%add3A_645, %parallel_loop3A_986] : memref<256x128xf32, #tpu.memory_space<vmem>>[vector<16xi32>, vector<16xi32>], vector<16xf32>,
        %parallel_loop3A_988 = arith.index_cast %parallel_loop3A_948 : i32 to index
        %parallel_loop3A_989 = arith.constant 96 : index
        %parallel_loop3A_990 = tpu.vector_load %arg13[%parallel_loop3A_988, %parallel_loop3A_989] {strides = array<i32>} : memref<32x256xf32, #tpu.memory_space<vmem>>, vector<16xf32>,
        tpu.vector_store %arg13[%parallel_loop3A_988, %parallel_loop3A_989], %parallel_loop3A_987 {strides = array<i32>} : memref<32x256xf32, #tpu.memory_space<vmem>>, vector<16xf32>,
        %parallel_loop3A_991 = vector.broadcast %parallel_loop3A_948 : i32 to vector<16xi32>
        %parallel_loop3A_992 = arith.addi %get3A_688, %parallel_loop3A_991 : vector<16xi32>
        %parallel_loop3A_993 = tpu.vector_load_idx %arg11[%add3A_648, %parallel_loop3A_992] : memref<256x128xf32, #tpu.memory_space<vmem>>[vector<16xi32>, vector<16xi32>], vector<16xf32>,
        %parallel_loop3A_994 = arith.index_cast %parallel_loop3A_948 : i32 to index
        %parallel_loop3A_995 = arith.constant 112 : index
        %parallel_loop3A_996 = tpu.vector_load %arg13[%parallel_loop3A_994, %parallel_loop3A_995] {strides = array<i32>} : memref<32x256xf32, #tpu.memory_space<vmem>>, vector<16xf32>,
        tpu.vector_store %arg13[%parallel_loop3A_994, %parallel_loop3A_995], %parallel_loop3A_993 {strides = array<i32>} : memref<32x256xf32, #tpu.memory_space<vmem>>, vector<16xf32>,
        %parallel_loop3A_997 = vector.broadcast %parallel_loop3A_948 : i32 to vector<16xi32>
        %parallel_loop3A_998 = arith.addi %get3A_690, %parallel_loop3A_997 : vector<16xi32>
        %parallel_loop3A_999 = tpu.vector_load_idx %arg11[%add3A_651, %parallel_loop3A_998] : memref<256x128xf32, #tpu.memory_space<vmem>>[vector<16xi32>, vector<16xi32>], vector<16xf32>,
        %parallel_loop3A_1000 = arith.index_cast %parallel_loop3A_948 : i32 to index
        %parallel_loop3A_1001 = arith.constant 128 : index
        %parallel_loop3A_1002 = tpu.vector_load %arg13[%parallel_loop3A_1000, %parallel_loop3A_1001] {strides = array<i32>} : memref<32x256xf32, #tpu.memory_space<vmem>>, vector<16xf32>,
        tpu.vector_store %arg13[%parallel_loop3A_1000, %parallel_loop3A_1001], %parallel_loop3A_999 {strides = array<i32>} : memref<32x256xf32, #tpu.memory_space<vmem>>, vector<16xf32>,
        %parallel_loop3A_1003 = vector.broadcast %parallel_loop3A_948 : i32 to vector<16xi32>
        %parallel_loop3A_1004 = arith.addi %get3A_692, %parallel_loop3A_1003 : vector<16xi32>
        %parallel_loop3A_1005 = tpu.vector_load_idx %arg11[%add3A_654, %parallel_loop3A_1004] : memref<256x128xf32, #tpu.memory_space<vmem>>[vector<16xi32>, vector<16xi32>], vector<16xf32>,
        %parallel_loop3A_1006 = arith.index_cast %parallel_loop3A_948 : i32 to index
        %parallel_loop3A_1007 = arith.constant 144 : index
        %parallel_loop3A_1008 = tpu.vector_load %arg13[%parallel_loop3A_1006, %parallel_loop3A_1007] {strides = array<i32>} : memref<32x256xf32, #tpu.memory_space<vmem>>, vector<16xf32>,
        tpu.vector_store %arg13[%parallel_loop3A_1006, %parallel_loop3A_1007], %parallel_loop3A_1005 {strides = array<i32>} : memref<32x256xf32, #tpu.memory_space<vmem>>, vector<16xf32>,
        %parallel_loop3A_1009 = vector.broadcast %parallel_loop3A_948 : i32 to vector<16xi32>
        %parallel_loop3A_1010 = arith.addi %get3A_694, %parallel_loop3A_1009 : vector<16xi32>
        %parallel_loop3A_1011 = tpu.vector_load_idx %arg11[%add3A_657, %parallel_loop3A_1010] : memref<256x128xf32, #tpu.memory_space<vmem>>[vector<16xi32>, vector<16xi32>], vector<16xf32>,
        %parallel_loop3A_1012 = arith.index_cast %parallel_loop3A_948 : i32 to index
        %parallel_loop3A_1013 = arith.constant 160 : index
        %parallel_loop3A_1014 = tpu.vector_load %arg13[%parallel_loop3A_1012, %parallel_loop3A_1013] {strides = array<i32>} : memref<32x256xf32, #tpu.memory_space<vmem>>, vector<16xf32>,
        tpu.vector_store %arg13[%parallel_loop3A_1012, %parallel_loop3A_1013], %parallel_loop3A_1011 {strides = array<i32>} : memref<32x256xf32, #tpu.memory_space<vmem>>, vector<16xf32>,
        %parallel_loop3A_1015 = vector.broadcast %parallel_loop3A_948 : i32 to vector<16xi32>
        %parallel_loop3A_1016 = arith.addi %get3A_696, %parallel_loop3A_1015 : vector<16xi32>
        %parallel_loop3A_1017 = tpu.vector_load_idx %arg11[%add3A_660, %parallel_loop3A_1016] : memref<256x128xf32, #tpu.memory_space<vmem>>[vector<16xi32>, vector<16xi32>], vector<16xf32>,
        %parallel_loop3A_1018 = arith.index_cast %parallel_loop3A_948 : i32 to index
        %parallel_loop3A_1019 = arith.constant 176 : index
        %parallel_loop3A_1020 = tpu.vector_load %arg13[%parallel_loop3A_1018, %parallel_loop3A_1019] {strides = array<i32>} : memref<32x256xf32, #tpu.memory_space<vmem>>, vector<16xf32>,
        tpu.vector_store %arg13[%parallel_loop3A_1018, %parallel_loop3A_1019], %parallel_loop3A_1017 {strides = array<i32>} : memref<32x256xf32, #tpu.memory_space<vmem>>, vector<16xf32>,
        %parallel_loop3A_1021 = vector.broadcast %parallel_loop3A_948 : i32 to vector<16xi32>
        %parallel_loop3A_1022 = arith.addi %get3A_698, %parallel_loop3A_1021 : vector<16xi32>
        %parallel_loop3A_1023 = tpu.vector_load_idx %arg11[%add3A_663, %parallel_loop3A_1022] : memref<256x128xf32, #tpu.memory_space<vmem>>[vector<16xi32>, vector<16xi32>], vector<16xf32>,
        %parallel_loop3A_1024 = arith.index_cast %parallel_loop3A_948 : i32 to index
        %parallel_loop3A_1025 = arith.constant 192 : index
        %parallel_loop3A_1026 = tpu.vector_load %arg13[%parallel_loop3A_1024, %parallel_loop3A_1025] {strides = array<i32>} : memref<32x256xf32, #tpu.memory_space<vmem>>, vector<16xf32>,
        tpu.vector_store %arg13[%parallel_loop3A_1024, %parallel_loop3A_1025], %parallel_loop3A_1023 {strides = array<i32>} : memref<32x256xf32, #tpu.memory_space<vmem>>, vector<16xf32>,
        %parallel_loop3A_1027 = vector.broadcast %parallel_loop3A_948 : i32 to vector<16xi32>
        %parallel_loop3A_1028 = arith.addi %get3A_700, %parallel_loop3A_1027 : vector<16xi32>
        %parallel_loop3A_1029 = tpu.vector_load_idx %arg11[%add3A_666, %parallel_loop3A_1028] : memref<256x128xf32, #tpu.memory_space<vmem>>[vector<16xi32>, vector<16xi32>], vector<16xf32>,
        %parallel_loop3A_1030 = arith.index_cast %parallel_loop3A_948 : i32 to index
        %parallel_loop3A_1031 = arith.constant 208 : index
        %parallel_loop3A_1032 = tpu.vector_load %arg13[%parallel_loop3A_1030, %parallel_loop3A_1031] {strides = array<i32>} : memref<32x256xf32, #tpu.memory_space<vmem>>, vector<16xf32>,
        tpu.vector_store %arg13[%parallel_loop3A_1030, %parallel_loop3A_1031], %parallel_loop3A_1029 {strides = array<i32>} : memref<32x256xf32, #tpu.memory_space<vmem>>, vector<16xf32>,
        %parallel_loop3A_1033 = vector.broadcast %parallel_loop3A_948 : i32 to vector<16xi32>
        %parallel_loop3A_1034 = arith.addi %get3A_702, %parallel_loop3A_1033 : vector<16xi32>
        %parallel_loop3A_1035 = tpu.vector_load_idx %arg11[%add3A_669, %parallel_loop3A_1034] : memref<256x128xf32, #tpu.memory_space<vmem>>[vector<16xi32>, vector<16xi32>], vector<16xf32>,
        %parallel_loop3A_1036 = arith.index_cast %parallel_loop3A_948 : i32 to index
        %parallel_loop3A_1037 = arith.constant 224 : index
        %parallel_loop3A_1038 = tpu.vector_load %arg13[%parallel_loop3A_1036, %parallel_loop3A_1037] {strides = array<i32>} : memref<32x256xf32, #tpu.memory_space<vmem>>, vector<16xf32>,
        tpu.vector_store %arg13[%parallel_loop3A_1036, %parallel_loop3A_1037], %parallel_loop3A_1035 {strides = array<i32>} : memref<32x256xf32, #tpu.memory_space<vmem>>, vector<16xf32>,
        %parallel_loop3A_1039 = vector.broadcast %parallel_loop3A_948 : i32 to vector<16xi32>
        %parallel_loop3A_1040 = arith.addi %get3A_704, %parallel_loop3A_1039 : vector<16xi32>
        %parallel_loop3A_1041 = tpu.vector_load_idx %arg11[%add3A_672, %parallel_loop3A_1040] : memref<256x128xf32, #tpu.memory_space<vmem>>[vector<16xi32>, vector<16xi32>], vector<16xf32>,
        %parallel_loop3A_1042 = arith.index_cast %parallel_loop3A_948 : i32 to index
        %parallel_loop3A_1043 = arith.constant 240 : index
        %parallel_loop3A_1044 = tpu.vector_load %arg13[%parallel_loop3A_1042, %parallel_loop3A_1043] {strides = array<i32>} : memref<32x256xf32, #tpu.memory_space<vmem>>, vector<16xf32>,
        tpu.vector_store %arg13[%parallel_loop3A_1042, %parallel_loop3A_1043], %parallel_loop3A_1041 {strides = array<i32>} : memref<32x256xf32, #tpu.memory_space<vmem>>, vector<16xf32>,
      } {sc.loop_unroll_factor = 8 : i64, sc.parallel_access}
      %add3A_707 = arith.addi %mul3A_2, %mul3A_331 : i32
      %jit3A_708 = arith.constant 64 : i32
      %div3A_709 = arith.divsi %add3A_707, %jit3A_708 : i32
      %sign3A_710 = arith.constant 0 : i32
      %sign3A_711 = arith.cmpi sgt, %add3A_707, %sign3A_710 : i32
      %sign3A_712 = arith.extui %sign3A_711 : i1 to i32
      %sign3A_713 = arith.constant 0 : i32
      %sign3A_714 = arith.cmpi slt, %add3A_707, %sign3A_713 : i32
      %sign3A_715 = arith.extui %sign3A_714 : i1 to i32
      %sign3A_716 = arith.subi %sign3A_712, %sign3A_715 : i32
      %sign3A_717 = arith.constant 0 : i32
      %sign3A_718 = arith.cmpi sgt, %jit3A_708, %sign3A_717 : i32
      %sign3A_719 = arith.extui %sign3A_718 : i1 to i32
      %sign3A_720 = arith.constant 0 : i32
      %sign3A_721 = arith.cmpi slt, %jit3A_708, %sign3A_720 : i32
      %sign3A_722 = arith.extui %sign3A_721 : i1 to i32
      %sign3A_723 = arith.subi %sign3A_719, %sign3A_722 : i32
      %ne3A_724 = arith.cmpi ne, %sign3A_716, %sign3A_723 : i32
      %rem3A_725 = arith.remsi %add3A_707, %jit3A_708 : i32
      %ne3A_726 = arith.constant 0 : i32
      %ne3A_727 = arith.cmpi ne, %rem3A_725, %ne3A_726 : i32
      %and3A_728 = arith.andi %ne3A_724, %ne3A_727 : i1
      %sub3A_729 = arith.constant 1 : i32
      %sub3A_730 = arith.subi %div3A_709, %sub3A_729 : i32
      %select_n3A_731 = arith.select %and3A_728, %sub3A_730, %div3A_709 : i32
      %jit3A_732 = arith.constant 64 : i32
      %eq3A_733 = arith.constant 0 : i32
      %eq3A_734 = arith.cmpi eq, %jit3A_732, %eq3A_733 : i32
      %jit3A_735 = arith.constant 1 : i32
      %select_n3A_736 = arith.select %eq3A_734, %jit3A_735, %jit3A_732 : i32
      %rem3A_737 = arith.remsi %add3A_707, %select_n3A_736 : i32
      %ne3A_738 = arith.constant 0 : i32
      %ne3A_739 = arith.cmpi ne, %rem3A_737, %ne3A_738 : i32
      %lt3A_740 = arith.constant 0 : i32
      %lt3A_741 = arith.cmpi slt, %rem3A_737, %lt3A_740 : i32
      %lt3A_742 = arith.constant 0 : i32
      %lt3A_743 = arith.cmpi slt, %select_n3A_736, %lt3A_742 : i32
      %ne3A_744 = arith.xori %lt3A_741, %lt3A_743 : i1
      %and3A_745 = arith.andi %ne3A_744, %ne3A_739 : i1
      %add3A_746 = arith.addi %rem3A_737, %select_n3A_736 : i32
      %select_n3A_747 = arith.select %and3A_745, %add3A_746, %rem3A_737 : i32
      %mul3A_748 = arith.constant 256 : i32
      %mul3A_749 = arith.muli %select_n3A_747, %mul3A_748 : i32
      %dma_start3A_750 = arith.constant 0 : i32
      %dma_start3A_751 = tpu.memref_slice %arg4[%select_n3A_731, %dma_start3A_750, %mul3A_749] : memref<50x32x16384xf32, #tpu.memory_space<hbm>> -> memref<1x32x256xf32, #tpu.memory_space<hbm>>
      %dma_start3A_752 = tpu.memref_squeeze %dma_start3A_751 : memref<1x32x256xf32, #tpu.memory_space<hbm>> -> memref<32x256xf32, #tpu.memory_space<hbm>>
      %dma_start3A_753 = arith.constant 0 : i32
      %dma_start3A_754 = tpu.memref_slice %arg4[%select_n3A_731, %dma_start3A_753, %mul3A_749] : memref<50x32x16384xf32, #tpu.memory_space<hbm>> -> memref<1x32x256xf32, #tpu.memory_space<hbm>>
      %dma_start3A_755 = tpu.memref_squeeze %dma_start3A_754 : memref<1x32x256xf32, #tpu.memory_space<hbm>> -> memref<32x256xf32, #tpu.memory_space<hbm>>
      tpu.enqueue_dma source(%arg13 : memref<32x256xf32, #tpu.memory_space<vmem>>) target(%dma_start3A_755 : memref<32x256xf32, #tpu.memory_space<hbm>>) target_semaphore(%arg17 : memref<!tpu.dma_semaphore, #tpu.memory_space<semaphore_mem>>)
      %add3A_756 = arith.addi %mul3A_2, %mul3A_331 : i32
      %jit3A_757 = arith.constant 64 : i32
      %div3A_758 = arith.divsi %add3A_756, %jit3A_757 : i32
      %sign3A_759 = arith.constant 0 : i32
      %sign3A_760 = arith.cmpi sgt, %add3A_756, %sign3A_759 : i32
      %sign3A_761 = arith.extui %sign3A_760 : i1 to i32
      %sign3A_762 = arith.constant 0 : i32
      %sign3A_763 = arith.cmpi slt, %add3A_756, %sign3A_762 : i32
      %sign3A_764 = arith.extui %sign3A_763 : i1 to i32
      %sign3A_765 = arith.subi %sign3A_761, %sign3A_764 : i32
      %sign3A_766 = arith.constant 0 : i32
      %sign3A_767 = arith.cmpi sgt, %jit3A_757, %sign3A_766 : i32
      %sign3A_768 = arith.extui %sign3A_767 : i1 to i32
      %sign3A_769 = arith.constant 0 : i32
      %sign3A_770 = arith.cmpi slt, %jit3A_757, %sign3A_769 : i32
      %sign3A_771 = arith.extui %sign3A_770 : i1 to i32
      %sign3A_772 = arith.subi %sign3A_768, %sign3A_771 : i32
      %ne3A_773 = arith.cmpi ne, %sign3A_765, %sign3A_772 : i32
      %rem3A_774 = arith.remsi %add3A_756, %jit3A_757 : i32
      %ne3A_775 = arith.constant 0 : i32
      %ne3A_776 = arith.cmpi ne, %rem3A_774, %ne3A_775 : i32
      %and3A_777 = arith.andi %ne3A_773, %ne3A_776 : i1
      %sub3A_778 = arith.constant 1 : i32
      %sub3A_779 = arith.subi %div3A_758, %sub3A_778 : i32
      %select_n3A_780 = arith.select %and3A_777, %sub3A_779, %div3A_758 : i32
      %jit3A_781 = arith.constant 64 : i32
      %eq3A_782 = arith.constant 0 : i32
      %eq3A_783 = arith.cmpi eq, %jit3A_781, %eq3A_782 : i32
      %jit3A_784 = arith.constant 1 : i32
      %select_n3A_785 = arith.select %eq3A_783, %jit3A_784, %jit3A_781 : i32
      %rem3A_786 = arith.remsi %add3A_756, %select_n3A_785 : i32
      %ne3A_787 = arith.constant 0 : i32
      %ne3A_788 = arith.cmpi ne, %rem3A_786, %ne3A_787 : i32
      %lt3A_789 = arith.constant 0 : i32
      %lt3A_790 = arith.cmpi slt, %rem3A_786, %lt3A_789 : i32
      %lt3A_791 = arith.constant 0 : i32
      %lt3A_792 = arith.cmpi slt, %select_n3A_785, %lt3A_791 : i32
      %ne3A_793 = arith.xori %lt3A_790, %lt3A_792 : i1
      %and3A_794 = arith.andi %ne3A_793, %ne3A_788 : i1
      %add3A_795 = arith.addi %rem3A_786, %select_n3A_785 : i32
      %select_n3A_796 = arith.select %and3A_794, %add3A_795, %rem3A_786 : i32
      %mul3A_797 = arith.constant 256 : i32
      %mul3A_798 = arith.muli %select_n3A_796, %mul3A_797 : i32
      %dma_wait3A_799 = arith.constant 0 : i32
      %dma_wait3A_800 = tpu.memref_slice %arg4[%select_n3A_780, %dma_wait3A_799, %mul3A_798] : memref<50x32x16384xf32, #tpu.memory_space<hbm>> -> memref<1x32x256xf32, #tpu.memory_space<hbm>>
      %dma_wait3A_801 = tpu.memref_squeeze %dma_wait3A_800 : memref<1x32x256xf32, #tpu.memory_space<hbm>> -> memref<32x256xf32, #tpu.memory_space<hbm>>
      %dma_wait3A_802 = arith.constant 0 : i32
      %dma_wait3A_803 = tpu.memref_slice %arg4[%select_n3A_780, %dma_wait3A_802, %mul3A_798] : memref<50x32x16384xf32, #tpu.memory_space<hbm>> -> memref<1x32x256xf32, #tpu.memory_space<hbm>>
      %dma_wait3A_804 = tpu.memref_squeeze %dma_wait3A_803 : memref<1x32x256xf32, #tpu.memory_space<hbm>> -> memref<32x256xf32, #tpu.memory_space<hbm>>
      tpu.wait_dma2 semaphore(%arg17 : memref<!tpu.dma_semaphore, #tpu.memory_space<semaphore_mem>>) src(%arg13 : memref<32x256xf32, #tpu.memory_space<vmem>>) dst(%dma_wait3A_804 : memref<32x256xf32, #tpu.memory_space<hbm>>)
      %lt3A_805 = arith.constant 49 : i32
      %lt3A_806 = arith.cmpi slt, %scan3A_329, %lt3A_805 : i32
      %convert_element_type3A_807 = arith.extui %lt3A_806 : i1 to i32
      %cond3A_808 = arith.constant 0 : i32
      %cond3A_809 = arith.cmpi ne, %convert_element_type3A_807, %cond3A_808 : i32
      scf.if %cond3A_809 {
        %add3A_948 = arith.constant 2 : i32
        %add3A_949 = arith.addi %mul3A_331, %add3A_948 : i32
        %add3A_950 = arith.addi %mul3A_2, %add3A_949 : i32
        %jit3A_951 = arith.constant 64 : i32
        %div3A_952 = arith.divsi %add3A_950, %jit3A_951 : i32
        %sign3A_953 = arith.constant 0 : i32
        %sign3A_954 = arith.cmpi sgt, %add3A_950, %sign3A_953 : i32
        %sign3A_955 = arith.extui %sign3A_954 : i1 to i32
        %sign3A_956 = arith.constant 0 : i32
        %sign3A_957 = arith.cmpi slt, %add3A_950, %sign3A_956 : i32
        %sign3A_958 = arith.extui %sign3A_957 : i1 to i32
        %sign3A_959 = arith.subi %sign3A_955, %sign3A_958 : i32
        %sign3A_960 = arith.constant 0 : i32
        %sign3A_961 = arith.cmpi sgt, %jit3A_951, %sign3A_960 : i32
        %sign3A_962 = arith.extui %sign3A_961 : i1 to i32
        %sign3A_963 = arith.constant 0 : i32
        %sign3A_964 = arith.cmpi slt, %jit3A_951, %sign3A_963 : i32
        %sign3A_965 = arith.extui %sign3A_964 : i1 to i32
        %sign3A_966 = arith.subi %sign3A_962, %sign3A_965 : i32
        %ne3A_967 = arith.cmpi ne, %sign3A_959, %sign3A_966 : i32
        %rem3A_968 = arith.remsi %add3A_950, %jit3A_951 : i32
        %ne3A_969 = arith.constant 0 : i32
        %ne3A_970 = arith.cmpi ne, %rem3A_968, %ne3A_969 : i32
        %and3A_971 = arith.andi %ne3A_967, %ne3A_970 : i1
        %sub3A_972 = arith.constant 1 : i32
        %sub3A_973 = arith.subi %div3A_952, %sub3A_972 : i32
        %select_n3A_974 = arith.select %and3A_971, %sub3A_973, %div3A_952 : i32
        %jit3A_975 = arith.constant 64 : i32
        %eq3A_976 = arith.constant 0 : i32
        %eq3A_977 = arith.cmpi eq, %jit3A_975, %eq3A_976 : i32
        %jit3A_978 = arith.constant 1 : i32
        %select_n3A_979 = arith.select %eq3A_977, %jit3A_978, %jit3A_975 : i32
        %rem3A_980 = arith.remsi %add3A_950, %select_n3A_979 : i32
        %ne3A_981 = arith.constant 0 : i32
        %ne3A_982 = arith.cmpi ne, %rem3A_980, %ne3A_981 : i32
        %lt3A_983 = arith.constant 0 : i32
        %lt3A_984 = arith.cmpi slt, %rem3A_980, %lt3A_983 : i32
        %lt3A_985 = arith.constant 0 : i32
        %lt3A_986 = arith.cmpi slt, %select_n3A_979, %lt3A_985 : i32
        %ne3A_987 = arith.xori %lt3A_984, %lt3A_986 : i1
        %and3A_988 = arith.andi %ne3A_987, %ne3A_982 : i1
        %add3A_989 = arith.addi %rem3A_980, %select_n3A_979 : i32
        %select_n3A_990 = arith.select %and3A_988, %add3A_989, %rem3A_980 : i32
        %mul3A_991 = arith.constant 256 : i32
        %mul3A_992 = arith.muli %select_n3A_990, %mul3A_991 : i32
        "tpu.region"() ({
          %run_scoped3A = tpu.sem_alloc : memref<!tpu.dma_semaphore, #tpu.memory_space<semaphore_mem>>
          %dma_start3A_1236 = tpu.memref_slice %arg2[%select_n3A_974, %mul3A_992] : memref<50x16384xi32, #tpu.memory_space<hbm>> -> memref<1x256xi32, #tpu.memory_space<hbm>>
          %dma_start3A_1237 = tpu.memref_squeeze %dma_start3A_1236 : memref<1x256xi32, #tpu.memory_space<hbm>> -> memref<256xi32, #tpu.memory_space<hbm>>
          %dma_start3A_1238 = tpu.memref_slice %arg2[%select_n3A_974, %mul3A_992] : memref<50x16384xi32, #tpu.memory_space<hbm>> -> memref<1x256xi32, #tpu.memory_space<hbm>>
          %dma_start3A_1239 = tpu.memref_squeeze %dma_start3A_1238 : memref<1x256xi32, #tpu.memory_space<hbm>> -> memref<256xi32, #tpu.memory_space<hbm>>
          tpu.enqueue_dma source(%dma_start3A_1239 : memref<256xi32, #tpu.memory_space<hbm>>) target(%arg5 : memref<256xi32, #tpu.memory_space<vmem>>) target_semaphore(%run_scoped3A : memref<!tpu.dma_semaphore, #tpu.memory_space<semaphore_mem>>)
          %dma_wait3A_1240 = tpu.memref_slice %arg2[%select_n3A_974, %mul3A_992] : memref<50x16384xi32, #tpu.memory_space<hbm>> -> memref<1x256xi32, #tpu.memory_space<hbm>>
          %dma_wait3A_1241 = tpu.memref_squeeze %dma_wait3A_1240 : memref<1x256xi32, #tpu.memory_space<hbm>> -> memref<256xi32, #tpu.memory_space<hbm>>
          %dma_wait3A_1242 = tpu.memref_slice %arg2[%select_n3A_974, %mul3A_992] : memref<50x16384xi32, #tpu.memory_space<hbm>> -> memref<1x256xi32, #tpu.memory_space<hbm>>
          %dma_wait3A_1243 = tpu.memref_squeeze %dma_wait3A_1242 : memref<1x256xi32, #tpu.memory_space<hbm>> -> memref<256xi32, #tpu.memory_space<hbm>>
          tpu.wait_dma2 semaphore(%run_scoped3A : memref<!tpu.dma_semaphore, #tpu.memory_space<semaphore_mem>>) src(%dma_wait3A_1243 : memref<256xi32, #tpu.memory_space<hbm>>) dst(%arg5 : memref<256xi32, #tpu.memory_space<vmem>>)
          tpu.yield
        }) : () -> ()
        %get3A_993 = arith.constant 0 : index
        %get3A_994 = tpu.vector_load %arg5[%get3A_993] {strides = array<i32>} : memref<256xi32, #tpu.memory_space<vmem>>, vector<16xi32>,
        %shift_right_logical3A_995 = arith.constant 2 : i32
        %shift_right_logical3A_996 = vector.broadcast %shift_right_logical3A_995 : i32 to vector<16xi32>
        %shift_right_logical3A_997 = arith.shrui %get3A_994, %shift_right_logical3A_996 : vector<16xi32>
        %swap3A_998 = arith.constant 0 : index
        %swap3A_999 = tpu.vector_load %arg7[%swap3A_998] {strides = array<i32>} : memref<256xi32, #tpu.memory_space<vmem>>, vector<16xi32>,
        tpu.vector_store %arg7[%swap3A_998], %shift_right_logical3A_997 {strides = array<i32>} : memref<256xi32, #tpu.memory_space<vmem>>, vector<16xi32>,
        %and3A_1000 = arith.constant 3 : i32
        %and3A_1001 = vector.broadcast %and3A_1000 : i32 to vector<16xi32>
        %and3A_1002 = arith.andi %get3A_994, %and3A_1001 : vector<16xi32>
        %shift_left3A_1003 = arith.constant 5 : i32
        %shift_left3A_1004 = vector.broadcast %shift_left3A_1003 : i32 to vector<16xi32>
        %shift_left3A_1005 = arith.shli %and3A_1002, %shift_left3A_1004 : vector<16xi32>
        %swap3A_1006 = arith.constant 0 : index
        %swap3A_1007 = tpu.vector_load %arg9[%swap3A_1006] {strides = array<i32>} : memref<256xi32, #tpu.memory_space<vmem>>, vector<16xi32>,
        tpu.vector_store %arg9[%swap3A_1006], %shift_left3A_1005 {strides = array<i32>} : memref<256xi32, #tpu.memory_space<vmem>>, vector<16xi32>,
        %get3A_1008 = arith.constant 16 : index
        %get3A_1009 = tpu.vector_load %arg5[%get3A_1008] {strides = array<i32>} : memref<256xi32, #tpu.memory_space<vmem>>, vector<16xi32>,
        %shift_right_logical3A_1010 = arith.constant 2 : i32
        %shift_right_logical3A_1011 = vector.broadcast %shift_right_logical3A_1010 : i32 to vector<16xi32>
        %shift_right_logical3A_1012 = arith.shrui %get3A_1009, %shift_right_logical3A_1011 : vector<16xi32>
        %swap3A_1013 = arith.constant 16 : index
        %swap3A_1014 = tpu.vector_load %arg7[%swap3A_1013] {strides = array<i32>} : memref<256xi32, #tpu.memory_space<vmem>>, vector<16xi32>,
        tpu.vector_store %arg7[%swap3A_1013], %shift_right_logical3A_1012 {strides = array<i32>} : memref<256xi32, #tpu.memory_space<vmem>>, vector<16xi32>,
        %and3A_1015 = arith.constant 3 : i32
        %and3A_1016 = vector.broadcast %and3A_1015 : i32 to vector<16xi32>
        %and3A_1017 = arith.andi %get3A_1009, %and3A_1016 : vector<16xi32>
        %shift_left3A_1018 = arith.constant 5 : i32
        %shift_left3A_1019 = vector.broadcast %shift_left3A_1018 : i32 to vector<16xi32>
        %shift_left3A_1020 = arith.shli %and3A_1017, %shift_left3A_1019 : vector<16xi32>
        %swap3A_1021 = arith.constant 16 : index
        %swap3A_1022 = tpu.vector_load %arg9[%swap3A_1021] {strides = array<i32>} : memref<256xi32, #tpu.memory_space<vmem>>, vector<16xi32>,
        tpu.vector_store %arg9[%swap3A_1021], %shift_left3A_1020 {strides = array<i32>} : memref<256xi32, #tpu.memory_space<vmem>>, vector<16xi32>,
        %get3A_1023 = arith.constant 32 : index
        %get3A_1024 = tpu.vector_load %arg5[%get3A_1023] {strides = array<i32>} : memref<256xi32, #tpu.memory_space<vmem>>, vector<16xi32>,
        %shift_right_logical3A_1025 = arith.constant 2 : i32
        %shift_right_logical3A_1026 = vector.broadcast %shift_right_logical3A_1025 : i32 to vector<16xi32>
        %shift_right_logical3A_1027 = arith.shrui %get3A_1024, %shift_right_logical3A_1026 : vector<16xi32>
        %swap3A_1028 = arith.constant 32 : index
        %swap3A_1029 = tpu.vector_load %arg7[%swap3A_1028] {strides = array<i32>} : memref<256xi32, #tpu.memory_space<vmem>>, vector<16xi32>,
        tpu.vector_store %arg7[%swap3A_1028], %shift_right_logical3A_1027 {strides = array<i32>} : memref<256xi32, #tpu.memory_space<vmem>>, vector<16xi32>,
        %and3A_1030 = arith.constant 3 : i32
        %and3A_1031 = vector.broadcast %and3A_1030 : i32 to vector<16xi32>
        %and3A_1032 = arith.andi %get3A_1024, %and3A_1031 : vector<16xi32>
        %shift_left3A_1033 = arith.constant 5 : i32
        %shift_left3A_1034 = vector.broadcast %shift_left3A_1033 : i32 to vector<16xi32>
        %shift_left3A_1035 = arith.shli %and3A_1032, %shift_left3A_1034 : vector<16xi32>
        %swap3A_1036 = arith.constant 32 : index
        %swap3A_1037 = tpu.vector_load %arg9[%swap3A_1036] {strides = array<i32>} : memref<256xi32, #tpu.memory_space<vmem>>, vector<16xi32>,
        tpu.vector_store %arg9[%swap3A_1036], %shift_left3A_1035 {strides = array<i32>} : memref<256xi32, #tpu.memory_space<vmem>>, vector<16xi32>,
        %get3A_1038 = arith.constant 48 : index
        %get3A_1039 = tpu.vector_load %arg5[%get3A_1038] {strides = array<i32>} : memref<256xi32, #tpu.memory_space<vmem>>, vector<16xi32>,
        %shift_right_logical3A_1040 = arith.constant 2 : i32
        %shift_right_logical3A_1041 = vector.broadcast %shift_right_logical3A_1040 : i32 to vector<16xi32>
        %shift_right_logical3A_1042 = arith.shrui %get3A_1039, %shift_right_logical3A_1041 : vector<16xi32>
        %swap3A_1043 = arith.constant 48 : index
        %swap3A_1044 = tpu.vector_load %arg7[%swap3A_1043] {strides = array<i32>} : memref<256xi32, #tpu.memory_space<vmem>>, vector<16xi32>,
        tpu.vector_store %arg7[%swap3A_1043], %shift_right_logical3A_1042 {strides = array<i32>} : memref<256xi32, #tpu.memory_space<vmem>>, vector<16xi32>,
        %and3A_1045 = arith.constant 3 : i32
        %and3A_1046 = vector.broadcast %and3A_1045 : i32 to vector<16xi32>
        %and3A_1047 = arith.andi %get3A_1039, %and3A_1046 : vector<16xi32>
        %shift_left3A_1048 = arith.constant 5 : i32
        %shift_left3A_1049 = vector.broadcast %shift_left3A_1048 : i32 to vector<16xi32>
        %shift_left3A_1050 = arith.shli %and3A_1047, %shift_left3A_1049 : vector<16xi32>
        %swap3A_1051 = arith.constant 48 : index
        %swap3A_1052 = tpu.vector_load %arg9[%swap3A_1051] {strides = array<i32>} : memref<256xi32, #tpu.memory_space<vmem>>, vector<16xi32>,
        tpu.vector_store %arg9[%swap3A_1051], %shift_left3A_1050 {strides = array<i32>} : memref<256xi32, #tpu.memory_space<vmem>>, vector<16xi32>,
        %get3A_1053 = arith.constant 64 : index
        %get3A_1054 = tpu.vector_load %arg5[%get3A_1053] {strides = array<i32>} : memref<256xi32, #tpu.memory_space<vmem>>, vector<16xi32>,
        %shift_right_logical3A_1055 = arith.constant 2 : i32
        %shift_right_logical3A_1056 = vector.broadcast %shift_right_logical3A_1055 : i32 to vector<16xi32>
        %shift_right_logical3A_1057 = arith.shrui %get3A_1054, %shift_right_logical3A_1056 : vector<16xi32>
        %swap3A_1058 = arith.constant 64 : index
        %swap3A_1059 = tpu.vector_load %arg7[%swap3A_1058] {strides = array<i32>} : memref<256xi32, #tpu.memory_space<vmem>>, vector<16xi32>,
        tpu.vector_store %arg7[%swap3A_1058], %shift_right_logical3A_1057 {strides = array<i32>} : memref<256xi32, #tpu.memory_space<vmem>>, vector<16xi32>,
        %and3A_1060 = arith.constant 3 : i32
        %and3A_1061 = vector.broadcast %and3A_1060 : i32 to vector<16xi32>
        %and3A_1062 = arith.andi %get3A_1054, %and3A_1061 : vector<16xi32>
        %shift_left3A_1063 = arith.constant 5 : i32
        %shift_left3A_1064 = vector.broadcast %shift_left3A_1063 : i32 to vector<16xi32>
        %shift_left3A_1065 = arith.shli %and3A_1062, %shift_left3A_1064 : vector<16xi32>
        %swap3A_1066 = arith.constant 64 : index
        %swap3A_1067 = tpu.vector_load %arg9[%swap3A_1066] {strides = array<i32>} : memref<256xi32, #tpu.memory_space<vmem>>, vector<16xi32>,
        tpu.vector_store %arg9[%swap3A_1066], %shift_left3A_1065 {strides = array<i32>} : memref<256xi32, #tpu.memory_space<vmem>>, vector<16xi32>,
        %get3A_1068 = arith.constant 80 : index
        %get3A_1069 = tpu.vector_load %arg5[%get3A_1068] {strides = array<i32>} : memref<256xi32, #tpu.memory_space<vmem>>, vector<16xi32>,
        %shift_right_logical3A_1070 = arith.constant 2 : i32
        %shift_right_logical3A_1071 = vector.broadcast %shift_right_logical3A_1070 : i32 to vector<16xi32>
        %shift_right_logical3A_1072 = arith.shrui %get3A_1069, %shift_right_logical3A_1071 : vector<16xi32>
        %swap3A_1073 = arith.constant 80 : index
        %swap3A_1074 = tpu.vector_load %arg7[%swap3A_1073] {strides = array<i32>} : memref<256xi32, #tpu.memory_space<vmem>>, vector<16xi32>,
        tpu.vector_store %arg7[%swap3A_1073], %shift_right_logical3A_1072 {strides = array<i32>} : memref<256xi32, #tpu.memory_space<vmem>>, vector<16xi32>,
        %and3A_1075 = arith.constant 3 : i32
        %and3A_1076 = vector.broadcast %and3A_1075 : i32 to vector<16xi32>
        %and3A_1077 = arith.andi %get3A_1069, %and3A_1076 : vector<16xi32>
        %shift_left3A_1078 = arith.constant 5 : i32
        %shift_left3A_1079 = vector.broadcast %shift_left3A_1078 : i32 to vector<16xi32>
        %shift_left3A_1080 = arith.shli %and3A_1077, %shift_left3A_1079 : vector<16xi32>
        %swap3A_1081 = arith.constant 80 : index
        %swap3A_1082 = tpu.vector_load %arg9[%swap3A_1081] {strides = array<i32>} : memref<256xi32, #tpu.memory_space<vmem>>, vector<16xi32>,
        tpu.vector_store %arg9[%swap3A_1081], %shift_left3A_1080 {strides = array<i32>} : memref<256xi32, #tpu.memory_space<vmem>>, vector<16xi32>,
        %get3A_1083 = arith.constant 96 : index
        %get3A_1084 = tpu.vector_load %arg5[%get3A_1083] {strides = array<i32>} : memref<256xi32, #tpu.memory_space<vmem>>, vector<16xi32>,
        %shift_right_logical3A_1085 = arith.constant 2 : i32
        %shift_right_logical3A_1086 = vector.broadcast %shift_right_logical3A_1085 : i32 to vector<16xi32>
        %shift_right_logical3A_1087 = arith.shrui %get3A_1084, %shift_right_logical3A_1086 : vector<16xi32>
        %swap3A_1088 = arith.constant 96 : index
        %swap3A_1089 = tpu.vector_load %arg7[%swap3A_1088] {strides = array<i32>} : memref<256xi32, #tpu.memory_space<vmem>>, vector<16xi32>,
        tpu.vector_store %arg7[%swap3A_1088], %shift_right_logical3A_1087 {strides = array<i32>} : memref<256xi32, #tpu.memory_space<vmem>>, vector<16xi32>,
        %and3A_1090 = arith.constant 3 : i32
        %and3A_1091 = vector.broadcast %and3A_1090 : i32 to vector<16xi32>
        %and3A_1092 = arith.andi %get3A_1084, %and3A_1091 : vector<16xi32>
        %shift_left3A_1093 = arith.constant 5 : i32
        %shift_left3A_1094 = vector.broadcast %shift_left3A_1093 : i32 to vector<16xi32>
        %shift_left3A_1095 = arith.shli %and3A_1092, %shift_left3A_1094 : vector<16xi32>
        %swap3A_1096 = arith.constant 96 : index
        %swap3A_1097 = tpu.vector_load %arg9[%swap3A_1096] {strides = array<i32>} : memref<256xi32, #tpu.memory_space<vmem>>, vector<16xi32>,
        tpu.vector_store %arg9[%swap3A_1096], %shift_left3A_1095 {strides = array<i32>} : memref<256xi32, #tpu.memory_space<vmem>>, vector<16xi32>,
        %get3A_1098 = arith.constant 112 : index
        %get3A_1099 = tpu.vector_load %arg5[%get3A_1098] {strides = array<i32>} : memref<256xi32, #tpu.memory_space<vmem>>, vector<16xi32>,
        %shift_right_logical3A_1100 = arith.constant 2 : i32
        %shift_right_logical3A_1101 = vector.broadcast %shift_right_logical3A_1100 : i32 to vector<16xi32>
        %shift_right_logical3A_1102 = arith.shrui %get3A_1099, %shift_right_logical3A_1101 : vector<16xi32>
        %swap3A_1103 = arith.constant 112 : index
        %swap3A_1104 = tpu.vector_load %arg7[%swap3A_1103] {strides = array<i32>} : memref<256xi32, #tpu.memory_space<vmem>>, vector<16xi32>,
        tpu.vector_store %arg7[%swap3A_1103], %shift_right_logical3A_1102 {strides = array<i32>} : memref<256xi32, #tpu.memory_space<vmem>>, vector<16xi32>,
        %and3A_1105 = arith.constant 3 : i32
        %and3A_1106 = vector.broadcast %and3A_1105 : i32 to vector<16xi32>
        %and3A_1107 = arith.andi %get3A_1099, %and3A_1106 : vector<16xi32>
        %shift_left3A_1108 = arith.constant 5 : i32
        %shift_left3A_1109 = vector.broadcast %shift_left3A_1108 : i32 to vector<16xi32>
        %shift_left3A_1110 = arith.shli %and3A_1107, %shift_left3A_1109 : vector<16xi32>
        %swap3A_1111 = arith.constant 112 : index
        %swap3A_1112 = tpu.vector_load %arg9[%swap3A_1111] {strides = array<i32>} : memref<256xi32, #tpu.memory_space<vmem>>, vector<16xi32>,
        tpu.vector_store %arg9[%swap3A_1111], %shift_left3A_1110 {strides = array<i32>} : memref<256xi32, #tpu.memory_space<vmem>>, vector<16xi32>,
        %get3A_1113 = arith.constant 128 : index
        %get3A_1114 = tpu.vector_load %arg5[%get3A_1113] {strides = array<i32>} : memref<256xi32, #tpu.memory_space<vmem>>, vector<16xi32>,
        %shift_right_logical3A_1115 = arith.constant 2 : i32
        %shift_right_logical3A_1116 = vector.broadcast %shift_right_logical3A_1115 : i32 to vector<16xi32>
        %shift_right_logical3A_1117 = arith.shrui %get3A_1114, %shift_right_logical3A_1116 : vector<16xi32>
        %swap3A_1118 = arith.constant 128 : index
        %swap3A_1119 = tpu.vector_load %arg7[%swap3A_1118] {strides = array<i32>} : memref<256xi32, #tpu.memory_space<vmem>>, vector<16xi32>,
        tpu.vector_store %arg7[%swap3A_1118], %shift_right_logical3A_1117 {strides = array<i32>} : memref<256xi32, #tpu.memory_space<vmem>>, vector<16xi32>,
        %and3A_1120 = arith.constant 3 : i32
        %and3A_1121 = vector.broadcast %and3A_1120 : i32 to vector<16xi32>
        %and3A_1122 = arith.andi %get3A_1114, %and3A_1121 : vector<16xi32>
        %shift_left3A_1123 = arith.constant 5 : i32
        %shift_left3A_1124 = vector.broadcast %shift_left3A_1123 : i32 to vector<16xi32>
        %shift_left3A_1125 = arith.shli %and3A_1122, %shift_left3A_1124 : vector<16xi32>
        %swap3A_1126 = arith.constant 128 : index
        %swap3A_1127 = tpu.vector_load %arg9[%swap3A_1126] {strides = array<i32>} : memref<256xi32, #tpu.memory_space<vmem>>, vector<16xi32>,
        tpu.vector_store %arg9[%swap3A_1126], %shift_left3A_1125 {strides = array<i32>} : memref<256xi32, #tpu.memory_space<vmem>>, vector<16xi32>,
        %get3A_1128 = arith.constant 144 : index
        %get3A_1129 = tpu.vector_load %arg5[%get3A_1128] {strides = array<i32>} : memref<256xi32, #tpu.memory_space<vmem>>, vector<16xi32>,
        %shift_right_logical3A_1130 = arith.constant 2 : i32
        %shift_right_logical3A_1131 = vector.broadcast %shift_right_logical3A_1130 : i32 to vector<16xi32>
        %shift_right_logical3A_1132 = arith.shrui %get3A_1129, %shift_right_logical3A_1131 : vector<16xi32>
        %swap3A_1133 = arith.constant 144 : index
        %swap3A_1134 = tpu.vector_load %arg7[%swap3A_1133] {strides = array<i32>} : memref<256xi32, #tpu.memory_space<vmem>>, vector<16xi32>,
        tpu.vector_store %arg7[%swap3A_1133], %shift_right_logical3A_1132 {strides = array<i32>} : memref<256xi32, #tpu.memory_space<vmem>>, vector<16xi32>,
        %and3A_1135 = arith.constant 3 : i32
        %and3A_1136 = vector.broadcast %and3A_1135 : i32 to vector<16xi32>
        %and3A_1137 = arith.andi %get3A_1129, %and3A_1136 : vector<16xi32>
        %shift_left3A_1138 = arith.constant 5 : i32
        %shift_left3A_1139 = vector.broadcast %shift_left3A_1138 : i32 to vector<16xi32>
        %shift_left3A_1140 = arith.shli %and3A_1137, %shift_left3A_1139 : vector<16xi32>
        %swap3A_1141 = arith.constant 144 : index
        %swap3A_1142 = tpu.vector_load %arg9[%swap3A_1141] {strides = array<i32>} : memref<256xi32, #tpu.memory_space<vmem>>, vector<16xi32>,
        tpu.vector_store %arg9[%swap3A_1141], %shift_left3A_1140 {strides = array<i32>} : memref<256xi32, #tpu.memory_space<vmem>>, vector<16xi32>,
        %get3A_1143 = arith.constant 160 : index
        %get3A_1144 = tpu.vector_load %arg5[%get3A_1143] {strides = array<i32>} : memref<256xi32, #tpu.memory_space<vmem>>, vector<16xi32>,
        %shift_right_logical3A_1145 = arith.constant 2 : i32
        %shift_right_logical3A_1146 = vector.broadcast %shift_right_logical3A_1145 : i32 to vector<16xi32>
        %shift_right_logical3A_1147 = arith.shrui %get3A_1144, %shift_right_logical3A_1146 : vector<16xi32>
        %swap3A_1148 = arith.constant 160 : index
        %swap3A_1149 = tpu.vector_load %arg7[%swap3A_1148] {strides = array<i32>} : memref<256xi32, #tpu.memory_space<vmem>>, vector<16xi32>,
        tpu.vector_store %arg7[%swap3A_1148], %shift_right_logical3A_1147 {strides = array<i32>} : memref<256xi32, #tpu.memory_space<vmem>>, vector<16xi32>,
        %and3A_1150 = arith.constant 3 : i32
        %and3A_1151 = vector.broadcast %and3A_1150 : i32 to vector<16xi32>
        %and3A_1152 = arith.andi %get3A_1144, %and3A_1151 : vector<16xi32>
        %shift_left3A_1153 = arith.constant 5 : i32
        %shift_left3A_1154 = vector.broadcast %shift_left3A_1153 : i32 to vector<16xi32>
        %shift_left3A_1155 = arith.shli %and3A_1152, %shift_left3A_1154 : vector<16xi32>
        %swap3A_1156 = arith.constant 160 : index
        %swap3A_1157 = tpu.vector_load %arg9[%swap3A_1156] {strides = array<i32>} : memref<256xi32, #tpu.memory_space<vmem>>, vector<16xi32>,
        tpu.vector_store %arg9[%swap3A_1156], %shift_left3A_1155 {strides = array<i32>} : memref<256xi32, #tpu.memory_space<vmem>>, vector<16xi32>,
        %get3A_1158 = arith.constant 176 : index
        %get3A_1159 = tpu.vector_load %arg5[%get3A_1158] {strides = array<i32>} : memref<256xi32, #tpu.memory_space<vmem>>, vector<16xi32>,
        %shift_right_logical3A_1160 = arith.constant 2 : i32
        %shift_right_logical3A_1161 = vector.broadcast %shift_right_logical3A_1160 : i32 to vector<16xi32>
        %shift_right_logical3A_1162 = arith.shrui %get3A_1159, %shift_right_logical3A_1161 : vector<16xi32>
        %swap3A_1163 = arith.constant 176 : index
        %swap3A_1164 = tpu.vector_load %arg7[%swap3A_1163] {strides = array<i32>} : memref<256xi32, #tpu.memory_space<vmem>>, vector<16xi32>,
        tpu.vector_store %arg7[%swap3A_1163], %shift_right_logical3A_1162 {strides = array<i32>} : memref<256xi32, #tpu.memory_space<vmem>>, vector<16xi32>,
        %and3A_1165 = arith.constant 3 : i32
        %and3A_1166 = vector.broadcast %and3A_1165 : i32 to vector<16xi32>
        %and3A_1167 = arith.andi %get3A_1159, %and3A_1166 : vector<16xi32>
        %shift_left3A_1168 = arith.constant 5 : i32
        %shift_left3A_1169 = vector.broadcast %shift_left3A_1168 : i32 to vector<16xi32>
        %shift_left3A_1170 = arith.shli %and3A_1167, %shift_left3A_1169 : vector<16xi32>
        %swap3A_1171 = arith.constant 176 : index
        %swap3A_1172 = tpu.vector_load %arg9[%swap3A_1171] {strides = array<i32>} : memref<256xi32, #tpu.memory_space<vmem>>, vector<16xi32>,
        tpu.vector_store %arg9[%swap3A_1171], %shift_left3A_1170 {strides = array<i32>} : memref<256xi32, #tpu.memory_space<vmem>>, vector<16xi32>,
        %get3A_1173 = arith.constant 192 : index
        %get3A_1174 = tpu.vector_load %arg5[%get3A_1173] {strides = array<i32>} : memref<256xi32, #tpu.memory_space<vmem>>, vector<16xi32>,
        %shift_right_logical3A_1175 = arith.constant 2 : i32
        %shift_right_logical3A_1176 = vector.broadcast %shift_right_logical3A_1175 : i32 to vector<16xi32>
        %shift_right_logical3A_1177 = arith.shrui %get3A_1174, %shift_right_logical3A_1176 : vector<16xi32>
        %swap3A_1178 = arith.constant 192 : index
        %swap3A_1179 = tpu.vector_load %arg7[%swap3A_1178] {strides = array<i32>} : memref<256xi32, #tpu.memory_space<vmem>>, vector<16xi32>,
        tpu.vector_store %arg7[%swap3A_1178], %shift_right_logical3A_1177 {strides = array<i32>} : memref<256xi32, #tpu.memory_space<vmem>>, vector<16xi32>,
        %and3A_1180 = arith.constant 3 : i32
        %and3A_1181 = vector.broadcast %and3A_1180 : i32 to vector<16xi32>
        %and3A_1182 = arith.andi %get3A_1174, %and3A_1181 : vector<16xi32>
        %shift_left3A_1183 = arith.constant 5 : i32
        %shift_left3A_1184 = vector.broadcast %shift_left3A_1183 : i32 to vector<16xi32>
        %shift_left3A_1185 = arith.shli %and3A_1182, %shift_left3A_1184 : vector<16xi32>
        %swap3A_1186 = arith.constant 192 : index
        %swap3A_1187 = tpu.vector_load %arg9[%swap3A_1186] {strides = array<i32>} : memref<256xi32, #tpu.memory_space<vmem>>, vector<16xi32>,
        tpu.vector_store %arg9[%swap3A_1186], %shift_left3A_1185 {strides = array<i32>} : memref<256xi32, #tpu.memory_space<vmem>>, vector<16xi32>,
        %get3A_1188 = arith.constant 208 : index
        %get3A_1189 = tpu.vector_load %arg5[%get3A_1188] {strides = array<i32>} : memref<256xi32, #tpu.memory_space<vmem>>, vector<16xi32>,
        %shift_right_logical3A_1190 = arith.constant 2 : i32
        %shift_right_logical3A_1191 = vector.broadcast %shift_right_logical3A_1190 : i32 to vector<16xi32>
        %shift_right_logical3A_1192 = arith.shrui %get3A_1189, %shift_right_logical3A_1191 : vector<16xi32>
        %swap3A_1193 = arith.constant 208 : index
        %swap3A_1194 = tpu.vector_load %arg7[%swap3A_1193] {strides = array<i32>} : memref<256xi32, #tpu.memory_space<vmem>>, vector<16xi32>,
        tpu.vector_store %arg7[%swap3A_1193], %shift_right_logical3A_1192 {strides = array<i32>} : memref<256xi32, #tpu.memory_space<vmem>>, vector<16xi32>,
        %and3A_1195 = arith.constant 3 : i32
        %and3A_1196 = vector.broadcast %and3A_1195 : i32 to vector<16xi32>
        %and3A_1197 = arith.andi %get3A_1189, %and3A_1196 : vector<16xi32>
        %shift_left3A_1198 = arith.constant 5 : i32
        %shift_left3A_1199 = vector.broadcast %shift_left3A_1198 : i32 to vector<16xi32>
        %shift_left3A_1200 = arith.shli %and3A_1197, %shift_left3A_1199 : vector<16xi32>
        %swap3A_1201 = arith.constant 208 : index
        %swap3A_1202 = tpu.vector_load %arg9[%swap3A_1201] {strides = array<i32>} : memref<256xi32, #tpu.memory_space<vmem>>, vector<16xi32>,
        tpu.vector_store %arg9[%swap3A_1201], %shift_left3A_1200 {strides = array<i32>} : memref<256xi32, #tpu.memory_space<vmem>>, vector<16xi32>,
        %get3A_1203 = arith.constant 224 : index
        %get3A_1204 = tpu.vector_load %arg5[%get3A_1203] {strides = array<i32>} : memref<256xi32, #tpu.memory_space<vmem>>, vector<16xi32>,
        %shift_right_logical3A_1205 = arith.constant 2 : i32
        %shift_right_logical3A_1206 = vector.broadcast %shift_right_logical3A_1205 : i32 to vector<16xi32>
        %shift_right_logical3A_1207 = arith.shrui %get3A_1204, %shift_right_logical3A_1206 : vector<16xi32>
        %swap3A_1208 = arith.constant 224 : index
        %swap3A_1209 = tpu.vector_load %arg7[%swap3A_1208] {strides = array<i32>} : memref<256xi32, #tpu.memory_space<vmem>>, vector<16xi32>,
        tpu.vector_store %arg7[%swap3A_1208], %shift_right_logical3A_1207 {strides = array<i32>} : memref<256xi32, #tpu.memory_space<vmem>>, vector<16xi32>,
        %and3A_1210 = arith.constant 3 : i32
        %and3A_1211 = vector.broadcast %and3A_1210 : i32 to vector<16xi32>
        %and3A_1212 = arith.andi %get3A_1204, %and3A_1211 : vector<16xi32>
        %shift_left3A_1213 = arith.constant 5 : i32
        %shift_left3A_1214 = vector.broadcast %shift_left3A_1213 : i32 to vector<16xi32>
        %shift_left3A_1215 = arith.shli %and3A_1212, %shift_left3A_1214 : vector<16xi32>
        %swap3A_1216 = arith.constant 224 : index
        %swap3A_1217 = tpu.vector_load %arg9[%swap3A_1216] {strides = array<i32>} : memref<256xi32, #tpu.memory_space<vmem>>, vector<16xi32>,
        tpu.vector_store %arg9[%swap3A_1216], %shift_left3A_1215 {strides = array<i32>} : memref<256xi32, #tpu.memory_space<vmem>>, vector<16xi32>,
        %get3A_1218 = arith.constant 240 : index
        %get3A_1219 = tpu.vector_load %arg5[%get3A_1218] {strides = array<i32>} : memref<256xi32, #tpu.memory_space<vmem>>, vector<16xi32>,
        %shift_right_logical3A_1220 = arith.constant 2 : i32
        %shift_right_logical3A_1221 = vector.broadcast %shift_right_logical3A_1220 : i32 to vector<16xi32>
        %shift_right_logical3A_1222 = arith.shrui %get3A_1219, %shift_right_logical3A_1221 : vector<16xi32>
        %swap3A_1223 = arith.constant 240 : index
        %swap3A_1224 = tpu.vector_load %arg7[%swap3A_1223] {strides = array<i32>} : memref<256xi32, #tpu.memory_space<vmem>>, vector<16xi32>,
        tpu.vector_store %arg7[%swap3A_1223], %shift_right_logical3A_1222 {strides = array<i32>} : memref<256xi32, #tpu.memory_space<vmem>>, vector<16xi32>,
        %and3A_1225 = arith.constant 3 : i32
        %and3A_1226 = vector.broadcast %and3A_1225 : i32 to vector<16xi32>
        %and3A_1227 = arith.andi %get3A_1219, %and3A_1226 : vector<16xi32>
        %shift_left3A_1228 = arith.constant 5 : i32
        %shift_left3A_1229 = vector.broadcast %shift_left3A_1228 : i32 to vector<16xi32>
        %shift_left3A_1230 = arith.shli %and3A_1227, %shift_left3A_1229 : vector<16xi32>
        %swap3A_1231 = arith.constant 240 : index
        %swap3A_1232 = tpu.vector_load %arg9[%swap3A_1231] {strides = array<i32>} : memref<256xi32, #tpu.memory_space<vmem>>, vector<16xi32>,
        tpu.vector_store %arg9[%swap3A_1231], %shift_left3A_1230 {strides = array<i32>} : memref<256xi32, #tpu.memory_space<vmem>>, vector<16xi32>,
        %dma_start3A_1233 = arith.constant 0 : i32
        %dma_start3A_1234 = arith.constant 0 : i32
        %dma_start3A_1235 = tpu.memref_slice %arg3[%dma_start3A_1233, %dma_start3A_1234] : memref<250000x128xf32, #tpu.memory_space<hbm>> -> memref<250000x128xf32, #tpu.memory_space<hbm>>
        tpu.enqueue_indirect_dma source(%dma_start3A_1235 : memref<250000x128xf32, #tpu.memory_space<hbm>>) target(%arg11 : memref<256x128xf32, #tpu.memory_space<vmem>>) offsets(%arg7 : memref<256xi32, #tpu.memory_space<vmem>>) semaphore(%arg15 : memref<!tpu.dma_semaphore, #tpu.memory_space<semaphore_mem>>)
      } else {
      }
      %dma_wait3A_810 = arith.constant 0 : i32
      %dma_wait3A_811 = arith.constant 0 : i32
      %dma_wait3A_812 = tpu.memref_slice %arg3[%dma_wait3A_810, %dma_wait3A_811] : memref<250000x128xf32, #tpu.memory_space<hbm>> -> memref<250000x128xf32, #tpu.memory_space<hbm>>
      tpu.wait_indirect_dma semaphore(%arg16 : memref<!tpu.dma_semaphore, #tpu.memory_space<semaphore_mem>>) src(%dma_wait3A_812 : memref<250000x128xf32, #tpu.memory_space<hbm>>) dst(%arg12 : memref<256x128xf32, #tpu.memory_space<vmem>>)
      %iota3A_813 = tpu.iota {dimensions = array<i32: 0>} : vector<16xi32>
      %add3A_814 = arith.constant 0 : i32
      %add3A_815 = vector.broadcast %add3A_814 : i32 to vector<16xi32>
      %add3A_816 = arith.addi %add3A_815, %iota3A_813 : vector<16xi32>
      %add3A_817 = arith.constant 16 : i32
      %add3A_818 = vector.broadcast %add3A_817 : i32 to vector<16xi32>
      %add3A_819 = arith.addi %add3A_818, %iota3A_813 : vector<16xi32>
      %add3A_820 = arith.constant 32 : i32
      %add3A_821 = vector.broadcast %add3A_820 : i32 to vector<16xi32>
      %add3A_822 = arith.addi %add3A_821, %iota3A_813 : vector<16xi32>
      %add3A_823 = arith.constant 48 : i32
      %add3A_824 = vector.broadcast %add3A_823 : i32 to vector<16xi32>
      %add3A_825 = arith.addi %add3A_824, %iota3A_813 : vector<16xi32>
      %add3A_826 = arith.constant 64 : i32
      %add3A_827 = vector.broadcast %add3A_826 : i32 to vector<16xi32>
      %add3A_828 = arith.addi %add3A_827, %iota3A_813 : vector<16xi32>
      %add3A_829 = arith.constant 80 : i32
      %add3A_830 = vector.broadcast %add3A_829 : i32 to vector<16xi32>
      %add3A_831 = arith.addi %add3A_830, %iota3A_813 : vector<16xi32>
      %add3A_832 = arith.constant 96 : i32
      %add3A_833 = vector.broadcast %add3A_832 : i32 to vector<16xi32>
      %add3A_834 = arith.addi %add3A_833, %iota3A_813 : vector<16xi32>
      %add3A_835 = arith.constant 112 : i32
      %add3A_836 = vector.broadcast %add3A_835 : i32 to vector<16xi32>
      %add3A_837 = arith.addi %add3A_836, %iota3A_813 : vector<16xi32>
      %add3A_838 = arith.constant 128 : i32
      %add3A_839 = vector.broadcast %add3A_838 : i32 to vector<16xi32>
      %add3A_840 = arith.addi %add3A_839, %iota3A_813 : vector<16xi32>
      %add3A_841 = arith.constant 144 : i32
      %add3A_842 = vector.broadcast %add3A_841 : i32 to vector<16xi32>
      %add3A_843 = arith.addi %add3A_842, %iota3A_813 : vector<16xi32>
      %add3A_844 = arith.constant 160 : i32
      %add3A_845 = vector.broadcast %add3A_844 : i32 to vector<16xi32>
      %add3A_846 = arith.addi %add3A_845, %iota3A_813 : vector<16xi32>
      %add3A_847 = arith.constant 176 : i32
      %add3A_848 = vector.broadcast %add3A_847 : i32 to vector<16xi32>
      %add3A_849 = arith.addi %add3A_848, %iota3A_813 : vector<16xi32>
      %add3A_850 = arith.constant 192 : i32
      %add3A_851 = vector.broadcast %add3A_850 : i32 to vector<16xi32>
      %add3A_852 = arith.addi %add3A_851, %iota3A_813 : vector<16xi32>
      %add3A_853 = arith.constant 208 : i32
      %add3A_854 = vector.broadcast %add3A_853 : i32 to vector<16xi32>
      %add3A_855 = arith.addi %add3A_854, %iota3A_813 : vector<16xi32>
      %add3A_856 = arith.constant 224 : i32
      %add3A_857 = vector.broadcast %add3A_856 : i32 to vector<16xi32>
      %add3A_858 = arith.addi %add3A_857, %iota3A_813 : vector<16xi32>
      %add3A_859 = arith.constant 240 : i32
      %add3A_860 = vector.broadcast %add3A_859 : i32 to vector<16xi32>
      %add3A_861 = arith.addi %add3A_860, %iota3A_813 : vector<16xi32>
      %get3A_862 = arith.constant 0 : index
      %get3A_863 = tpu.vector_load %arg10[%get3A_862] {strides = array<i32>} : memref<256xi32, #tpu.memory_space<vmem>>, vector<16xi32>,
      %get3A_864 = arith.constant 16 : index
      %get3A_865 = tpu.vector_load %arg10[%get3A_864] {strides = array<i32>} : memref<256xi32, #tpu.memory_space<vmem>>, vector<16xi32>,
      %get3A_866 = arith.constant 32 : index
      %get3A_867 = tpu.vector_load %arg10[%get3A_866] {strides = array<i32>} : memref<256xi32, #tpu.memory_space<vmem>>, vector<16xi32>,
      %get3A_868 = arith.constant 48 : index
      %get3A_869 = tpu.vector_load %arg10[%get3A_868] {strides = array<i32>} : memref<256xi32, #tpu.memory_space<vmem>>, vector<16xi32>,
      %get3A_870 = arith.constant 64 : index
      %get3A_871 = tpu.vector_load %arg10[%get3A_870] {strides = array<i32>} : memref<256xi32, #tpu.memory_space<vmem>>, vector<16xi32>,
      %get3A_872 = arith.constant 80 : index
      %get3A_873 = tpu.vector_load %arg10[%get3A_872] {strides = array<i32>} : memref<256xi32, #tpu.memory_space<vmem>>, vector<16xi32>,
      %get3A_874 = arith.constant 96 : index
      %get3A_875 = tpu.vector_load %arg10[%get3A_874] {strides = array<i32>} : memref<256xi32, #tpu.memory_space<vmem>>, vector<16xi32>,
      %get3A_876 = arith.constant 112 : index
      %get3A_877 = tpu.vector_load %arg10[%get3A_876] {strides = array<i32>} : memref<256xi32, #tpu.memory_space<vmem>>, vector<16xi32>,
      %get3A_878 = arith.constant 128 : index
      %get3A_879 = tpu.vector_load %arg10[%get3A_878] {strides = array<i32>} : memref<256xi32, #tpu.memory_space<vmem>>, vector<16xi32>,
      %get3A_880 = arith.constant 144 : index
      %get3A_881 = tpu.vector_load %arg10[%get3A_880] {strides = array<i32>} : memref<256xi32, #tpu.memory_space<vmem>>, vector<16xi32>,
      %get3A_882 = arith.constant 160 : index
      %get3A_883 = tpu.vector_load %arg10[%get3A_882] {strides = array<i32>} : memref<256xi32, #tpu.memory_space<vmem>>, vector<16xi32>,
      %get3A_884 = arith.constant 176 : index
      %get3A_885 = tpu.vector_load %arg10[%get3A_884] {strides = array<i32>} : memref<256xi32, #tpu.memory_space<vmem>>, vector<16xi32>,
      %get3A_886 = arith.constant 192 : index
      %get3A_887 = tpu.vector_load %arg10[%get3A_886] {strides = array<i32>} : memref<256xi32, #tpu.memory_space<vmem>>, vector<16xi32>,
      %get3A_888 = arith.constant 208 : index
      %get3A_889 = tpu.vector_load %arg10[%get3A_888] {strides = array<i32>} : memref<256xi32, #tpu.memory_space<vmem>>, vector<16xi32>,
      %get3A_890 = arith.constant 224 : index
      %get3A_891 = tpu.vector_load %arg10[%get3A_890] {strides = array<i32>} : memref<256xi32, #tpu.memory_space<vmem>>, vector<16xi32>,
      %get3A_892 = arith.constant 240 : index
      %get3A_893 = tpu.vector_load %arg10[%get3A_892] {strides = array<i32>} : memref<256xi32, #tpu.memory_space<vmem>>, vector<16xi32>,
      %parallel_loop3A_894 = arith.constant 0 : i32
      %parallel_loop3A_895 = arith.constant 32 : i32
      %parallel_loop3A_896 = arith.constant 1 : i32
      scf.for %parallel_loop3A_948 = %parallel_loop3A_894 to %parallel_loop3A_895 step %parallel_loop3A_896  : i32 {
        %parallel_loop3A_949 = vector.broadcast %parallel_loop3A_948 : i32 to vector<16xi32>
        %parallel_loop3A_950 = arith.addi %get3A_863, %parallel_loop3A_949 : vector<16xi32>
        %parallel_loop3A_951 = tpu.vector_load_idx %arg12[%add3A_816, %parallel_loop3A_950] : memref<256x128xf32, #tpu.memory_space<vmem>>[vector<16xi32>, vector<16xi32>], vector<16xf32>,
        %parallel_loop3A_952 = arith.index_cast %parallel_loop3A_948 : i32 to index
        %parallel_loop3A_953 = arith.constant 0 : index
        %parallel_loop3A_954 = tpu.vector_load %arg14[%parallel_loop3A_952, %parallel_loop3A_953] {strides = array<i32>} : memref<32x256xf32, #tpu.memory_space<vmem>>, vector<16xf32>,
        tpu.vector_store %arg14[%parallel_loop3A_952, %parallel_loop3A_953], %parallel_loop3A_951 {strides = array<i32>} : memref<32x256xf32, #tpu.memory_space<vmem>>, vector<16xf32>,
        %parallel_loop3A_955 = vector.broadcast %parallel_loop3A_948 : i32 to vector<16xi32>
        %parallel_loop3A_956 = arith.addi %get3A_865, %parallel_loop3A_955 : vector<16xi32>
        %parallel_loop3A_957 = tpu.vector_load_idx %arg12[%add3A_819, %parallel_loop3A_956] : memref<256x128xf32, #tpu.memory_space<vmem>>[vector<16xi32>, vector<16xi32>], vector<16xf32>,
        %parallel_loop3A_958 = arith.index_cast %parallel_loop3A_948 : i32 to index
        %parallel_loop3A_959 = arith.constant 16 : index
        %parallel_loop3A_960 = tpu.vector_load %arg14[%parallel_loop3A_958, %parallel_loop3A_959] {strides = array<i32>} : memref<32x256xf32, #tpu.memory_space<vmem>>, vector<16xf32>,
        tpu.vector_store %arg14[%parallel_loop3A_958, %parallel_loop3A_959], %parallel_loop3A_957 {strides = array<i32>} : memref<32x256xf32, #tpu.memory_space<vmem>>, vector<16xf32>,
        %parallel_loop3A_961 = vector.broadcast %parallel_loop3A_948 : i32 to vector<16xi32>
        %parallel_loop3A_962 = arith.addi %get3A_867, %parallel_loop3A_961 : vector<16xi32>
        %parallel_loop3A_963 = tpu.vector_load_idx %arg12[%add3A_822, %parallel_loop3A_962] : memref<256x128xf32, #tpu.memory_space<vmem>>[vector<16xi32>, vector<16xi32>], vector<16xf32>,
        %parallel_loop3A_964 = arith.index_cast %parallel_loop3A_948 : i32 to index
        %parallel_loop3A_965 = arith.constant 32 : index
        %parallel_loop3A_966 = tpu.vector_load %arg14[%parallel_loop3A_964, %parallel_loop3A_965] {strides = array<i32>} : memref<32x256xf32, #tpu.memory_space<vmem>>, vector<16xf32>,
        tpu.vector_store %arg14[%parallel_loop3A_964, %parallel_loop3A_965], %parallel_loop3A_963 {strides = array<i32>} : memref<32x256xf32, #tpu.memory_space<vmem>>, vector<16xf32>,
        %parallel_loop3A_967 = vector.broadcast %parallel_loop3A_948 : i32 to vector<16xi32>
        %parallel_loop3A_968 = arith.addi %get3A_869, %parallel_loop3A_967 : vector<16xi32>
        %parallel_loop3A_969 = tpu.vector_load_idx %arg12[%add3A_825, %parallel_loop3A_968] : memref<256x128xf32, #tpu.memory_space<vmem>>[vector<16xi32>, vector<16xi32>], vector<16xf32>,
        %parallel_loop3A_970 = arith.index_cast %parallel_loop3A_948 : i32 to index
        %parallel_loop3A_971 = arith.constant 48 : index
        %parallel_loop3A_972 = tpu.vector_load %arg14[%parallel_loop3A_970, %parallel_loop3A_971] {strides = array<i32>} : memref<32x256xf32, #tpu.memory_space<vmem>>, vector<16xf32>,
        tpu.vector_store %arg14[%parallel_loop3A_970, %parallel_loop3A_971], %parallel_loop3A_969 {strides = array<i32>} : memref<32x256xf32, #tpu.memory_space<vmem>>, vector<16xf32>,
        %parallel_loop3A_973 = vector.broadcast %parallel_loop3A_948 : i32 to vector<16xi32>
        %parallel_loop3A_974 = arith.addi %get3A_871, %parallel_loop3A_973 : vector<16xi32>
        %parallel_loop3A_975 = tpu.vector_load_idx %arg12[%add3A_828, %parallel_loop3A_974] : memref<256x128xf32, #tpu.memory_space<vmem>>[vector<16xi32>, vector<16xi32>], vector<16xf32>,
        %parallel_loop3A_976 = arith.index_cast %parallel_loop3A_948 : i32 to index
        %parallel_loop3A_977 = arith.constant 64 : index
        %parallel_loop3A_978 = tpu.vector_load %arg14[%parallel_loop3A_976, %parallel_loop3A_977] {strides = array<i32>} : memref<32x256xf32, #tpu.memory_space<vmem>>, vector<16xf32>,
        tpu.vector_store %arg14[%parallel_loop3A_976, %parallel_loop3A_977], %parallel_loop3A_975 {strides = array<i32>} : memref<32x256xf32, #tpu.memory_space<vmem>>, vector<16xf32>,
        %parallel_loop3A_979 = vector.broadcast %parallel_loop3A_948 : i32 to vector<16xi32>
        %parallel_loop3A_980 = arith.addi %get3A_873, %parallel_loop3A_979 : vector<16xi32>
        %parallel_loop3A_981 = tpu.vector_load_idx %arg12[%add3A_831, %parallel_loop3A_980] : memref<256x128xf32, #tpu.memory_space<vmem>>[vector<16xi32>, vector<16xi32>], vector<16xf32>,
        %parallel_loop3A_982 = arith.index_cast %parallel_loop3A_948 : i32 to index
        %parallel_loop3A_983 = arith.constant 80 : index
        %parallel_loop3A_984 = tpu.vector_load %arg14[%parallel_loop3A_982, %parallel_loop3A_983] {strides = array<i32>} : memref<32x256xf32, #tpu.memory_space<vmem>>, vector<16xf32>,
        tpu.vector_store %arg14[%parallel_loop3A_982, %parallel_loop3A_983], %parallel_loop3A_981 {strides = array<i32>} : memref<32x256xf32, #tpu.memory_space<vmem>>, vector<16xf32>,
        %parallel_loop3A_985 = vector.broadcast %parallel_loop3A_948 : i32 to vector<16xi32>
        %parallel_loop3A_986 = arith.addi %get3A_875, %parallel_loop3A_985 : vector<16xi32>
        %parallel_loop3A_987 = tpu.vector_load_idx %arg12[%add3A_834, %parallel_loop3A_986] : memref<256x128xf32, #tpu.memory_space<vmem>>[vector<16xi32>, vector<16xi32>], vector<16xf32>,
        %parallel_loop3A_988 = arith.index_cast %parallel_loop3A_948 : i32 to index
        %parallel_loop3A_989 = arith.constant 96 : index
        %parallel_loop3A_990 = tpu.vector_load %arg14[%parallel_loop3A_988, %parallel_loop3A_989] {strides = array<i32>} : memref<32x256xf32, #tpu.memory_space<vmem>>, vector<16xf32>,
        tpu.vector_store %arg14[%parallel_loop3A_988, %parallel_loop3A_989], %parallel_loop3A_987 {strides = array<i32>} : memref<32x256xf32, #tpu.memory_space<vmem>>, vector<16xf32>,
        %parallel_loop3A_991 = vector.broadcast %parallel_loop3A_948 : i32 to vector<16xi32>
        %parallel_loop3A_992 = arith.addi %get3A_877, %parallel_loop3A_991 : vector<16xi32>
        %parallel_loop3A_993 = tpu.vector_load_idx %arg12[%add3A_837, %parallel_loop3A_992] : memref<256x128xf32, #tpu.memory_space<vmem>>[vector<16xi32>, vector<16xi32>], vector<16xf32>,
        %parallel_loop3A_994 = arith.index_cast %parallel_loop3A_948 : i32 to index
        %parallel_loop3A_995 = arith.constant 112 : index
        %parallel_loop3A_996 = tpu.vector_load %arg14[%parallel_loop3A_994, %parallel_loop3A_995] {strides = array<i32>} : memref<32x256xf32, #tpu.memory_space<vmem>>, vector<16xf32>,
        tpu.vector_store %arg14[%parallel_loop3A_994, %parallel_loop3A_995], %parallel_loop3A_993 {strides = array<i32>} : memref<32x256xf32, #tpu.memory_space<vmem>>, vector<16xf32>,
        %parallel_loop3A_997 = vector.broadcast %parallel_loop3A_948 : i32 to vector<16xi32>
        %parallel_loop3A_998 = arith.addi %get3A_879, %parallel_loop3A_997 : vector<16xi32>
        %parallel_loop3A_999 = tpu.vector_load_idx %arg12[%add3A_840, %parallel_loop3A_998] : memref<256x128xf32, #tpu.memory_space<vmem>>[vector<16xi32>, vector<16xi32>], vector<16xf32>,
        %parallel_loop3A_1000 = arith.index_cast %parallel_loop3A_948 : i32 to index
        %parallel_loop3A_1001 = arith.constant 128 : index
        %parallel_loop3A_1002 = tpu.vector_load %arg14[%parallel_loop3A_1000, %parallel_loop3A_1001] {strides = array<i32>} : memref<32x256xf32, #tpu.memory_space<vmem>>, vector<16xf32>,
        tpu.vector_store %arg14[%parallel_loop3A_1000, %parallel_loop3A_1001], %parallel_loop3A_999 {strides = array<i32>} : memref<32x256xf32, #tpu.memory_space<vmem>>, vector<16xf32>,
        %parallel_loop3A_1003 = vector.broadcast %parallel_loop3A_948 : i32 to vector<16xi32>
        %parallel_loop3A_1004 = arith.addi %get3A_881, %parallel_loop3A_1003 : vector<16xi32>
        %parallel_loop3A_1005 = tpu.vector_load_idx %arg12[%add3A_843, %parallel_loop3A_1004] : memref<256x128xf32, #tpu.memory_space<vmem>>[vector<16xi32>, vector<16xi32>], vector<16xf32>,
        %parallel_loop3A_1006 = arith.index_cast %parallel_loop3A_948 : i32 to index
        %parallel_loop3A_1007 = arith.constant 144 : index
        %parallel_loop3A_1008 = tpu.vector_load %arg14[%parallel_loop3A_1006, %parallel_loop3A_1007] {strides = array<i32>} : memref<32x256xf32, #tpu.memory_space<vmem>>, vector<16xf32>,
        tpu.vector_store %arg14[%parallel_loop3A_1006, %parallel_loop3A_1007], %parallel_loop3A_1005 {strides = array<i32>} : memref<32x256xf32, #tpu.memory_space<vmem>>, vector<16xf32>,
        %parallel_loop3A_1009 = vector.broadcast %parallel_loop3A_948 : i32 to vector<16xi32>
        %parallel_loop3A_1010 = arith.addi %get3A_883, %parallel_loop3A_1009 : vector<16xi32>
        %parallel_loop3A_1011 = tpu.vector_load_idx %arg12[%add3A_846, %parallel_loop3A_1010] : memref<256x128xf32, #tpu.memory_space<vmem>>[vector<16xi32>, vector<16xi32>], vector<16xf32>,
        %parallel_loop3A_1012 = arith.index_cast %parallel_loop3A_948 : i32 to index
        %parallel_loop3A_1013 = arith.constant 160 : index
        %parallel_loop3A_1014 = tpu.vector_load %arg14[%parallel_loop3A_1012, %parallel_loop3A_1013] {strides = array<i32>} : memref<32x256xf32, #tpu.memory_space<vmem>>, vector<16xf32>,
        tpu.vector_store %arg14[%parallel_loop3A_1012, %parallel_loop3A_1013], %parallel_loop3A_1011 {strides = array<i32>} : memref<32x256xf32, #tpu.memory_space<vmem>>, vector<16xf32>,
        %parallel_loop3A_1015 = vector.broadcast %parallel_loop3A_948 : i32 to vector<16xi32>
        %parallel_loop3A_1016 = arith.addi %get3A_885, %parallel_loop3A_1015 : vector<16xi32>
        %parallel_loop3A_1017 = tpu.vector_load_idx %arg12[%add3A_849, %parallel_loop3A_1016] : memref<256x128xf32, #tpu.memory_space<vmem>>[vector<16xi32>, vector<16xi32>], vector<16xf32>,
        %parallel_loop3A_1018 = arith.index_cast %parallel_loop3A_948 : i32 to index
        %parallel_loop3A_1019 = arith.constant 176 : index
        %parallel_loop3A_1020 = tpu.vector_load %arg14[%parallel_loop3A_1018, %parallel_loop3A_1019] {strides = array<i32>} : memref<32x256xf32, #tpu.memory_space<vmem>>, vector<16xf32>,
        tpu.vector_store %arg14[%parallel_loop3A_1018, %parallel_loop3A_1019], %parallel_loop3A_1017 {strides = array<i32>} : memref<32x256xf32, #tpu.memory_space<vmem>>, vector<16xf32>,
        %parallel_loop3A_1021 = vector.broadcast %parallel_loop3A_948 : i32 to vector<16xi32>
        %parallel_loop3A_1022 = arith.addi %get3A_887, %parallel_loop3A_1021 : vector<16xi32>
        %parallel_loop3A_1023 = tpu.vector_load_idx %arg12[%add3A_852, %parallel_loop3A_1022] : memref<256x128xf32, #tpu.memory_space<vmem>>[vector<16xi32>, vector<16xi32>], vector<16xf32>,
        %parallel_loop3A_1024 = arith.index_cast %parallel_loop3A_948 : i32 to index
        %parallel_loop3A_1025 = arith.constant 192 : index
        %parallel_loop3A_1026 = tpu.vector_load %arg14[%parallel_loop3A_1024, %parallel_loop3A_1025] {strides = array<i32>} : memref<32x256xf32, #tpu.memory_space<vmem>>, vector<16xf32>,
        tpu.vector_store %arg14[%parallel_loop3A_1024, %parallel_loop3A_1025], %parallel_loop3A_1023 {strides = array<i32>} : memref<32x256xf32, #tpu.memory_space<vmem>>, vector<16xf32>,
        %parallel_loop3A_1027 = vector.broadcast %parallel_loop3A_948 : i32 to vector<16xi32>
        %parallel_loop3A_1028 = arith.addi %get3A_889, %parallel_loop3A_1027 : vector<16xi32>
        %parallel_loop3A_1029 = tpu.vector_load_idx %arg12[%add3A_855, %parallel_loop3A_1028] : memref<256x128xf32, #tpu.memory_space<vmem>>[vector<16xi32>, vector<16xi32>], vector<16xf32>,
        %parallel_loop3A_1030 = arith.index_cast %parallel_loop3A_948 : i32 to index
        %parallel_loop3A_1031 = arith.constant 208 : index
        %parallel_loop3A_1032 = tpu.vector_load %arg14[%parallel_loop3A_1030, %parallel_loop3A_1031] {strides = array<i32>} : memref<32x256xf32, #tpu.memory_space<vmem>>, vector<16xf32>,
        tpu.vector_store %arg14[%parallel_loop3A_1030, %parallel_loop3A_1031], %parallel_loop3A_1029 {strides = array<i32>} : memref<32x256xf32, #tpu.memory_space<vmem>>, vector<16xf32>,
        %parallel_loop3A_1033 = vector.broadcast %parallel_loop3A_948 : i32 to vector<16xi32>
        %parallel_loop3A_1034 = arith.addi %get3A_891, %parallel_loop3A_1033 : vector<16xi32>
        %parallel_loop3A_1035 = tpu.vector_load_idx %arg12[%add3A_858, %parallel_loop3A_1034] : memref<256x128xf32, #tpu.memory_space<vmem>>[vector<16xi32>, vector<16xi32>], vector<16xf32>,
        %parallel_loop3A_1036 = arith.index_cast %parallel_loop3A_948 : i32 to index
        %parallel_loop3A_1037 = arith.constant 224 : index
        %parallel_loop3A_1038 = tpu.vector_load %arg14[%parallel_loop3A_1036, %parallel_loop3A_1037] {strides = array<i32>} : memref<32x256xf32, #tpu.memory_space<vmem>>, vector<16xf32>,
        tpu.vector_store %arg14[%parallel_loop3A_1036, %parallel_loop3A_1037], %parallel_loop3A_1035 {strides = array<i32>} : memref<32x256xf32, #tpu.memory_space<vmem>>, vector<16xf32>,
        %parallel_loop3A_1039 = vector.broadcast %parallel_loop3A_948 : i32 to vector<16xi32>
        %parallel_loop3A_1040 = arith.addi %get3A_893, %parallel_loop3A_1039 : vector<16xi32>
        %parallel_loop3A_1041 = tpu.vector_load_idx %arg12[%add3A_861, %parallel_loop3A_1040] : memref<256x128xf32, #tpu.memory_space<vmem>>[vector<16xi32>, vector<16xi32>], vector<16xf32>,
        %parallel_loop3A_1042 = arith.index_cast %parallel_loop3A_948 : i32 to index
        %parallel_loop3A_1043 = arith.constant 240 : index
        %parallel_loop3A_1044 = tpu.vector_load %arg14[%parallel_loop3A_1042, %parallel_loop3A_1043] {strides = array<i32>} : memref<32x256xf32, #tpu.memory_space<vmem>>, vector<16xf32>,
        tpu.vector_store %arg14[%parallel_loop3A_1042, %parallel_loop3A_1043], %parallel_loop3A_1041 {strides = array<i32>} : memref<32x256xf32, #tpu.memory_space<vmem>>, vector<16xf32>,
      } {sc.loop_unroll_factor = 8 : i64, sc.parallel_access}
      %add3A_897 = arith.constant 1 : i32
      %add3A_898 = arith.addi %mul3A_331, %add3A_897 : i32
      %add3A_899 = arith.addi %mul3A_2, %add3A_898 : i32
      %jit3A_900 = arith.constant 64 : i32
      %div3A_901 = arith.divsi %add3A_899, %jit3A_900 : i32
      %sign3A_902 = arith.constant 0 : i32
      %sign3A_903 = arith.cmpi sgt, %add3A_899, %sign3A_902 : i32
      %sign3A_904 = arith.extui %sign3A_903 : i1 to i32
      %sign3A_905 = arith.constant 0 : i32
      %sign3A_906 = arith.cmpi slt, %add3A_899, %sign3A_905 : i32
      %sign3A_907 = arith.extui %sign3A_906 : i1 to i32
      %sign3A_908 = arith.subi %sign3A_904, %sign3A_907 : i32
      %sign3A_909 = arith.constant 0 : i32
      %sign3A_910 = arith.cmpi sgt, %jit3A_900, %sign3A_909 : i32
      %sign3A_911 = arith.extui %sign3A_910 : i1 to i32
      %sign3A_912 = arith.constant 0 : i32
      %sign3A_913 = arith.cmpi slt, %jit3A_900, %sign3A_912 : i32
      %sign3A_914 = arith.extui %sign3A_913 : i1 to i32
      %sign3A_915 = arith.subi %sign3A_911, %sign3A_914 : i32
      %ne3A_916 = arith.cmpi ne, %sign3A_908, %sign3A_915 : i32
      %rem3A_917 = arith.remsi %add3A_899, %jit3A_900 : i32
      %ne3A_918 = arith.constant 0 : i32
      %ne3A_919 = arith.cmpi ne, %rem3A_917, %ne3A_918 : i32
      %and3A_920 = arith.andi %ne3A_916, %ne3A_919 : i1
      %sub3A_921 = arith.constant 1 : i32
      %sub3A_922 = arith.subi %div3A_901, %sub3A_921 : i32
      %select_n3A_923 = arith.select %and3A_920, %sub3A_922, %div3A_901 : i32
      %jit3A_924 = arith.constant 64 : i32
      %eq3A_925 = arith.constant 0 : i32
      %eq3A_926 = arith.cmpi eq, %jit3A_924, %eq3A_925 : i32
      %jit3A_927 = arith.constant 1 : i32
      %select_n3A_928 = arith.select %eq3A_926, %jit3A_927, %jit3A_924 : i32
      %rem3A_929 = arith.remsi %add3A_899, %select_n3A_928 : i32
      %ne3A_930 = arith.constant 0 : i32
      %ne3A_931 = arith.cmpi ne, %rem3A_929, %ne3A_930 : i32
      %lt3A_932 = arith.constant 0 : i32
      %lt3A_933 = arith.cmpi slt, %rem3A_929, %lt3A_932 : i32
      %lt3A_934 = arith.constant 0 : i32
      %lt3A_935 = arith.cmpi slt, %select_n3A_928, %lt3A_934 : i32
      %ne3A_936 = arith.xori %lt3A_933, %lt3A_935 : i1
      %and3A_937 = arith.andi %ne3A_936, %ne3A_931 : i1
      %add3A_938 = arith.addi %rem3A_929, %select_n3A_928 : i32
      %select_n3A_939 = arith.select %and3A_937, %add3A_938, %rem3A_929 : i32
      %mul3A_940 = arith.constant 256 : i32
      %mul3A_941 = arith.muli %select_n3A_939, %mul3A_940 : i32
      %dma_start3A_942 = arith.constant 0 : i32
      %dma_start3A_943 = tpu.memref_slice %arg4[%select_n3A_923, %dma_start3A_942, %mul3A_941] : memref<50x32x16384xf32, #tpu.memory_space<hbm>> -> memref<1x32x256xf32, #tpu.memory_space<hbm>>
      %dma_start3A_944 = tpu.memref_squeeze %dma_start3A_943 : memref<1x32x256xf32, #tpu.memory_space<hbm>> -> memref<32x256xf32, #tpu.memory_space<hbm>>
      %dma_start3A_945 = arith.constant 0 : i32
      %dma_start3A_946 = tpu.memref_slice %arg4[%select_n3A_923, %dma_start3A_945, %mul3A_941] : memref<50x32x16384xf32, #tpu.memory_space<hbm>> -> memref<1x32x256xf32, #tpu.memory_space<hbm>>
      %dma_start3A_947 = tpu.memref_squeeze %dma_start3A_946 : memref<1x32x256xf32, #tpu.memory_space<hbm>> -> memref<32x256xf32, #tpu.memory_space<hbm>>
      tpu.enqueue_dma source(%arg14 : memref<32x256xf32, #tpu.memory_space<vmem>>) target(%dma_start3A_947 : memref<32x256xf32, #tpu.memory_space<hbm>>) target_semaphore(%arg18 : memref<!tpu.dma_semaphore, #tpu.memory_space<semaphore_mem>>)
    }
    %scan3A_279 = arith.constant 50 : i32
    %add3A_280 = arith.constant 99 : i32
    %add3A_281 = arith.addi %mul3A_2, %add3A_280 : i32
    %jit3A_282 = arith.constant 64 : i32
    %div3A_283 = arith.divsi %add3A_281, %jit3A_282 : i32
    %sign3A_284 = arith.constant 0 : i32
    %sign3A_285 = arith.cmpi sgt, %add3A_281, %sign3A_284 : i32
    %sign3A_286 = arith.extui %sign3A_285 : i1 to i32
    %sign3A_287 = arith.constant 0 : i32
    %sign3A_288 = arith.cmpi slt, %add3A_281, %sign3A_287 : i32
    %sign3A_289 = arith.extui %sign3A_288 : i1 to i32
    %sign3A_290 = arith.subi %sign3A_286, %sign3A_289 : i32
    %sign3A_291 = arith.constant 0 : i32
    %sign3A_292 = arith.cmpi sgt, %jit3A_282, %sign3A_291 : i32
    %sign3A_293 = arith.extui %sign3A_292 : i1 to i32
    %sign3A_294 = arith.constant 0 : i32
    %sign3A_295 = arith.cmpi slt, %jit3A_282, %sign3A_294 : i32
    %sign3A_296 = arith.extui %sign3A_295 : i1 to i32
    %sign3A_297 = arith.subi %sign3A_293, %sign3A_296 : i32
    %ne3A_298 = arith.cmpi ne, %sign3A_290, %sign3A_297 : i32
    %rem3A_299 = arith.remsi %add3A_281, %jit3A_282 : i32
    %ne3A_300 = arith.constant 0 : i32
    %ne3A_301 = arith.cmpi ne, %rem3A_299, %ne3A_300 : i32
    %and3A_302 = arith.andi %ne3A_298, %ne3A_301 : i1
    %sub3A_303 = arith.constant 1 : i32
    %sub3A_304 = arith.subi %div3A_283, %sub3A_303 : i32
    %select_n3A_305 = arith.select %and3A_302, %sub3A_304, %div3A_283 : i32
    %jit3A_306 = arith.constant 64 : i32
    %eq3A_307 = arith.constant 0 : i32
    %eq3A_308 = arith.cmpi eq, %jit3A_306, %eq3A_307 : i32
    %jit3A_309 = arith.constant 1 : i32
    %select_n3A_310 = arith.select %eq3A_308, %jit3A_309, %jit3A_306 : i32
    %rem3A_311 = arith.remsi %add3A_281, %select_n3A_310 : i32
    %ne3A_312 = arith.constant 0 : i32
    %ne3A_313 = arith.cmpi ne, %rem3A_311, %ne3A_312 : i32
    %lt3A_314 = arith.constant 0 : i32
    %lt3A_315 = arith.cmpi slt, %rem3A_311, %lt3A_314 : i32
    %lt3A_316 = arith.constant 0 : i32
    %lt3A_317 = arith.cmpi slt, %select_n3A_310, %lt3A_316 : i32
    %ne3A_318 = arith.xori %lt3A_315, %lt3A_317 : i1
    %and3A_319 = arith.andi %ne3A_318, %ne3A_313 : i1
    %add3A_320 = arith.addi %rem3A_311, %select_n3A_310 : i32
    %select_n3A_321 = arith.select %and3A_319, %add3A_320, %rem3A_311 : i32
    %mul3A_322 = arith.constant 256 : i32
    %mul3A_323 = arith.muli %select_n3A_321, %mul3A_322 : i32
    %dma_wait3A = arith.constant 0 : i32
    %dma_wait3A_324 = tpu.memref_slice %arg4[%select_n3A_305, %dma_wait3A, %mul3A_323] : memref<50x32x16384xf32, #tpu.memory_space<hbm>> -> memref<1x32x256xf32, #tpu.memory_space<hbm>>
    %dma_wait3A_325 = tpu.memref_squeeze %dma_wait3A_324 : memref<1x32x256xf32, #tpu.memory_space<hbm>> -> memref<32x256xf32, #tpu.memory_space<hbm>>
    %dma_wait3A_326 = arith.constant 0 : i32
    %dma_wait3A_327 = tpu.memref_slice %arg4[%select_n3A_305, %dma_wait3A_326, %mul3A_323] : memref<50x32x16384xf32, #tpu.memory_space<hbm>> -> memref<1x32x256xf32, #tpu.memory_space<hbm>>
    %dma_wait3A_328 = tpu.memref_squeeze %dma_wait3A_327 : memref<1x32x256xf32, #tpu.memory_space<hbm>> -> memref<32x256xf32, #tpu.memory_space<hbm>>
    tpu.wait_dma2 semaphore(%arg18 : memref<!tpu.dma_semaphore, #tpu.memory_space<semaphore_mem>>) src(%arg14 : memref<32x256xf32, #tpu.memory_space<vmem>>) dst(%dma_wait3A_328 : memref<32x256xf32, #tpu.memory_space<hbm>>)
    return
  }
}

</mosaic_0001>

<sc_bundles>
// kernel: kernel.3.cloned.1.call-start
scs
__scs_entry_jumppad:
0x0: {  	(pc) =	sbr.rel $0x88, $3  }
0x1: {  	(tag) =	ssettag $0x0;
	lr =	simm.s32 $0x1  }
0x2: {  	[smem:$0x3F9F] =	sst lr;
	_ =	strace $0xD0000000  }
0x3: {  	_ = 	snop  }
0x4: {  	_ = 	snop  }
0x5: {  	_ = 	snop  }
0x6: {  	_ = 	snop  }
0x7: {  	_ = 	snop  }
__scs_overlays_trampoline_lowered:
0x8: {  	[smem:$0x3FAE] =	sst s0  }
0x9: {  	[smem:$0x3FAF] =	sst s1  }
0xa: {  	[smem:$0x3FB0] =	sst s2  }
0xb: {  	[smem:$0x3FB1] =	sst s3  }
0xc: {  	[smem:$0x3FB2] =	sst s4  }
0xd: {  	[smem:$0x3FB3] =	sst s5  }
0xe: {  	[smem:$0x3FB4] =	sst s6  }
0xf: {  	[smem:$0x3FB5] =	sst s7  }
0x10: {  	[smem:$0x3FB6] =	sst s8  }
0x11: {  	[smem:$0x3FB7] =	sst s9;
	s0 =	simm.s32 @!p0 $0x0  }
0x12: {  	s1 =	sld [smem:$0x3F9D];
	s0 =	simm.s32 @p0 $0x1  }
0x13: {  	[smem:$0x3FB8] =	sst s0;
	s0 =	simm.s32 @!p1 $0x0  }
0x14: {  	s2 =	sld [smem:$0x3F9C];
	s0 =	simm.s32 @p1 $0x1  }
0x15: {  	[smem:$0x3FB9] =	sst s0;
	s0 =	simm.s32 @!p2 $0x0  }
0x16: {  	s3 =	sld [smem:$0x3FDB];
	s0 =	simm.s32 @p2 $0x1  }
0x17: {  	s4 =	simm.s32 $0x1BF5;
	[smem:$0x3FBB] =	sst s0  }
0x18: {  	s0 =	sld [smem:$0x3F9E];
	_ =	swait.ge [sflag:s4], $0x0  }
0x19: {  	s7 =	sld [smem:$0x3F9F]  }
0x1a: {  	s8 =	sadd.s32 $0xFFFFE003, lr  }
0x1b: {  	s9 =	sadd.s32 $0xFFFFFEF7, lr;
	s5 =	simm.s32 $0xFFFFFFFF;
	p2 =	slt.u32 s8, $0xFFFFF086  }
0x1c: {  	p1 =	slt.u32 s9, $0xF7A;
	s5 =	simm.s32 @!p2 $0x0  }
0x1d: {  	s5 =	simm.s32 @p1 $0x1;
	p0 =	seq.s32 s7, s2  }
0x1e: {  	s7 =	smul.u32 @!p0 $0xF7A, s2;
	p2 =	seq.s32 @!p0 s5, $0x0  }
0x1f: {  	s9 =	smul.u32 $0xF7A, s1;
	s8 =	simm.s32 @!p0 $0x1BF5;
	p2 =	por !p2, p0  }
0x20: {  	[sflag:s8] =	ssyncset.s32 @!p0 $0xFFFFF086;
	s6 =	sadd.s32 @!p0 s3, s7;
	s7 =	simm.s32 @!p0 $0x108  }
0x21: {  	s3 =	sadd.s32 s3, s9;
	s6 =	sadd.s32 @!p0 $0x88, s6;
	s7 =	simm.s32 @p2 $0x1082  }
0x22: {  	[simem:s7], [sflag:s8] =	dma.local @!p0 [hbm:s6], $0xF7A  }
0x23: {  	s9 =	sor.u32 $0xD0000000, s2;
	s6 =	simm.s32 $0x108;
	_ =	swait.ge @!p0 [sflag:s8], $0x0  }
0x24: {  	s3 =	sadd.s32 $0x88, s3;
	s6 =	simm.s32 @!p1 $0x1082;
	[sflag:s4] =	ssyncset.s32 $0xFFFFF086  }
0x25: {  	[simem:s6], [sflag:s4] =	dma.local [hbm:s3], $0xF7A  }
0x26: {  	[smem:$0x3F9F] =	sst s1;
	(tag) =	ssettag s2;
	_ =	strace s9  }
0x27: {  	s1 =	sld [smem:$0x3FAF]  }
0x28: {  	s2 =	sld [smem:$0x3FB0]  }
0x29: {  	s4 =	sld [smem:$0x3FB2]  }
0x2a: {  	p0 =	seq.s32 s5, $0x0;
	s5 =	sld [smem:$0x3FB3]  }
0x2b: {  	s6 =	sld [smem:$0x3FB4]  }
0x2c: {  	s7 =	sld [smem:$0x3FB5]  }
0x2d: {  	s3 =	simm.s32 $0x108;
	s8 =	sld [smem:$0x3FB6]  }
0x2e: {  	s3 =	simm.s32 @!p0 $0x1082;
	s9 =	sld [smem:$0x3FB7]  }
0x2f: {  	lr =	sadd.s32 s0, s3;
	s0 =	sld [smem:$0x3FAE]  }
0x30: {  	s3 =	sld [smem:$0x3FB1]  }
0x31: {  	[smem:$0x3FBA] =	sst s10  }
0x32: {  	s10 =	sld [smem:$0x3FB8];
	_ =	sdelay $0x3  }
0x33: {  	p0 =	seq.s32 s10, $0x1;
	s10 =	sld [smem:$0x3FBA];
	_ =	sdelay $0x3  }
0x34: {  	[smem:$0x3FBA] =	sst s10  }
0x35: {  	s10 =	sld [smem:$0x3FB9];
	_ =	sdelay $0x3  }
0x36: {  	p1 =	seq.s32 s10, $0x1;
	s10 =	sld [smem:$0x3FBA];
	_ =	sdelay $0x3  }
0x37: {  	[smem:$0x3FBA] =	sst s10  }
0x38: {  	s10 =	sld [smem:$0x3FBB]  }
0x39: {  	_ = 	snop;
	(pc) =	sbr.ind lr, $3  }
0x3a: {  	_ = 	snop  }
0x3b: {  	_ = 	snop  }
0x3c: {  	p2 =	seq.s32 s10, $0x1;
	s10 =	sld [smem:$0x3FBA]  }
0x3d: {  	_ =	shalt  }
0x3e: {  	_ =	shalt  }
0x3f: {  	_ =	shalt  }
0x40: {  	_ =	shalt  }
0x41: {  	_ =	shalt  }
0x42: {  	_ =	shalt  }
0x43: {  	_ =	shalt  }
0x44: {  	_ =	shalt  }
0x45: {  	_ =	shalt  }
0x46: {  	_ =	shalt  }
0x47: {  	_ =	shalt  }
0x48: {  	_ =	shalt  }
0x49: {  	_ =	shalt  }
0x4a: {  	_ =	shalt  }
0x4b: {  	_ =	shalt  }
0x4c: {  	_ =	shalt  }
0x4d: {  	_ =	shalt  }
0x4e: {  	_ =	shalt  }
0x4f: {  	_ =	shalt  }
0x50: {  	_ =	shalt  }
0x51: {  	_ =	shalt  }
0x52: {  	_ =	shalt  }
0x53: {  	_ =	shalt  }
0x54: {  	_ =	shalt  }
0x55: {  	_ =	shalt  }
0x56: {  	_ =	shalt  }
0x57: {  	_ =	shalt  }
0x58: {  	_ =	shalt  }
0x59: {  	_ =	shalt  }
0x5a: {  	_ =	shalt  }
0x5b: {  	_ =	shalt  }
0x5c: {  	_ =	shalt  }
0x5d: {  	_ =	shalt  }
0x5e: {  	_ =	shalt  }
0x5f: {  	_ =	shalt  }
0x60: {  	_ =	shalt  }
0x61: {  	_ =	shalt  }
0x62: {  	_ =	shalt  }
0x63: {  	_ =	shalt  }
0x64: {  	_ =	shalt  }
0x65: {  	_ =	shalt  }
0x66: {  	_ =	shalt  }
0x67: {  	_ =	shalt  }
0x68: {  	_ =	shalt  }
0x69: {  	_ =	shalt  }
0x6a: {  	_ =	shalt  }
0x6b: {  	_ =	shalt  }
0x6c: {  	_ =	shalt  }
0x6d: {  	_ =	shalt  }
0x6e: {  	_ =	shalt  }
0x6f: {  	_ =	shalt  }
0x70: {  	_ =	shalt  }
0x71: {  	_ =	shalt  }
0x72: {  	_ =	shalt  }
0x73: {  	_ =	shalt  }
0x74: {  	_ =	shalt  }
0x75: {  	_ =	shalt  }
0x76: {  	_ =	shalt  }
0x77: {  	_ =	shalt  }
0x78: {  	_ =	shalt  }
0x79: {  	_ =	shalt  }
0x7a: {  	_ =	shalt  }
0x7b: {  	_ =	shalt  }
0x7c: {  	_ =	shalt  }
0x7d: {  	_ =	shalt  }
0x7e: {  	_ =	shalt  }
0x7f: {  	_ =	shalt  }
0x80: {  	_ =	shalt  }
0x81: {  	_ =	shalt  }
0x82: {  	_ =	shalt  }
0x83: {  	_ =	shalt  }
0x84: {  	_ =	shalt  }
0x85: {  	_ =	shalt  }
0x86: {  	_ =	shalt  }
0x87: {  	_ =	shalt  }
.Lfunc_end0:
.L_simem_size_0:
called_computation_lowered:
.L_overlay_start_0:
0x88: {  	s2 =	sld [smem:$0x3FD9]  }
0x89: {  	s3 =	sld [smem:$0x3FFE];
	_ =	sdelay $0x1  }
0x8a: {  	s1 =	srdreg.scid  }
0x8b: {  	s0 =	sand.u32 $0x1, s1  }
0x8c: {  	s17 =	sshll.u32 s0, $0xA;
	s2 =	sadd.s32 s3, s2  }
0x8d: {  	s2 =	sadd.s32 s2, s17  }
0x8e: {  	[smem:$0x3FC6] =	sst s2  }
0x8f: {  	_ = 	snop  }
0x90: {  	s2 =	sld [smem:$0x3FC9]  }
0x91: {  	s18 =	sld [smem:$0x3FD0];
	(tm) =	ssettm $0x1  }
0x92: {  	s4 =	sld [smem:$0x3FFB];
	_ =	sdelay $0x3  }
0x93: {  	_ =	strace s4  }
0x94: {  	s4 =	sld [smem:$0x3FFC];
	_ =	sdelay $0x3  }
0x95: {  	_ =	strace s4  }
0x96: {  	s4 =	sld [smem:$0x3FFD];
	_ =	sdelay $0x3  }
0x97: {  	_ =	strace s4  }
0x98: {  	_ =	strace $0x8FFFFFFF  }
0x99: {  	s19 =	sld [smem:$0x3FDB];
	_ =	sdelay $0x1  }
0x9a: {  	s5 =	simm.s32 $_scs_section_size  }
0x9b: {  	s6 =	simm.s32 $_size__tile_overlayer_lowered;
	s7 =	simm.s32 $_tile_overlayer_lowered  }
0x9c: {  	s22 =	simm.s32 $0x1BFF;
	s21 =	sshll.u32 s7, $0x1;
	s4 =	sadd.s32 s5, s19  }
0x9d: {  	s8 =	simm.s32 $0x0;
	s20 =	sshll.u32 s6, $0x1;
	s6 =	sadd.s32 s21, s4  }
0x9e: {  	[timem:s8], [sflag:s22] =	dma.local [hbm:s6], s20  }
0x9f: {  	_ =	swait.ge [sflag:s22], s20  }
0xa0: {  	s5 =	ssub.s32 $0x0, s20;
	[sflag:s22] =	ssyncset.done $0x0  }
0xa1: {  	[sflag:s22] =	ssyncadd.s32 s5;
	_ =	sdelay $0x1  }
0xa2: {  	s23 =	simm.s32 $0x1B8B  }
0xa3: {  	_ =	swait.ge [sflag:s23], $0x1  }
0xa4: {  	[sflag:s23] =	ssyncset.done $0x0  }
0xa5: {  	s25 =	simm.s32 $0x1B8E;
	s24 =	sld [smem:$0x3FFE];
	[sflag:s23] =	ssyncadd.s32 $0xFFFFFFFF  }
0xa6: {  	s26 =	simm.s32 $execute0_lowered;
	[smem:$0x3FD2] =	sst s25  }
0xa7: {  	s6 =	sshll.u32 s26, $0x1;
	_ =	strace $0x80000046;
	[dreg:$0x1] =	wrdreg $0xFFFFFFFF  }
0xa8: {  	s28 =	simm.s32 $_size_execute0_lowered;
	s4 =	sadd.s32 s4, s6;
	[dreg:$0x0] =	wrdreg $0x0  }
0xa9: {  	s6 =	sshll.u32 s28, $0x1;
	[dreg:$0x2] =	wrdreg s4  }
0xaa: {  	[dreg:$0x3] =	wrdreg s6  }
0xab: {  	[dreg:$0x4] =	wrdreg $0xC0  }
0xac: {  	_ =	task [dreg:s8], $0x5FFFF  }
0xad: {  	[dreg:$0x1] =	wrdreg $0xFFFFFFFF  }
0xae: {  	[dreg:$0x0] =	wrdreg $0x60  }
0xaf: {  	[dreg:$0x2] =	wrdreg s2  }
0xb0: {  	[dreg:$0x3] =	wrdreg s24  }
0xb1: {  	[dreg:$0x4] =	wrdreg s18  }
0xb2: {  	[dreg:$0x5] =	wrdreg $0x9  }
0xb3: {  	_ =	task.clear_ibuf [dreg:s8], $0x6FFFF;
	_ =	strace $0x90000046  }
0xb4: {  	s29 =	simm.s32 $0x9;
	_ =	strace $0x80000048  }
0xb5: {  	_ =	swait.ge [sflag:s29], $0x1  }
0xb6: {  	[sflag:s29] =	ssyncadd.s32 $0xFFFFFFFF  }
0xb7: {  	_ =	strace $0x90000048  }
0xb8: {  	_ =	sfence  }
0xb9: {  	s30 =	sld [smem:$0x0];
	_ =	sdelay $0x2  }
0xba: {  	s31 =	sshll.u32 s1, $0xD;
	s1 =	sshrl.u32 s1, $0x2  }
0xbb: {  	s3 =	sand.u32 $0x4000, s31;
	s1 =	sadd.s32 s1, s30  }
0xbc: {  	s0 =	sor.u32 s3, s0;
	s1 =	sshll.u32 s1, $0x11  }
0xbd: {  	s0 =	sor.u32 s1, s0  }
0xbe: {  	s0 =	sadd.s32 $0x8F2B, s0  }
0xbf: {  	[sflag:s0] =	ssyncadd.remote.s32 $0x1  }
0xc0: {  	_ =	sfence.sel $0xFFFF  }
0xc1: {  	[dreg:$0x0] =	wrdreg $0xFFFFFFFF;
	(pc) =	sbr.abs _section_cstart, $3  }
0xc2: {  	[dreg:$0x1] =	wrdreg $0xFFFFFFFF  }
0xc3: {  	_ =	task.clear_ibuf [dreg:s8], $0x2FFFF;
	_ =	strace $0x9FFFFFFF  }
0xc4: {  	(tm) =	ssettm $0x7FFFFFFF  }
0xc5: {  	_ =	shalt  }
tec
execute0_lowered:
.L_overlay_start_1:
0x0: {  	(tag) =	ssettag $0x1  }
0x1: {  	s2 =	rddreg [dreg:$0x0]  }
0x2: {  	s0 =	srdreg.scid;
	s5 =	rddreg [dreg:$0x1]  }
0x3: {  	s1 =	stileid.u32;
	s4 =	rddreg [dreg:$0x2];
	s8 =	simm.s32 $0x0  }
0x4: {  	s10 =	simm.s32 $0x80;
	s11 =	simm.s32 $0x400;
	s12 =	simm.s32 $0x5  }
0x5: {  	s13 =	simm.s32 $0x100;
	s15 =	simm.s32 $0x600;
	s17 =	simm.s32 $0x8600  }
0x6: {  	s18 =	simm.s32 $0x1;
	s0 =	sand.u32 $0x1, s0;
	s1 =	sshll.u32 s1, $0x1  }
0x7: {  	s19 =	simm.s32 $0x800;
	s20 =	simm.s32 $0x20000;
	s1 =	sor.u32 s0, s1  }
0x8: {  	s21 =	simm.s32 $0x10600;
	s22 =	simm.s32 $0x3;
	s3 =	smul.u32 $0x64, s1  }
0x9: {  	v0 =	vlaneseq.u32;
	s23 =	simm.s32 $0x2;
	[smem:$0x7FF] =	sst s8;
	s1 =	smul.u32 $0x12000, s1  }
0xa: {  	v0 =	vmul.u32 $0x80, v0;
	_ =	strace $0x80000047;
	s0 =	ssub.s32 $0x2, s0;
	s6 =	sshll.u32 s3, $0x8  }
0xb: {  	s1 =	sand.u32 $0x1E000, s1;
	s7 =	sshll.u32 s3, $0x1;
	s6 =	sand.u32 $0xE0000, s6  }
0xc: {  	s30 =	sshrl.u32 s0, $0x1;
	v1 =	vor.u32 $0x800, v0;
	v2 =	vor.u32 $0x1000, v0;
	v3 =	vor.u32 $0x1800, v0;
	s29 =	sand.u32 $0x380, s7;
	s1 =	sor.u32 s1, s6  }
0xd: {  	v4 =	vor.u32 $0x2000, v0;
	v5 =	vor.u32 $0x2800, v0;
	v6 =	vor.u32 $0x3000, v0;
	s0 =	ssub.s32 s0, s30;
	s31 =	sor.u32 $0x2, s3;
	s1 =	sor.u32 s29, s1  }
0xe: {  	v7 =	vor.u32 $0x3800, v0;
	v8 =	vor.u32 $0x4000, v0;
	v9 =	vor.u32 $0x4800, v0;
	s0 =	smax.u32 s0, $0x1;
	[dreg:$0x5] =	wrdreg s31;
	s1 =	sshrl.u32 s1, $0x3  }
0xf: {  	s24 =	simm.s32 $0x12600;
	v10 =	vor.u32 $0x5000, v0;
	v11 =	vor.u32 $0x5800, v0;
	v12 =	vor.u32 $0x6000, v0;
	[dreg:$0x6] =	wrdreg s0;
	s1 =	sadd.s32 s2, s1  }
0x10: {  	v13 =	vor.u32 $0x6800, v0;
	v14 =	vor.u32 $0x7000, v0;
	v15 =	vor.u32 $0x7800, v0;
	s6 =	sadd.s32 $0xF42800, s5;
	s5 =	simm.s32 $0x0;
	[dreg:$0x4] =	wrdreg s1  }
.LBB2_1:
0x11: {  	[dreg:$0x7] =	wrdreg s5  }
0x12: {  	s0 =	simm.s32 $0x0;
	s1 =	rddreg [dreg:$0x4]  }
0x13: {  	[tilespmem:s0], [sflag:$0x5] =	stream.strided.gather [hbm4b:s1+s10], $0x100, s11, s10, $0x38;
	[tilespmem:$0x14600] =	vst v63  }
0x14: {  	_ =	swait.ge [sflag:s12], $0x100  }
0x15: {  	[sflag:s12] =	ssyncset.done $0x0  }
0x16: {  	[sflag:s12] =	ssyncadd.s32 $0xFFFFFF00  }
0x17: {  	v16 =	vld [tilespmem:$0x0];
	_ =	sdelay $0x1  }
0x18: {  	v17 =	vld [tilespmem:$0x10];
	_ =	sdelay $0x1  }
0x19: {  	v18 =	vld [tilespmem:$0x20]  }
0x1a: {  	v19 =	vshrl.u32 v16, $0x2;
	v16 =	vshll.u32 v16, $0x5  }
0x1b: {  	v55 =	vld [tilespmem:$0x30];
	[tilespmem:$0x200] =	vst v19;
	v16 =	vand.u32 $0x60, v16  }
0x1c: {  	[tilespmem:$0x400] =	vst v16;
	v16 =	vshrl.u32 v17, $0x2;
	v17 =	vshll.u32 v17, $0x5  }
0x1d: {  	[tilespmem:$0x210] =	vst v16;
	v16 =	vand.u32 $0x60, v17;
	v17 =	vld [tilespmem:$0x40]  }
0x1e: {  	[tilespmem:$0x410] =	vst v16;
	v16 =	vshrl.u32 v18, $0x2;
	v18 =	vshll.u32 v18, $0x5  }
0x1f: {  	v56 =	vld [tilespmem:$0x50];
	[tilespmem:$0x220] =	vst v16;
	v16 =	vand.u32 $0x60, v18  }
0x20: {  	v19 =	vshll.u32 v55, $0x5;
	[tilespmem:$0x420] =	vst v16;
	v16 =	vshrl.u32 v55, $0x2  }
0x21: {  	v57 =	vld [tilespmem:$0x60];
	[tilespmem:$0x230] =	vst v16;
	v16 =	vand.u32 $0x60, v19  }
0x22: {  	[tilespmem:$0x430] =	vst v16;
	v16 =	vshrl.u32 v17, $0x2;
	v17 =	vshll.u32 v17, $0x5  }
0x23: {  	[tilespmem:$0x240] =	vst v16;
	v16 =	vand.u32 $0x60, v17;
	v17 =	vld [tilespmem:$0x70]  }
0x24: {  	v18 =	vshll.u32 v56, $0x5;
	[tilespmem:$0x440] =	vst v16;
	v16 =	vshrl.u32 v56, $0x2  }
0x25: {  	v58 =	vld [tilespmem:$0x80];
	[tilespmem:$0x250] =	vst v16;
	v16 =	vand.u32 $0x60, v18  }
0x26: {  	v19 =	vshll.u32 v57, $0x5;
	[tilespmem:$0x450] =	vst v16;
	v16 =	vshrl.u32 v57, $0x2  }
0x27: {  	v59 =	vld [tilespmem:$0x90];
	[tilespmem:$0x260] =	vst v16;
	v16 =	vand.u32 $0x60, v19  }
0x28: {  	[tilespmem:$0x460] =	vst v16;
	v16 =	vshrl.u32 v17, $0x2;
	v17 =	vshll.u32 v17, $0x5  }
0x29: {  	[tilespmem:$0x270] =	vst v16;
	v16 =	vand.u32 $0x60, v17;
	v17 =	vld [tilespmem:$0xA0]  }
0x2a: {  	v18 =	vshll.u32 v58, $0x5;
	[tilespmem:$0x470] =	vst v16;
	v16 =	vshrl.u32 v58, $0x2  }
0x2b: {  	v60 =	vld [tilespmem:$0xB0];
	[tilespmem:$0x280] =	vst v16;
	v16 =	vand.u32 $0x60, v18  }
0x2c: {  	v19 =	vshll.u32 v59, $0x5;
	[tilespmem:$0x480] =	vst v16;
	v16 =	vshrl.u32 v59, $0x2  }
0x2d: {  	v61 =	vld [tilespmem:$0xC0];
	[tilespmem:$0x290] =	vst v16;
	v16 =	vand.u32 $0x60, v19  }
0x2e: {  	[tilespmem:$0x490] =	vst v16;
	v16 =	vshrl.u32 v17, $0x2;
	v17 =	vshll.u32 v17, $0x5  }
0x2f: {  	[tilespmem:$0x2A0] =	vst v16;
	v16 =	vand.u32 $0x60, v17;
	v17 =	vld [tilespmem:$0xD0]  }
0x30: {  	v18 =	vshll.u32 v60, $0x5;
	[tilespmem:$0x4A0] =	vst v16;
	v16 =	vshrl.u32 v60, $0x2  }
0x31: {  	v62 =	vld [tilespmem:$0xE0];
	[tilespmem:$0x2B0] =	vst v16;
	v16 =	vand.u32 $0x60, v18  }
0x32: {  	v19 =	vshll.u32 v61, $0x5;
	[tilespmem:$0x4B0] =	vst v16;
	v16 =	vshrl.u32 v61, $0x2  }
0x33: {  	v63 =	vld [tilespmem:$0xF0];
	[tilespmem:$0x2C0] =	vst v16;
	v16 =	vand.u32 $0x60, v19  }
0x34: {  	[tilespmem:$0x4C0] =	vst v16;
	v16 =	vshrl.u32 v17, $0x2;
	v17 =	vshll.u32 v17, $0x5  }
0x35: {  	[tilespmem:$0x2D0] =	vst v16;
	v16 =	vand.u32 $0x60, v17  }
0x36: {  	v17 =	vshll.u32 v62, $0x5;
	[tilespmem:$0x4D0] =	vst v16;
	v16 =	vshrl.u32 v62, $0x2  }
0x37: {  	[tilespmem:$0x2E0] =	vst v16;
	v16 =	vand.u32 $0x60, v17  }
0x38: {  	v17 =	vshll.u32 v63, $0x5;
	[tilespmem:$0x4E0] =	vst v16;
	v16 =	vshrl.u32 v63, $0x2  }
0x39: {  	[tilespmem:$0x2F0] =	vst v16;
	v16 =	vand.u32 $0x60, v17  }
0x3a: {  	s31 =	simm.s32 $0x200;
	s28 =	simm.s32 $0x0;
	[tilespmem:$0x4F0] =	vst v16  }
0x3b: {  	[tilespmem:s15], [sflag:$0x1] =	stream.indirect.gather [hbm4b:s6+s13], $0x80, s31, s13, $0xb8;
	[tilespmem:$0x14600] =	vst v63  }
.LBB2_2:
0x3c: {  	s31 =	sshll.u32 s28, $0x1  }
0x3d: {  	s0 =	sadd.s32 s31, s3  }
0x3e: {  	s7 =	sadd.s32 $0x1, s0  }
0x3f: {  	p0 =	seq.s32 s28, $0x0;
	s0 =	sshll.u32 s7, $0x8;
	s1 =	sshll.u32 s7, $0x1  }
0x40: {  	s5 =	sshll.u32 s7, $0xB;
	s0 =	sand.u32 $0x7FFE0000, s0;
	s1 =	sand.u32 $0x380, s1  }
0x41: {  	s8 =	simm.s32 @!p0 $0x4;
	s29 =	sand.u32 $0x1F800, s5;
	s0 =	sor.u32 s0, s1  }
0x42: {  	_ =	swait.ge @!p0 [sflag:s8], $0x2000;
	s0 =	sor.u32 s29, s0  }
0x43: {  	[sflag:s8] =	ssyncset.done @!p0 $0x0;
	s0 =	sshrl.u32 s0, $0x3  }
0x44: {  	[sflag:s8] =	ssyncadd.s32 @!p0 $0xFFFFE000;
	s0 =	sadd.s32 s2, s0  }
0x45: {  	[tilespmem:s13], [sflag:$0x5] =	stream.strided.gather [hbm4b:s0+s10], $0x100, s11, s10, $0x38;
	[tilespmem:$0x14600] =	vst v63  }
0x46: {  	_ =	swait.ge [sflag:s12], $0x100  }
0x47: {  	[sflag:s12] =	ssyncset.done $0x0  }
0x48: {  	[sflag:s12] =	ssyncadd.s32 $0xFFFFFF00  }
0x49: {  	v16 =	vld [tilespmem:$0x100];
	_ =	sdelay $0x1  }
0x4a: {  	v17 =	vld [tilespmem:$0x110];
	_ =	sdelay $0x1  }
0x4b: {  	v18 =	vld [tilespmem:$0x120]  }
0x4c: {  	v19 =	vshrl.u32 v16, $0x2;
	v16 =	vshll.u32 v16, $0x5  }
0x4d: {  	[tilespmem:$0x300] =	vst v19;
	v16 =	vand.u32 $0x60, v16;
	v19 =	vld [tilespmem:$0x130]  }
0x4e: {  	[tilespmem:$0x500] =	vst v16;
	v16 =	vshrl.u32 v17, $0x2;
	v17 =	vshll.u32 v17, $0x5  }
0x4f: {  	[tilespmem:$0x310] =	vst v16;
	v16 =	vand.u32 $0x60, v17;
	v17 =	vld [tilespmem:$0x140]  }
0x50: {  	[tilespmem:$0x510] =	vst v16;
	v16 =	vshrl.u32 v18, $0x2;
	v18 =	vshll.u32 v18, $0x5  }
0x51: {  	[tilespmem:$0x320] =	vst v16;
	v16 =	vand.u32 $0x60, v18;
	v18 =	vld [tilespmem:$0x150]  }
0x52: {  	[tilespmem:$0x520] =	vst v16;
	v16 =	vshrl.u32 v19, $0x2;
	v19 =	vshll.u32 v19, $0x5  }
0x53: {  	[tilespmem:$0x330] =	vst v16;
	v16 =	vand.u32 $0x60, v19;
	v19 =	vld [tilespmem:$0x160]  }
0x54: {  	[tilespmem:$0x530] =	vst v16;
	v16 =	vshrl.u32 v17, $0x2;
	v17 =	vshll.u32 v17, $0x5  }
0x55: {  	[tilespmem:$0x340] =	vst v16;
	v16 =	vand.u32 $0x60, v17;
	v17 =	vld [tilespmem:$0x170]  }
0x56: {  	[tilespmem:$0x540] =	vst v16;
	v16 =	vshrl.u32 v18, $0x2;
	v18 =	vshll.u32 v18, $0x5  }
0x57: {  	[tilespmem:$0x350] =	vst v16;
	v16 =	vand.u32 $0x60, v18;
	v18 =	vld [tilespmem:$0x180]  }
0x58: {  	[tilespmem:$0x550] =	vst v16;
	v16 =	vshrl.u32 v19, $0x2;
	v19 =	vshll.u32 v19, $0x5  }
0x59: {  	[tilespmem:$0x360] =	vst v16;
	v16 =	vand.u32 $0x60, v19;
	v19 =	vld [tilespmem:$0x190]  }
0x5a: {  	[tilespmem:$0x560] =	vst v16;
	v16 =	vshrl.u32 v17, $0x2;
	v17 =	vshll.u32 v17, $0x5  }
0x5b: {  	[tilespmem:$0x370] =	vst v16;
	v16 =	vand.u32 $0x60, v17;
	v17 =	vld [tilespmem:$0x1A0]  }
0x5c: {  	[tilespmem:$0x570] =	vst v16;
	v16 =	vshrl.u32 v18, $0x2;
	v18 =	vshll.u32 v18, $0x5  }
0x5d: {  	[tilespmem:$0x380] =	vst v16;
	v16 =	vand.u32 $0x60, v18;
	v18 =	vld [tilespmem:$0x1B0]  }
0x5e: {  	[tilespmem:$0x580] =	vst v16;
	v16 =	vshrl.u32 v19, $0x2;
	v19 =	vshll.u32 v19, $0x5  }
0x5f: {  	[tilespmem:$0x390] =	vst v16;
	v16 =	vand.u32 $0x60, v19;
	v19 =	vld [tilespmem:$0x1C0]  }
0x60: {  	[tilespmem:$0x590] =	vst v16;
	v16 =	vshrl.u32 v17, $0x2;
	v17 =	vshll.u32 v17, $0x5  }
0x61: {  	[tilespmem:$0x3A0] =	vst v16;
	v16 =	vand.u32 $0x60, v17;
	v17 =	vld [tilespmem:$0x1D0]  }
0x62: {  	[tilespmem:$0x5A0] =	vst v16;
	v16 =	vshrl.u32 v18, $0x2;
	v18 =	vshll.u32 v18, $0x5  }
0x63: {  	[tilespmem:$0x3B0] =	vst v16;
	v16 =	vand.u32 $0x60, v18;
	v18 =	vld [tilespmem:$0x1E0]  }
0x64: {  	[tilespmem:$0x5B0] =	vst v16;
	v16 =	vshrl.u32 v19, $0x2;
	v19 =	vshll.u32 v19, $0x5  }
0x65: {  	[tilespmem:$0x3C0] =	vst v16;
	v16 =	vand.u32 $0x60, v19;
	v19 =	vld [tilespmem:$0x1F0]  }
0x66: {  	[tilespmem:$0x5C0] =	vst v16;
	v16 =	vshrl.u32 v17, $0x2;
	v17 =	vshll.u32 v17, $0x5  }
0x67: {  	[tilespmem:$0x3D0] =	vst v16;
	v16 =	vand.u32 $0x60, v17  }
0x68: {  	[tilespmem:$0x5D0] =	vst v16;
	v16 =	vshrl.u32 v18, $0x2;
	v17 =	vshll.u32 v18, $0x5  }
0x69: {  	[tilespmem:$0x3E0] =	vst v16;
	v16 =	vand.u32 $0x60, v17  }
0x6a: {  	[tilespmem:$0x5E0] =	vst v16;
	v16 =	vshrl.u32 v19, $0x2;
	v17 =	vshll.u32 v19, $0x5  }
0x6b: {  	[tilespmem:$0x3F0] =	vst v16;
	v16 =	vand.u32 $0x60, v17  }
0x6c: {  	s26 =	simm.s32 $0x300;
	[tilespmem:$0x5F0] =	vst v16  }
0x6d: {  	[tilespmem:s17], [sflag:$0x2] =	stream.indirect.gather [hbm4b:s6+s13], $0x80, s26, s13, $0xb8;
	[tilespmem:$0x14600] =	vst v63  }
0x6e: {  	_ =	swait.ge [sflag:s18], $0x8000  }
0x6f: {  	[sflag:s18] =	ssyncset.done $0x0  }
0x70: {  	[sflag:s18] =	ssyncadd.s32 $0xFFFF8000  }
0x71: {  	v31 =	vld [tilespmem:$0x400]  }
0x72: {  	v30 =	vld [tilespmem:$0x410]  }
0x73: {  	v29 =	vld [tilespmem:$0x420]  }
0x74: {  	v28 =	vld [tilespmem:$0x430]  }
0x75: {  	v27 =	vld [tilespmem:$0x440]  }
0x76: {  	v26 =	vld [tilespmem:$0x450]  }
0x77: {  	v25 =	vld [tilespmem:$0x460]  }
0x78: {  	v24 =	vld [tilespmem:$0x470]  }
0x79: {  	v23 =	vld [tilespmem:$0x480]  }
0x7a: {  	s5 =	simm.s32 $0x0;
	v22 =	vld [tilespmem:$0x490]  }
0x7b: {  	s16 =	simm.s32 $0x1;
	v21 =	vld [tilespmem:$0x4A0];
	v16 =	vadd.s32 s5, v31  }
0x7c: {  	s25 =	simm.s32 $0x3;
	s9 =	simm.s32 $0x4;
	v20 =	vld [tilespmem:$0x4B0];
	v17 =	vadd.s32 s16, v31;
	v32 =	vadd.s32 v0, v16  }
0x7d: {  	s14 =	simm.s32 $0x5;
	s1 =	simm.s32 $0x7;
	v19 =	vld [tilespmem:$0x4C0];
	v36 =	vadd.s32 s25, v31;
	v37 =	vadd.s32 s9, v31;
	v34 =	vadd.s32 v0, v17  }
0x7e: {  	s8 =	simm.s32 $0x2;
	v18 =	vld [tilespmem:$0x4D0];
	v38 =	vadd.s32 s14, v31;
	v16 =	vadd.s32 s1, v31;
	v36 =	vadd.s32 v0, v36  }
0x7f: {  	s26 =	simm.s32 $0x6;
	v17 =	vld [tilespmem:$0x4E0];
	v37 =	vadd.s32 v0, v37;
	v33 =	vadd.s32 v0, v16;
	v16 =	vadd.s32 s8, v31  }
0x80: {  	v39 =	vadd.s32 s26, v31;
	v38 =	vadd.s32 v0, v38;
	v35 =	vadd.s32 v0, v16;
	v16 =	vld [tilespmem:$0x4F0]  }
0x81: {  	v39 =	vadd.s32 v0, v39;
	v32 =	vld.idx.msk [tilespmem:v32+s15+$0x0], $0xffff  }
0x82: {  	v34 =	vld.idx.msk [tilespmem:v34+s15+$0x0], $0xffff  }
0x83: {  	v41 =	vadd.s32 s16, v30;
	v36 =	vld.idx.msk [tilespmem:v36+s15+$0x0], $0xffff  }
0x84: {  	v43 =	vadd.s32 s25, v30;
	v41 =	vadd.s32 v1, v41;
	v37 =	vld.idx.msk [tilespmem:v37+s15+$0x0], $0xffff  }
0x85: {  	v44 =	vadd.s32 s9, v30;
	v43 =	vadd.s32 v1, v43;
	v38 =	vld.idx.msk [tilespmem:v38+s15+$0x0], $0xffff  }
0x86: {  	s0 =	simm.s32 $0x10A00;
	v45 =	vadd.s32 s14, v30;
	v44 =	vadd.s32 v1, v44;
	v39 =	vld.idx.msk [tilespmem:v39+s15+$0x0], $0xffff  }
0x87: {  	v59 =	vadd.s32 s5, v30;
	v56 =	vadd.s32 v1, v45;
	v33 =	vld.idx.msk [tilespmem:v33+s15+$0x0], $0xffff;
	[tilespmem:s0+$0xFFFFFC80] =	vst v34  }
0x88: {  	v40 =	vadd.s32 s1, v30;
	v60 =	vadd.s32 v1, v59;
	v35 =	vld.idx.msk [tilespmem:v35+s15+$0x0], $0xffff;
	[tilespmem:s0+$0xFFFFFD80] =	vst v36  }
0x89: {  	v42 =	vadd.s32 s8, v30;
	v40 =	vadd.s32 v1, v40;
	[tilespmem:s0+$0xFFFFFE00] =	vst v37;
	v41 =	vld.idx.msk [tilespmem:v41+s15+$0x0], $0xffff  }
0x8a: {  	v42 =	vadd.s32 v1, v42;
	[tilespmem:s0+$0xFFFFFE80] =	vst v38;
	v43 =	vld.idx.msk [tilespmem:v43+s15+$0x0], $0xffff  }
0x8b: {  	v57 =	vadd.s32 s26, v30;
	[tilespmem:s0+$0xFFFFFC00] =	vst v32;
	v44 =	vld.idx.msk [tilespmem:v44+s15+$0x0], $0xffff  }
0x8c: {  	v61 =	vadd.s32 s16, v29;
	v34 =	vadd.s32 v1, v57;
	[tilespmem:s0+$0xFFFFFF80] =	vst v33;
	v33 =	vld.idx.msk [tilespmem:v56+s15+$0x0], $0xffff  }
0x8d: {  	v49 =	vadd.s32 s25, v29;
	v62 =	vadd.s32 v2, v61;
	[tilespmem:s0+$0xFFFFFF00] =	vst v39;
	v36 =	vld.idx.msk [tilespmem:v60+s15+$0x0], $0xffff  }
0x8e: {  	v51 =	vadd.s32 s9, v29;
	v50 =	vadd.s32 v2, v49;
	v40 =	vld.idx.msk [tilespmem:v40+s15+$0x0], $0xffff;
	[tilespmem:s0+$0xFFFFFD00] =	vst v35  }
0x8f: {  	v52 =	vadd.s32 v2, v51;
	v56 =	vadd.s32 s5, v29;
	v42 =	vld.idx.msk [tilespmem:v42+s15+$0x0], $0xffff;
	[tilespmem:s0+$0xFFFFFC90] =	vst v41  }
0x90: {  	v58 =	vadd.s32 s1, v29;
	v57 =	vadd.s32 v2, v56;
	[tilespmem:s0+$0xFFFFFD90] =	vst v43  }
0x91: {  	v63 =	vadd.s32 s8, v29;
	v35 =	vadd.s32 v2, v58;
	v34 =	vld.idx.msk [tilespmem:v34+s15+$0x0], $0xffff;
	[tilespmem:s0+$0xFFFFFE10] =	vst v44  }
0x92: {  	v53 =	vadd.s32 s14, v29;
	v48 =	vadd.s32 v2, v63;
	[tilespmem:s0+$0xFFFFFC10] =	vst v36;
	v37 =	vld.idx.msk [tilespmem:v62+s15+$0x0], $0xffff  }
0x93: {  	v55 =	vadd.s32 s26, v29;
	[tilespmem:s0+$0xFFFFFF90] =	vst v40;
	v40 =	vadd.s32 v2, v53;
	v39 =	vld.idx.msk [tilespmem:v50+s15+$0x0], $0xffff  }
0x94: {  	v58 =	vadd.s32 s16, v28;
	v32 =	vld.idx.msk [tilespmem:v52+s15+$0x0], $0xffff;
	[tilespmem:s0+$0xFFFFFD10] =	vst v42;
	v42 =	vadd.s32 v2, v55  }
0x95: {  	v59 =	vadd.s32 v3, v58;
	v62 =	vadd.s32 s25, v28;
	v43 =	vld.idx.msk [tilespmem:v57+s15+$0x0], $0xffff  }
0x96: {  	v54 =	vadd.s32 s1, v28;
	[tilespmem:s0+$0xFFFFFE90] =	vst v33;
	v35 =	vld.idx.msk [tilespmem:v35+s15+$0x0], $0xffff;
	v63 =	vadd.s32 v3, v62  }
0x97: {  	v41 =	vadd.s32 v3, v54;
	v55 =	vadd.s32 s5, v28;
	v38 =	vld.idx.msk [tilespmem:v48+s15+$0x0], $0xffff;
	[tilespmem:s0+$0xFFFFFF10] =	vst v34  }
0x98: {  	v60 =	vadd.s32 s8, v28;
	v56 =	vadd.s32 v3, v55;
	v40 =	vld.idx.msk [tilespmem:v40+s15+$0x0], $0xffff;
	[tilespmem:s0+$0xFFFFFCA0] =	vst v37  }
0x99: {  	v61 =	vadd.s32 v3, v60;
	v48 =	vadd.s32 s9, v28;
	[tilespmem:s0+$0xFFFFFDA0] =	vst v39;
	v51 =	vld.idx.msk [tilespmem:v42+s15+$0x0], $0xffff  }
0x9a: {  	v53 =	vadd.s32 s14, v28;
	v50 =	vadd.s32 v3, v48;
	[tilespmem:s0+$0xFFFFFC20] =	vst v43;
	v44 =	vld.idx.msk [tilespmem:v59+s15+$0x0], $0xffff  }
0x9b: {  	v54 =	vadd.s32 s26, v28;
	v37 =	vadd.s32 v3, v53;
	[tilespmem:s0+$0xFFFFFFA0] =	vst v35;
	v35 =	vld.idx.msk [tilespmem:v63+s15+$0x0], $0xffff  }
0x9c: {  	v57 =	vadd.s32 s16, v27;
	v49 =	vld.idx.msk [tilespmem:v41+s15+$0x0], $0xffff;
	[tilespmem:s0+$0xFFFFFD20] =	vst v38;
	v38 =	vadd.s32 v3, v54  }
0x9d: {  	v52 =	vadd.s32 s1, v27;
	v58 =	vadd.s32 v4, v57;
	[tilespmem:s0+$0xFFFFFE20] =	vst v32;
	v39 =	vld.idx.msk [tilespmem:v56+s15+$0x0], $0xffff  }
0x9e: {  	v42 =	vadd.s32 v4, v52;
	v59 =	vadd.s32 s8, v27;
	v33 =	vld.idx.msk [tilespmem:v61+s15+$0x0], $0xffff;
	[tilespmem:s0+$0xFFFFFEA0] =	vst v40  }
0x9f: {  	v60 =	vadd.s32 v4, v59;
	v36 =	vld.idx.msk [tilespmem:v50+s15+$0x0], $0xffff;
	v61 =	vadd.s32 s25, v27;
	[tilespmem:s0+$0xFFFFFF20] =	vst v51  }
0xa0: {  	v47 =	vadd.s32 s9, v27;
	v63 =	vadd.s32 v4, v61;
	v37 =	vld.idx.msk [tilespmem:v37+s15+$0x0], $0xffff;
	[tilespmem:s0+$0xFFFFFCB0] =	vst v44  }
0xa1: {  	v48 =	vadd.s32 s14, v27;
	v43 =	vadd.s32 v4, v47;
	[tilespmem:s0+$0xFFFFFDB0] =	vst v35;
	v38 =	vld.idx.msk [tilespmem:v38+s15+$0x0], $0xffff  }
0xa2: {  	v51 =	vadd.s32 s5, v27;
	[tilespmem:s0+$0xFFFFFFB0] =	vst v49;
	v32 =	vld.idx.msk [tilespmem:v58+s15+$0x0], $0xffff;
	v49 =	vadd.s32 v4, v48  }
0xa3: {  	v50 =	vadd.s32 s26, v27;
	v53 =	vadd.s32 v4, v51;
	v62 =	vld.idx.msk [tilespmem:v42+s15+$0x0], $0xffff;
	[tilespmem:s0+$0xFFFFFD30] =	vst v33  }
0xa4: {  	v54 =	vadd.s32 s16, v26;
	v52 =	vadd.s32 v4, v50;
	[tilespmem:s0+$0xFFFFFC30] =	vst v39;
	v34 =	vld.idx.msk [tilespmem:v60+s15+$0x0], $0xffff  }
0xa5: {  	v46 =	vadd.s32 s1, v26;
	v55 =	vadd.s32 v5, v54;
	[tilespmem:s0+$0xFFFFFE30] =	vst v36;
	v42 =	vld.idx.msk [tilespmem:v63+s15+$0x0], $0xffff  }
0xa6: {  	v41 =	vadd.s32 v5, v46;
	v56 =	vadd.s32 s8, v26;
	v43 =	vld.idx.msk [tilespmem:v43+s15+$0x0], $0xffff;
	[tilespmem:s0+$0xFFFFFEB0] =	vst v37  }
0xa7: {  	v58 =	vadd.s32 v5, v56;
	v60 =	vadd.s32 s25, v26;
	v33 =	vld.idx.msk [tilespmem:v49+s15+$0x0], $0xffff;
	[tilespmem:s0+$0xFFFFFF30] =	vst v38  }
0xa8: {  	v47 =	vadd.s32 s14, v26;
	v61 =	vadd.s32 v5, v60;
	v44 =	vld.idx.msk [tilespmem:v53+s15+$0x0], $0xffff;
	[tilespmem:s0+$0xFFFFFCC0] =	vst v32  }
0xa9: {  	v50 =	vadd.s32 s5, v26;
	v48 =	vadd.s32 v5, v47;
	[tilespmem:s0+$0xFFFFFFC0] =	vst v62;
	v35 =	vld.idx.msk [tilespmem:v52+s15+$0x0], $0xffff  }
0xaa: {  	v51 =	vadd.s32 v5, v50;
	v62 =	vadd.s32 s9, v26;
	v40 =	vld.idx.msk [tilespmem:v55+s15+$0x0], $0xffff;
	[tilespmem:s0+$0xFFFFFD40] =	vst v34  }
0xab: {  	v59 =	vadd.s32 s1, v25;
	v57 =	vld.idx.msk [tilespmem:v41+s15+$0x0], $0xffff;
	v63 =	vadd.s32 v5, v62;
	[tilespmem:s0+$0xFFFFFDC0] =	vst v42  }
0xac: {  	v37 =	vadd.s32 v6, v59;
	v49 =	vadd.s32 s26, v26;
	[tilespmem:s0+$0xFFFFFE40] =	vst v43;
	v41 =	vld.idx.msk [tilespmem:v58+s15+$0x0], $0xffff  }
0xad: {  	v39 =	vadd.s32 v5, v49;
	v52 =	vadd.s32 s16, v25;
	v38 =	vld.idx.msk [tilespmem:v61+s15+$0x0], $0xffff;
	[tilespmem:s0+$0xFFFFFEC0] =	vst v33  }
0xae: {  	v53 =	vadd.s32 v6, v52;
	v58 =	vadd.s32 s25, v25;
	[tilespmem:s0+$0xFFFFFC40] =	vst v44;
	v34 =	vld.idx.msk [tilespmem:v48+s15+$0x0], $0xffff  }
0xaf: {  	v55 =	vadd.s32 s8, v25;
	v59 =	vadd.s32 v6, v58;
	[tilespmem:s0+$0xFFFFFF40] =	vst v35;
	v36 =	vld.idx.msk [tilespmem:v51+s15+$0x0], $0xffff  }
0xb0: {  	v62 =	vadd.s32 s14, v25;
	[tilespmem:s0+$0xFFFFFFD0] =	vst v57;
	v32 =	vld.idx.msk [tilespmem:v63+s15+$0x0], $0xffff;
	v57 =	vadd.s32 v6, v55  }
0xb1: {  	v60 =	vadd.s32 s9, v25;
	v44 =	vadd.s32 v6, v62;
	[tilespmem:s0+$0xFFFFFCD0] =	vst v40;
	v37 =	vld.idx.msk [tilespmem:v37+s15+$0x0], $0xffff  }
0xb2: {  	v54 =	vadd.s32 s1, v24;
	v61 =	vadd.s32 v6, v60;
	v39 =	vld.idx.msk [tilespmem:v39+s15+$0x0], $0xffff;
	[tilespmem:s0+$0xFFFFFD50] =	vst v41  }
0xb3: {  	v56 =	vadd.s32 v7, v54;
	v42 =	vld.idx.msk [tilespmem:v53+s15+$0x0], $0xffff;
	v63 =	vadd.s32 s26, v25;
	[tilespmem:s0+$0xFFFFFDD0] =	vst v38  }
0xb4: {  	v50 =	vadd.s32 s16, v24;
	v48 =	vadd.s32 v6, v63;
	v35 =	vld.idx.msk [tilespmem:v59+s15+$0x0], $0xffff;
	[tilespmem:s0+$0xFFFFFED0] =	vst v34  }
0xb5: {  	v47 =	vadd.s32 s5, v25;
	v52 =	vadd.s32 v7, v50;
	v43 =	vld.idx.msk [tilespmem:v57+s15+$0x0], $0xffff;
	[tilespmem:s0+$0xFFFFFE50] =	vst v32  }
0xb6: {  	v53 =	vadd.s32 s8, v24;
	v44 =	vld.idx.msk [tilespmem:v44+s15+$0x0], $0xffff;
	[tilespmem:s0+$0xFFFFFFE0] =	vst v37;
	v37 =	vadd.s32 v6, v47  }
0xb7: {  	v55 =	vadd.s32 s25, v24;
	v54 =	vadd.s32 v7, v53;
	[tilespmem:s0+$0xFFFFFC50] =	vst v36;
	v40 =	vld.idx.msk [tilespmem:v61+s15+$0x0], $0xffff  }
0xb8: {  	[tilespmem:s0+$0xFFFFFF50] =	vst v39;
	v57 =	vadd.s32 s9, v24;
	v33 =	vld.idx.msk [tilespmem:v56+s15+$0x0], $0xffff;
	v56 =	vadd.s32 v7, v55  }
0xb9: {  	v58 =	vadd.s32 s14, v24;
	[tilespmem:s0+$0xFFFFFCE0] =	vst v42;
	v41 =	vld.idx.msk [tilespmem:v48+s15+$0x0], $0xffff;
	v39 =	vadd.s32 v7, v57  }
0xba: {  	v49 =	vadd.s32 s1, v23;
	v59 =	vadd.s32 v7, v58;
	v38 =	vld.idx.msk [tilespmem:v52+s15+$0x0], $0xffff;
	[tilespmem:s0+$0xFFFFFDE0] =	vst v35  }
0xbb: {  	v60 =	vadd.s32 s26, v24;
	v51 =	vadd.s32 v8, v49;
	[tilespmem:s0+$0xFFFFFD60] =	vst v43;
	v37 =	vld.idx.msk [tilespmem:v37+s15+$0x0], $0xffff  }
0xbc: {  	v49 =	vadd.s32 s16, v23;
	v42 =	vadd.s32 v7, v60;
	[tilespmem:s0+$0xFFFFFEE0] =	vst v44;
	v34 =	vld.idx.msk [tilespmem:v54+s15+$0x0], $0xffff  }
0xbd: {  	v62 =	vadd.s32 s5, v24;
	v50 =	vadd.s32 v8, v49;
	[tilespmem:s0+$0xFFFFFE60] =	vst v40;
	v36 =	vld.idx.msk [tilespmem:v56+s15+$0x0], $0xffff  }
0xbe: {  	v53 =	vadd.s32 s25, v23;
	v48 =	vadd.s32 v7, v62;
	[tilespmem:s0+$0xFFFFFF60] =	vst v41;
	v39 =	vld.idx.msk [tilespmem:v39+s15+$0x0], $0xffff  }
0xbf: {  	v55 =	vadd.s32 s9, v23;
	v54 =	vadd.s32 v8, v53;
	[tilespmem:s0+$0xFFFFFFF0] =	vst v33;
	v33 =	vld.idx.msk [tilespmem:v59+s15+$0x0], $0xffff  }
0xc0: {  	v61 =	vadd.s32 s1, v22;
	[tilespmem:s0+$0xFFFFFCF0] =	vst v38;
	v56 =	vadd.s32 v8, v55;
	v32 =	vld.idx.msk [tilespmem:v51+s15+$0x0], $0xffff  }
0xc1: {  	v63 =	vadd.s32 v9, v61;
	v42 =	vld.idx.msk [tilespmem:v42+s15+$0x0], $0xffff;
	v51 =	vadd.s32 s8, v23;
	[tilespmem:s0+$0xFFFFFC60] =	vst v37  }
0xc2: {  	v57 =	vadd.s32 s14, v23;
	v40 =	vld.idx.msk [tilespmem:v50+s15+$0x0], $0xffff;
	v52 =	vadd.s32 v8, v51;
	[tilespmem:s0+$0xFFFFFD70] =	vst v34  }
0xc3: {  	v59 =	vadd.s32 s26, v23;
	v37 =	vadd.s32 v8, v57;
	v43 =	vld.idx.msk [tilespmem:v48+s15+$0x0], $0xffff;
	[tilespmem:s0+$0xFFFFFDF0] =	vst v36  }
0xc4: {  	v60 =	vadd.s32 s5, v23;
	v34 =	vadd.s32 v8, v59;
	[tilespmem:s0+$0xFFFFFE70] =	vst v39;
	v41 =	vld.idx.msk [tilespmem:v54+s15+$0x0], $0xffff  }
0xc5: {  	v62 =	vadd.s32 s16, v22;
	v61 =	vadd.s32 v8, v60;
	[tilespmem:s0+$0x380] =	vst v32;
	v32 =	vld.idx.msk [tilespmem:v56+s15+$0x0], $0xffff  }
0xc6: {  	v50 =	vadd.s32 s25, v22;
	[tilespmem:s0+$0xFFFFFEF0] =	vst v33;
	v35 =	vld.idx.msk [tilespmem:v63+s15+$0x0], $0xffff;
	v63 =	vadd.s32 v9, v62  }
0xc7: {  	v58 =	vadd.s32 s1, v21;
	v51 =	vadd.s32 v9, v50;
	[tilespmem:s0+$0xFFFFFF70] =	vst v42;
	v44 =	vld.idx.msk [tilespmem:v52+s15+$0x0], $0xffff  }
0xc8: {  	v38 =	vadd.s32 v10, v58;
	v48 =	vadd.s32 s8, v22;
	[tilespmem:s0+$0x80] =	vst v40;
	v37 =	vld.idx.msk [tilespmem:v37+s15+$0x0], $0xffff  }
0xc9: {  	v49 =	vadd.s32 v9, v48;
	v52 =	vadd.s32 s9, v22;
	v34 =	vld.idx.msk [tilespmem:v34+s15+$0x0], $0xffff;
	[tilespmem:s0+$0xFFFFFC70] =	vst v43  }
0xca: {  	v55 =	vadd.s32 s14, v22;
	v53 =	vadd.s32 v9, v52;
	v36 =	vld.idx.msk [tilespmem:v61+s15+$0x0], $0xffff;
	[tilespmem:s0+$0x180] =	vst v41  }
0xcb: {  	v40 =	vadd.s32 v9, v55;
	v56 =	vadd.s32 s26, v22;
	[tilespmem:s0+$0x200] =	vst v32;
	v39 =	vld.idx.msk [tilespmem:v63+s15+$0x0], $0xffff  }
0xcc: {  	v57 =	vadd.s32 s5, v22;
	v58 =	vadd.s32 v9, v56;
	[tilespmem:s0+$0x390] =	vst v35;
	v35 =	vld.idx.msk [tilespmem:v51+s15+$0x0], $0xffff  }
0xcd: {  	v60 =	vadd.s32 s16, v21;
	v59 =	vadd.s32 v9, v57;
	[tilespmem:s0+$0x100] =	vst v44;
	v38 =	vld.idx.msk [tilespmem:v38+s15+$0x0], $0xffff  }
0xce: {  	v54 =	vadd.s32 s1, v20;
	v61 =	vadd.s32 v10, v60;
	v33 =	vld.idx.msk [tilespmem:v49+s15+$0x0], $0xffff;
	[tilespmem:s0+$0x280] =	vst v37  }
0xcf: {  	v62 =	vadd.s32 s8, v21;
	v43 =	vadd.s32 v11, v54;
	v42 =	vld.idx.msk [tilespmem:v53+s15+$0x0], $0xffff;
	[tilespmem:s0+$0x300] =	vst v34  }
0xd0: {  	v48 =	vadd.s32 s25, v21;
	v63 =	vadd.s32 v10, v62;
	v40 =	vld.idx.msk [tilespmem:v40+s15+$0x0], $0xffff;
	[tilespmem:s0+$0x0] =	vst v36  }
0xd1: {  	v50 =	vadd.s32 v10, v48;
	v52 =	vadd.s32 s9, v21;
	v41 =	vld.idx.msk [tilespmem:v58+s15+$0x0], $0xffff;
	[tilespmem:s0+$0x90] =	vst v39  }
0xd2: {  	v53 =	vadd.s32 s14, v21;
	v36 =	vadd.s32 v10, v52;
	v44 =	vld.idx.msk [tilespmem:v59+s15+$0x0], $0xffff;
	[tilespmem:s0+$0x190] =	vst v35  }
0xd3: {  	v55 =	vadd.s32 s26, v21;
	v54 =	vadd.s32 v10, v53;
	[tilespmem:s0+$0x3A0] =	vst v38;
	v32 =	vld.idx.msk [tilespmem:v61+s15+$0x0], $0xffff  }
0xd4: {  	v57 =	vadd.s32 v10, v55;
	v56 =	vadd.s32 s5, v21;
	[tilespmem:s0+$0x110] =	vst v33;
	v49 =	vld.idx.msk [tilespmem:v43+s15+$0x0], $0xffff  }
0xd5: {  	v58 =	vadd.s32 v10, v56;
	v59 =	vadd.s32 s16, v20;
	[tilespmem:s0+$0x210] =	vst v42;
	v38 =	vld.idx.msk [tilespmem:v63+s15+$0x0], $0xffff  }
0xd6: {  	v51 =	vadd.s32 s1, v19;
	v60 =	vadd.s32 v11, v59;
	v43 =	vld.idx.msk [tilespmem:v50+s15+$0x0], $0xffff;
	[tilespmem:s0+$0x290] =	vst v40  }
0xd7: {  	v34 =	vadd.s32 v12, v51;
	v61 =	vadd.s32 s8, v20;
	[tilespmem:s0+$0x310] =	vst v41;
	v36 =	vld.idx.msk [tilespmem:v36+s15+$0x0], $0xffff  }
0xd8: {  	v62 =	vadd.s32 v11, v61;
	v50 =	vadd.s32 s9, v20;
	v33 =	vld.idx.msk [tilespmem:v54+s15+$0x0], $0xffff;
	[tilespmem:s0+$0x10] =	vst v44  }
0xd9: {  	v52 =	vadd.s32 s14, v20;
	v51 =	vadd.s32 v11, v50;
	v35 =	vld.idx.msk [tilespmem:v57+s15+$0x0], $0xffff;
	[tilespmem:s0+$0xA0] =	vst v32  }
0xda: {  	v53 =	vadd.s32 v11, v52;
	v54 =	vadd.s32 s26, v20;
	v39 =	vld.idx.msk [tilespmem:v58+s15+$0x0], $0xffff;
	[tilespmem:s0+$0x3B0] =	vst v49  }
0xdb: {  	v48 =	vadd.s32 s25, v20;
	v44 =	vadd.s32 v11, v54;
	v37 =	vld.idx.msk [tilespmem:v60+s15+$0x0], $0xffff;
	[tilespmem:s0+$0x120] =	vst v38  }
0xdc: {  	v63 =	vadd.s32 s1, v18;
	v49 =	vadd.s32 v11, v48;
	[tilespmem:s0+$0x1A0] =	vst v43;
	v34 =	vld.idx.msk [tilespmem:v34+s15+$0x0], $0xffff  }
0xdd: {  	v55 =	vadd.s32 s5, v20;
	v40 =	vadd.s32 v13, v63;
	v42 =	vld.idx.msk [tilespmem:v62+s15+$0x0], $0xffff;
	[tilespmem:s0+$0x220] =	vst v36  }
0xde: {  	v56 =	vadd.s32 v11, v55;
	v57 =	vadd.s32 s16, v19;
	[tilespmem:s0+$0x2A0] =	vst v33;
	v32 =	vld.idx.msk [tilespmem:v51+s15+$0x0], $0xffff  }
0xdf: {  	v58 =	vadd.s32 v12, v57;
	v60 =	vadd.s32 s8, v19;
	[tilespmem:s0+$0x320] =	vst v35;
	v38 =	vld.idx.msk [tilespmem:v53+s15+$0x0], $0xffff  }
0xe0: {  	v62 =	vadd.s32 v12, v60;
	v44 =	vld.idx.msk [tilespmem:v44+s15+$0x0], $0xffff;
	v51 =	vadd.s32 s14, v19;
	[tilespmem:s0+$0x20] =	vst v39  }
0xe1: {  	v52 =	vadd.s32 s26, v19;
	v39 =	vadd.s32 v12, v51;
	v41 =	vld.idx.msk [tilespmem:v49+s15+$0x0], $0xffff;
	[tilespmem:s0+$0x3C0] =	vst v34  }
0xe2: {  	v59 =	vadd.s32 s1, v17;
	v54 =	vadd.s32 v12, v52;
	v40 =	vld.idx.msk [tilespmem:v40+s15+$0x0], $0xffff  }
0xe3: {  	v61 =	vadd.s32 v14, v59;
	v49 =	vadd.s32 s9, v19;
	[tilespmem:s0+$0xB0] =	vst v37;
	v34 =	vld.idx.msk [tilespmem:v56+s15+$0x0], $0xffff  }
0xe4: {  	v63 =	vadd.s32 s25, v19;
	v50 =	vadd.s32 v12, v49;
	v43 =	vld.idx.msk [tilespmem:v58+s15+$0x0], $0xffff;
	[tilespmem:s0+$0x130] =	vst v42  }
0xe5: {  	v48 =	vadd.s32 v12, v63;
	v56 =	vadd.s32 s16, v18;
	v36 =	vld.idx.msk [tilespmem:v62+s15+$0x0], $0xffff;
	[tilespmem:s0+$0x2B0] =	vst v38  }
0xe6: {  	v59 =	vadd.s32 s8, v18;
	v58 =	vadd.s32 v13, v56;
	[tilespmem:s0+$0x330] =	vst v44;
	v39 =	vld.idx.msk [tilespmem:v39+s15+$0x0], $0xffff  }
0xe7: {  	v60 =	vadd.s32 v13, v59;
	v53 =	vadd.s32 s5, v19;
	v42 =	vld.idx.msk [tilespmem:v54+s15+$0x0], $0xffff;
	[tilespmem:s0+$0x3D0] =	vst v40  }
0xe8: {  	v55 =	vadd.s32 s1, v16;
	[tilespmem:s0+$0x230] =	vst v32;
	v40 =	vadd.s32 v12, v53;
	v33 =	vld.idx.msk [tilespmem:v61+s15+$0x0], $0xffff  }
0xe9: {  	v57 =	vadd.s32 v15, v55;
	v63 =	vadd.s32 s9, v18;
	[tilespmem:s0+$0x1B0] =	vst v41;
	v37 =	vld.idx.msk [tilespmem:v50+s15+$0x0], $0xffff  }
0xea: {  	v44 =	vadd.s32 v13, v63;
	v35 =	vld.idx.msk [tilespmem:v48+s15+$0x0], $0xffff;
	[tilespmem:s0+$0xC0] =	vst v43;
	v50 =	vadd.s32 s26, v18  }
0xeb: {  	v48 =	vadd.s32 s14, v18;
	v41 =	vld.idx.msk [tilespmem:v58+s15+$0x0], $0xffff;
	[tilespmem:s0+$0x140] =	vst v36;
	v52 =	vadd.s32 v13, v50  }
0xec: {  	s1 =	simm.s32 $0x8;
	[tilespmem:s0+$0x30] =	vst v34;
	v49 =	vadd.s32 v13, v48;
	v61 =	vadd.s32 s25, v18;
	v38 =	vld.idx.msk [tilespmem:v60+s15+$0x0], $0xffff  }
0xed: {  	v51 =	vadd.s32 s1, v31;
	v62 =	vadd.s32 v13, v61;
	v40 =	vld.idx.msk [tilespmem:v40+s15+$0x0], $0xffff;
	[tilespmem:s0+$0x3E0] =	vst v33  }
0xee: {  	v54 =	vadd.s32 s5, v18;
	v53 =	vadd.s32 v0, v51;
	[tilespmem:s0+$0x240] =	vst v37;
	v32 =	vld.idx.msk [tilespmem:v57+s15+$0x0], $0xffff  }
0xef: {  	v55 =	vadd.s32 v13, v54;
	v58 =	vadd.s32 s8, v17;
	[tilespmem:s0+$0x340] =	vst v42;
	v44 =	vld.idx.msk [tilespmem:v44+s15+$0x0], $0xffff  }
0xf0: {  	v56 =	vadd.s32 s16, v17;
	v59 =	vadd.s32 v14, v58;
	[tilespmem:s0+$0x2C0] =	vst v39;
	v36 =	vld.idx.msk [tilespmem:v52+s15+$0x0], $0xffff  }
0xf1: {  	[tilespmem:s0+$0x1C0] =	vst v35;
	v52 =	vadd.s32 s14, v17;
	v33 =	vld.idx.msk [tilespmem:v49+s15+$0x0], $0xffff;
	v57 =	vadd.s32 v14, v56  }
0xf2: {  	v60 =	vadd.s32 s25, v17;
	v54 =	vadd.s32 v14, v52;
	v34 =	vld.idx.msk [tilespmem:v62+s15+$0x0], $0xffff;
	[tilespmem:s0+$0x40] =	vst v40  }
0xf3: {  	v61 =	vadd.s32 v14, v60;
	v62 =	vadd.s32 s9, v17;
	[tilespmem:s0+$0x3F0] =	vst v32;
	v32 =	vld.idx.msk [tilespmem:v53+s15+$0x0], $0xffff  }
0xf4: {  	[tilespmem:s0+$0x150] =	vst v38;
	v63 =	vadd.s32 v14, v62;
	v53 =	vld.idx.msk [tilespmem:v55+s15+$0x0], $0xffff;
	v55 =	vadd.s32 s26, v17  }
0xf5: {  	[tilespmem:s0+$0xD0] =	vst v41;
	v56 =	vadd.s32 s5, v17;
	v48 =	vld.idx.msk [tilespmem:v59+s15+$0x0], $0xffff;
	v41 =	vadd.s32 v14, v55  }
0xf6: {  	v47 =	vadd.s32 v14, v56;
	[tilespmem:s0+$0x2D0] =	vst v33;
	v46 =	vld.idx.msk [tilespmem:v57+s15+$0x0], $0xffff;
	v57 =	vadd.s32 s16, v16  }
0xf7: {  	v59 =	vadd.s32 s8, v16;
	[tilespmem:s0+$0x1D0] =	vst v34;
	v35 =	vld.idx.msk [tilespmem:v54+s15+$0x0], $0xffff;
	v58 =	vadd.s32 v15, v57  }
0xf8: {  	v60 =	vadd.s32 s25, v16;
	v43 =	vadd.s32 v15, v59;
	[tilespmem:s0+$0x250] =	vst v44;
	v38 =	vld.idx.msk [tilespmem:v61+s15+$0x0], $0xffff  }
0xf9: {  	[tilespmem:s0+$0x350] =	vst v36;
	v40 =	vadd.s32 v15, v60;
	v37 =	vld.idx.msk [tilespmem:v63+s15+$0x0], $0xffff;
	v61 =	vadd.s32 s9, v16  }
0xfa: {  	v62 =	vadd.s32 s14, v16;
	v39 =	vadd.s32 v15, v61;
	[tilespmem:s0+$0x50] =	vst v53;
	v36 =	vld.idx.msk [tilespmem:v41+s15+$0x0], $0xffff  }
0xfb: {  	v63 =	vadd.s32 s26, v16;
	[tilespmem:s0+$0xE0] =	vst v46;
	v33 =	vld.idx.msk [tilespmem:v47+s15+$0x0], $0xffff;
	v41 =	vadd.s32 v15, v62  }
0xfc: {  	s30 =	sshrl.u32 s7, $0x6;
	s7 =	simm.s32 $0xF;
	v44 =	vadd.s32 s5, v16;
	[tilespmem:s0+$0x160] =	vst v48;
	s9 =	simm.s32 $0x10;
	v42 =	vadd.s32 v15, v63;
	v34 =	vld.idx.msk [tilespmem:v58+s15+$0x0], $0xffff  }
.LBB2_3:
0xfd: {  	p0 =	slt.u32 s9, $0x18;
	s25 =	sadd.s32 $0x1, s1;
	v45 =	vadd.s32 s7, v31;
	v44 =	vadd.s32 v15, v44;
	v43 =	vld.idx.msk [tilespmem:v43+s15+$0x0], $0xffff;
	[tilespmem:s0+$0x1E0] =	vst v38  }
0xfe: {  	s26 =	sadd.s32 $0x2, s1;
	v38 =	vadd.s32 s25, v31;
	v45 =	vadd.s32 v0, v45;
	v40 =	vld.idx.msk [tilespmem:v40+s15+$0x0], $0xffff;
	[tilespmem:s0+$0x260] =	vst v37  }
0xff: {  	s5 =	sadd.s32 $0x3, s1;
	v37 =	vadd.s32 v0, v38;
	v38 =	vadd.s32 s26, v31;
	v39 =	vld.idx.msk [tilespmem:v39+s15+$0x0], $0xffff;
	[tilespmem:s0+$0x2E0] =	vst v35  }
0x100: {  	s14 =	sadd.s32 $0x4, s1;
	v35 =	vadd.s32 v0, v38;
	v38 =	vadd.s32 s5, v31;
	v41 =	vld.idx.msk [tilespmem:v41+s15+$0x0], $0xffff;
	[tilespmem:s0+$0x360] =	vst v36  }
0x101: {  	s8 =	sadd.s32 $0x5, s1;
	v36 =	vadd.s32 v0, v38;
	v38 =	vadd.s32 s14, v31;
	[tilespmem:s0+$0x60] =	vst v33;
	v33 =	vld.idx.msk [tilespmem:v42+s15+$0x0], $0xffff  }
0x102: {  	s16 =	sadd.s32 $0x6, s1;
	v42 =	vadd.s32 s8, v31;
	v38 =	vadd.s32 v0, v38;
	v44 =	vld.idx.msk [tilespmem:v44+s15+$0x0], $0xffff;
	[tilespmem:s0+$0xF0] =	vst v34  }
0x103: {  	v34 =	vadd.s32 v0, v42;
	v42 =	vadd.s32 s16, v31;
	v45 =	vld.idx.msk [tilespmem:v45+s15+$0x0], $0xffff;
	[tilespmem:s0+$0x170] =	vst v43  }
0x104: {  	v42 =	vadd.s32 v0, v42;
	v43 =	vadd.s32 s7, v30;
	v37 =	vld.idx.msk [tilespmem:v37+s15+$0x0], $0xffff;
	[tilespmem:s0+$0x1F0] =	vst v40  }
0x105: {  	v40 =	vadd.s32 s25, v30;
	v43 =	vadd.s32 v1, v43;
	v35 =	vld.idx.msk [tilespmem:v35+s15+$0x0], $0xffff;
	[tilespmem:s0+$0x270] =	vst v39  }
0x106: {  	v39 =	vadd.s32 v1, v40;
	v40 =	vadd.s32 s26, v30;
	v36 =	vld.idx.msk [tilespmem:v36+s15+$0x0], $0xffff;
	[tilespmem:s0+$0x2F0] =	vst v41  }
0x107: {  	v40 =	vadd.s32 v1, v40;
	v41 =	vadd.s32 s5, v30;
	v38 =	vld.idx.msk [tilespmem:v38+s15+$0x0], $0xffff;
	[tilespmem:s0+$0x370] =	vst v33  }
0x108: {  	v33 =	vadd.s32 v1, v41;
	v41 =	vadd.s32 s14, v30;
	v34 =	vld.idx.msk [tilespmem:v34+s15+$0x0], $0xffff;
	[tilespmem:s0+$0x70] =	vst v44;
	s0 =	sadd.s32 $0x800, s0  }
0x109: {  	v41 =	vadd.s32 v1, v41;
	v44 =	vadd.s32 s8, v30;
	v42 =	vld.idx.msk [tilespmem:v42+s15+$0x0], $0xffff;
	[tilespmem:s0+$0xFFFFFF80] =	vst v45  }
0x10a: {  	[tilespmem:s0+$0xFFFFFC80] =	vst v37;
	v37 =	vadd.s32 v1, v44;
	v44 =	vadd.s32 s16, v30;
	v43 =	vld.idx.msk [tilespmem:v43+s15+$0x0], $0xffff  }
0x10b: {  	v39 =	vld.idx.msk [tilespmem:v39+s15+$0x0], $0xffff;
	[tilespmem:s0+$0xFFFFFD00] =	vst v35;
	v35 =	vadd.s32 v1, v44;
	v44 =	vadd.s32 s7, v29  }
0x10c: {  	v45 =	vadd.s32 s1, v30;
	v40 =	vld.idx.msk [tilespmem:v40+s15+$0x0], $0xffff;
	[tilespmem:s0+$0xFFFFFD80] =	vst v36;
	v36 =	vadd.s32 v2, v44  }
0x10d: {  	v44 =	vadd.s32 v1, v45;
	v45 =	vadd.s32 s25, v29;
	v33 =	vld.idx.msk [tilespmem:v33+s15+$0x0], $0xffff;
	[tilespmem:s0+$0xFFFFFE00] =	vst v38  }
0x10e: {  	v38 =	vadd.s32 v2, v45;
	v45 =	vadd.s32 s26, v29;
	v41 =	vld.idx.msk [tilespmem:v41+s15+$0x0], $0xffff;
	[tilespmem:s0+$0xFFFFFE80] =	vst v34  }
0x10f: {  	v34 =	vadd.s32 v2, v45;
	v45 =	vadd.s32 s5, v29;
	v37 =	vld.idx.msk [tilespmem:v37+s15+$0x0], $0xffff;
	[tilespmem:s0+$0xFFFFFF00] =	vst v42  }
0x110: {  	v42 =	vadd.s32 v2, v45;
	v45 =	vadd.s32 s14, v29;
	v35 =	vld.idx.msk [tilespmem:v35+s15+$0x0], $0xffff;
	[tilespmem:s0+$0xFFFFFF90] =	vst v43  }
0x111: {  	v43 =	vadd.s32 s8, v29;
	[tilespmem:s0+$0xFFFFFC00] =	vst v32;
	v32 =	vadd.s32 v2, v45;
	v36 =	vld.idx.msk [tilespmem:v36+s15+$0x0], $0xffff  }
0x112: {  	v44 =	vld.idx.msk [tilespmem:v44+s15+$0x0], $0xffff;
	[tilespmem:s0+$0xFFFFFC90] =	vst v39;
	v39 =	vadd.s32 v2, v43;
	v43 =	vadd.s32 s7, v28  }
0x113: {  	v38 =	vld.idx.msk [tilespmem:v38+s15+$0x0], $0xffff;
	[tilespmem:s0+$0xFFFFFD10] =	vst v40;
	v40 =	vadd.s32 s16, v29;
	v43 =	vadd.s32 v3, v43  }
0x114: {  	v45 =	vadd.s32 s1, v29;
	v34 =	vld.idx.msk [tilespmem:v34+s15+$0x0], $0xffff;
	[tilespmem:s0+$0xFFFFFD90] =	vst v33;
	v33 =	vadd.s32 v2, v40  }
0x115: {  	v40 =	vadd.s32 v2, v45;
	v45 =	vadd.s32 s25, v28;
	v42 =	vld.idx.msk [tilespmem:v42+s15+$0x0], $0xffff;
	[tilespmem:s0+$0xFFFFFE10] =	vst v41  }
0x116: {  	v41 =	vadd.s32 v3, v45;
	v45 =	vadd.s32 s26, v28;
	v32 =	vld.idx.msk [tilespmem:v32+s15+$0x0], $0xffff;
	[tilespmem:s0+$0xFFFFFE90] =	vst v37  }
0x117: {  	v37 =	vadd.s32 v3, v45;
	v45 =	vadd.s32 s5, v28;
	v39 =	vld.idx.msk [tilespmem:v39+s15+$0x0], $0xffff;
	[tilespmem:s0+$0xFFFFFFA0] =	vst v36  }
0x118: {  	v36 =	vadd.s32 v3, v45;
	v45 =	vadd.s32 s14, v28;
	[tilespmem:s0+$0xFFFFFF10] =	vst v35;
	v35 =	vld.idx.msk [tilespmem:v43+s15+$0x0], $0xffff  }
0x119: {  	v43 =	vadd.s32 v3, v45;
	[tilespmem:s0+$0xFFFFFC10] =	vst v44;
	v33 =	vld.idx.msk [tilespmem:v33+s15+$0x0], $0xffff;
	v44 =	vadd.s32 s7, v27  }
0x11a: {  	v40 =	vld.idx.msk [tilespmem:v40+s15+$0x0], $0xffff;
	[tilespmem:s0+$0xFFFFFCA0] =	vst v38;
	v38 =	vadd.s32 s8, v28;
	v44 =	vadd.s32 v4, v44  }
0x11b: {  	v41 =	vld.idx.msk [tilespmem:v41+s15+$0x0], $0xffff;
	[tilespmem:s0+$0xFFFFFD20] =	vst v34;
	v34 =	vadd.s32 v3, v38;
	v38 =	vadd.s32 s16, v28  }
0x11c: {  	v45 =	vadd.s32 s1, v28;
	v37 =	vld.idx.msk [tilespmem:v37+s15+$0x0], $0xffff;
	[tilespmem:s0+$0xFFFFFDA0] =	vst v42;
	v38 =	vadd.s32 v3, v38  }
0x11d: {  	v42 =	vadd.s32 v3, v45;
	v45 =	vadd.s32 s25, v27;
	v36 =	vld.idx.msk [tilespmem:v36+s15+$0x0], $0xffff;
	[tilespmem:s0+$0xFFFFFE20] =	vst v32  }
0x11e: {  	v32 =	vadd.s32 v4, v45;
	v45 =	vadd.s32 s26, v27;
	v43 =	vld.idx.msk [tilespmem:v43+s15+$0x0], $0xffff;
	[tilespmem:s0+$0xFFFFFFB0] =	vst v35  }
0x11f: {  	v35 =	vadd.s32 v4, v45;
	v45 =	vadd.s32 s5, v27;
	[tilespmem:s0+$0xFFFFFEA0] =	vst v39;
	v39 =	vld.idx.msk [tilespmem:v44+s15+$0x0], $0xffff  }
0x120: {  	v44 =	vadd.s32 v4, v45;
	v34 =	vld.idx.msk [tilespmem:v34+s15+$0x0], $0xffff;
	[tilespmem:s0+$0xFFFFFF20] =	vst v33;
	v33 =	vadd.s32 s7, v26  }
0x121: {  	[tilespmem:s0+$0xFFFFFC20] =	vst v40;
	v40 =	vadd.s32 s14, v27;
	v38 =	vld.idx.msk [tilespmem:v38+s15+$0x0], $0xffff;
	v33 =	vadd.s32 v5, v33  }
0x122: {  	v42 =	vld.idx.msk [tilespmem:v42+s15+$0x0], $0xffff;
	[tilespmem:s0+$0xFFFFFCB0] =	vst v41;
	v40 =	vadd.s32 v4, v40;
	v41 =	vadd.s32 s8, v27  }
0x123: {  	v32 =	vld.idx.msk [tilespmem:v32+s15+$0x0], $0xffff;
	[tilespmem:s0+$0xFFFFFD30] =	vst v37;
	v37 =	vadd.s32 v4, v41;
	v41 =	vadd.s32 s16, v27  }
0x124: {  	v45 =	vadd.s32 s1, v27;
	v35 =	vld.idx.msk [tilespmem:v35+s15+$0x0], $0xffff;
	[tilespmem:s0+$0xFFFFFDB0] =	vst v36;
	v36 =	vadd.s32 v4, v41  }
0x125: {  	v41 =	vadd.s32 v4, v45;
	v45 =	vadd.s32 s25, v26;
	v44 =	vld.idx.msk [tilespmem:v44+s15+$0x0], $0xffff;
	[tilespmem:s0+$0xFFFFFFC0] =	vst v39  }
0x126: {  	v39 =	vadd.s32 v5, v45;
	v45 =	vadd.s32 s26, v26;
	[tilespmem:s0+$0xFFFFFE30] =	vst v43;
	v33 =	vld.idx.msk [tilespmem:v33+s15+$0x0], $0xffff  }
0x127: {  	v43 =	vadd.s32 v5, v45;
	v40 =	vld.idx.msk [tilespmem:v40+s15+$0x0], $0xffff;
	[tilespmem:s0+$0xFFFFFEB0] =	vst v34;
	v34 =	vadd.s32 s7, v25  }
0x128: {  	v45 =	vadd.s32 s5, v26;
	v37 =	vld.idx.msk [tilespmem:v37+s15+$0x0], $0xffff;
	[tilespmem:s0+$0xFFFFFF30] =	vst v38;
	v34 =	vadd.s32 v6, v34  }
0x129: {  	v38 =	vadd.s32 v5, v45;
	[tilespmem:s0+$0xFFFFFC30] =	vst v42;
	v42 =	vadd.s32 s14, v26;
	v36 =	vld.idx.msk [tilespmem:v36+s15+$0x0], $0xffff  }
0x12a: {  	v41 =	vld.idx.msk [tilespmem:v41+s15+$0x0], $0xffff;
	[tilespmem:s0+$0xFFFFFCC0] =	vst v32;
	v32 =	vadd.s32 v5, v42;
	v42 =	vadd.s32 s8, v26  }
0x12b: {  	v39 =	vld.idx.msk [tilespmem:v39+s15+$0x0], $0xffff;
	[tilespmem:s0+$0xFFFFFD40] =	vst v35;
	v35 =	vadd.s32 v5, v42;
	v42 =	vadd.s32 s16, v26  }
0x12c: {  	v45 =	vadd.s32 s1, v26;
	v43 =	vld.idx.msk [tilespmem:v43+s15+$0x0], $0xffff;
	v42 =	vadd.s32 v5, v42;
	[tilespmem:s0+$0xFFFFFFD0] =	vst v33  }
0x12d: {  	v33 =	vadd.s32 v5, v45;
	v45 =	vadd.s32 s25, v25;
	[tilespmem:s0+$0xFFFFFDC0] =	vst v44;
	v34 =	vld.idx.msk [tilespmem:v34+s15+$0x0], $0xffff  }
0x12e: {  	v44 =	vadd.s32 v6, v45;
	v38 =	vld.idx.msk [tilespmem:v38+s15+$0x0], $0xffff;
	[tilespmem:s0+$0xFFFFFE40] =	vst v40;
	v40 =	vadd.s32 s7, v24  }
0x12f: {  	v45 =	vadd.s32 s26, v25;
	v32 =	vld.idx.msk [tilespmem:v32+s15+$0x0], $0xffff;
	[tilespmem:s0+$0xFFFFFEC0] =	vst v37;
	v37 =	vadd.s32 v7, v40  }
0x130: {  	v40 =	vadd.s32 v6, v45;
	v45 =	vadd.s32 s5, v25;
	v35 =	vld.idx.msk [tilespmem:v35+s15+$0x0], $0xffff;
	[tilespmem:s0+$0xFFFFFF40] =	vst v36  }
0x131: {  	v36 =	vadd.s32 v6, v45;
	[tilespmem:s0+$0xFFFFFC40] =	vst v41;
	v41 =	vadd.s32 s14, v25;
	v42 =	vld.idx.msk [tilespmem:v42+s15+$0x0], $0xffff  }
0x132: {  	v33 =	vld.idx.msk [tilespmem:v33+s15+$0x0], $0xffff;
	[tilespmem:s0+$0xFFFFFCD0] =	vst v39;
	v39 =	vadd.s32 v6, v41;
	v41 =	vadd.s32 s8, v25  }
0x133: {  	v45 =	vadd.s32 s16, v25;
	v44 =	vld.idx.msk [tilespmem:v44+s15+$0x0], $0xffff;
	v41 =	vadd.s32 v6, v41;
	[tilespmem:s0+$0xFFFFFFE0] =	vst v34  }
0x134: {  	v34 =	vadd.s32 s1, v25;
	[tilespmem:s0+$0xFFFFFD50] =	vst v43;
	v43 =	vadd.s32 v6, v45;
	v37 =	vld.idx.msk [tilespmem:v37+s15+$0x0], $0xffff  }
0x135: {  	v34 =	vadd.s32 v6, v34;
	v40 =	vld.idx.msk [tilespmem:v40+s15+$0x0], $0xffff;
	[tilespmem:s0+$0xFFFFFDD0] =	vst v38;
	v38 =	vadd.s32 s7, v23  }
0x136: {  	v45 =	vadd.s32 s25, v24;
	v36 =	vld.idx.msk [tilespmem:v36+s15+$0x0], $0xffff;
	[tilespmem:s0+$0xFFFFFE50] =	vst v32;
	v32 =	vadd.s32 v8, v38  }
0x137: {  	v38 =	vadd.s32 v7, v45;
	v45 =	vadd.s32 s26, v24;
	v39 =	vld.idx.msk [tilespmem:v39+s15+$0x0], $0xffff;
	[tilespmem:s0+$0xFFFFFED0] =	vst v35  }
0x138: {  	v35 =	vadd.s32 v7, v45;
	v45 =	vadd.s32 s5, v24;
	v41 =	vld.idx.msk [tilespmem:v41+s15+$0x0], $0xffff;
	[tilespmem:s0+$0xFFFFFF50] =	vst v42  }
0x139: {  	v42 =	vadd.s32 s14, v24;
	[tilespmem:s0+$0xFFFFFC50] =	vst v33;
	v33 =	vadd.s32 v7, v45;
	v43 =	vld.idx.msk [tilespmem:v43+s15+$0x0], $0xffff  }
0x13a: {  	v42 =	vadd.s32 v7, v42;
	v45 =	vadd.s32 s8, v24;
	v34 =	vld.idx.msk [tilespmem:v34+s15+$0x0], $0xffff;
	[tilespmem:s0+$0xFFFFFFF0] =	vst v37  }
0x13b: {  	v37 =	vadd.s32 v7, v45;
	[tilespmem:s0+$0xFFFFFCE0] =	vst v44;
	v44 =	vadd.s32 s16, v24;
	v32 =	vld.idx.msk [tilespmem:v32+s15+$0x0], $0xffff  }
0x13c: {  	v38 =	vld.idx.msk [tilespmem:v38+s15+$0x0], $0xffff;
	[tilespmem:s0+$0xFFFFFD60] =	vst v40;
	v40 =	vadd.s32 v7, v44;
	v44 =	vadd.s32 s7, v22  }
0x13d: {  	v45 =	vadd.s32 s1, v24;
	v35 =	vld.idx.msk [tilespmem:v35+s15+$0x0], $0xffff;
	[tilespmem:s0+$0xFFFFFDE0] =	vst v36;
	v36 =	vadd.s32 v9, v44  }
0x13e: {  	v44 =	vadd.s32 v7, v45;
	v45 =	vadd.s32 s25, v23;
	v33 =	vld.idx.msk [tilespmem:v33+s15+$0x0], $0xffff;
	[tilespmem:s0+$0xFFFFFE60] =	vst v39  }
0x13f: {  	v39 =	vadd.s32 v8, v45;
	v45 =	vadd.s32 s26, v23;
	v42 =	vld.idx.msk [tilespmem:v42+s15+$0x0], $0xffff;
	[tilespmem:s0+$0xFFFFFEE0] =	vst v41  }
0x140: {  	v41 =	vadd.s32 v8, v45;
	v45 =	vadd.s32 s5, v23;
	v37 =	vld.idx.msk [tilespmem:v37+s15+$0x0], $0xffff;
	[tilespmem:s0+$0xFFFFFF60] =	vst v43  }
0x141: {  	v43 =	vadd.s32 v8, v45;
	v45 =	vadd.s32 s14, v23;
	v40 =	vld.idx.msk [tilespmem:v40+s15+$0x0], $0xffff;
	[tilespmem:s0+$0x380] =	vst v32  }
0x142: {  	v32 =	vadd.s32 v8, v45;
	[tilespmem:s0+$0xFFFFFC60] =	vst v34;
	v34 =	vadd.s32 s8, v23;
	v36 =	vld.idx.msk [tilespmem:v36+s15+$0x0], $0xffff  }
0x143: {  	v44 =	vld.idx.msk [tilespmem:v44+s15+$0x0], $0xffff;
	[tilespmem:s0+$0xFFFFFCF0] =	vst v38;
	v34 =	vadd.s32 v8, v34;
	v38 =	vadd.s32 s7, v21  }
0x144: {  	v39 =	vld.idx.msk [tilespmem:v39+s15+$0x0], $0xffff;
	[tilespmem:s0+$0xFFFFFD70] =	vst v35;
	v35 =	vadd.s32 s16, v23;
	v38 =	vadd.s32 v10, v38  }
0x145: {  	v45 =	vadd.s32 s1, v23;
	v41 =	vld.idx.msk [tilespmem:v41+s15+$0x0], $0xffff;
	[tilespmem:s0+$0xFFFFFDF0] =	vst v33;
	v33 =	vadd.s32 v8, v35  }
0x146: {  	v35 =	vadd.s32 v8, v45;
	v45 =	vadd.s32 s25, v22;
	v43 =	vld.idx.msk [tilespmem:v43+s15+$0x0], $0xffff;
	[tilespmem:s0+$0xFFFFFE70] =	vst v42  }
0x147: {  	v42 =	vadd.s32 v9, v45;
	v45 =	vadd.s32 s26, v22;
	v32 =	vld.idx.msk [tilespmem:v32+s15+$0x0], $0xffff;
	[tilespmem:s0+$0xFFFFFEF0] =	vst v37  }
0x148: {  	v37 =	vadd.s32 v9, v45;
	v45 =	vadd.s32 s5, v22;
	v34 =	vld.idx.msk [tilespmem:v34+s15+$0x0], $0xffff;
	[tilespmem:s0+$0x390] =	vst v36  }
0x149: {  	v36 =	vadd.s32 v9, v45;
	v45 =	vadd.s32 s14, v22;
	[tilespmem:s0+$0xFFFFFF70] =	vst v40;
	v38 =	vld.idx.msk [tilespmem:v38+s15+$0x0], $0xffff  }
0x14a: {  	v40 =	vadd.s32 v9, v45;
	[tilespmem:s0+$0xFFFFFC70] =	vst v44;
	v33 =	vld.idx.msk [tilespmem:v33+s15+$0x0], $0xffff;
	v44 =	vadd.s32 s7, v20  }
0x14b: {  	v35 =	vld.idx.msk [tilespmem:v35+s15+$0x0], $0xffff;
	[tilespmem:s0+$0x80] =	vst v39;
	v39 =	vadd.s32 s8, v22;
	v44 =	vadd.s32 v11, v44  }
0x14c: {  	v42 =	vld.idx.msk [tilespmem:v42+s15+$0x0], $0xffff;
	[tilespmem:s0+$0x100] =	vst v41;
	v39 =	vadd.s32 v9, v39;
	v41 =	vadd.s32 s16, v22  }
0x14d: {  	v45 =	vadd.s32 s1, v22;
	v37 =	vld.idx.msk [tilespmem:v37+s15+$0x0], $0xffff;
	[tilespmem:s0+$0x180] =	vst v43;
	v41 =	vadd.s32 v9, v41  }
0x14e: {  	v43 =	vadd.s32 v9, v45;
	v45 =	vadd.s32 s25, v21;
	v36 =	vld.idx.msk [tilespmem:v36+s15+$0x0], $0xffff;
	[tilespmem:s0+$0x200] =	vst v32  }
0x14f: {  	v32 =	vadd.s32 v10, v45;
	v45 =	vadd.s32 s26, v21;
	v40 =	vld.idx.msk [tilespmem:v40+s15+$0x0], $0xffff;
	[tilespmem:s0+$0x3A0] =	vst v38  }
0x150: {  	v38 =	vadd.s32 v10, v45;
	v45 =	vadd.s32 s5, v21;
	[tilespmem:s0+$0x280] =	vst v34;
	v34 =	vld.idx.msk [tilespmem:v44+s15+$0x0], $0xffff  }
0x151: {  	v44 =	vadd.s32 v10, v45;
	v39 =	vld.idx.msk [tilespmem:v39+s15+$0x0], $0xffff;
	[tilespmem:s0+$0x300] =	vst v33;
	v33 =	vadd.s32 s7, v19  }
0x152: {  	[tilespmem:s0+$0x0] =	vst v35;
	v35 =	vadd.s32 s14, v21;
	v41 =	vld.idx.msk [tilespmem:v41+s15+$0x0], $0xffff;
	v33 =	vadd.s32 v12, v33  }
0x153: {  	v43 =	vld.idx.msk [tilespmem:v43+s15+$0x0], $0xffff;
	[tilespmem:s0+$0x90] =	vst v42;
	v35 =	vadd.s32 v10, v35;
	v42 =	vadd.s32 s8, v21  }
0x154: {  	v32 =	vld.idx.msk [tilespmem:v32+s15+$0x0], $0xffff;
	[tilespmem:s0+$0x110] =	vst v37;
	v37 =	vadd.s32 v10, v42;
	v42 =	vadd.s32 s16, v21  }
0x155: {  	v45 =	vadd.s32 s1, v21;
	v38 =	vld.idx.msk [tilespmem:v38+s15+$0x0], $0xffff;
	[tilespmem:s0+$0x190] =	vst v36;
	v36 =	vadd.s32 v10, v42  }
0x156: {  	v42 =	vadd.s32 v10, v45;
	v45 =	vadd.s32 s25, v20;
	v44 =	vld.idx.msk [tilespmem:v44+s15+$0x0], $0xffff;
	[tilespmem:s0+$0x3B0] =	vst v34  }
0x157: {  	v34 =	vadd.s32 v11, v45;
	v45 =	vadd.s32 s26, v20;
	[tilespmem:s0+$0x210] =	vst v40;
	v33 =	vld.idx.msk [tilespmem:v33+s15+$0x0], $0xffff  }
0x158: {  	v40 =	vadd.s32 v11, v45;
	v35 =	vld.idx.msk [tilespmem:v35+s15+$0x0], $0xffff;
	[tilespmem:s0+$0x290] =	vst v39;
	v39 =	vadd.s32 s7, v18  }
0x159: {  	v45 =	vadd.s32 s5, v20;
	v37 =	vld.idx.msk [tilespmem:v37+s15+$0x0], $0xffff;
	[tilespmem:s0+$0x310] =	vst v41;
	v39 =	vadd.s32 v13, v39  }
0x15a: {  	v41 =	vadd.s32 v11, v45;
	[tilespmem:s0+$0x10] =	vst v43;
	v43 =	vadd.s32 s14, v20;
	v36 =	vld.idx.msk [tilespmem:v36+s15+$0x0], $0xffff  }
0x15b: {  	v42 =	vld.idx.msk [tilespmem:v42+s15+$0x0], $0xffff;
	[tilespmem:s0+$0xA0] =	vst v32;
	v32 =	vadd.s32 v11, v43;
	v43 =	vadd.s32 s8, v20  }
0x15c: {  	v34 =	vld.idx.msk [tilespmem:v34+s15+$0x0], $0xffff;
	[tilespmem:s0+$0x120] =	vst v38;
	v38 =	vadd.s32 v11, v43;
	v43 =	vadd.s32 s16, v20  }
0x15d: {  	v45 =	vadd.s32 s1, v20;
	v40 =	vld.idx.msk [tilespmem:v40+s15+$0x0], $0xffff;
	v43 =	vadd.s32 v11, v43;
	[tilespmem:s0+$0x3C0] =	vst v33  }
0x15e: {  	v33 =	vadd.s32 v11, v45;
	v45 =	vadd.s32 s25, v19;
	[tilespmem:s0+$0x1A0] =	vst v44;
	v39 =	vld.idx.msk [tilespmem:v39+s15+$0x0], $0xffff  }
0x15f: {  	v44 =	vadd.s32 v12, v45;
	v41 =	vld.idx.msk [tilespmem:v41+s15+$0x0], $0xffff;
	[tilespmem:s0+$0x220] =	vst v35;
	v35 =	vadd.s32 s7, v17  }
0x160: {  	v45 =	vadd.s32 s26, v19;
	v32 =	vld.idx.msk [tilespmem:v32+s15+$0x0], $0xffff;
	[tilespmem:s0+$0x2A0] =	vst v37;
	v35 =	vadd.s32 v14, v35  }
0x161: {  	v37 =	vadd.s32 v12, v45;
	v45 =	vadd.s32 s5, v19;
	v38 =	vld.idx.msk [tilespmem:v38+s15+$0x0], $0xffff;
	[tilespmem:s0+$0x320] =	vst v36  }
0x162: {  	v36 =	vadd.s32 v12, v45;
	[tilespmem:s0+$0x20] =	vst v42;
	v42 =	vadd.s32 s14, v19;
	v43 =	vld.idx.msk [tilespmem:v43+s15+$0x0], $0xffff  }
0x163: {  	v33 =	vld.idx.msk [tilespmem:v33+s15+$0x0], $0xffff;
	[tilespmem:s0+$0xB0] =	vst v34;
	v34 =	vadd.s32 v12, v42;
	v42 =	vadd.s32 s8, v19  }
0x164: {  	v45 =	vadd.s32 s16, v19;
	v44 =	vld.idx.msk [tilespmem:v44+s15+$0x0], $0xffff;
	v42 =	vadd.s32 v12, v42;
	[tilespmem:s0+$0x3D0] =	vst v39  }
0x165: {  	v39 =	vadd.s32 s1, v19;
	[tilespmem:s0+$0x130] =	vst v40;
	v40 =	vadd.s32 v12, v45;
	v35 =	vld.idx.msk [tilespmem:v35+s15+$0x0], $0xffff  }
0x166: {  	v39 =	vadd.s32 v12, v39;
	v37 =	vld.idx.msk [tilespmem:v37+s15+$0x0], $0xffff;
	[tilespmem:s0+$0x1B0] =	vst v41;
	v41 =	vadd.s32 s7, v16  }
0x167: {  	v45 =	vadd.s32 s25, v18;
	v36 =	vld.idx.msk [tilespmem:v36+s15+$0x0], $0xffff;
	[tilespmem:s0+$0x230] =	vst v32;
	v32 =	vadd.s32 v15, v41  }
0x168: {  	v41 =	vadd.s32 v13, v45;
	v45 =	vadd.s32 s26, v18;
	v34 =	vld.idx.msk [tilespmem:v34+s15+$0x0], $0xffff;
	[tilespmem:s0+$0x2B0] =	vst v38  }
0x169: {  	v38 =	vadd.s32 v13, v45;
	v45 =	vadd.s32 s5, v18;
	v42 =	vld.idx.msk [tilespmem:v42+s15+$0x0], $0xffff;
	[tilespmem:s0+$0x330] =	vst v43  }
0x16a: {  	v43 =	vadd.s32 s14, v18;
	[tilespmem:s0+$0x30] =	vst v33;
	v33 =	vadd.s32 v13, v45;
	v40 =	vld.idx.msk [tilespmem:v40+s15+$0x0], $0xffff  }
0x16b: {  	v43 =	vadd.s32 v13, v43;
	v45 =	vadd.s32 s8, v18;
	v39 =	vld.idx.msk [tilespmem:v39+s15+$0x0], $0xffff;
	[tilespmem:s0+$0x3E0] =	vst v35  }
0x16c: {  	v35 =	vadd.s32 v13, v45;
	[tilespmem:s0+$0xC0] =	vst v44;
	v44 =	vadd.s32 s16, v18;
	v32 =	vld.idx.msk [tilespmem:v32+s15+$0x0], $0xffff  }
0x16d: {  	v45 =	vadd.s32 s9, v31;
	v41 =	vld.idx.msk [tilespmem:v41+s15+$0x0], $0xffff;
	[tilespmem:s0+$0x140] =	vst v37;
	v37 =	vadd.s32 v13, v44  }
0x16e: {  	v44 =	vadd.s32 v0, v45;
	v45 =	vadd.s32 s1, v18;
	v38 =	vld.idx.msk [tilespmem:v38+s15+$0x0], $0xffff;
	[tilespmem:s0+$0x1C0] =	vst v36  }
0x16f: {  	v36 =	vadd.s32 v13, v45;
	v45 =	vadd.s32 s25, v17;
	v33 =	vld.idx.msk [tilespmem:v33+s15+$0x0], $0xffff;
	[tilespmem:s0+$0x240] =	vst v34  }
0x170: {  	v34 =	vadd.s32 v14, v45;
	v45 =	vadd.s32 s26, v17;
	v43 =	vld.idx.msk [tilespmem:v43+s15+$0x0], $0xffff;
	[tilespmem:s0+$0x2C0] =	vst v42  }
0x171: {  	v42 =	vadd.s32 v14, v45;
	v45 =	vadd.s32 s5, v17;
	v35 =	vld.idx.msk [tilespmem:v35+s15+$0x0], $0xffff;
	[tilespmem:s0+$0x340] =	vst v40  }
0x172: {  	v40 =	vadd.s32 v14, v45;
	v45 =	vadd.s32 s14, v17;
	v46 =	vld.idx.msk [tilespmem:v37+s15+$0x0], $0xffff;
	[tilespmem:s0+$0x3F0] =	vst v32  }
0x173: {  	v37 =	vadd.s32 v14, v45;
	v32 =	vld.idx.msk [tilespmem:v44+s15+$0x0], $0xffff;
	[tilespmem:s0+$0x40] =	vst v39;
	v39 =	vadd.s32 s8, v17  }
0x174: {  	v36 =	vld.idx.msk [tilespmem:v36+s15+$0x0], $0xffff;
	[tilespmem:s0+$0xD0] =	vst v41;
	v39 =	vadd.s32 v14, v39;
	v41 =	vadd.s32 s16, v17  }
0x175: {  	v44 =	vadd.s32 s1, v17;
	v34 =	vld.idx.msk [tilespmem:v34+s15+$0x0], $0xffff;
	[tilespmem:s0+$0x150] =	vst v38;
	v41 =	vadd.s32 v14, v41  }
0x176: {  	v44 =	vadd.s32 v14, v44;
	v38 =	vadd.s32 s25, v16;
	v42 =	vld.idx.msk [tilespmem:v42+s15+$0x0], $0xffff;
	[tilespmem:s0+$0x1D0] =	vst v33  }
0x177: {  	v45 =	vadd.s32 v15, v38;
	v33 =	vadd.s32 s26, v16;
	v38 =	vld.idx.msk [tilespmem:v40+s15+$0x0], $0xffff;
	[tilespmem:s0+$0x250] =	vst v43  }
.Ltmp0:
0x178: {  	v43 =	vadd.s32 v15, v33;
	v33 =	vadd.s32 s5, v16;
	v37 =	vld.idx.msk [tilespmem:v37+s15+$0x0], $0xffff;
	[tilespmem:s0+$0x2D0] =	vst v35;
	(pc) =	sbr.rel @p0 .LBB2_3-.Ltmp0, $4  }
0x179: {  	v40 =	vadd.s32 v15, v33;
	v33 =	vadd.s32 s14, v16;
	v35 =	vld.idx.msk [tilespmem:v39+s15+$0x0], $0xffff;
	[tilespmem:s0+$0x350] =	vst v46  }
0x17a: {  	v39 =	vadd.s32 v15, v33;
	v46 =	vadd.s32 s8, v16;
	[tilespmem:s0+$0x50] =	vst v36;
	v36 =	vld.idx.msk [tilespmem:v41+s15+$0x0], $0xffff  }
0x17b: {  	v41 =	vadd.s32 v15, v46;
	v46 =	vadd.s32 s16, v16;
	v33 =	vld.idx.msk [tilespmem:v44+s15+$0x0], $0xffff;
	[tilespmem:s0+$0xE0] =	vst v34  }
0x17c: {  	s7 =	sadd.s32 $0x7, s9;
	v44 =	vadd.s32 s1, v16;
	s1 =	smov.u32 s9;
	s9 =	sadd.s32 $0x8, s9;
	v34 =	vld.idx.msk [tilespmem:v45+s15+$0x0], $0xffff;
	[tilespmem:s0+$0x160] =	vst v42;
	v42 =	vadd.s32 v15, v46  }
0x17d: {  	_ =	sdelay $0x1  }
0x17e: {  	[tilespmem:s0+$0x1E0] =	vst v38  }
0x17f: {  	[tilespmem:s0+$0x260] =	vst v37  }
0x180: {  	s5 =	sadd.s32 $0x1, s1;
	v57 =	vadd.s32 s7, v31;
	v44 =	vadd.s32 v15, v44;
	v43 =	vld.idx.msk [tilespmem:v43+s15+$0x0], $0xffff;
	s26 =	sadd.s32 $0x800, s0;
	[tilespmem:s0+$0x2E0] =	vst v35  }
0x181: {  	s8 =	sadd.s32 $0x2, s1;
	v58 =	vadd.s32 s5, v31;
	v38 =	vadd.s32 v0, v57;
	v40 =	vld.idx.msk [tilespmem:v40+s15+$0x0], $0xffff;
	[tilespmem:s26+$0xFFFFFC00] =	vst v32  }
0x182: {  	s9 =	sadd.s32 $0x3, s1;
	v60 =	vadd.s32 s8, v31;
	v39 =	vld.idx.msk [tilespmem:v39+s15+$0x0], $0xffff;
	v59 =	vadd.s32 v0, v58;
	[tilespmem:s0+$0x360] =	vst v36  }
0x183: {  	s14 =	sadd.s32 $0x4, s1;
	v62 =	vadd.s32 s9, v31;
	v61 =	vadd.s32 v0, v60;
	v41 =	vld.idx.msk [tilespmem:v41+s15+$0x0], $0xffff;
	[tilespmem:s0+$0x60] =	vst v33  }
0x184: {  	s16 =	sadd.s32 $0x5, s1;
	v48 =	vadd.s32 s14, v31;
	v63 =	vadd.s32 v0, v62;
	v42 =	vld.idx.msk [tilespmem:v42+s15+$0x0], $0xffff;
	[tilespmem:s0+$0xF0] =	vst v34  }
0x185: {  	s25 =	sadd.s32 $0x6, s1;
	v52 =	vadd.s32 s7, v30;
	v50 =	vadd.s32 s16, v31;
	v49 =	vadd.s32 v0, v48;
	v44 =	vld.idx.msk [tilespmem:v44+s15+$0x0], $0xffff;
	[tilespmem:s0+$0x170] =	vst v43  }
0x186: {  	v45 =	vadd.s32 s1, v30;
	v51 =	vadd.s32 s25, v31;
	v37 =	vadd.s32 v0, v50;
	v38 =	vld.idx.msk [tilespmem:v38+s15+$0x0], $0xffff;
	[tilespmem:s0+$0x1F0] =	vst v40  }
0x187: {  	v54 =	vadd.s32 s5, v30;
	v55 =	vadd.s32 s8, v30;
	v31 =	vadd.s32 v0, v51;
	[tilespmem:s0+$0x270] =	vst v39;
	v35 =	vld.idx.msk [tilespmem:v59+s15+$0x0], $0xffff  }
0x188: {  	v53 =	vadd.s32 v1, v52;
	v56 =	vadd.s32 s9, v30;
	v58 =	vadd.s32 s14, v30;
	v36 =	vld.idx.msk [tilespmem:v61+s15+$0x0], $0xffff;
	[tilespmem:s0+$0x2F0] =	vst v41  }
0x189: {  	v60 =	vadd.s32 s16, v30;
	v33 =	vld.idx.msk [tilespmem:v63+s15+$0x0], $0xffff;
	v63 =	vadd.s32 s25, v30;
	v30 =	vadd.s32 v1, v45;
	[tilespmem:s0+$0x370] =	vst v42  }
0x18a: {  	v40 =	vadd.s32 v1, v54;
	v34 =	vld.idx.msk [tilespmem:v49+s15+$0x0], $0xffff;
	[tilespmem:s0+$0x70] =	vst v44  }
0x18b: {  	v41 =	vadd.s32 v1, v55;
	v37 =	vld.idx.msk [tilespmem:v37+s15+$0x0], $0xffff;
	[tilespmem:s26+$0xFFFFFF80] =	vst v38  }
0x18c: {  	v57 =	vadd.s32 v1, v56;
	v31 =	vld.idx.msk [tilespmem:v31+s15+$0x0], $0xffff;
	[tilespmem:s26+$0xFFFFFC80] =	vst v35  }
0x18d: {  	v59 =	vadd.s32 v1, v58;
	v39 =	vld.idx.msk [tilespmem:v53+s15+$0x0], $0xffff;
	[tilespmem:s26+$0xFFFFFD00] =	vst v36  }
0x18e: {  	v61 =	vadd.s32 v1, v60;
	[tilespmem:s26+$0xFFFFFD80] =	vst v33;
	v30 =	vld.idx.msk [tilespmem:v30+s15+$0x0], $0xffff  }
0x18f: {  	v62 =	vadd.s32 s7, v29;
	[tilespmem:s26+$0xFFFFFE00] =	vst v34;
	v33 =	vadd.s32 v1, v63;
	v40 =	vld.idx.msk [tilespmem:v40+s15+$0x0], $0xffff  }
0x190: {  	v47 =	vadd.s32 s5, v29;
	v42 =	vadd.s32 v2, v62;
	[tilespmem:s26+$0xFFFFFE80] =	vst v37;
	v46 =	vld.idx.msk [tilespmem:v41+s15+$0x0], $0xffff  }
0x191: {  	v48 =	vadd.s32 v2, v47;
	v49 =	vadd.s32 s8, v29;
	[tilespmem:s26+$0xFFFFFF00] =	vst v31;
	v38 =	vld.idx.msk [tilespmem:v57+s15+$0x0], $0xffff  }
0x192: {  	v50 =	vadd.s32 s9, v29;
	v37 =	vadd.s32 v2, v49;
	v35 =	vld.idx.msk [tilespmem:v59+s15+$0x0], $0xffff;
	[tilespmem:s26+$0xFFFFFF90] =	vst v39  }
0x193: {  	v51 =	vadd.s32 v2, v50;
	v55 =	vadd.s32 s16, v29;
	v36 =	vld.idx.msk [tilespmem:v61+s15+$0x0], $0xffff;
	[tilespmem:s26+$0xFFFFFC10] =	vst v30  }
0x194: {  	v34 =	vadd.s32 v2, v55;
	v57 =	vadd.s32 s1, v29;
	v33 =	vld.idx.msk [tilespmem:v33+s15+$0x0], $0xffff;
	[tilespmem:s26+$0xFFFFFC90] =	vst v40  }
0x195: {  	v52 =	vadd.s32 s14, v29;
	v56 =	vadd.s32 s25, v29;
	v29 =	vadd.s32 v2, v57;
	v53 =	vld.idx.msk [tilespmem:v42+s15+$0x0], $0xffff;
	[tilespmem:s26+$0xFFFFFD10] =	vst v46  }
0x196: {  	v39 =	vadd.s32 v2, v52;
	[tilespmem:s26+$0xFFFFFD90] =	vst v38;
	v31 =	vld.idx.msk [tilespmem:v48+s15+$0x0], $0xffff  }
0x197: {  	v54 =	vadd.s32 s7, v28;
	v59 =	vadd.s32 v2, v56;
	[tilespmem:s26+$0xFFFFFE10] =	vst v35;
	v58 =	vld.idx.msk [tilespmem:v37+s15+$0x0], $0xffff  }
0x198: {  	v60 =	vadd.s32 s5, v28;
	v40 =	vadd.s32 v3, v54;
	[tilespmem:s26+$0xFFFFFE90] =	vst v36;
	v32 =	vld.idx.msk [tilespmem:v51+s15+$0x0], $0xffff  }
0x199: {  	v61 =	vadd.s32 s8, v28;
	v36 =	vadd.s32 v3, v60;
	v44 =	vld.idx.msk [tilespmem:v34+s15+$0x0], $0xffff;
	[tilespmem:s26+$0xFFFFFF10] =	vst v33  }
0x19a: {  	v63 =	vadd.s32 s9, v28;
	v62 =	vadd.s32 v3, v61;
	v29 =	vld.idx.msk [tilespmem:v29+s15+$0x0], $0xffff;
	[tilespmem:s26+$0xFFFFFFA0] =	vst v53  }
0x19b: {  	v45 =	vadd.s32 v3, v63;
	v48 =	vadd.s32 s16, v28;
	v39 =	vld.idx.msk [tilespmem:v39+s15+$0x0], $0xffff;
	[tilespmem:s26+$0xFFFFFCA0] =	vst v31  }
0x19c: {  	v51 =	vadd.s32 s1, v28;
	v35 =	vadd.s32 v3, v48;
	v37 =	vld.idx.msk [tilespmem:v59+s15+$0x0], $0xffff;
	[tilespmem:s26+$0xFFFFFD20] =	vst v58  }
0x19d: {  	v47 =	vadd.s32 s14, v28;
	v50 =	vadd.s32 s25, v28;
	v28 =	vadd.s32 v3, v51;
	v40 =	vld.idx.msk [tilespmem:v40+s15+$0x0], $0xffff;
	[tilespmem:s26+$0xFFFFFDA0] =	vst v32  }
0x19e: {  	v46 =	vadd.s32 s7, v27;
	v31 =	vadd.s32 v3, v47;
	[tilespmem:s26+$0xFFFFFEA0] =	vst v44;
	v49 =	vld.idx.msk [tilespmem:v36+s15+$0x0], $0xffff  }
0x19f: {  	v38 =	vadd.s32 v4, v46;
	[tilespmem:s26+$0xFFFFFC20] =	vst v29;
	v33 =	vld.idx.msk [tilespmem:v62+s15+$0x0], $0xffff  }
0x1a0: {  	v52 =	vadd.s32 s5, v27;
	v36 =	vadd.s32 v3, v50;
	v34 =	vld.idx.msk [tilespmem:v45+s15+$0x0], $0xffff;
	[tilespmem:s26+$0xFFFFFE20] =	vst v39  }
0x1a1: {  	v54 =	vadd.s32 s8, v27;
	v53 =	vadd.s32 v4, v52;
	v35 =	vld.idx.msk [tilespmem:v35+s15+$0x0], $0xffff;
	[tilespmem:s26+$0xFFFFFF20] =	vst v37  }
0x1a2: {  	v57 =	vadd.s32 s9, v27;
	v55 =	vadd.s32 v4, v54;
	v28 =	vld.idx.msk [tilespmem:v28+s15+$0x0], $0xffff;
	[tilespmem:s26+$0xFFFFFFB0] =	vst v40  }
0x1a3: {  	v61 =	vadd.s32 s1, v27;
	v60 =	vadd.s32 s25, v27;
	v29 =	vadd.s32 v4, v57;
	v31 =	vld.idx.msk [tilespmem:v31+s15+$0x0], $0xffff;
	[tilespmem:s26+$0xFFFFFCB0] =	vst v49  }
0x1a4: {  	v59 =	vadd.s32 s16, v27;
	v58 =	vadd.s32 s14, v27;
	v27 =	vadd.s32 v4, v61;
	v38 =	vld.idx.msk [tilespmem:v38+s15+$0x0], $0xffff;
	[tilespmem:s26+$0xFFFFFD30] =	vst v33  }
0x1a5: {  	v32 =	vadd.s32 v4, v58;
	v36 =	vld.idx.msk [tilespmem:v36+s15+$0x0], $0xffff;
	[tilespmem:s26+$0xFFFFFDB0] =	vst v34  }
0x1a6: {  	v56 =	vadd.s32 s7, v26;
	v33 =	vadd.s32 v4, v59;
	[tilespmem:s26+$0xFFFFFEB0] =	vst v35;
	v30 =	vld.idx.msk [tilespmem:v53+s15+$0x0], $0xffff  }
0x1a7: {  	v39 =	vadd.s32 v5, v56;
	[tilespmem:s26+$0xFFFFFC30] =	vst v28;
	v37 =	vld.idx.msk [tilespmem:v55+s15+$0x0], $0xffff  }
0x1a8: {  	v40 =	vadd.s32 s8, v26;
	v34 =	vadd.s32 v4, v60;
	v29 =	vld.idx.msk [tilespmem:v29+s15+$0x0], $0xffff;
	[tilespmem:s26+$0xFFFFFE30] =	vst v31  }
0x1a9: {  	v42 =	vadd.s32 s9, v26;
	v46 =	vadd.s32 s25, v26;
	v41 =	vadd.s32 v5, v40;
	v27 =	vld.idx.msk [tilespmem:v27+s15+$0x0], $0xffff;
	[tilespmem:s26+$0xFFFFFFC0] =	vst v38  }
0x1aa: {  	v43 =	vadd.s32 v5, v42;
	v44 =	vadd.s32 s14, v26;
	v47 =	vadd.s32 s1, v26;
	[tilespmem:s26+$0xFFFFFF30] =	vst v36;
	v32 =	vld.idx.msk [tilespmem:v32+s15+$0x0], $0xffff  }
0x1ab: {  	v62 =	vadd.s32 s5, v26;
	v45 =	vadd.s32 s16, v26;
	v26 =	vadd.s32 v5, v47;
	v33 =	vld.idx.msk [tilespmem:v33+s15+$0x0], $0xffff;
	[tilespmem:s26+$0xFFFFFCC0] =	vst v30  }
0x1ac: {  	v31 =	vadd.s32 v5, v62;
	v38 =	vld.idx.msk [tilespmem:v39+s15+$0x0], $0xffff;
	[tilespmem:s26+$0xFFFFFD40] =	vst v37  }
0x1ad: {  	v36 =	vadd.s32 v5, v44;
	v34 =	vld.idx.msk [tilespmem:v34+s15+$0x0], $0xffff;
	[tilespmem:s26+$0xFFFFFDC0] =	vst v29  }
0x1ae: {  	v63 =	vadd.s32 s7, v25;
	v37 =	vadd.s32 v5, v45;
	[tilespmem:s26+$0xFFFFFC40] =	vst v27;
	v28 =	vld.idx.msk [tilespmem:v41+s15+$0x0], $0xffff  }
0x1af: {  	v51 =	vadd.s32 s8, v25;
	v35 =	vadd.s32 v6, v63;
	v30 =	vld.idx.msk [tilespmem:v43+s15+$0x0], $0xffff;
	[tilespmem:s26+$0xFFFFFE40] =	vst v32  }
0x1b0: {  	v48 =	vadd.s32 v5, v46;
	v50 =	vadd.s32 s5, v25;
	v58 =	vadd.s32 s25, v25;
	v26 =	vld.idx.msk [tilespmem:v26+s15+$0x0], $0xffff;
	[tilespmem:s26+$0xFFFFFEC0] =	vst v33  }
0x1b1: {  	v52 =	vadd.s32 v6, v51;
	v56 =	vadd.s32 s16, v25;
	v62 =	vadd.s32 s1, v25;
	v31 =	vld.idx.msk [tilespmem:v31+s15+$0x0], $0xffff;
	[tilespmem:s26+$0xFFFFFFD0] =	vst v38  }
0x1b2: {  	v53 =	vadd.s32 s9, v25;
	v55 =	vadd.s32 s14, v25;
	v25 =	vadd.s32 v6, v62;
	[tilespmem:s26+$0xFFFFFF40] =	vst v34;
	v36 =	vld.idx.msk [tilespmem:v36+s15+$0x0], $0xffff  }
0x1b3: {  	v54 =	vadd.s32 v6, v53;
	v37 =	vld.idx.msk [tilespmem:v37+s15+$0x0], $0xffff;
	[tilespmem:s26+$0xFFFFFD50] =	vst v28  }
0x1b4: {  	v33 =	vadd.s32 v6, v50;
	v35 =	vld.idx.msk [tilespmem:v35+s15+$0x0], $0xffff;
	[tilespmem:s26+$0xFFFFFDD0] =	vst v30  }
0x1b5: {  	v34 =	vadd.s32 v6, v55;
	v29 =	vld.idx.msk [tilespmem:v48+s15+$0x0], $0xffff;
	[tilespmem:s26+$0xFFFFFC50] =	vst v26  }
0x1b6: {  	v57 =	vadd.s32 v6, v56;
	v49 =	vadd.s32 s7, v24;
	v27 =	vld.idx.msk [tilespmem:v52+s15+$0x0], $0xffff;
	[tilespmem:s26+$0xFFFFFCD0] =	vst v31  }
0x1b7: {  	v51 =	vadd.s32 s1, v24;
	v32 =	vadd.s32 v7, v49;
	v25 =	vld.idx.msk [tilespmem:v25+s15+$0x0], $0xffff;
	[tilespmem:s26+$0xFFFFFE50] =	vst v36  }
0x1b8: {  	v47 =	vadd.s32 s16, v24;
	v60 =	vadd.s32 v6, v58;
	v41 =	vadd.s32 s8, v24;
	v31 =	vld.idx.msk [tilespmem:v54+s15+$0x0], $0xffff;
	[tilespmem:s26+$0xFFFFFED0] =	vst v37  }
0x1b9: {  	v63 =	vadd.s32 s5, v24;
	v45 =	vadd.s32 s14, v24;
	v42 =	vadd.s32 v7, v41;
	v59 =	vld.idx.msk [tilespmem:v33+s15+$0x0], $0xffff;
	[tilespmem:s26+$0xFFFFFFE0] =	vst v35  }
0x1ba: {  	v43 =	vadd.s32 s9, v24;
	v50 =	vadd.s32 s25, v24;
	v24 =	vadd.s32 v7, v51;
	[tilespmem:s26+$0xFFFFFF50] =	vst v29;
	v34 =	vld.idx.msk [tilespmem:v34+s15+$0x0], $0xffff  }
0x1bb: {  	v40 =	vadd.s32 v7, v63;
	v28 =	vld.idx.msk [tilespmem:v57+s15+$0x0], $0xffff;
	[tilespmem:s26+$0xFFFFFD60] =	vst v27  }
0x1bc: {  	v44 =	vadd.s32 v7, v43;
	v32 =	vld.idx.msk [tilespmem:v32+s15+$0x0], $0xffff;
	[tilespmem:s26+$0xFFFFFC60] =	vst v25  }
0x1bd: {  	v46 =	vadd.s32 v7, v45;
	v33 =	vld.idx.msk [tilespmem:v60+s15+$0x0], $0xffff;
	[tilespmem:s26+$0xFFFFFDE0] =	vst v31  }
0x1be: {  	v61 =	vadd.s32 s7, v23;
	v56 =	vadd.s32 s14, v23;
	v48 =	vadd.s32 v7, v47;
	v26 =	vld.idx.msk [tilespmem:v42+s15+$0x0], $0xffff;
	[tilespmem:s26+$0xFFFFFCE0] =	vst v59  }
0x1bf: {  	v53 =	vadd.s32 s8, v23;
	v62 =	vadd.s32 s1, v23;
	v35 =	vadd.s32 v8, v61;
	v24 =	vld.idx.msk [tilespmem:v24+s15+$0x0], $0xffff;
	[tilespmem:s26+$0xFFFFFE60] =	vst v34  }
0x1c0: {  	v52 =	vadd.s32 s5, v23;
	v54 =	vadd.s32 s9, v23;
	v31 =	vadd.s32 v7, v50;
	v29 =	vld.idx.msk [tilespmem:v40+s15+$0x0], $0xffff;
	[tilespmem:s26+$0xFFFFFEE0] =	vst v28  }
0x1c1: {  	v61 =	vadd.s32 s25, v23;
	v60 =	vadd.s32 s16, v23;
	v23 =	vadd.s32 v8, v62;
	[tilespmem:s26+$0xFFFFFFF0] =	vst v32;
	v32 =	vld.idx.msk [tilespmem:v44+s15+$0x0], $0xffff  }
0x1c2: {  	v28 =	vadd.s32 v8, v52;
	[tilespmem:s26+$0xFFFFFF60] =	vst v33;
	v30 =	vld.idx.msk [tilespmem:v46+s15+$0x0], $0xffff  }
0x1c3: {  	v33 =	vadd.s32 v8, v53;
	v27 =	vld.idx.msk [tilespmem:v48+s15+$0x0], $0xffff;
	[tilespmem:s26+$0xFFFFFD70] =	vst v26  }
0x1c4: {  	v55 =	vadd.s32 v8, v54;
	v35 =	vld.idx.msk [tilespmem:v35+s15+$0x0], $0xffff;
	[tilespmem:s26+$0xFFFFFC70] =	vst v24  }
0x1c5: {  	v58 =	vadd.s32 v8, v56;
	v49 =	vadd.s32 s7, v22;
	v57 =	vld.idx.msk [tilespmem:v31+s15+$0x0], $0xffff;
	[tilespmem:s26+$0xFFFFFCF0] =	vst v29  }
0x1c6: {  	v36 =	vadd.s32 v9, v49;
	v23 =	vld.idx.msk [tilespmem:v23+s15+$0x0], $0xffff;
	[tilespmem:s26+$0xFFFFFDF0] =	vst v32  }
0x1c7: {  	v26 =	vadd.s32 v8, v60;
	v28 =	vld.idx.msk [tilespmem:v28+s15+$0x0], $0xffff;
	[tilespmem:s26+$0xFFFFFE70] =	vst v30  }
0x1c8: {  	v39 =	vadd.s32 s9, v22;
	v37 =	vadd.s32 s8, v22;
	v63 =	vld.idx.msk [tilespmem:v33+s15+$0x0], $0xffff;
	v32 =	vadd.s32 v8, v61;
	[tilespmem:s26+$0xFFFFFEF0] =	vst v27  }
0x1c9: {  	v43 =	vadd.s32 s14, v22;
	v47 =	vadd.s32 s25, v22;
	v38 =	vadd.s32 v9, v37;
	[tilespmem:s26+$0x380] =	vst v35;
	v25 =	vld.idx.msk [tilespmem:v55+s15+$0x0], $0xffff  }
0x1ca: {  	v41 =	vadd.s32 v9, v39;
	v59 =	vadd.s32 s7, v21;
	v48 =	vadd.s32 s1, v22;
	v31 =	vld.idx.msk [tilespmem:v58+s15+$0x0], $0xffff;
	[tilespmem:s26+$0xFFFFFF70] =	vst v57  }
0x1cb: {  	v44 =	vadd.s32 s16, v22;
	v35 =	vld.idx.msk [tilespmem:v36+s15+$0x0], $0xffff;
	v36 =	vadd.s32 s5, v22;
	v22 =	vadd.s32 v9, v48;
	[tilespmem:s26+$0x0] =	vst v23  }
0x1cc: {  	v34 =	vadd.s32 v10, v59;
	v40 =	vld.idx.msk [tilespmem:v26+s15+$0x0], $0xffff;
	[tilespmem:s26+$0x80] =	vst v28  }
0x1cd: {  	v27 =	vadd.s32 v9, v36;
	v32 =	vld.idx.msk [tilespmem:v32+s15+$0x0], $0xffff;
	[tilespmem:s26+$0x100] =	vst v63  }
0x1ce: {  	v46 =	vadd.s32 v9, v44;
	[tilespmem:s26+$0x180] =	vst v25;
	v29 =	vld.idx.msk [tilespmem:v38+s15+$0x0], $0xffff  }
0x1cf: {  	v28 =	vadd.s32 v9, v43;
	[tilespmem:s26+$0x200] =	vst v31;
	v26 =	vld.idx.msk [tilespmem:v41+s15+$0x0], $0xffff  }
0x1d0: {  	v51 =	vadd.s32 s8, v21;
	v54 =	vadd.s32 s14, v21;
	v30 =	vadd.s32 v9, v47;
	[tilespmem:s26+$0x390] =	vst v35;
	v22 =	vld.idx.msk [tilespmem:v22+s15+$0x0], $0xffff  }
0x1d1: {  	v49 =	vadd.s32 s5, v21;
	v53 =	vadd.s32 s9, v21;
	[tilespmem:s26+$0x280] =	vst v40;
	v31 =	vadd.s32 v10, v51;
	v34 =	vld.idx.msk [tilespmem:v34+s15+$0x0], $0xffff  }
0x1d2: {  	v42 =	vadd.s32 s7, v20;
	v58 =	vadd.s32 s1, v21;
	v23 =	vadd.s32 v10, v53;
	v45 =	vld.idx.msk [tilespmem:v27+s15+$0x0], $0xffff;
	[tilespmem:s26+$0x300] =	vst v32  }
0x1d3: {  	v55 =	vadd.s32 s16, v21;
	v57 =	vadd.s32 s25, v21;
	v21 =	vadd.s32 v10, v58;
	v27 =	vld.idx.msk [tilespmem:v46+s15+$0x0], $0xffff;
	[tilespmem:s26+$0x110] =	vst v29  }
0x1d4: {  	v33 =	vadd.s32 v11, v42;
	v28 =	vld.idx.msk [tilespmem:v28+s15+$0x0], $0xffff;
	[tilespmem:s26+$0x190] =	vst v26  }
0x1d5: {  	v50 =	vadd.s32 v10, v49;
	v30 =	vld.idx.msk [tilespmem:v30+s15+$0x0], $0xffff;
	[tilespmem:s26+$0x10] =	vst v22  }
0x1d6: {  	v56 =	vadd.s32 v10, v55;
	v31 =	vld.idx.msk [tilespmem:v31+s15+$0x0], $0xffff;
	[tilespmem:s26+$0x3A0] =	vst v34  }
0x1d7: {  	v25 =	vadd.s32 v10, v54;
	[tilespmem:s26+$0x90] =	vst v45;
	v23 =	vld.idx.msk [tilespmem:v23+s15+$0x0], $0xffff  }
0x1d8: {  	v39 =	vadd.s32 s16, v20;
	v62 =	vadd.s32 s8, v20;
	v29 =	vadd.s32 v10, v57;
	[tilespmem:s26+$0x290] =	vst v27;
	v21 =	vld.idx.msk [tilespmem:v21+s15+$0x0], $0xffff  }
0x1d9: {  	v52 =	vadd.s32 s7, v19;
	v36 =	vadd.s32 s9, v20;
	v63 =	vadd.s32 v11, v62;
	v33 =	vld.idx.msk [tilespmem:v33+s15+$0x0], $0xffff;
	[tilespmem:s26+$0x210] =	vst v28  }
0x1da: {  	v59 =	vadd.s32 s5, v20;
	v37 =	vadd.s32 v11, v36;
	v41 =	vadd.s32 s1, v20;
	v24 =	vld.idx.msk [tilespmem:v50+s15+$0x0], $0xffff;
	[tilespmem:s26+$0x310] =	vst v30  }
0x1db: {  	v38 =	vadd.s32 s14, v20;
	v40 =	vadd.s32 s25, v20;
	v20 =	vadd.s32 v11, v41;
	v26 =	vld.idx.msk [tilespmem:v56+s15+$0x0], $0xffff;
	[tilespmem:s26+$0x120] =	vst v31  }
0x1dc: {  	v32 =	vadd.s32 v12, v52;
	v25 =	vld.idx.msk [tilespmem:v25+s15+$0x0], $0xffff;
	[tilespmem:s26+$0x1A0] =	vst v23  }
0x1dd: {  	v60 =	vadd.s32 v11, v59;
	v29 =	vld.idx.msk [tilespmem:v29+s15+$0x0], $0xffff;
	[tilespmem:s26+$0x20] =	vst v21  }
0x1de: {  	v30 =	vadd.s32 v11, v38;
	v22 =	vld.idx.msk [tilespmem:v63+s15+$0x0], $0xffff;
	[tilespmem:s26+$0x3B0] =	vst v33  }
0x1df: {  	v31 =	vadd.s32 v11, v39;
	[tilespmem:s26+$0xA0] =	vst v24;
	v24 =	vld.idx.msk [tilespmem:v37+s15+$0x0], $0xffff  }
0x1e0: {  	v49 =	vadd.s32 s14, v19;
	v42 =	vadd.s32 v11, v40;
	v45 =	vadd.s32 s8, v19;
	[tilespmem:s26+$0x2A0] =	vst v26;
	v20 =	vld.idx.msk [tilespmem:v20+s15+$0x0], $0xffff  }
0x1e1: {  	v44 =	vadd.s32 s5, v19;
	v47 =	vadd.s32 s9, v19;
	v46 =	vadd.s32 v12, v45;
	v32 =	vld.idx.msk [tilespmem:v32+s15+$0x0], $0xffff;
	[tilespmem:s26+$0x220] =	vst v25  }
0x1e2: {  	v61 =	vadd.s32 s7, v18;
	v48 =	vadd.s32 v12, v47;
	v57 =	vadd.s32 s1, v19;
	v27 =	vld.idx.msk [tilespmem:v60+s15+$0x0], $0xffff;
	[tilespmem:s26+$0x320] =	vst v29  }
0x1e3: {  	v53 =	vadd.s32 s25, v19;
	v51 =	vadd.s32 s16, v19;
	v19 =	vadd.s32 v12, v57;
	v30 =	vld.idx.msk [tilespmem:v30+s15+$0x0], $0xffff;
	[tilespmem:s26+$0x130] =	vst v22  }
0x1e4: {  	v28 =	vadd.s32 v13, v61;
	v31 =	vld.idx.msk [tilespmem:v31+s15+$0x0], $0xffff;
	[tilespmem:s26+$0x1B0] =	vst v24  }
0x1e5: {  	v26 =	vadd.s32 v12, v44;
	v23 =	vld.idx.msk [tilespmem:v42+s15+$0x0], $0xffff;
	[tilespmem:s26+$0x30] =	vst v20  }
0x1e6: {  	v52 =	vadd.s32 v12, v51;
	v21 =	vld.idx.msk [tilespmem:v46+s15+$0x0], $0xffff;
	[tilespmem:s26+$0x3C0] =	vst v32  }
0x1e7: {  	v55 =	vadd.s32 v12, v53;
	v60 =	vadd.s32 s8, v18;
	[tilespmem:s26+$0xB0] =	vst v27;
	v27 =	vld.idx.msk [tilespmem:v48+s15+$0x0], $0xffff  }
0x1e8: {  	v58 =	vadd.s32 s5, v18;
	v61 =	vadd.s32 v13, v60;
	v19 =	vld.idx.msk [tilespmem:v19+s15+$0x0], $0xffff;
	[tilespmem:s26+$0x230] =	vst v30  }
0x1e9: {  	v43 =	vadd.s32 s7, v17;
	v62 =	vadd.s32 s9, v18;
	v50 =	vadd.s32 v12, v49;
	v28 =	vld.idx.msk [tilespmem:v28+s15+$0x0], $0xffff;
	[tilespmem:s26+$0x2B0] =	vst v31  }
0x1ea: {  	v35 =	vadd.s32 s16, v18;
	v39 =	vadd.s32 s1, v18;
	v63 =	vadd.s32 v13, v62;
	v54 =	vld.idx.msk [tilespmem:v26+s15+$0x0], $0xffff;
	[tilespmem:s26+$0x330] =	vst v23  }
0x1eb: {  	v33 =	vadd.s32 s14, v18;
	v37 =	vadd.s32 s25, v18;
	v18 =	vadd.s32 v13, v39;
	v22 =	vld.idx.msk [tilespmem:v52+s15+$0x0], $0xffff;
	[tilespmem:s26+$0x140] =	vst v21  }
0x1ec: {  	v25 =	vadd.s32 v14, v43;
	v26 =	vld.idx.msk [tilespmem:v55+s15+$0x0], $0xffff;
	[tilespmem:s26+$0x1C0] =	vst v27  }
0x1ed: {  	v59 =	vadd.s32 v13, v58;
	v20 =	vld.idx.msk [tilespmem:v61+s15+$0x0], $0xffff;
	[tilespmem:s26+$0x40] =	vst v19  }
0x1ee: {  	v40 =	vadd.s32 s5, v17;
	v36 =	vadd.s32 v13, v35;
	[tilespmem:s26+$0x3D0] =	vst v28;
	v28 =	vld.idx.msk [tilespmem:v50+s15+$0x0], $0xffff  }
0x1ef: {  	v51 =	vadd.s32 s25, v17;
	v38 =	vadd.s32 v13, v37;
	v43 =	vadd.s32 s8, v17;
	[tilespmem:s26+$0xC0] =	vst v54;
	v41 =	vld.idx.msk [tilespmem:v63+s15+$0x0], $0xffff  }
0x1f0: {  	v45 =	vadd.s32 s9, v17;
	v49 =	vadd.s32 s16, v17;
	v44 =	vadd.s32 v14, v43;
	v18 =	vld.idx.msk [tilespmem:v18+s15+$0x0], $0xffff;
	[tilespmem:s26+$0x2C0] =	vst v22  }
0x1f1: {  	v34 =	vadd.s32 v13, v33;
	v46 =	vadd.s32 s14, v17;
	v17 =	vadd.s32 s1, v17;
	v25 =	vld.idx.msk [tilespmem:v25+s15+$0x0], $0xffff;
	[tilespmem:s26+$0x340] =	vst v26  }
0x1f2: {  	v56 =	vadd.s32 s7, v16;
	v17 =	vadd.s32 v14, v17;
	v23 =	vld.idx.msk [tilespmem:v59+s15+$0x0], $0xffff;
	[tilespmem:s26+$0x150] =	vst v20  }
0x1f3: {  	v29 =	vadd.s32 v15, v56;
	v21 =	vld.idx.msk [tilespmem:v36+s15+$0x0], $0xffff;
	[tilespmem:s26+$0x240] =	vst v28  }
0x1f4: {  	v42 =	vadd.s32 v14, v40;
	v47 =	vld.idx.msk [tilespmem:v38+s15+$0x0], $0xffff;
	[tilespmem:s26+$0x1D0] =	vst v41  }
0x1f5: {  	v50 =	vadd.s32 v14, v49;
	v26 =	vld.idx.msk [tilespmem:v44+s15+$0x0], $0xffff;
	[tilespmem:s26+$0x50] =	vst v18  }
0x1f6: {  	v57 =	vadd.s32 s9, v16;
	v28 =	vadd.s32 v14, v45;
	[tilespmem:s26+$0x3E0] =	vst v25;
	v24 =	vld.idx.msk [tilespmem:v34+s15+$0x0], $0xffff  }
0x1f7: {  	v53 =	vadd.s32 v14, v51;
	v55 =	vadd.s32 s8, v16;
	v61 =	vadd.s32 s16, v16;
	[tilespmem:s26+$0xD0] =	vst v23;
	v17 =	vld.idx.msk [tilespmem:v17+s15+$0x0], $0xffff  }
0x1f8: {  	v56 =	vadd.s32 v15, v55;
	v54 =	vadd.s32 s5, v16;
	v63 =	vadd.s32 s25, v16;
	v29 =	vld.idx.msk [tilespmem:v29+s15+$0x0], $0xffff;
	[tilespmem:s26+$0x2D0] =	vst v21  }
0x1f9: {  	v48 =	vadd.s32 v14, v46;
	v59 =	vadd.s32 s14, v16;
	v16 =	vadd.s32 s1, v16;
	v52 =	vld.idx.msk [tilespmem:v42+s15+$0x0], $0xffff;
	[tilespmem:s26+$0x350] =	vst v47  }
0x1fa: {  	v16 =	vadd.s32 v15, v16;
	v23 =	vld.idx.msk [tilespmem:v50+s15+$0x0], $0xffff;
	[tilespmem:s26+$0x160] =	vst v26  }
0x1fb: {  	v22 =	vadd.s32 v15, v54;
	v28 =	vld.idx.msk [tilespmem:v28+s15+$0x0], $0xffff;
	[tilespmem:s26+$0x250] =	vst v24  }
0x1fc: {  	v62 =	vadd.s32 v15, v61;
	v25 =	vld.idx.msk [tilespmem:v53+s15+$0x0], $0xffff;
	[tilespmem:s26+$0x60] =	vst v17  }
0x1fd: {  	v58 =	vadd.s32 v15, v57;
	v21 =	vld.idx.msk [tilespmem:v56+s15+$0x0], $0xffff;
	[tilespmem:s26+$0x3F0] =	vst v29  }
0x1fe: {  	v24 =	vadd.s32 v15, v63;
	v27 =	vld.idx.msk [tilespmem:v48+s15+$0x0], $0xffff;
	[tilespmem:s26+$0xE0] =	vst v52  }
0x1ff: {  	v60 =	vadd.s32 v15, v59;
	v16 =	vld.idx.msk [tilespmem:v16+s15+$0x0], $0xffff;
	[tilespmem:s26+$0x2E0] =	vst v23  }
0x200: {  	v22 =	vld.idx.msk [tilespmem:v22+s15+$0x0], $0xffff;
	[tilespmem:s26+$0x1E0] =	vst v28  }
0x201: {  	[tilespmem:s26+$0x360] =	vst v25;
	v20 =	vld.idx.msk [tilespmem:v62+s15+$0x0], $0xffff  }
0x202: {  	v19 =	vld.idx.msk [tilespmem:v58+s15+$0x0], $0xffff;
	[tilespmem:s26+$0x170] =	vst v21  }
0x203: {  	v17 =	vld.idx.msk [tilespmem:v24+s15+$0x0], $0xffff;
	[tilespmem:s26+$0x260] =	vst v27  }
0x204: {  	[tilespmem:s26+$0x70] =	vst v16;
	v18 =	vld.idx.msk [tilespmem:v60+s15+$0x0], $0xffff  }
0x205: {  	s16 =	sadd.s32 s3, s31;
	[tilespmem:s26+$0xF0] =	vst v22  }
0x206: {  	s25 =	sshll.u32 s16, $0x8;
	[tilespmem:s26+$0x2F0] =	vst v20  }
0x207: {  	s1 =	sshll.u32 s16, $0xA;
	s5 =	sand.u32 $0x3E00, s25;
	[tilespmem:s26+$0x1F0] =	vst v19  }
0x208: {  	p0 =	seq.s32 s28, $0x31;
	s1 =	sand.u32 $0xFFF0000, s1;
	s5 =	sadd.s32 s4, s5;
	[tilespmem:s26+$0x370] =	vst v17  }
.Ltmp1:
0x209: {  	[tilespmem:s26+$0x270] =	vst v18;
	s26 =	sadd.s32 s1, s5;
	(pc) =	sbr.rel @p0 .LBB2_6-.Ltmp1, $4  }
0x20a: {  	[hbm4b:s26+s19] =	stream.strided.scatter [tilespmem:s21], [sflag:$0x3], $0x2000, s20, s19, $0x38;
	[tilespmem:$0x14600] =	vst v63  }
0x20b: {  	_ =	swait.ge [sflag:s22], $0x2000  }
0x20c: {  	[sflag:s22] =	ssyncset.done $0x0  }
0x20d: {  	[sflag:s22] =	ssyncadd.s32 $0xFFFFE000  }
0x20e: {  	s0 =	rddreg [dreg:$0x5]  }
0x20f: {  	s0 =	sadd.s32 s31, s0  }
0x210: {  	s1 =	sshll.u32 s0, $0x5;
	s5 =	sshll.u32 s0, $0x8;
	s0 =	sshrl.u32 s0, $0x2  }
0x211: {  	s1 =	sand.u32 $0xFFFC000, s1;
	s5 =	sand.u32 $0x3E00, s5;
	s0 =	sand.u32 $0x70, s0  }
0x212: {  	s1 =	sor.u32 s1, s5;
	s0 =	sadd.s32 s2, s0  }
0x213: {  	s26 =	simm.s32 $0x0;
	s0 =	sadd.s32 s1, s0  }
0x214: {  	[tilespmem:s26], [sflag:$0x5] =	stream.strided.gather [hbm4b:s0+s10], $0x100, s11, s10, $0x38;
	[tilespmem:$0x14600] =	vst v63  }
0x215: {  	_ =	swait.ge [sflag:s12], $0x100  }
0x216: {  	[sflag:s12] =	ssyncset.done $0x0  }
0x217: {  	[sflag:s12] =	ssyncadd.s32 $0xFFFFFF00  }
0x218: {  	v16 =	vld [tilespmem:$0x0];
	_ =	sdelay $0x1  }
0x219: {  	v17 =	vld [tilespmem:$0x10];
	_ =	sdelay $0x1  }
0x21a: {  	v18 =	vld [tilespmem:$0x20]  }
0x21b: {  	v19 =	vshrl.u32 v16, $0x2;
	v16 =	vshll.u32 v16, $0x5  }
0x21c: {  	v55 =	vld [tilespmem:$0x30];
	[tilespmem:$0x200] =	vst v19;
	v16 =	vand.u32 $0x60, v16  }
0x21d: {  	[tilespmem:$0x400] =	vst v16;
	v16 =	vshrl.u32 v17, $0x2;
	v17 =	vshll.u32 v17, $0x5  }
0x21e: {  	[tilespmem:$0x210] =	vst v16;
	v16 =	vand.u32 $0x60, v17;
	v17 =	vld [tilespmem:$0x40]  }
0x21f: {  	[tilespmem:$0x410] =	vst v16;
	v16 =	vshrl.u32 v18, $0x2;
	v18 =	vshll.u32 v18, $0x5  }
0x220: {  	v56 =	vld [tilespmem:$0x50];
	[tilespmem:$0x220] =	vst v16;
	v16 =	vand.u32 $0x60, v18  }
0x221: {  	v19 =	vshll.u32 v55, $0x5;
	[tilespmem:$0x420] =	vst v16;
	v16 =	vshrl.u32 v55, $0x2  }
0x222: {  	v57 =	vld [tilespmem:$0x60];
	[tilespmem:$0x230] =	vst v16;
	v16 =	vand.u32 $0x60, v19  }
0x223: {  	[tilespmem:$0x430] =	vst v16;
	v16 =	vshrl.u32 v17, $0x2;
	v17 =	vshll.u32 v17, $0x5  }
0x224: {  	[tilespmem:$0x240] =	vst v16;
	v16 =	vand.u32 $0x60, v17;
	v17 =	vld [tilespmem:$0x70]  }
0x225: {  	v18 =	vshll.u32 v56, $0x5;
	[tilespmem:$0x440] =	vst v16;
	v16 =	vshrl.u32 v56, $0x2  }
0x226: {  	v58 =	vld [tilespmem:$0x80];
	[tilespmem:$0x250] =	vst v16;
	v16 =	vand.u32 $0x60, v18  }
0x227: {  	v19 =	vshll.u32 v57, $0x5;
	[tilespmem:$0x450] =	vst v16;
	v16 =	vshrl.u32 v57, $0x2  }
0x228: {  	v59 =	vld [tilespmem:$0x90];
	[tilespmem:$0x260] =	vst v16;
	v16 =	vand.u32 $0x60, v19  }
0x229: {  	[tilespmem:$0x460] =	vst v16;
	v16 =	vshrl.u32 v17, $0x2;
	v17 =	vshll.u32 v17, $0x5  }
0x22a: {  	[tilespmem:$0x270] =	vst v16;
	v16 =	vand.u32 $0x60, v17;
	v17 =	vld [tilespmem:$0xA0]  }
0x22b: {  	v18 =	vshll.u32 v58, $0x5;
	[tilespmem:$0x470] =	vst v16;
	v16 =	vshrl.u32 v58, $0x2  }
0x22c: {  	v60 =	vld [tilespmem:$0xB0];
	[tilespmem:$0x280] =	vst v16;
	v16 =	vand.u32 $0x60, v18  }
0x22d: {  	v19 =	vshll.u32 v59, $0x5;
	[tilespmem:$0x480] =	vst v16;
	v16 =	vshrl.u32 v59, $0x2  }
0x22e: {  	v61 =	vld [tilespmem:$0xC0];
	[tilespmem:$0x290] =	vst v16;
	v16 =	vand.u32 $0x60, v19  }
0x22f: {  	[tilespmem:$0x490] =	vst v16;
	v16 =	vshrl.u32 v17, $0x2;
	v17 =	vshll.u32 v17, $0x5  }
0x230: {  	[tilespmem:$0x2A0] =	vst v16;
	v16 =	vand.u32 $0x60, v17;
	v17 =	vld [tilespmem:$0xD0]  }
0x231: {  	v18 =	vshll.u32 v60, $0x5;
	[tilespmem:$0x4A0] =	vst v16;
	v16 =	vshrl.u32 v60, $0x2  }
0x232: {  	v62 =	vld [tilespmem:$0xE0];
	[tilespmem:$0x2B0] =	vst v16;
	v16 =	vand.u32 $0x60, v18  }
0x233: {  	v19 =	vshll.u32 v61, $0x5;
	[tilespmem:$0x4B0] =	vst v16;
	v16 =	vshrl.u32 v61, $0x2  }
0x234: {  	v63 =	vld [tilespmem:$0xF0];
	[tilespmem:$0x2C0] =	vst v16;
	v16 =	vand.u32 $0x60, v19  }
0x235: {  	[tilespmem:$0x4C0] =	vst v16;
	v16 =	vshrl.u32 v17, $0x2;
	v17 =	vshll.u32 v17, $0x5  }
0x236: {  	[tilespmem:$0x2D0] =	vst v16;
	v16 =	vand.u32 $0x60, v17  }
0x237: {  	v17 =	vshll.u32 v62, $0x5;
	[tilespmem:$0x4D0] =	vst v16;
	v16 =	vshrl.u32 v62, $0x2  }
0x238: {  	[tilespmem:$0x2E0] =	vst v16;
	v16 =	vand.u32 $0x60, v17  }
0x239: {  	v17 =	vshll.u32 v63, $0x5;
	[tilespmem:$0x4E0] =	vst v16;
	v16 =	vshrl.u32 v63, $0x2  }
0x23a: {  	[tilespmem:$0x2F0] =	vst v16;
	v16 =	vand.u32 $0x60, v17  }
0x23b: {  	s31 =	simm.s32 $0x200;
	[tilespmem:$0x4F0] =	vst v16  }
0x23c: {  	[tilespmem:s15], [sflag:$0x1] =	stream.indirect.gather [hbm4b:s6+s13], $0x80, s31, s13, $0xb8;
	[tilespmem:$0x14600] =	vst v63  }
.LBB2_6:
0x23d: {  	_ =	swait.ge [sflag:s23], $0x8000  }
0x23e: {  	[sflag:s23] =	ssyncset.done $0x0  }
0x23f: {  	[sflag:s23] =	ssyncadd.s32 $0xFFFF8000  }
0x240: {  	v31 =	vld [tilespmem:$0x500]  }
0x241: {  	v30 =	vld [tilespmem:$0x510]  }
0x242: {  	v29 =	vld [tilespmem:$0x520]  }
0x243: {  	v28 =	vld [tilespmem:$0x530]  }
0x244: {  	v27 =	vld [tilespmem:$0x540]  }
0x245: {  	v26 =	vld [tilespmem:$0x550]  }
0x246: {  	v25 =	vld [tilespmem:$0x560]  }
0x247: {  	v24 =	vld [tilespmem:$0x570]  }
0x248: {  	v23 =	vld [tilespmem:$0x580]  }
0x249: {  	s5 =	simm.s32 $0x0;
	v22 =	vld [tilespmem:$0x590]  }
0x24a: {  	s14 =	simm.s32 $0x1;
	v21 =	vld [tilespmem:$0x5A0];
	v16 =	vadd.s32 s5, v31  }
0x24b: {  	s16 =	simm.s32 $0x3;
	s8 =	simm.s32 $0x4;
	v20 =	vld [tilespmem:$0x5B0];
	v17 =	vadd.s32 s14, v31;
	v32 =	vadd.s32 v0, v16  }
0x24c: {  	s1 =	simm.s32 $0x7;
	s9 =	simm.s32 $0x5;
	v19 =	vld [tilespmem:$0x5C0];
	v36 =	vadd.s32 s16, v31;
	v37 =	vadd.s32 s8, v31;
	v34 =	vadd.s32 v0, v17  }
0x24d: {  	s7 =	simm.s32 $0x2;
	v18 =	vld [tilespmem:$0x5D0];
	v38 =	vadd.s32 s9, v31;
	v16 =	vadd.s32 s1, v31;
	v36 =	vadd.s32 v0, v36  }
0x24e: {  	s25 =	simm.s32 $0x6;
	v17 =	vld [tilespmem:$0x5E0];
	v37 =	vadd.s32 v0, v37;
	v33 =	vadd.s32 v0, v16;
	v16 =	vadd.s32 s7, v31  }
0x24f: {  	v39 =	vadd.s32 s25, v31;
	v38 =	vadd.s32 v0, v38;
	v35 =	vadd.s32 v0, v16;
	v16 =	vld [tilespmem:$0x5F0]  }
0x250: {  	v39 =	vadd.s32 v0, v39;
	v32 =	vld.idx.msk [tilespmem:v32+s17+$0x0], $0xffff  }
0x251: {  	v34 =	vld.idx.msk [tilespmem:v34+s17+$0x0], $0xffff  }
0x252: {  	v41 =	vadd.s32 s14, v30;
	v36 =	vld.idx.msk [tilespmem:v36+s17+$0x0], $0xffff  }
0x253: {  	v43 =	vadd.s32 s16, v30;
	v41 =	vadd.s32 v1, v41;
	v37 =	vld.idx.msk [tilespmem:v37+s17+$0x0], $0xffff  }
0x254: {  	v44 =	vadd.s32 s8, v30;
	v43 =	vadd.s32 v1, v43;
	v38 =	vld.idx.msk [tilespmem:v38+s17+$0x0], $0xffff  }
0x255: {  	s0 =	simm.s32 $0x12A00;
	v45 =	vadd.s32 s9, v30;
	v44 =	vadd.s32 v1, v44;
	v39 =	vld.idx.msk [tilespmem:v39+s17+$0x0], $0xffff  }
0x256: {  	v59 =	vadd.s32 s5, v30;
	v56 =	vadd.s32 v1, v45;
	v33 =	vld.idx.msk [tilespmem:v33+s17+$0x0], $0xffff;
	[tilespmem:s0+$0xFFFFFC80] =	vst v34  }
0x257: {  	v40 =	vadd.s32 s1, v30;
	v60 =	vadd.s32 v1, v59;
	v35 =	vld.idx.msk [tilespmem:v35+s17+$0x0], $0xffff;
	[tilespmem:s0+$0xFFFFFD80] =	vst v36  }
0x258: {  	v42 =	vadd.s32 s7, v30;
	v40 =	vadd.s32 v1, v40;
	[tilespmem:s0+$0xFFFFFE00] =	vst v37;
	v41 =	vld.idx.msk [tilespmem:v41+s17+$0x0], $0xffff  }
0x259: {  	v42 =	vadd.s32 v1, v42;
	[tilespmem:s0+$0xFFFFFE80] =	vst v38;
	v43 =	vld.idx.msk [tilespmem:v43+s17+$0x0], $0xffff  }
0x25a: {  	v57 =	vadd.s32 s25, v30;
	[tilespmem:s0+$0xFFFFFC00] =	vst v32;
	v44 =	vld.idx.msk [tilespmem:v44+s17+$0x0], $0xffff  }
0x25b: {  	v61 =	vadd.s32 s14, v29;
	v34 =	vadd.s32 v1, v57;
	[tilespmem:s0+$0xFFFFFF80] =	vst v33;
	v33 =	vld.idx.msk [tilespmem:v56+s17+$0x0], $0xffff  }
0x25c: {  	v49 =	vadd.s32 s16, v29;
	v62 =	vadd.s32 v2, v61;
	[tilespmem:s0+$0xFFFFFF00] =	vst v39;
	v36 =	vld.idx.msk [tilespmem:v60+s17+$0x0], $0xffff  }
0x25d: {  	v51 =	vadd.s32 s8, v29;
	v50 =	vadd.s32 v2, v49;
	v40 =	vld.idx.msk [tilespmem:v40+s17+$0x0], $0xffff;
	[tilespmem:s0+$0xFFFFFD00] =	vst v35  }
0x25e: {  	v52 =	vadd.s32 v2, v51;
	v56 =	vadd.s32 s5, v29;
	v42 =	vld.idx.msk [tilespmem:v42+s17+$0x0], $0xffff;
	[tilespmem:s0+$0xFFFFFC90] =	vst v41  }
0x25f: {  	v58 =	vadd.s32 s1, v29;
	v57 =	vadd.s32 v2, v56;
	[tilespmem:s0+$0xFFFFFD90] =	vst v43  }
0x260: {  	v63 =	vadd.s32 s7, v29;
	v35 =	vadd.s32 v2, v58;
	v34 =	vld.idx.msk [tilespmem:v34+s17+$0x0], $0xffff;
	[tilespmem:s0+$0xFFFFFE10] =	vst v44  }
0x261: {  	v53 =	vadd.s32 s9, v29;
	v48 =	vadd.s32 v2, v63;
	[tilespmem:s0+$0xFFFFFC10] =	vst v36;
	v37 =	vld.idx.msk [tilespmem:v62+s17+$0x0], $0xffff  }
0x262: {  	v55 =	vadd.s32 s25, v29;
	[tilespmem:s0+$0xFFFFFF90] =	vst v40;
	v40 =	vadd.s32 v2, v53;
	v39 =	vld.idx.msk [tilespmem:v50+s17+$0x0], $0xffff  }
0x263: {  	v58 =	vadd.s32 s14, v28;
	v32 =	vld.idx.msk [tilespmem:v52+s17+$0x0], $0xffff;
	[tilespmem:s0+$0xFFFFFD10] =	vst v42;
	v42 =	vadd.s32 v2, v55  }
0x264: {  	v59 =	vadd.s32 v3, v58;
	v62 =	vadd.s32 s16, v28;
	v43 =	vld.idx.msk [tilespmem:v57+s17+$0x0], $0xffff  }
0x265: {  	v54 =	vadd.s32 s1, v28;
	[tilespmem:s0+$0xFFFFFE90] =	vst v33;
	v35 =	vld.idx.msk [tilespmem:v35+s17+$0x0], $0xffff;
	v63 =	vadd.s32 v3, v62  }
0x266: {  	v41 =	vadd.s32 v3, v54;
	v55 =	vadd.s32 s5, v28;
	v38 =	vld.idx.msk [tilespmem:v48+s17+$0x0], $0xffff;
	[tilespmem:s0+$0xFFFFFF10] =	vst v34  }
0x267: {  	v60 =	vadd.s32 s7, v28;
	v56 =	vadd.s32 v3, v55;
	v40 =	vld.idx.msk [tilespmem:v40+s17+$0x0], $0xffff;
	[tilespmem:s0+$0xFFFFFCA0] =	vst v37  }
0x268: {  	v61 =	vadd.s32 v3, v60;
	v48 =	vadd.s32 s8, v28;
	[tilespmem:s0+$0xFFFFFDA0] =	vst v39;
	v51 =	vld.idx.msk [tilespmem:v42+s17+$0x0], $0xffff  }
0x269: {  	v53 =	vadd.s32 s9, v28;
	v50 =	vadd.s32 v3, v48;
	[tilespmem:s0+$0xFFFFFC20] =	vst v43;
	v44 =	vld.idx.msk [tilespmem:v59+s17+$0x0], $0xffff  }
0x26a: {  	v54 =	vadd.s32 s25, v28;
	v37 =	vadd.s32 v3, v53;
	[tilespmem:s0+$0xFFFFFFA0] =	vst v35;
	v35 =	vld.idx.msk [tilespmem:v63+s17+$0x0], $0xffff  }
0x26b: {  	v57 =	vadd.s32 s14, v27;
	v49 =	vld.idx.msk [tilespmem:v41+s17+$0x0], $0xffff;
	[tilespmem:s0+$0xFFFFFD20] =	vst v38;
	v38 =	vadd.s32 v3, v54  }
0x26c: {  	v52 =	vadd.s32 s1, v27;
	v58 =	vadd.s32 v4, v57;
	[tilespmem:s0+$0xFFFFFE20] =	vst v32;
	v39 =	vld.idx.msk [tilespmem:v56+s17+$0x0], $0xffff  }
0x26d: {  	v42 =	vadd.s32 v4, v52;
	v59 =	vadd.s32 s7, v27;
	v33 =	vld.idx.msk [tilespmem:v61+s17+$0x0], $0xffff;
	[tilespmem:s0+$0xFFFFFEA0] =	vst v40  }
0x26e: {  	v60 =	vadd.s32 v4, v59;
	v36 =	vld.idx.msk [tilespmem:v50+s17+$0x0], $0xffff;
	v61 =	vadd.s32 s16, v27;
	[tilespmem:s0+$0xFFFFFF20] =	vst v51  }
0x26f: {  	v47 =	vadd.s32 s8, v27;
	v63 =	vadd.s32 v4, v61;
	v37 =	vld.idx.msk [tilespmem:v37+s17+$0x0], $0xffff;
	[tilespmem:s0+$0xFFFFFCB0] =	vst v44  }
0x270: {  	v48 =	vadd.s32 s9, v27;
	v43 =	vadd.s32 v4, v47;
	[tilespmem:s0+$0xFFFFFDB0] =	vst v35;
	v38 =	vld.idx.msk [tilespmem:v38+s17+$0x0], $0xffff  }
0x271: {  	v51 =	vadd.s32 s5, v27;
	[tilespmem:s0+$0xFFFFFFB0] =	vst v49;
	v32 =	vld.idx.msk [tilespmem:v58+s17+$0x0], $0xffff;
	v49 =	vadd.s32 v4, v48  }
0x272: {  	v50 =	vadd.s32 s25, v27;
	v53 =	vadd.s32 v4, v51;
	v62 =	vld.idx.msk [tilespmem:v42+s17+$0x0], $0xffff;
	[tilespmem:s0+$0xFFFFFD30] =	vst v33  }
0x273: {  	v54 =	vadd.s32 s14, v26;
	v52 =	vadd.s32 v4, v50;
	[tilespmem:s0+$0xFFFFFC30] =	vst v39;
	v34 =	vld.idx.msk [tilespmem:v60+s17+$0x0], $0xffff  }
0x274: {  	v46 =	vadd.s32 s1, v26;
	v55 =	vadd.s32 v5, v54;
	[tilespmem:s0+$0xFFFFFE30] =	vst v36;
	v42 =	vld.idx.msk [tilespmem:v63+s17+$0x0], $0xffff  }
0x275: {  	v41 =	vadd.s32 v5, v46;
	v56 =	vadd.s32 s7, v26;
	v43 =	vld.idx.msk [tilespmem:v43+s17+$0x0], $0xffff;
	[tilespmem:s0+$0xFFFFFEB0] =	vst v37  }
0x276: {  	v58 =	vadd.s32 v5, v56;
	v60 =	vadd.s32 s16, v26;
	v33 =	vld.idx.msk [tilespmem:v49+s17+$0x0], $0xffff;
	[tilespmem:s0+$0xFFFFFF30] =	vst v38  }
0x277: {  	v47 =	vadd.s32 s9, v26;
	v61 =	vadd.s32 v5, v60;
	v44 =	vld.idx.msk [tilespmem:v53+s17+$0x0], $0xffff;
	[tilespmem:s0+$0xFFFFFCC0] =	vst v32  }
0x278: {  	v50 =	vadd.s32 s5, v26;
	v48 =	vadd.s32 v5, v47;
	[tilespmem:s0+$0xFFFFFFC0] =	vst v62;
	v35 =	vld.idx.msk [tilespmem:v52+s17+$0x0], $0xffff  }
0x279: {  	v51 =	vadd.s32 v5, v50;
	v62 =	vadd.s32 s8, v26;
	v40 =	vld.idx.msk [tilespmem:v55+s17+$0x0], $0xffff;
	[tilespmem:s0+$0xFFFFFD40] =	vst v34  }
0x27a: {  	v59 =	vadd.s32 s1, v25;
	v57 =	vld.idx.msk [tilespmem:v41+s17+$0x0], $0xffff;
	v63 =	vadd.s32 v5, v62;
	[tilespmem:s0+$0xFFFFFDC0] =	vst v42  }
0x27b: {  	v37 =	vadd.s32 v6, v59;
	v49 =	vadd.s32 s25, v26;
	[tilespmem:s0+$0xFFFFFE40] =	vst v43;
	v41 =	vld.idx.msk [tilespmem:v58+s17+$0x0], $0xffff  }
0x27c: {  	v39 =	vadd.s32 v5, v49;
	v52 =	vadd.s32 s14, v25;
	v38 =	vld.idx.msk [tilespmem:v61+s17+$0x0], $0xffff;
	[tilespmem:s0+$0xFFFFFEC0] =	vst v33  }
0x27d: {  	v53 =	vadd.s32 v6, v52;
	v58 =	vadd.s32 s16, v25;
	[tilespmem:s0+$0xFFFFFC40] =	vst v44;
	v34 =	vld.idx.msk [tilespmem:v48+s17+$0x0], $0xffff  }
0x27e: {  	v55 =	vadd.s32 s7, v25;
	v59 =	vadd.s32 v6, v58;
	[tilespmem:s0+$0xFFFFFF40] =	vst v35;
	v36 =	vld.idx.msk [tilespmem:v51+s17+$0x0], $0xffff  }
0x27f: {  	v62 =	vadd.s32 s9, v25;
	[tilespmem:s0+$0xFFFFFFD0] =	vst v57;
	v32 =	vld.idx.msk [tilespmem:v63+s17+$0x0], $0xffff;
	v57 =	vadd.s32 v6, v55  }
0x280: {  	v60 =	vadd.s32 s8, v25;
	v44 =	vadd.s32 v6, v62;
	[tilespmem:s0+$0xFFFFFCD0] =	vst v40;
	v37 =	vld.idx.msk [tilespmem:v37+s17+$0x0], $0xffff  }
0x281: {  	v54 =	vadd.s32 s1, v24;
	v61 =	vadd.s32 v6, v60;
	v39 =	vld.idx.msk [tilespmem:v39+s17+$0x0], $0xffff;
	[tilespmem:s0+$0xFFFFFD50] =	vst v41  }
0x282: {  	v56 =	vadd.s32 v7, v54;
	v42 =	vld.idx.msk [tilespmem:v53+s17+$0x0], $0xffff;
	v63 =	vadd.s32 s25, v25;
	[tilespmem:s0+$0xFFFFFDD0] =	vst v38  }
0x283: {  	v50 =	vadd.s32 s14, v24;
	v48 =	vadd.s32 v6, v63;
	v35 =	vld.idx.msk [tilespmem:v59+s17+$0x0], $0xffff;
	[tilespmem:s0+$0xFFFFFED0] =	vst v34  }
0x284: {  	v47 =	vadd.s32 s5, v25;
	v52 =	vadd.s32 v7, v50;
	v43 =	vld.idx.msk [tilespmem:v57+s17+$0x0], $0xffff;
	[tilespmem:s0+$0xFFFFFE50] =	vst v32  }
0x285: {  	v53 =	vadd.s32 s7, v24;
	v44 =	vld.idx.msk [tilespmem:v44+s17+$0x0], $0xffff;
	[tilespmem:s0+$0xFFFFFFE0] =	vst v37;
	v37 =	vadd.s32 v6, v47  }
0x286: {  	v55 =	vadd.s32 s16, v24;
	v54 =	vadd.s32 v7, v53;
	[tilespmem:s0+$0xFFFFFC50] =	vst v36;
	v40 =	vld.idx.msk [tilespmem:v61+s17+$0x0], $0xffff  }
0x287: {  	[tilespmem:s0+$0xFFFFFF50] =	vst v39;
	v57 =	vadd.s32 s8, v24;
	v33 =	vld.idx.msk [tilespmem:v56+s17+$0x0], $0xffff;
	v56 =	vadd.s32 v7, v55  }
0x288: {  	v58 =	vadd.s32 s9, v24;
	[tilespmem:s0+$0xFFFFFCE0] =	vst v42;
	v41 =	vld.idx.msk [tilespmem:v48+s17+$0x0], $0xffff;
	v39 =	vadd.s32 v7, v57  }
0x289: {  	v49 =	vadd.s32 s1, v23;
	v59 =	vadd.s32 v7, v58;
	v38 =	vld.idx.msk [tilespmem:v52+s17+$0x0], $0xffff;
	[tilespmem:s0+$0xFFFFFDE0] =	vst v35  }
0x28a: {  	v60 =	vadd.s32 s25, v24;
	v51 =	vadd.s32 v8, v49;
	[tilespmem:s0+$0xFFFFFD60] =	vst v43;
	v37 =	vld.idx.msk [tilespmem:v37+s17+$0x0], $0xffff  }
0x28b: {  	v49 =	vadd.s32 s14, v23;
	v42 =	vadd.s32 v7, v60;
	[tilespmem:s0+$0xFFFFFEE0] =	vst v44;
	v34 =	vld.idx.msk [tilespmem:v54+s17+$0x0], $0xffff  }
0x28c: {  	v62 =	vadd.s32 s5, v24;
	v50 =	vadd.s32 v8, v49;
	[tilespmem:s0+$0xFFFFFE60] =	vst v40;
	v36 =	vld.idx.msk [tilespmem:v56+s17+$0x0], $0xffff  }
0x28d: {  	v53 =	vadd.s32 s16, v23;
	v48 =	vadd.s32 v7, v62;
	[tilespmem:s0+$0xFFFFFF60] =	vst v41;
	v39 =	vld.idx.msk [tilespmem:v39+s17+$0x0], $0xffff  }
0x28e: {  	v55 =	vadd.s32 s8, v23;
	v54 =	vadd.s32 v8, v53;
	[tilespmem:s0+$0xFFFFFFF0] =	vst v33;
	v33 =	vld.idx.msk [tilespmem:v59+s17+$0x0], $0xffff  }
0x28f: {  	v61 =	vadd.s32 s1, v22;
	[tilespmem:s0+$0xFFFFFCF0] =	vst v38;
	v56 =	vadd.s32 v8, v55;
	v32 =	vld.idx.msk [tilespmem:v51+s17+$0x0], $0xffff  }
0x290: {  	v63 =	vadd.s32 v9, v61;
	v42 =	vld.idx.msk [tilespmem:v42+s17+$0x0], $0xffff;
	v51 =	vadd.s32 s7, v23;
	[tilespmem:s0+$0xFFFFFC60] =	vst v37  }
0x291: {  	v57 =	vadd.s32 s9, v23;
	v40 =	vld.idx.msk [tilespmem:v50+s17+$0x0], $0xffff;
	v52 =	vadd.s32 v8, v51;
	[tilespmem:s0+$0xFFFFFD70] =	vst v34  }
0x292: {  	v59 =	vadd.s32 s25, v23;
	v37 =	vadd.s32 v8, v57;
	v43 =	vld.idx.msk [tilespmem:v48+s17+$0x0], $0xffff;
	[tilespmem:s0+$0xFFFFFDF0] =	vst v36  }
0x293: {  	v60 =	vadd.s32 s5, v23;
	v34 =	vadd.s32 v8, v59;
	[tilespmem:s0+$0xFFFFFE70] =	vst v39;
	v41 =	vld.idx.msk [tilespmem:v54+s17+$0x0], $0xffff  }
0x294: {  	v62 =	vadd.s32 s14, v22;
	v61 =	vadd.s32 v8, v60;
	[tilespmem:s0+$0x380] =	vst v32;
	v32 =	vld.idx.msk [tilespmem:v56+s17+$0x0], $0xffff  }
0x295: {  	v50 =	vadd.s32 s16, v22;
	[tilespmem:s0+$0xFFFFFEF0] =	vst v33;
	v35 =	vld.idx.msk [tilespmem:v63+s17+$0x0], $0xffff;
	v63 =	vadd.s32 v9, v62  }
0x296: {  	v58 =	vadd.s32 s1, v21;
	v51 =	vadd.s32 v9, v50;
	[tilespmem:s0+$0xFFFFFF70] =	vst v42;
	v44 =	vld.idx.msk [tilespmem:v52+s17+$0x0], $0xffff  }
0x297: {  	v38 =	vadd.s32 v10, v58;
	v48 =	vadd.s32 s7, v22;
	[tilespmem:s0+$0x80] =	vst v40;
	v37 =	vld.idx.msk [tilespmem:v37+s17+$0x0], $0xffff  }
0x298: {  	v49 =	vadd.s32 v9, v48;
	v52 =	vadd.s32 s8, v22;
	v34 =	vld.idx.msk [tilespmem:v34+s17+$0x0], $0xffff;
	[tilespmem:s0+$0xFFFFFC70] =	vst v43  }
0x299: {  	v55 =	vadd.s32 s9, v22;
	v53 =	vadd.s32 v9, v52;
	v36 =	vld.idx.msk [tilespmem:v61+s17+$0x0], $0xffff;
	[tilespmem:s0+$0x180] =	vst v41  }
0x29a: {  	v40 =	vadd.s32 v9, v55;
	v56 =	vadd.s32 s25, v22;
	[tilespmem:s0+$0x200] =	vst v32;
	v39 =	vld.idx.msk [tilespmem:v63+s17+$0x0], $0xffff  }
0x29b: {  	v57 =	vadd.s32 s5, v22;
	v58 =	vadd.s32 v9, v56;
	[tilespmem:s0+$0x390] =	vst v35;
	v35 =	vld.idx.msk [tilespmem:v51+s17+$0x0], $0xffff  }
0x29c: {  	v60 =	vadd.s32 s14, v21;
	v59 =	vadd.s32 v9, v57;
	[tilespmem:s0+$0x100] =	vst v44;
	v38 =	vld.idx.msk [tilespmem:v38+s17+$0x0], $0xffff  }
0x29d: {  	v54 =	vadd.s32 s1, v20;
	v61 =	vadd.s32 v10, v60;
	v33 =	vld.idx.msk [tilespmem:v49+s17+$0x0], $0xffff;
	[tilespmem:s0+$0x280] =	vst v37  }
0x29e: {  	v62 =	vadd.s32 s7, v21;
	v43 =	vadd.s32 v11, v54;
	v42 =	vld.idx.msk [tilespmem:v53+s17+$0x0], $0xffff;
	[tilespmem:s0+$0x300] =	vst v34  }
0x29f: {  	v48 =	vadd.s32 s16, v21;
	v63 =	vadd.s32 v10, v62;
	v40 =	vld.idx.msk [tilespmem:v40+s17+$0x0], $0xffff;
	[tilespmem:s0+$0x0] =	vst v36  }
0x2a0: {  	v50 =	vadd.s32 v10, v48;
	v52 =	vadd.s32 s8, v21;
	v41 =	vld.idx.msk [tilespmem:v58+s17+$0x0], $0xffff;
	[tilespmem:s0+$0x90] =	vst v39  }
0x2a1: {  	v53 =	vadd.s32 s9, v21;
	v36 =	vadd.s32 v10, v52;
	v44 =	vld.idx.msk [tilespmem:v59+s17+$0x0], $0xffff;
	[tilespmem:s0+$0x190] =	vst v35  }
0x2a2: {  	v55 =	vadd.s32 s25, v21;
	v54 =	vadd.s32 v10, v53;
	[tilespmem:s0+$0x3A0] =	vst v38;
	v32 =	vld.idx.msk [tilespmem:v61+s17+$0x0], $0xffff  }
0x2a3: {  	v57 =	vadd.s32 v10, v55;
	v56 =	vadd.s32 s5, v21;
	[tilespmem:s0+$0x110] =	vst v33;
	v49 =	vld.idx.msk [tilespmem:v43+s17+$0x0], $0xffff  }
0x2a4: {  	v58 =	vadd.s32 v10, v56;
	v59 =	vadd.s32 s14, v20;
	[tilespmem:s0+$0x210] =	vst v42;
	v38 =	vld.idx.msk [tilespmem:v63+s17+$0x0], $0xffff  }
0x2a5: {  	v51 =	vadd.s32 s1, v19;
	v60 =	vadd.s32 v11, v59;
	v43 =	vld.idx.msk [tilespmem:v50+s17+$0x0], $0xffff;
	[tilespmem:s0+$0x290] =	vst v40  }
0x2a6: {  	v34 =	vadd.s32 v12, v51;
	v61 =	vadd.s32 s7, v20;
	[tilespmem:s0+$0x310] =	vst v41;
	v36 =	vld.idx.msk [tilespmem:v36+s17+$0x0], $0xffff  }
0x2a7: {  	v62 =	vadd.s32 v11, v61;
	v50 =	vadd.s32 s8, v20;
	v33 =	vld.idx.msk [tilespmem:v54+s17+$0x0], $0xffff;
	[tilespmem:s0+$0x10] =	vst v44  }
0x2a8: {  	v52 =	vadd.s32 s9, v20;
	v51 =	vadd.s32 v11, v50;
	v35 =	vld.idx.msk [tilespmem:v57+s17+$0x0], $0xffff;
	[tilespmem:s0+$0xA0] =	vst v32  }
0x2a9: {  	v53 =	vadd.s32 v11, v52;
	v54 =	vadd.s32 s25, v20;
	v39 =	vld.idx.msk [tilespmem:v58+s17+$0x0], $0xffff;
	[tilespmem:s0+$0x3B0] =	vst v49  }
0x2aa: {  	v48 =	vadd.s32 s16, v20;
	v44 =	vadd.s32 v11, v54;
	v37 =	vld.idx.msk [tilespmem:v60+s17+$0x0], $0xffff;
	[tilespmem:s0+$0x120] =	vst v38  }
0x2ab: {  	v63 =	vadd.s32 s1, v18;
	v49 =	vadd.s32 v11, v48;
	[tilespmem:s0+$0x1A0] =	vst v43;
	v34 =	vld.idx.msk [tilespmem:v34+s17+$0x0], $0xffff  }
0x2ac: {  	v55 =	vadd.s32 s5, v20;
	v40 =	vadd.s32 v13, v63;
	v42 =	vld.idx.msk [tilespmem:v62+s17+$0x0], $0xffff;
	[tilespmem:s0+$0x220] =	vst v36  }
0x2ad: {  	v56 =	vadd.s32 v11, v55;
	v57 =	vadd.s32 s14, v19;
	[tilespmem:s0+$0x2A0] =	vst v33;
	v32 =	vld.idx.msk [tilespmem:v51+s17+$0x0], $0xffff  }
0x2ae: {  	v58 =	vadd.s32 v12, v57;
	v60 =	vadd.s32 s7, v19;
	[tilespmem:s0+$0x320] =	vst v35;
	v38 =	vld.idx.msk [tilespmem:v53+s17+$0x0], $0xffff  }
0x2af: {  	v62 =	vadd.s32 v12, v60;
	v44 =	vld.idx.msk [tilespmem:v44+s17+$0x0], $0xffff;
	v51 =	vadd.s32 s9, v19;
	[tilespmem:s0+$0x20] =	vst v39  }
0x2b0: {  	v52 =	vadd.s32 s25, v19;
	v39 =	vadd.s32 v12, v51;
	v41 =	vld.idx.msk [tilespmem:v49+s17+$0x0], $0xffff;
	[tilespmem:s0+$0x3C0] =	vst v34  }
0x2b1: {  	v59 =	vadd.s32 s1, v17;
	v54 =	vadd.s32 v12, v52;
	v40 =	vld.idx.msk [tilespmem:v40+s17+$0x0], $0xffff  }
0x2b2: {  	v61 =	vadd.s32 v14, v59;
	v49 =	vadd.s32 s8, v19;
	[tilespmem:s0+$0xB0] =	vst v37;
	v34 =	vld.idx.msk [tilespmem:v56+s17+$0x0], $0xffff  }
0x2b3: {  	v63 =	vadd.s32 s16, v19;
	v50 =	vadd.s32 v12, v49;
	v43 =	vld.idx.msk [tilespmem:v58+s17+$0x0], $0xffff;
	[tilespmem:s0+$0x130] =	vst v42  }
0x2b4: {  	v48 =	vadd.s32 v12, v63;
	v56 =	vadd.s32 s14, v18;
	v36 =	vld.idx.msk [tilespmem:v62+s17+$0x0], $0xffff;
	[tilespmem:s0+$0x2B0] =	vst v38  }
0x2b5: {  	v59 =	vadd.s32 s7, v18;
	v58 =	vadd.s32 v13, v56;
	[tilespmem:s0+$0x330] =	vst v44;
	v39 =	vld.idx.msk [tilespmem:v39+s17+$0x0], $0xffff  }
0x2b6: {  	v60 =	vadd.s32 v13, v59;
	v53 =	vadd.s32 s5, v19;
	v42 =	vld.idx.msk [tilespmem:v54+s17+$0x0], $0xffff;
	[tilespmem:s0+$0x3D0] =	vst v40  }
0x2b7: {  	v55 =	vadd.s32 s1, v16;
	[tilespmem:s0+$0x230] =	vst v32;
	v40 =	vadd.s32 v12, v53;
	v33 =	vld.idx.msk [tilespmem:v61+s17+$0x0], $0xffff  }
0x2b8: {  	v57 =	vadd.s32 v15, v55;
	v63 =	vadd.s32 s8, v18;
	[tilespmem:s0+$0x1B0] =	vst v41;
	v37 =	vld.idx.msk [tilespmem:v50+s17+$0x0], $0xffff  }
0x2b9: {  	v44 =	vadd.s32 v13, v63;
	v35 =	vld.idx.msk [tilespmem:v48+s17+$0x0], $0xffff;
	[tilespmem:s0+$0xC0] =	vst v43;
	v50 =	vadd.s32 s25, v18  }
0x2ba: {  	v48 =	vadd.s32 s9, v18;
	v41 =	vld.idx.msk [tilespmem:v58+s17+$0x0], $0xffff;
	[tilespmem:s0+$0x140] =	vst v36;
	v52 =	vadd.s32 v13, v50  }
0x2bb: {  	s1 =	simm.s32 $0x8;
	[tilespmem:s0+$0x30] =	vst v34;
	v49 =	vadd.s32 v13, v48;
	v61 =	vadd.s32 s16, v18;
	v38 =	vld.idx.msk [tilespmem:v60+s17+$0x0], $0xffff  }
0x2bc: {  	v51 =	vadd.s32 s1, v31;
	v62 =	vadd.s32 v13, v61;
	v40 =	vld.idx.msk [tilespmem:v40+s17+$0x0], $0xffff;
	[tilespmem:s0+$0x3E0] =	vst v33  }
0x2bd: {  	v54 =	vadd.s32 s5, v18;
	v53 =	vadd.s32 v0, v51;
	[tilespmem:s0+$0x240] =	vst v37;
	v32 =	vld.idx.msk [tilespmem:v57+s17+$0x0], $0xffff  }
0x2be: {  	v55 =	vadd.s32 v13, v54;
	v58 =	vadd.s32 s7, v17;
	[tilespmem:s0+$0x340] =	vst v42;
	v44 =	vld.idx.msk [tilespmem:v44+s17+$0x0], $0xffff  }
0x2bf: {  	v56 =	vadd.s32 s14, v17;
	v59 =	vadd.s32 v14, v58;
	[tilespmem:s0+$0x2C0] =	vst v39;
	v36 =	vld.idx.msk [tilespmem:v52+s17+$0x0], $0xffff  }
0x2c0: {  	[tilespmem:s0+$0x1C0] =	vst v35;
	v52 =	vadd.s32 s9, v17;
	v33 =	vld.idx.msk [tilespmem:v49+s17+$0x0], $0xffff;
	v57 =	vadd.s32 v14, v56  }
0x2c1: {  	v60 =	vadd.s32 s16, v17;
	v54 =	vadd.s32 v14, v52;
	v34 =	vld.idx.msk [tilespmem:v62+s17+$0x0], $0xffff;
	[tilespmem:s0+$0x40] =	vst v40  }
0x2c2: {  	v61 =	vadd.s32 v14, v60;
	v62 =	vadd.s32 s8, v17;
	[tilespmem:s0+$0x3F0] =	vst v32;
	v32 =	vld.idx.msk [tilespmem:v53+s17+$0x0], $0xffff  }
0x2c3: {  	[tilespmem:s0+$0x150] =	vst v38;
	v63 =	vadd.s32 v14, v62;
	v53 =	vld.idx.msk [tilespmem:v55+s17+$0x0], $0xffff;
	v55 =	vadd.s32 s25, v17  }
0x2c4: {  	[tilespmem:s0+$0xD0] =	vst v41;
	v56 =	vadd.s32 s5, v17;
	v49 =	vld.idx.msk [tilespmem:v59+s17+$0x0], $0xffff;
	v47 =	vadd.s32 v14, v55  }
0x2c5: {  	v48 =	vadd.s32 v14, v56;
	[tilespmem:s0+$0x2D0] =	vst v33;
	v46 =	vld.idx.msk [tilespmem:v57+s17+$0x0], $0xffff;
	v57 =	vadd.s32 s14, v16  }
0x2c6: {  	v59 =	vadd.s32 s7, v16;
	[tilespmem:s0+$0x1D0] =	vst v34;
	v35 =	vld.idx.msk [tilespmem:v54+s17+$0x0], $0xffff;
	v58 =	vadd.s32 v15, v57  }
0x2c7: {  	v60 =	vadd.s32 s16, v16;
	v43 =	vadd.s32 v15, v59;
	[tilespmem:s0+$0x250] =	vst v44;
	v38 =	vld.idx.msk [tilespmem:v61+s17+$0x0], $0xffff  }
0x2c8: {  	v41 =	vadd.s32 v15, v60;
	[tilespmem:s0+$0x350] =	vst v36;
	v37 =	vld.idx.msk [tilespmem:v63+s17+$0x0], $0xffff;
	v61 =	vadd.s32 s8, v16  }
0x2c9: {  	v62 =	vadd.s32 s9, v16;
	v39 =	vadd.s32 v15, v61;
	[tilespmem:s0+$0x50] =	vst v53;
	v36 =	vld.idx.msk [tilespmem:v47+s17+$0x0], $0xffff  }
0x2ca: {  	v40 =	vadd.s32 v15, v62;
	v63 =	vadd.s32 s25, v16;
	[tilespmem:s0+$0xE0] =	vst v46;
	v33 =	vld.idx.msk [tilespmem:v48+s17+$0x0], $0xffff  }
0x2cb: {  	s7 =	simm.s32 $0xF;
	s9 =	simm.s32 $0x10;
	v44 =	vadd.s32 s5, v16;
	[tilespmem:s0+$0x160] =	vst v49;
	v42 =	vadd.s32 v15, v63;
	v34 =	vld.idx.msk [tilespmem:v58+s17+$0x0], $0xffff  }
.LBB2_7:
0x2cc: {  	p0 =	slt.u32 s9, $0x18;
	s25 =	sadd.s32 $0x1, s1;
	v45 =	vadd.s32 s7, v31;
	v44 =	vadd.s32 v15, v44;
	v43 =	vld.idx.msk [tilespmem:v43+s17+$0x0], $0xffff;
	[tilespmem:s0+$0x1E0] =	vst v38  }
0x2cd: {  	s26 =	sadd.s32 $0x2, s1;
	v38 =	vadd.s32 s25, v31;
	v45 =	vadd.s32 v0, v45;
	v41 =	vld.idx.msk [tilespmem:v41+s17+$0x0], $0xffff;
	[tilespmem:s0+$0x260] =	vst v37  }
0x2ce: {  	s5 =	sadd.s32 $0x3, s1;
	v37 =	vadd.s32 v0, v38;
	v38 =	vadd.s32 s26, v31;
	v39 =	vld.idx.msk [tilespmem:v39+s17+$0x0], $0xffff;
	[tilespmem:s0+$0x2E0] =	vst v35  }
0x2cf: {  	s8 =	sadd.s32 $0x4, s1;
	v35 =	vadd.s32 v0, v38;
	v38 =	vadd.s32 s5, v31;
	v40 =	vld.idx.msk [tilespmem:v40+s17+$0x0], $0xffff;
	[tilespmem:s0+$0x360] =	vst v36  }
0x2d0: {  	s14 =	sadd.s32 $0x5, s1;
	v36 =	vadd.s32 v0, v38;
	v38 =	vadd.s32 s8, v31;
	[tilespmem:s0+$0x60] =	vst v33;
	v33 =	vld.idx.msk [tilespmem:v42+s17+$0x0], $0xffff  }
0x2d1: {  	s16 =	sadd.s32 $0x6, s1;
	v42 =	vadd.s32 s14, v31;
	v38 =	vadd.s32 v0, v38;
	v44 =	vld.idx.msk [tilespmem:v44+s17+$0x0], $0xffff;
	[tilespmem:s0+$0xF0] =	vst v34  }
0x2d2: {  	v34 =	vadd.s32 v0, v42;
	v42 =	vadd.s32 s16, v31;
	v45 =	vld.idx.msk [tilespmem:v45+s17+$0x0], $0xffff;
	[tilespmem:s0+$0x170] =	vst v43  }
0x2d3: {  	v42 =	vadd.s32 v0, v42;
	v43 =	vadd.s32 s7, v30;
	v37 =	vld.idx.msk [tilespmem:v37+s17+$0x0], $0xffff;
	[tilespmem:s0+$0x1F0] =	vst v41  }
0x2d4: {  	v41 =	vadd.s32 s25, v30;
	v43 =	vadd.s32 v1, v43;
	v35 =	vld.idx.msk [tilespmem:v35+s17+$0x0], $0xffff;
	[tilespmem:s0+$0x270] =	vst v39  }
0x2d5: {  	v39 =	vadd.s32 v1, v41;
	v41 =	vadd.s32 s26, v30;
	v36 =	vld.idx.msk [tilespmem:v36+s17+$0x0], $0xffff;
	[tilespmem:s0+$0x2F0] =	vst v40  }
0x2d6: {  	v40 =	vadd.s32 v1, v41;
	v41 =	vadd.s32 s5, v30;
	v38 =	vld.idx.msk [tilespmem:v38+s17+$0x0], $0xffff;
	[tilespmem:s0+$0x370] =	vst v33  }
0x2d7: {  	v33 =	vadd.s32 v1, v41;
	v41 =	vadd.s32 s8, v30;
	v34 =	vld.idx.msk [tilespmem:v34+s17+$0x0], $0xffff;
	[tilespmem:s0+$0x70] =	vst v44;
	s0 =	sadd.s32 $0x800, s0  }
0x2d8: {  	v41 =	vadd.s32 v1, v41;
	v44 =	vadd.s32 s14, v30;
	v42 =	vld.idx.msk [tilespmem:v42+s17+$0x0], $0xffff;
	[tilespmem:s0+$0xFFFFFF80] =	vst v45  }
0x2d9: {  	[tilespmem:s0+$0xFFFFFC80] =	vst v37;
	v37 =	vadd.s32 v1, v44;
	v44 =	vadd.s32 s16, v30;
	v43 =	vld.idx.msk [tilespmem:v43+s17+$0x0], $0xffff  }
0x2da: {  	v39 =	vld.idx.msk [tilespmem:v39+s17+$0x0], $0xffff;
	[tilespmem:s0+$0xFFFFFD00] =	vst v35;
	v35 =	vadd.s32 v1, v44;
	v44 =	vadd.s32 s7, v29  }
0x2db: {  	v45 =	vadd.s32 s1, v30;
	v40 =	vld.idx.msk [tilespmem:v40+s17+$0x0], $0xffff;
	[tilespmem:s0+$0xFFFFFD80] =	vst v36;
	v36 =	vadd.s32 v2, v44  }
0x2dc: {  	v44 =	vadd.s32 v1, v45;
	v45 =	vadd.s32 s25, v29;
	v33 =	vld.idx.msk [tilespmem:v33+s17+$0x0], $0xffff;
	[tilespmem:s0+$0xFFFFFE00] =	vst v38  }
0x2dd: {  	v38 =	vadd.s32 v2, v45;
	v45 =	vadd.s32 s26, v29;
	v41 =	vld.idx.msk [tilespmem:v41+s17+$0x0], $0xffff;
	[tilespmem:s0+$0xFFFFFE80] =	vst v34  }
0x2de: {  	v34 =	vadd.s32 v2, v45;
	v45 =	vadd.s32 s5, v29;
	v37 =	vld.idx.msk [tilespmem:v37+s17+$0x0], $0xffff;
	[tilespmem:s0+$0xFFFFFF00] =	vst v42  }
0x2df: {  	v42 =	vadd.s32 v2, v45;
	v45 =	vadd.s32 s8, v29;
	v35 =	vld.idx.msk [tilespmem:v35+s17+$0x0], $0xffff;
	[tilespmem:s0+$0xFFFFFF90] =	vst v43  }
0x2e0: {  	v43 =	vadd.s32 s14, v29;
	[tilespmem:s0+$0xFFFFFC00] =	vst v32;
	v32 =	vadd.s32 v2, v45;
	v36 =	vld.idx.msk [tilespmem:v36+s17+$0x0], $0xffff  }
0x2e1: {  	v44 =	vld.idx.msk [tilespmem:v44+s17+$0x0], $0xffff;
	[tilespmem:s0+$0xFFFFFC90] =	vst v39;
	v39 =	vadd.s32 v2, v43;
	v43 =	vadd.s32 s7, v28  }
0x2e2: {  	v38 =	vld.idx.msk [tilespmem:v38+s17+$0x0], $0xffff;
	[tilespmem:s0+$0xFFFFFD10] =	vst v40;
	v40 =	vadd.s32 s16, v29;
	v43 =	vadd.s32 v3, v43  }
0x2e3: {  	v45 =	vadd.s32 s1, v29;
	v34 =	vld.idx.msk [tilespmem:v34+s17+$0x0], $0xffff;
	[tilespmem:s0+$0xFFFFFD90] =	vst v33;
	v33 =	vadd.s32 v2, v40  }
0x2e4: {  	v40 =	vadd.s32 v2, v45;
	v45 =	vadd.s32 s25, v28;
	v42 =	vld.idx.msk [tilespmem:v42+s17+$0x0], $0xffff;
	[tilespmem:s0+$0xFFFFFE10] =	vst v41  }
0x2e5: {  	v41 =	vadd.s32 v3, v45;
	v45 =	vadd.s32 s26, v28;
	v32 =	vld.idx.msk [tilespmem:v32+s17+$0x0], $0xffff;
	[tilespmem:s0+$0xFFFFFE90] =	vst v37  }
0x2e6: {  	v37 =	vadd.s32 v3, v45;
	v45 =	vadd.s32 s5, v28;
	v39 =	vld.idx.msk [tilespmem:v39+s17+$0x0], $0xffff;
	[tilespmem:s0+$0xFFFFFFA0] =	vst v36  }
0x2e7: {  	v36 =	vadd.s32 v3, v45;
	v45 =	vadd.s32 s8, v28;
	[tilespmem:s0+$0xFFFFFF10] =	vst v35;
	v35 =	vld.idx.msk [tilespmem:v43+s17+$0x0], $0xffff  }
0x2e8: {  	v43 =	vadd.s32 v3, v45;
	[tilespmem:s0+$0xFFFFFC10] =	vst v44;
	v33 =	vld.idx.msk [tilespmem:v33+s17+$0x0], $0xffff;
	v44 =	vadd.s32 s7, v27  }
0x2e9: {  	v40 =	vld.idx.msk [tilespmem:v40+s17+$0x0], $0xffff;
	[tilespmem:s0+$0xFFFFFCA0] =	vst v38;
	v38 =	vadd.s32 s14, v28;
	v44 =	vadd.s32 v4, v44  }
0x2ea: {  	v41 =	vld.idx.msk [tilespmem:v41+s17+$0x0], $0xffff;
	[tilespmem:s0+$0xFFFFFD20] =	vst v34;
	v34 =	vadd.s32 v3, v38;
	v38 =	vadd.s32 s16, v28  }
0x2eb: {  	v45 =	vadd.s32 s1, v28;
	v37 =	vld.idx.msk [tilespmem:v37+s17+$0x0], $0xffff;
	[tilespmem:s0+$0xFFFFFDA0] =	vst v42;
	v38 =	vadd.s32 v3, v38  }
0x2ec: {  	v42 =	vadd.s32 v3, v45;
	v45 =	vadd.s32 s25, v27;
	v36 =	vld.idx.msk [tilespmem:v36+s17+$0x0], $0xffff;
	[tilespmem:s0+$0xFFFFFE20] =	vst v32  }
0x2ed: {  	v32 =	vadd.s32 v4, v45;
	v45 =	vadd.s32 s26, v27;
	v43 =	vld.idx.msk [tilespmem:v43+s17+$0x0], $0xffff;
	[tilespmem:s0+$0xFFFFFFB0] =	vst v35  }
0x2ee: {  	v35 =	vadd.s32 v4, v45;
	v45 =	vadd.s32 s5, v27;
	[tilespmem:s0+$0xFFFFFEA0] =	vst v39;
	v39 =	vld.idx.msk [tilespmem:v44+s17+$0x0], $0xffff  }
0x2ef: {  	v44 =	vadd.s32 v4, v45;
	v34 =	vld.idx.msk [tilespmem:v34+s17+$0x0], $0xffff;
	[tilespmem:s0+$0xFFFFFF20] =	vst v33;
	v33 =	vadd.s32 s7, v26  }
0x2f0: {  	[tilespmem:s0+$0xFFFFFC20] =	vst v40;
	v40 =	vadd.s32 s8, v27;
	v38 =	vld.idx.msk [tilespmem:v38+s17+$0x0], $0xffff;
	v33 =	vadd.s32 v5, v33  }
0x2f1: {  	v42 =	vld.idx.msk [tilespmem:v42+s17+$0x0], $0xffff;
	[tilespmem:s0+$0xFFFFFCB0] =	vst v41;
	v40 =	vadd.s32 v4, v40;
	v41 =	vadd.s32 s14, v27  }
0x2f2: {  	v32 =	vld.idx.msk [tilespmem:v32+s17+$0x0], $0xffff;
	[tilespmem:s0+$0xFFFFFD30] =	vst v37;
	v37 =	vadd.s32 v4, v41;
	v41 =	vadd.s32 s16, v27  }
0x2f3: {  	v45 =	vadd.s32 s1, v27;
	v35 =	vld.idx.msk [tilespmem:v35+s17+$0x0], $0xffff;
	[tilespmem:s0+$0xFFFFFDB0] =	vst v36;
	v36 =	vadd.s32 v4, v41  }
0x2f4: {  	v41 =	vadd.s32 v4, v45;
	v45 =	vadd.s32 s25, v26;
	v44 =	vld.idx.msk [tilespmem:v44+s17+$0x0], $0xffff;
	[tilespmem:s0+$0xFFFFFFC0] =	vst v39  }
0x2f5: {  	v39 =	vadd.s32 v5, v45;
	v45 =	vadd.s32 s26, v26;
	[tilespmem:s0+$0xFFFFFE30] =	vst v43;
	v33 =	vld.idx.msk [tilespmem:v33+s17+$0x0], $0xffff  }
0x2f6: {  	v43 =	vadd.s32 v5, v45;
	v40 =	vld.idx.msk [tilespmem:v40+s17+$0x0], $0xffff;
	[tilespmem:s0+$0xFFFFFEB0] =	vst v34;
	v34 =	vadd.s32 s7, v25  }
0x2f7: {  	v45 =	vadd.s32 s5, v26;
	v37 =	vld.idx.msk [tilespmem:v37+s17+$0x0], $0xffff;
	[tilespmem:s0+$0xFFFFFF30] =	vst v38;
	v34 =	vadd.s32 v6, v34  }
0x2f8: {  	v38 =	vadd.s32 v5, v45;
	[tilespmem:s0+$0xFFFFFC30] =	vst v42;
	v42 =	vadd.s32 s8, v26;
	v36 =	vld.idx.msk [tilespmem:v36+s17+$0x0], $0xffff  }
0x2f9: {  	v41 =	vld.idx.msk [tilespmem:v41+s17+$0x0], $0xffff;
	[tilespmem:s0+$0xFFFFFCC0] =	vst v32;
	v32 =	vadd.s32 v5, v42;
	v42 =	vadd.s32 s14, v26  }
0x2fa: {  	v39 =	vld.idx.msk [tilespmem:v39+s17+$0x0], $0xffff;
	[tilespmem:s0+$0xFFFFFD40] =	vst v35;
	v35 =	vadd.s32 v5, v42;
	v42 =	vadd.s32 s16, v26  }
0x2fb: {  	v45 =	vadd.s32 s1, v26;
	v43 =	vld.idx.msk [tilespmem:v43+s17+$0x0], $0xffff;
	v42 =	vadd.s32 v5, v42;
	[tilespmem:s0+$0xFFFFFFD0] =	vst v33  }
0x2fc: {  	v33 =	vadd.s32 v5, v45;
	v45 =	vadd.s32 s25, v25;
	[tilespmem:s0+$0xFFFFFDC0] =	vst v44;
	v34 =	vld.idx.msk [tilespmem:v34+s17+$0x0], $0xffff  }
0x2fd: {  	v44 =	vadd.s32 v6, v45;
	v38 =	vld.idx.msk [tilespmem:v38+s17+$0x0], $0xffff;
	[tilespmem:s0+$0xFFFFFE40] =	vst v40;
	v40 =	vadd.s32 s7, v24  }
0x2fe: {  	v45 =	vadd.s32 s26, v25;
	v32 =	vld.idx.msk [tilespmem:v32+s17+$0x0], $0xffff;
	[tilespmem:s0+$0xFFFFFEC0] =	vst v37;
	v37 =	vadd.s32 v7, v40  }
0x2ff: {  	v40 =	vadd.s32 v6, v45;
	v45 =	vadd.s32 s5, v25;
	v35 =	vld.idx.msk [tilespmem:v35+s17+$0x0], $0xffff;
	[tilespmem:s0+$0xFFFFFF40] =	vst v36  }
0x300: {  	v36 =	vadd.s32 v6, v45;
	[tilespmem:s0+$0xFFFFFC40] =	vst v41;
	v41 =	vadd.s32 s8, v25;
	v42 =	vld.idx.msk [tilespmem:v42+s17+$0x0], $0xffff  }
0x301: {  	v33 =	vld.idx.msk [tilespmem:v33+s17+$0x0], $0xffff;
	[tilespmem:s0+$0xFFFFFCD0] =	vst v39;
	v39 =	vadd.s32 v6, v41;
	v41 =	vadd.s32 s14, v25  }
0x302: {  	v45 =	vadd.s32 s16, v25;
	v44 =	vld.idx.msk [tilespmem:v44+s17+$0x0], $0xffff;
	v41 =	vadd.s32 v6, v41;
	[tilespmem:s0+$0xFFFFFFE0] =	vst v34  }
0x303: {  	v34 =	vadd.s32 s1, v25;
	[tilespmem:s0+$0xFFFFFD50] =	vst v43;
	v43 =	vadd.s32 v6, v45;
	v37 =	vld.idx.msk [tilespmem:v37+s17+$0x0], $0xffff  }
0x304: {  	v34 =	vadd.s32 v6, v34;
	v40 =	vld.idx.msk [tilespmem:v40+s17+$0x0], $0xffff;
	[tilespmem:s0+$0xFFFFFDD0] =	vst v38;
	v38 =	vadd.s32 s7, v23  }
0x305: {  	v45 =	vadd.s32 s25, v24;
	v36 =	vld.idx.msk [tilespmem:v36+s17+$0x0], $0xffff;
	[tilespmem:s0+$0xFFFFFE50] =	vst v32;
	v32 =	vadd.s32 v8, v38  }
0x306: {  	v38 =	vadd.s32 v7, v45;
	v45 =	vadd.s32 s26, v24;
	v39 =	vld.idx.msk [tilespmem:v39+s17+$0x0], $0xffff;
	[tilespmem:s0+$0xFFFFFED0] =	vst v35  }
0x307: {  	v35 =	vadd.s32 v7, v45;
	v45 =	vadd.s32 s5, v24;
	v41 =	vld.idx.msk [tilespmem:v41+s17+$0x0], $0xffff;
	[tilespmem:s0+$0xFFFFFF50] =	vst v42  }
0x308: {  	v42 =	vadd.s32 s8, v24;
	[tilespmem:s0+$0xFFFFFC50] =	vst v33;
	v33 =	vadd.s32 v7, v45;
	v43 =	vld.idx.msk [tilespmem:v43+s17+$0x0], $0xffff  }
0x309: {  	v42 =	vadd.s32 v7, v42;
	v45 =	vadd.s32 s14, v24;
	v34 =	vld.idx.msk [tilespmem:v34+s17+$0x0], $0xffff;
	[tilespmem:s0+$0xFFFFFFF0] =	vst v37  }
0x30a: {  	v37 =	vadd.s32 v7, v45;
	[tilespmem:s0+$0xFFFFFCE0] =	vst v44;
	v44 =	vadd.s32 s16, v24;
	v32 =	vld.idx.msk [tilespmem:v32+s17+$0x0], $0xffff  }
0x30b: {  	v38 =	vld.idx.msk [tilespmem:v38+s17+$0x0], $0xffff;
	[tilespmem:s0+$0xFFFFFD60] =	vst v40;
	v40 =	vadd.s32 v7, v44;
	v44 =	vadd.s32 s7, v22  }
0x30c: {  	v45 =	vadd.s32 s1, v24;
	v35 =	vld.idx.msk [tilespmem:v35+s17+$0x0], $0xffff;
	[tilespmem:s0+$0xFFFFFDE0] =	vst v36;
	v36 =	vadd.s32 v9, v44  }
0x30d: {  	v44 =	vadd.s32 v7, v45;
	v45 =	vadd.s32 s25, v23;
	v33 =	vld.idx.msk [tilespmem:v33+s17+$0x0], $0xffff;
	[tilespmem:s0+$0xFFFFFE60] =	vst v39  }
0x30e: {  	v39 =	vadd.s32 v8, v45;
	v45 =	vadd.s32 s26, v23;
	v42 =	vld.idx.msk [tilespmem:v42+s17+$0x0], $0xffff;
	[tilespmem:s0+$0xFFFFFEE0] =	vst v41  }
0x30f: {  	v41 =	vadd.s32 v8, v45;
	v45 =	vadd.s32 s5, v23;
	v37 =	vld.idx.msk [tilespmem:v37+s17+$0x0], $0xffff;
	[tilespmem:s0+$0xFFFFFF60] =	vst v43  }
0x310: {  	v43 =	vadd.s32 v8, v45;
	v45 =	vadd.s32 s8, v23;
	v40 =	vld.idx.msk [tilespmem:v40+s17+$0x0], $0xffff;
	[tilespmem:s0+$0x380] =	vst v32  }
0x311: {  	v32 =	vadd.s32 v8, v45;
	[tilespmem:s0+$0xFFFFFC60] =	vst v34;
	v34 =	vadd.s32 s14, v23;
	v36 =	vld.idx.msk [tilespmem:v36+s17+$0x0], $0xffff  }
0x312: {  	v44 =	vld.idx.msk [tilespmem:v44+s17+$0x0], $0xffff;
	[tilespmem:s0+$0xFFFFFCF0] =	vst v38;
	v34 =	vadd.s32 v8, v34;
	v38 =	vadd.s32 s7, v21  }
0x313: {  	v39 =	vld.idx.msk [tilespmem:v39+s17+$0x0], $0xffff;
	[tilespmem:s0+$0xFFFFFD70] =	vst v35;
	v35 =	vadd.s32 s16, v23;
	v38 =	vadd.s32 v10, v38  }
0x314: {  	v45 =	vadd.s32 s1, v23;
	v41 =	vld.idx.msk [tilespmem:v41+s17+$0x0], $0xffff;
	[tilespmem:s0+$0xFFFFFDF0] =	vst v33;
	v33 =	vadd.s32 v8, v35  }
0x315: {  	v35 =	vadd.s32 v8, v45;
	v45 =	vadd.s32 s25, v22;
	v43 =	vld.idx.msk [tilespmem:v43+s17+$0x0], $0xffff;
	[tilespmem:s0+$0xFFFFFE70] =	vst v42  }
0x316: {  	v42 =	vadd.s32 v9, v45;
	v45 =	vadd.s32 s26, v22;
	v32 =	vld.idx.msk [tilespmem:v32+s17+$0x0], $0xffff;
	[tilespmem:s0+$0xFFFFFEF0] =	vst v37  }
0x317: {  	v37 =	vadd.s32 v9, v45;
	v45 =	vadd.s32 s5, v22;
	v34 =	vld.idx.msk [tilespmem:v34+s17+$0x0], $0xffff;
	[tilespmem:s0+$0x390] =	vst v36  }
0x318: {  	v36 =	vadd.s32 v9, v45;
	v45 =	vadd.s32 s8, v22;
	[tilespmem:s0+$0xFFFFFF70] =	vst v40;
	v38 =	vld.idx.msk [tilespmem:v38+s17+$0x0], $0xffff  }
0x319: {  	v40 =	vadd.s32 v9, v45;
	[tilespmem:s0+$0xFFFFFC70] =	vst v44;
	v33 =	vld.idx.msk [tilespmem:v33+s17+$0x0], $0xffff;
	v44 =	vadd.s32 s7, v20  }
0x31a: {  	v35 =	vld.idx.msk [tilespmem:v35+s17+$0x0], $0xffff;
	[tilespmem:s0+$0x80] =	vst v39;
	v39 =	vadd.s32 s14, v22;
	v44 =	vadd.s32 v11, v44  }
0x31b: {  	v42 =	vld.idx.msk [tilespmem:v42+s17+$0x0], $0xffff;
	[tilespmem:s0+$0x100] =	vst v41;
	v39 =	vadd.s32 v9, v39;
	v41 =	vadd.s32 s16, v22  }
0x31c: {  	v45 =	vadd.s32 s1, v22;
	v37 =	vld.idx.msk [tilespmem:v37+s17+$0x0], $0xffff;
	[tilespmem:s0+$0x180] =	vst v43;
	v41 =	vadd.s32 v9, v41  }
0x31d: {  	v43 =	vadd.s32 v9, v45;
	v45 =	vadd.s32 s25, v21;
	v36 =	vld.idx.msk [tilespmem:v36+s17+$0x0], $0xffff;
	[tilespmem:s0+$0x200] =	vst v32  }
0x31e: {  	v32 =	vadd.s32 v10, v45;
	v45 =	vadd.s32 s26, v21;
	v40 =	vld.idx.msk [tilespmem:v40+s17+$0x0], $0xffff;
	[tilespmem:s0+$0x3A0] =	vst v38  }
0x31f: {  	v38 =	vadd.s32 v10, v45;
	v45 =	vadd.s32 s5, v21;
	[tilespmem:s0+$0x280] =	vst v34;
	v34 =	vld.idx.msk [tilespmem:v44+s17+$0x0], $0xffff  }
0x320: {  	v44 =	vadd.s32 v10, v45;
	v39 =	vld.idx.msk [tilespmem:v39+s17+$0x0], $0xffff;
	[tilespmem:s0+$0x300] =	vst v33;
	v33 =	vadd.s32 s7, v19  }
0x321: {  	[tilespmem:s0+$0x0] =	vst v35;
	v35 =	vadd.s32 s8, v21;
	v41 =	vld.idx.msk [tilespmem:v41+s17+$0x0], $0xffff;
	v33 =	vadd.s32 v12, v33  }
0x322: {  	v43 =	vld.idx.msk [tilespmem:v43+s17+$0x0], $0xffff;
	[tilespmem:s0+$0x90] =	vst v42;
	v35 =	vadd.s32 v10, v35;
	v42 =	vadd.s32 s14, v21  }
0x323: {  	v32 =	vld.idx.msk [tilespmem:v32+s17+$0x0], $0xffff;
	[tilespmem:s0+$0x110] =	vst v37;
	v37 =	vadd.s32 v10, v42;
	v42 =	vadd.s32 s16, v21  }
0x324: {  	v45 =	vadd.s32 s1, v21;
	v38 =	vld.idx.msk [tilespmem:v38+s17+$0x0], $0xffff;
	[tilespmem:s0+$0x190] =	vst v36;
	v36 =	vadd.s32 v10, v42  }
0x325: {  	v42 =	vadd.s32 v10, v45;
	v45 =	vadd.s32 s25, v20;
	v44 =	vld.idx.msk [tilespmem:v44+s17+$0x0], $0xffff;
	[tilespmem:s0+$0x3B0] =	vst v34  }
0x326: {  	v34 =	vadd.s32 v11, v45;
	v45 =	vadd.s32 s26, v20;
	[tilespmem:s0+$0x210] =	vst v40;
	v33 =	vld.idx.msk [tilespmem:v33+s17+$0x0], $0xffff  }
0x327: {  	v40 =	vadd.s32 v11, v45;
	v35 =	vld.idx.msk [tilespmem:v35+s17+$0x0], $0xffff;
	[tilespmem:s0+$0x290] =	vst v39;
	v39 =	vadd.s32 s7, v18  }
0x328: {  	v45 =	vadd.s32 s5, v20;
	v37 =	vld.idx.msk [tilespmem:v37+s17+$0x0], $0xffff;
	[tilespmem:s0+$0x310] =	vst v41;
	v39 =	vadd.s32 v13, v39  }
0x329: {  	v41 =	vadd.s32 v11, v45;
	[tilespmem:s0+$0x10] =	vst v43;
	v43 =	vadd.s32 s8, v20;
	v36 =	vld.idx.msk [tilespmem:v36+s17+$0x0], $0xffff  }
0x32a: {  	v42 =	vld.idx.msk [tilespmem:v42+s17+$0x0], $0xffff;
	[tilespmem:s0+$0xA0] =	vst v32;
	v32 =	vadd.s32 v11, v43;
	v43 =	vadd.s32 s14, v20  }
0x32b: {  	v34 =	vld.idx.msk [tilespmem:v34+s17+$0x0], $0xffff;
	[tilespmem:s0+$0x120] =	vst v38;
	v38 =	vadd.s32 v11, v43;
	v43 =	vadd.s32 s16, v20  }
0x32c: {  	v45 =	vadd.s32 s1, v20;
	v40 =	vld.idx.msk [tilespmem:v40+s17+$0x0], $0xffff;
	v43 =	vadd.s32 v11, v43;
	[tilespmem:s0+$0x3C0] =	vst v33  }
0x32d: {  	v33 =	vadd.s32 v11, v45;
	v45 =	vadd.s32 s25, v19;
	[tilespmem:s0+$0x1A0] =	vst v44;
	v39 =	vld.idx.msk [tilespmem:v39+s17+$0x0], $0xffff  }
0x32e: {  	v44 =	vadd.s32 v12, v45;
	v41 =	vld.idx.msk [tilespmem:v41+s17+$0x0], $0xffff;
	[tilespmem:s0+$0x220] =	vst v35;
	v35 =	vadd.s32 s7, v17  }
0x32f: {  	v45 =	vadd.s32 s26, v19;
	v32 =	vld.idx.msk [tilespmem:v32+s17+$0x0], $0xffff;
	[tilespmem:s0+$0x2A0] =	vst v37;
	v35 =	vadd.s32 v14, v35  }
0x330: {  	v37 =	vadd.s32 v12, v45;
	v45 =	vadd.s32 s5, v19;
	v38 =	vld.idx.msk [tilespmem:v38+s17+$0x0], $0xffff;
	[tilespmem:s0+$0x320] =	vst v36  }
0x331: {  	v36 =	vadd.s32 v12, v45;
	[tilespmem:s0+$0x20] =	vst v42;
	v42 =	vadd.s32 s8, v19;
	v43 =	vld.idx.msk [tilespmem:v43+s17+$0x0], $0xffff  }
0x332: {  	v33 =	vld.idx.msk [tilespmem:v33+s17+$0x0], $0xffff;
	[tilespmem:s0+$0xB0] =	vst v34;
	v34 =	vadd.s32 v12, v42;
	v42 =	vadd.s32 s14, v19  }
0x333: {  	v45 =	vadd.s32 s16, v19;
	v44 =	vld.idx.msk [tilespmem:v44+s17+$0x0], $0xffff;
	v42 =	vadd.s32 v12, v42;
	[tilespmem:s0+$0x3D0] =	vst v39  }
0x334: {  	v39 =	vadd.s32 s1, v19;
	[tilespmem:s0+$0x130] =	vst v40;
	v40 =	vadd.s32 v12, v45;
	v35 =	vld.idx.msk [tilespmem:v35+s17+$0x0], $0xffff  }
0x335: {  	v39 =	vadd.s32 v12, v39;
	v37 =	vld.idx.msk [tilespmem:v37+s17+$0x0], $0xffff;
	[tilespmem:s0+$0x1B0] =	vst v41;
	v41 =	vadd.s32 s7, v16  }
0x336: {  	v45 =	vadd.s32 s25, v18;
	v36 =	vld.idx.msk [tilespmem:v36+s17+$0x0], $0xffff;
	[tilespmem:s0+$0x230] =	vst v32;
	v32 =	vadd.s32 v15, v41  }
0x337: {  	v41 =	vadd.s32 v13, v45;
	v45 =	vadd.s32 s26, v18;
	v34 =	vld.idx.msk [tilespmem:v34+s17+$0x0], $0xffff;
	[tilespmem:s0+$0x2B0] =	vst v38  }
0x338: {  	v38 =	vadd.s32 v13, v45;
	v45 =	vadd.s32 s5, v18;
	v42 =	vld.idx.msk [tilespmem:v42+s17+$0x0], $0xffff;
	[tilespmem:s0+$0x330] =	vst v43  }
0x339: {  	v43 =	vadd.s32 s8, v18;
	[tilespmem:s0+$0x30] =	vst v33;
	v33 =	vadd.s32 v13, v45;
	v40 =	vld.idx.msk [tilespmem:v40+s17+$0x0], $0xffff  }
0x33a: {  	v43 =	vadd.s32 v13, v43;
	v45 =	vadd.s32 s14, v18;
	v39 =	vld.idx.msk [tilespmem:v39+s17+$0x0], $0xffff;
	[tilespmem:s0+$0x3E0] =	vst v35  }
0x33b: {  	v35 =	vadd.s32 v13, v45;
	[tilespmem:s0+$0xC0] =	vst v44;
	v44 =	vadd.s32 s16, v18;
	v32 =	vld.idx.msk [tilespmem:v32+s17+$0x0], $0xffff  }
0x33c: {  	v45 =	vadd.s32 s9, v31;
	v41 =	vld.idx.msk [tilespmem:v41+s17+$0x0], $0xffff;
	[tilespmem:s0+$0x140] =	vst v37;
	v37 =	vadd.s32 v13, v44  }
0x33d: {  	v44 =	vadd.s32 v0, v45;
	v45 =	vadd.s32 s1, v18;
	v38 =	vld.idx.msk [tilespmem:v38+s17+$0x0], $0xffff;
	[tilespmem:s0+$0x1C0] =	vst v36  }
0x33e: {  	v36 =	vadd.s32 v13, v45;
	v45 =	vadd.s32 s25, v17;
	v33 =	vld.idx.msk [tilespmem:v33+s17+$0x0], $0xffff;
	[tilespmem:s0+$0x240] =	vst v34  }
0x33f: {  	v34 =	vadd.s32 v14, v45;
	v45 =	vadd.s32 s26, v17;
	v43 =	vld.idx.msk [tilespmem:v43+s17+$0x0], $0xffff;
	[tilespmem:s0+$0x2C0] =	vst v42  }
0x340: {  	v42 =	vadd.s32 v14, v45;
	v45 =	vadd.s32 s5, v17;
	v35 =	vld.idx.msk [tilespmem:v35+s17+$0x0], $0xffff;
	[tilespmem:s0+$0x340] =	vst v40  }
0x341: {  	v40 =	vadd.s32 v14, v45;
	v45 =	vadd.s32 s8, v17;
	v46 =	vld.idx.msk [tilespmem:v37+s17+$0x0], $0xffff;
	[tilespmem:s0+$0x3F0] =	vst v32  }
0x342: {  	v37 =	vadd.s32 v14, v45;
	v32 =	vld.idx.msk [tilespmem:v44+s17+$0x0], $0xffff;
	[tilespmem:s0+$0x40] =	vst v39;
	v39 =	vadd.s32 s14, v17  }
0x343: {  	v36 =	vld.idx.msk [tilespmem:v36+s17+$0x0], $0xffff;
	[tilespmem:s0+$0xD0] =	vst v41;
	v39 =	vadd.s32 v14, v39;
	v41 =	vadd.s32 s16, v17  }
0x344: {  	v44 =	vadd.s32 s1, v17;
	v34 =	vld.idx.msk [tilespmem:v34+s17+$0x0], $0xffff;
	[tilespmem:s0+$0x150] =	vst v38;
	v45 =	vadd.s32 v14, v41  }
0x345: {  	v44 =	vadd.s32 v14, v44;
	v38 =	vadd.s32 s25, v16;
	v42 =	vld.idx.msk [tilespmem:v42+s17+$0x0], $0xffff;
	[tilespmem:s0+$0x1D0] =	vst v33  }
0x346: {  	v47 =	vadd.s32 v15, v38;
	v33 =	vadd.s32 s26, v16;
	v38 =	vld.idx.msk [tilespmem:v40+s17+$0x0], $0xffff;
	[tilespmem:s0+$0x250] =	vst v43  }
.Ltmp2:
0x347: {  	v43 =	vadd.s32 v15, v33;
	v33 =	vadd.s32 s5, v16;
	v37 =	vld.idx.msk [tilespmem:v37+s17+$0x0], $0xffff;
	[tilespmem:s0+$0x2D0] =	vst v35;
	(pc) =	sbr.rel @p0 .LBB2_7-.Ltmp2, $4  }
0x348: {  	v41 =	vadd.s32 v15, v33;
	v33 =	vadd.s32 s8, v16;
	v35 =	vld.idx.msk [tilespmem:v39+s17+$0x0], $0xffff;
	[tilespmem:s0+$0x350] =	vst v46  }
0x349: {  	v40 =	vadd.s32 s14, v16;
	v39 =	vadd.s32 v15, v33;
	[tilespmem:s0+$0x50] =	vst v36;
	v36 =	vld.idx.msk [tilespmem:v45+s17+$0x0], $0xffff  }
0x34a: {  	v40 =	vadd.s32 v15, v40;
	v45 =	vadd.s32 s16, v16;
	v33 =	vld.idx.msk [tilespmem:v44+s17+$0x0], $0xffff;
	[tilespmem:s0+$0xE0] =	vst v34  }
0x34b: {  	s7 =	sadd.s32 $0x7, s9;
	v44 =	vadd.s32 s1, v16;
	s1 =	smov.u32 s9;
	s9 =	sadd.s32 $0x8, s9;
	v34 =	vld.idx.msk [tilespmem:v47+s17+$0x0], $0xffff;
	[tilespmem:s0+$0x160] =	vst v42;
	v42 =	vadd.s32 v15, v45  }
0x34c: {  	_ =	sdelay $0x1  }
0x34d: {  	[tilespmem:s0+$0x1E0] =	vst v38  }
0x34e: {  	[tilespmem:s0+$0x260] =	vst v37  }
0x34f: {  	s5 =	sadd.s32 $0x1, s1;
	v57 =	vadd.s32 s7, v31;
	v44 =	vadd.s32 v15, v44;
	v43 =	vld.idx.msk [tilespmem:v43+s17+$0x0], $0xffff;
	s26 =	sadd.s32 $0x800, s0;
	[tilespmem:s0+$0x2E0] =	vst v35  }
0x350: {  	s8 =	sadd.s32 $0x2, s1;
	v58 =	vadd.s32 s5, v31;
	v38 =	vadd.s32 v0, v57;
	v41 =	vld.idx.msk [tilespmem:v41+s17+$0x0], $0xffff;
	[tilespmem:s26+$0xFFFFFC00] =	vst v32  }
0x351: {  	s9 =	sadd.s32 $0x3, s1;
	v60 =	vadd.s32 s8, v31;
	v39 =	vld.idx.msk [tilespmem:v39+s17+$0x0], $0xffff;
	v59 =	vadd.s32 v0, v58;
	[tilespmem:s0+$0x360] =	vst v36  }
0x352: {  	s14 =	sadd.s32 $0x4, s1;
	v62 =	vadd.s32 s9, v31;
	v61 =	vadd.s32 v0, v60;
	v40 =	vld.idx.msk [tilespmem:v40+s17+$0x0], $0xffff;
	[tilespmem:s0+$0x60] =	vst v33  }
0x353: {  	s16 =	sadd.s32 $0x5, s1;
	v48 =	vadd.s32 s14, v31;
	v63 =	vadd.s32 v0, v62;
	v42 =	vld.idx.msk [tilespmem:v42+s17+$0x0], $0xffff;
	[tilespmem:s0+$0xF0] =	vst v34  }
0x354: {  	s25 =	sadd.s32 $0x6, s1;
	v52 =	vadd.s32 s7, v30;
	v50 =	vadd.s32 s16, v31;
	v49 =	vadd.s32 v0, v48;
	v44 =	vld.idx.msk [tilespmem:v44+s17+$0x0], $0xffff;
	[tilespmem:s0+$0x170] =	vst v43  }
0x355: {  	v45 =	vadd.s32 s1, v30;
	v51 =	vadd.s32 s25, v31;
	v37 =	vadd.s32 v0, v50;
	v38 =	vld.idx.msk [tilespmem:v38+s17+$0x0], $0xffff;
	[tilespmem:s0+$0x1F0] =	vst v41  }
0x356: {  	v54 =	vadd.s32 s5, v30;
	v55 =	vadd.s32 s8, v30;
	v31 =	vadd.s32 v0, v51;
	[tilespmem:s0+$0x270] =	vst v39;
	v35 =	vld.idx.msk [tilespmem:v59+s17+$0x0], $0xffff  }
0x357: {  	v53 =	vadd.s32 v1, v52;
	v56 =	vadd.s32 s9, v30;
	v58 =	vadd.s32 s14, v30;
	v36 =	vld.idx.msk [tilespmem:v61+s17+$0x0], $0xffff;
	[tilespmem:s0+$0x2F0] =	vst v40  }
0x358: {  	v60 =	vadd.s32 s16, v30;
	v33 =	vld.idx.msk [tilespmem:v63+s17+$0x0], $0xffff;
	v63 =	vadd.s32 s25, v30;
	v30 =	vadd.s32 v1, v45;
	[tilespmem:s0+$0x370] =	vst v42  }
0x359: {  	v40 =	vadd.s32 v1, v54;
	v34 =	vld.idx.msk [tilespmem:v49+s17+$0x0], $0xffff;
	[tilespmem:s0+$0x70] =	vst v44  }
0x35a: {  	v41 =	vadd.s32 v1, v55;
	v37 =	vld.idx.msk [tilespmem:v37+s17+$0x0], $0xffff;
	[tilespmem:s26+$0xFFFFFF80] =	vst v38  }
0x35b: {  	v57 =	vadd.s32 v1, v56;
	v31 =	vld.idx.msk [tilespmem:v31+s17+$0x0], $0xffff;
	[tilespmem:s26+$0xFFFFFC80] =	vst v35  }
0x35c: {  	v59 =	vadd.s32 v1, v58;
	v39 =	vld.idx.msk [tilespmem:v53+s17+$0x0], $0xffff;
	[tilespmem:s26+$0xFFFFFD00] =	vst v36  }
0x35d: {  	v61 =	vadd.s32 v1, v60;
	[tilespmem:s26+$0xFFFFFD80] =	vst v33;
	v30 =	vld.idx.msk [tilespmem:v30+s17+$0x0], $0xffff  }
0x35e: {  	v62 =	vadd.s32 s7, v29;
	[tilespmem:s26+$0xFFFFFE00] =	vst v34;
	v33 =	vadd.s32 v1, v63;
	v40 =	vld.idx.msk [tilespmem:v40+s17+$0x0], $0xffff  }
0x35f: {  	v47 =	vadd.s32 s5, v29;
	v42 =	vadd.s32 v2, v62;
	[tilespmem:s26+$0xFFFFFE80] =	vst v37;
	v46 =	vld.idx.msk [tilespmem:v41+s17+$0x0], $0xffff  }
0x360: {  	v48 =	vadd.s32 v2, v47;
	v49 =	vadd.s32 s8, v29;
	[tilespmem:s26+$0xFFFFFF00] =	vst v31;
	v38 =	vld.idx.msk [tilespmem:v57+s17+$0x0], $0xffff  }
0x361: {  	v50 =	vadd.s32 s9, v29;
	v37 =	vadd.s32 v2, v49;
	v35 =	vld.idx.msk [tilespmem:v59+s17+$0x0], $0xffff;
	[tilespmem:s26+$0xFFFFFF90] =	vst v39  }
0x362: {  	v51 =	vadd.s32 v2, v50;
	v55 =	vadd.s32 s16, v29;
	v36 =	vld.idx.msk [tilespmem:v61+s17+$0x0], $0xffff;
	[tilespmem:s26+$0xFFFFFC10] =	vst v30  }
0x363: {  	v34 =	vadd.s32 v2, v55;
	v57 =	vadd.s32 s1, v29;
	v33 =	vld.idx.msk [tilespmem:v33+s17+$0x0], $0xffff;
	[tilespmem:s26+$0xFFFFFC90] =	vst v40  }
0x364: {  	v52 =	vadd.s32 s14, v29;
	v56 =	vadd.s32 s25, v29;
	v29 =	vadd.s32 v2, v57;
	v53 =	vld.idx.msk [tilespmem:v42+s17+$0x0], $0xffff;
	[tilespmem:s26+$0xFFFFFD10] =	vst v46  }
0x365: {  	v39 =	vadd.s32 v2, v52;
	[tilespmem:s26+$0xFFFFFD90] =	vst v38;
	v31 =	vld.idx.msk [tilespmem:v48+s17+$0x0], $0xffff  }
0x366: {  	v54 =	vadd.s32 s7, v28;
	v59 =	vadd.s32 v2, v56;
	[tilespmem:s26+$0xFFFFFE10] =	vst v35;
	v58 =	vld.idx.msk [tilespmem:v37+s17+$0x0], $0xffff  }
0x367: {  	v60 =	vadd.s32 s5, v28;
	v40 =	vadd.s32 v3, v54;
	[tilespmem:s26+$0xFFFFFE90] =	vst v36;
	v32 =	vld.idx.msk [tilespmem:v51+s17+$0x0], $0xffff  }
0x368: {  	v61 =	vadd.s32 s8, v28;
	v36 =	vadd.s32 v3, v60;
	v44 =	vld.idx.msk [tilespmem:v34+s17+$0x0], $0xffff;
	[tilespmem:s26+$0xFFFFFF10] =	vst v33  }
0x369: {  	v63 =	vadd.s32 s9, v28;
	v62 =	vadd.s32 v3, v61;
	v29 =	vld.idx.msk [tilespmem:v29+s17+$0x0], $0xffff;
	[tilespmem:s26+$0xFFFFFFA0] =	vst v53  }
0x36a: {  	v45 =	vadd.s32 v3, v63;
	v48 =	vadd.s32 s16, v28;
	v39 =	vld.idx.msk [tilespmem:v39+s17+$0x0], $0xffff;
	[tilespmem:s26+$0xFFFFFCA0] =	vst v31  }
0x36b: {  	v51 =	vadd.s32 s1, v28;
	v35 =	vadd.s32 v3, v48;
	v37 =	vld.idx.msk [tilespmem:v59+s17+$0x0], $0xffff;
	[tilespmem:s26+$0xFFFFFD20] =	vst v58  }
0x36c: {  	v47 =	vadd.s32 s14, v28;
	v50 =	vadd.s32 s25, v28;
	v28 =	vadd.s32 v3, v51;
	v40 =	vld.idx.msk [tilespmem:v40+s17+$0x0], $0xffff;
	[tilespmem:s26+$0xFFFFFDA0] =	vst v32  }
0x36d: {  	v46 =	vadd.s32 s7, v27;
	v31 =	vadd.s32 v3, v47;
	[tilespmem:s26+$0xFFFFFEA0] =	vst v44;
	v49 =	vld.idx.msk [tilespmem:v36+s17+$0x0], $0xffff  }
0x36e: {  	v38 =	vadd.s32 v4, v46;
	[tilespmem:s26+$0xFFFFFC20] =	vst v29;
	v33 =	vld.idx.msk [tilespmem:v62+s17+$0x0], $0xffff  }
0x36f: {  	v52 =	vadd.s32 s5, v27;
	v36 =	vadd.s32 v3, v50;
	v34 =	vld.idx.msk [tilespmem:v45+s17+$0x0], $0xffff;
	[tilespmem:s26+$0xFFFFFE20] =	vst v39  }
0x370: {  	v54 =	vadd.s32 s8, v27;
	v53 =	vadd.s32 v4, v52;
	v35 =	vld.idx.msk [tilespmem:v35+s17+$0x0], $0xffff;
	[tilespmem:s26+$0xFFFFFF20] =	vst v37  }
0x371: {  	v57 =	vadd.s32 s9, v27;
	v55 =	vadd.s32 v4, v54;
	v28 =	vld.idx.msk [tilespmem:v28+s17+$0x0], $0xffff;
	[tilespmem:s26+$0xFFFFFFB0] =	vst v40  }
0x372: {  	v61 =	vadd.s32 s1, v27;
	v60 =	vadd.s32 s25, v27;
	v29 =	vadd.s32 v4, v57;
	v31 =	vld.idx.msk [tilespmem:v31+s17+$0x0], $0xffff;
	[tilespmem:s26+$0xFFFFFCB0] =	vst v49  }
0x373: {  	v59 =	vadd.s32 s16, v27;
	v58 =	vadd.s32 s14, v27;
	v27 =	vadd.s32 v4, v61;
	v38 =	vld.idx.msk [tilespmem:v38+s17+$0x0], $0xffff;
	[tilespmem:s26+$0xFFFFFD30] =	vst v33  }
0x374: {  	v32 =	vadd.s32 v4, v58;
	v36 =	vld.idx.msk [tilespmem:v36+s17+$0x0], $0xffff;
	[tilespmem:s26+$0xFFFFFDB0] =	vst v34  }
0x375: {  	v56 =	vadd.s32 s7, v26;
	v33 =	vadd.s32 v4, v59;
	[tilespmem:s26+$0xFFFFFEB0] =	vst v35;
	v30 =	vld.idx.msk [tilespmem:v53+s17+$0x0], $0xffff  }
0x376: {  	v39 =	vadd.s32 v5, v56;
	[tilespmem:s26+$0xFFFFFC30] =	vst v28;
	v37 =	vld.idx.msk [tilespmem:v55+s17+$0x0], $0xffff  }
0x377: {  	v40 =	vadd.s32 s8, v26;
	v34 =	vadd.s32 v4, v60;
	v29 =	vld.idx.msk [tilespmem:v29+s17+$0x0], $0xffff;
	[tilespmem:s26+$0xFFFFFE30] =	vst v31  }
0x378: {  	v42 =	vadd.s32 s9, v26;
	v46 =	vadd.s32 s25, v26;
	v41 =	vadd.s32 v5, v40;
	v27 =	vld.idx.msk [tilespmem:v27+s17+$0x0], $0xffff;
	[tilespmem:s26+$0xFFFFFFC0] =	vst v38  }
0x379: {  	v43 =	vadd.s32 v5, v42;
	v44 =	vadd.s32 s14, v26;
	v47 =	vadd.s32 s1, v26;
	[tilespmem:s26+$0xFFFFFF30] =	vst v36;
	v32 =	vld.idx.msk [tilespmem:v32+s17+$0x0], $0xffff  }
0x37a: {  	v62 =	vadd.s32 s5, v26;
	v45 =	vadd.s32 s16, v26;
	v26 =	vadd.s32 v5, v47;
	v33 =	vld.idx.msk [tilespmem:v33+s17+$0x0], $0xffff;
	[tilespmem:s26+$0xFFFFFCC0] =	vst v30  }
0x37b: {  	v31 =	vadd.s32 v5, v62;
	v38 =	vld.idx.msk [tilespmem:v39+s17+$0x0], $0xffff;
	[tilespmem:s26+$0xFFFFFD40] =	vst v37  }
0x37c: {  	v36 =	vadd.s32 v5, v44;
	v34 =	vld.idx.msk [tilespmem:v34+s17+$0x0], $0xffff;
	[tilespmem:s26+$0xFFFFFDC0] =	vst v29  }
0x37d: {  	v63 =	vadd.s32 s7, v25;
	v37 =	vadd.s32 v5, v45;
	[tilespmem:s26+$0xFFFFFC40] =	vst v27;
	v28 =	vld.idx.msk [tilespmem:v41+s17+$0x0], $0xffff  }
0x37e: {  	v51 =	vadd.s32 s8, v25;
	v35 =	vadd.s32 v6, v63;
	v30 =	vld.idx.msk [tilespmem:v43+s17+$0x0], $0xffff;
	[tilespmem:s26+$0xFFFFFE40] =	vst v32  }
0x37f: {  	v48 =	vadd.s32 v5, v46;
	v50 =	vadd.s32 s5, v25;
	v58 =	vadd.s32 s25, v25;
	v26 =	vld.idx.msk [tilespmem:v26+s17+$0x0], $0xffff;
	[tilespmem:s26+$0xFFFFFEC0] =	vst v33  }
0x380: {  	v52 =	vadd.s32 v6, v51;
	v56 =	vadd.s32 s16, v25;
	v62 =	vadd.s32 s1, v25;
	v31 =	vld.idx.msk [tilespmem:v31+s17+$0x0], $0xffff;
	[tilespmem:s26+$0xFFFFFFD0] =	vst v38  }
0x381: {  	v53 =	vadd.s32 s9, v25;
	v55 =	vadd.s32 s14, v25;
	v25 =	vadd.s32 v6, v62;
	[tilespmem:s26+$0xFFFFFF40] =	vst v34;
	v36 =	vld.idx.msk [tilespmem:v36+s17+$0x0], $0xffff  }
0x382: {  	v54 =	vadd.s32 v6, v53;
	v37 =	vld.idx.msk [tilespmem:v37+s17+$0x0], $0xffff;
	[tilespmem:s26+$0xFFFFFD50] =	vst v28  }
0x383: {  	v33 =	vadd.s32 v6, v50;
	v35 =	vld.idx.msk [tilespmem:v35+s17+$0x0], $0xffff;
	[tilespmem:s26+$0xFFFFFDD0] =	vst v30  }
0x384: {  	v34 =	vadd.s32 v6, v55;
	v29 =	vld.idx.msk [tilespmem:v48+s17+$0x0], $0xffff;
	[tilespmem:s26+$0xFFFFFC50] =	vst v26  }
0x385: {  	v57 =	vadd.s32 v6, v56;
	v49 =	vadd.s32 s7, v24;
	v27 =	vld.idx.msk [tilespmem:v52+s17+$0x0], $0xffff;
	[tilespmem:s26+$0xFFFFFCD0] =	vst v31  }
0x386: {  	v51 =	vadd.s32 s1, v24;
	v32 =	vadd.s32 v7, v49;
	v25 =	vld.idx.msk [tilespmem:v25+s17+$0x0], $0xffff;
	[tilespmem:s26+$0xFFFFFE50] =	vst v36  }
0x387: {  	v47 =	vadd.s32 s16, v24;
	v60 =	vadd.s32 v6, v58;
	v41 =	vadd.s32 s8, v24;
	v31 =	vld.idx.msk [tilespmem:v54+s17+$0x0], $0xffff;
	[tilespmem:s26+$0xFFFFFED0] =	vst v37  }
0x388: {  	v63 =	vadd.s32 s5, v24;
	v45 =	vadd.s32 s14, v24;
	v42 =	vadd.s32 v7, v41;
	v59 =	vld.idx.msk [tilespmem:v33+s17+$0x0], $0xffff;
	[tilespmem:s26+$0xFFFFFFE0] =	vst v35  }
0x389: {  	v43 =	vadd.s32 s9, v24;
	v50 =	vadd.s32 s25, v24;
	v24 =	vadd.s32 v7, v51;
	[tilespmem:s26+$0xFFFFFF50] =	vst v29;
	v34 =	vld.idx.msk [tilespmem:v34+s17+$0x0], $0xffff  }
0x38a: {  	v40 =	vadd.s32 v7, v63;
	v28 =	vld.idx.msk [tilespmem:v57+s17+$0x0], $0xffff;
	[tilespmem:s26+$0xFFFFFD60] =	vst v27  }
0x38b: {  	v44 =	vadd.s32 v7, v43;
	v32 =	vld.idx.msk [tilespmem:v32+s17+$0x0], $0xffff;
	[tilespmem:s26+$0xFFFFFC60] =	vst v25  }
0x38c: {  	v46 =	vadd.s32 v7, v45;
	v33 =	vld.idx.msk [tilespmem:v60+s17+$0x0], $0xffff;
	[tilespmem:s26+$0xFFFFFDE0] =	vst v31  }
0x38d: {  	v61 =	vadd.s32 s7, v23;
	v56 =	vadd.s32 s14, v23;
	v48 =	vadd.s32 v7, v47;
	v26 =	vld.idx.msk [tilespmem:v42+s17+$0x0], $0xffff;
	[tilespmem:s26+$0xFFFFFCE0] =	vst v59  }
0x38e: {  	v53 =	vadd.s32 s8, v23;
	v62 =	vadd.s32 s1, v23;
	v35 =	vadd.s32 v8, v61;
	v24 =	vld.idx.msk [tilespmem:v24+s17+$0x0], $0xffff;
	[tilespmem:s26+$0xFFFFFE60] =	vst v34  }
0x38f: {  	v52 =	vadd.s32 s5, v23;
	v54 =	vadd.s32 s9, v23;
	v31 =	vadd.s32 v7, v50;
	v29 =	vld.idx.msk [tilespmem:v40+s17+$0x0], $0xffff;
	[tilespmem:s26+$0xFFFFFEE0] =	vst v28  }
0x390: {  	v61 =	vadd.s32 s25, v23;
	v60 =	vadd.s32 s16, v23;
	v23 =	vadd.s32 v8, v62;
	[tilespmem:s26+$0xFFFFFFF0] =	vst v32;
	v32 =	vld.idx.msk [tilespmem:v44+s17+$0x0], $0xffff  }
0x391: {  	v28 =	vadd.s32 v8, v52;
	[tilespmem:s26+$0xFFFFFF60] =	vst v33;
	v30 =	vld.idx.msk [tilespmem:v46+s17+$0x0], $0xffff  }
0x392: {  	v33 =	vadd.s32 v8, v53;
	v27 =	vld.idx.msk [tilespmem:v48+s17+$0x0], $0xffff;
	[tilespmem:s26+$0xFFFFFD70] =	vst v26  }
0x393: {  	v55 =	vadd.s32 v8, v54;
	v35 =	vld.idx.msk [tilespmem:v35+s17+$0x0], $0xffff;
	[tilespmem:s26+$0xFFFFFC70] =	vst v24  }
0x394: {  	v58 =	vadd.s32 v8, v56;
	v49 =	vadd.s32 s7, v22;
	v57 =	vld.idx.msk [tilespmem:v31+s17+$0x0], $0xffff;
	[tilespmem:s26+$0xFFFFFCF0] =	vst v29  }
0x395: {  	v36 =	vadd.s32 v9, v49;
	v23 =	vld.idx.msk [tilespmem:v23+s17+$0x0], $0xffff;
	[tilespmem:s26+$0xFFFFFDF0] =	vst v32  }
0x396: {  	v26 =	vadd.s32 v8, v60;
	v28 =	vld.idx.msk [tilespmem:v28+s17+$0x0], $0xffff;
	[tilespmem:s26+$0xFFFFFE70] =	vst v30  }
0x397: {  	v39 =	vadd.s32 s9, v22;
	v37 =	vadd.s32 s8, v22;
	v63 =	vld.idx.msk [tilespmem:v33+s17+$0x0], $0xffff;
	v32 =	vadd.s32 v8, v61;
	[tilespmem:s26+$0xFFFFFEF0] =	vst v27  }
0x398: {  	v43 =	vadd.s32 s14, v22;
	v47 =	vadd.s32 s25, v22;
	v38 =	vadd.s32 v9, v37;
	[tilespmem:s26+$0x380] =	vst v35;
	v25 =	vld.idx.msk [tilespmem:v55+s17+$0x0], $0xffff  }
0x399: {  	v41 =	vadd.s32 v9, v39;
	v59 =	vadd.s32 s7, v21;
	v48 =	vadd.s32 s1, v22;
	v31 =	vld.idx.msk [tilespmem:v58+s17+$0x0], $0xffff;
	[tilespmem:s26+$0xFFFFFF70] =	vst v57  }
0x39a: {  	v44 =	vadd.s32 s16, v22;
	v35 =	vld.idx.msk [tilespmem:v36+s17+$0x0], $0xffff;
	v36 =	vadd.s32 s5, v22;
	v22 =	vadd.s32 v9, v48;
	[tilespmem:s26+$0x0] =	vst v23  }
0x39b: {  	v34 =	vadd.s32 v10, v59;
	v40 =	vld.idx.msk [tilespmem:v26+s17+$0x0], $0xffff;
	[tilespmem:s26+$0x80] =	vst v28  }
0x39c: {  	v27 =	vadd.s32 v9, v36;
	v32 =	vld.idx.msk [tilespmem:v32+s17+$0x0], $0xffff;
	[tilespmem:s26+$0x100] =	vst v63  }
0x39d: {  	v46 =	vadd.s32 v9, v44;
	[tilespmem:s26+$0x180] =	vst v25;
	v29 =	vld.idx.msk [tilespmem:v38+s17+$0x0], $0xffff  }
0x39e: {  	v28 =	vadd.s32 v9, v43;
	[tilespmem:s26+$0x200] =	vst v31;
	v26 =	vld.idx.msk [tilespmem:v41+s17+$0x0], $0xffff  }
0x39f: {  	v51 =	vadd.s32 s8, v21;
	v54 =	vadd.s32 s14, v21;
	v30 =	vadd.s32 v9, v47;
	[tilespmem:s26+$0x390] =	vst v35;
	v22 =	vld.idx.msk [tilespmem:v22+s17+$0x0], $0xffff  }
0x3a0: {  	v49 =	vadd.s32 s5, v21;
	v53 =	vadd.s32 s9, v21;
	[tilespmem:s26+$0x280] =	vst v40;
	v31 =	vadd.s32 v10, v51;
	v34 =	vld.idx.msk [tilespmem:v34+s17+$0x0], $0xffff  }
0x3a1: {  	v42 =	vadd.s32 s7, v20;
	v58 =	vadd.s32 s1, v21;
	v23 =	vadd.s32 v10, v53;
	v45 =	vld.idx.msk [tilespmem:v27+s17+$0x0], $0xffff;
	[tilespmem:s26+$0x300] =	vst v32  }
0x3a2: {  	v55 =	vadd.s32 s16, v21;
	v57 =	vadd.s32 s25, v21;
	v21 =	vadd.s32 v10, v58;
	v27 =	vld.idx.msk [tilespmem:v46+s17+$0x0], $0xffff;
	[tilespmem:s26+$0x110] =	vst v29  }
0x3a3: {  	v33 =	vadd.s32 v11, v42;
	v28 =	vld.idx.msk [tilespmem:v28+s17+$0x0], $0xffff;
	[tilespmem:s26+$0x190] =	vst v26  }
0x3a4: {  	v50 =	vadd.s32 v10, v49;
	v30 =	vld.idx.msk [tilespmem:v30+s17+$0x0], $0xffff;
	[tilespmem:s26+$0x10] =	vst v22  }
0x3a5: {  	v56 =	vadd.s32 v10, v55;
	v31 =	vld.idx.msk [tilespmem:v31+s17+$0x0], $0xffff;
	[tilespmem:s26+$0x3A0] =	vst v34  }
0x3a6: {  	v25 =	vadd.s32 v10, v54;
	[tilespmem:s26+$0x90] =	vst v45;
	v23 =	vld.idx.msk [tilespmem:v23+s17+$0x0], $0xffff  }
0x3a7: {  	v39 =	vadd.s32 s16, v20;
	v62 =	vadd.s32 s8, v20;
	v29 =	vadd.s32 v10, v57;
	[tilespmem:s26+$0x290] =	vst v27;
	v21 =	vld.idx.msk [tilespmem:v21+s17+$0x0], $0xffff  }
0x3a8: {  	v52 =	vadd.s32 s7, v19;
	v36 =	vadd.s32 s9, v20;
	v63 =	vadd.s32 v11, v62;
	v33 =	vld.idx.msk [tilespmem:v33+s17+$0x0], $0xffff;
	[tilespmem:s26+$0x210] =	vst v28  }
0x3a9: {  	v59 =	vadd.s32 s5, v20;
	v37 =	vadd.s32 v11, v36;
	v41 =	vadd.s32 s1, v20;
	v24 =	vld.idx.msk [tilespmem:v50+s17+$0x0], $0xffff;
	[tilespmem:s26+$0x310] =	vst v30  }
0x3aa: {  	v38 =	vadd.s32 s14, v20;
	v40 =	vadd.s32 s25, v20;
	v20 =	vadd.s32 v11, v41;
	v26 =	vld.idx.msk [tilespmem:v56+s17+$0x0], $0xffff;
	[tilespmem:s26+$0x120] =	vst v31  }
0x3ab: {  	v32 =	vadd.s32 v12, v52;
	v25 =	vld.idx.msk [tilespmem:v25+s17+$0x0], $0xffff;
	[tilespmem:s26+$0x1A0] =	vst v23  }
0x3ac: {  	v60 =	vadd.s32 v11, v59;
	v29 =	vld.idx.msk [tilespmem:v29+s17+$0x0], $0xffff;
	[tilespmem:s26+$0x20] =	vst v21  }
0x3ad: {  	v30 =	vadd.s32 v11, v38;
	v22 =	vld.idx.msk [tilespmem:v63+s17+$0x0], $0xffff;
	[tilespmem:s26+$0x3B0] =	vst v33  }
0x3ae: {  	v31 =	vadd.s32 v11, v39;
	[tilespmem:s26+$0xA0] =	vst v24;
	v24 =	vld.idx.msk [tilespmem:v37+s17+$0x0], $0xffff  }
0x3af: {  	v49 =	vadd.s32 s14, v19;
	v42 =	vadd.s32 v11, v40;
	v45 =	vadd.s32 s8, v19;
	[tilespmem:s26+$0x2A0] =	vst v26;
	v20 =	vld.idx.msk [tilespmem:v20+s17+$0x0], $0xffff  }
0x3b0: {  	v44 =	vadd.s32 s5, v19;
	v47 =	vadd.s32 s9, v19;
	v46 =	vadd.s32 v12, v45;
	v32 =	vld.idx.msk [tilespmem:v32+s17+$0x0], $0xffff;
	[tilespmem:s26+$0x220] =	vst v25  }
0x3b1: {  	v61 =	vadd.s32 s7, v18;
	v48 =	vadd.s32 v12, v47;
	v57 =	vadd.s32 s1, v19;
	v27 =	vld.idx.msk [tilespmem:v60+s17+$0x0], $0xffff;
	[tilespmem:s26+$0x320] =	vst v29  }
0x3b2: {  	v53 =	vadd.s32 s25, v19;
	v51 =	vadd.s32 s16, v19;
	v19 =	vadd.s32 v12, v57;
	v30 =	vld.idx.msk [tilespmem:v30+s17+$0x0], $0xffff;
	[tilespmem:s26+$0x130] =	vst v22  }
0x3b3: {  	v28 =	vadd.s32 v13, v61;
	v31 =	vld.idx.msk [tilespmem:v31+s17+$0x0], $0xffff;
	[tilespmem:s26+$0x1B0] =	vst v24  }
0x3b4: {  	v26 =	vadd.s32 v12, v44;
	v23 =	vld.idx.msk [tilespmem:v42+s17+$0x0], $0xffff;
	[tilespmem:s26+$0x30] =	vst v20  }
0x3b5: {  	v52 =	vadd.s32 v12, v51;
	v21 =	vld.idx.msk [tilespmem:v46+s17+$0x0], $0xffff;
	[tilespmem:s26+$0x3C0] =	vst v32  }
0x3b6: {  	v55 =	vadd.s32 v12, v53;
	v60 =	vadd.s32 s8, v18;
	[tilespmem:s26+$0xB0] =	vst v27;
	v27 =	vld.idx.msk [tilespmem:v48+s17+$0x0], $0xffff  }
0x3b7: {  	v58 =	vadd.s32 s5, v18;
	v61 =	vadd.s32 v13, v60;
	v19 =	vld.idx.msk [tilespmem:v19+s17+$0x0], $0xffff;
	[tilespmem:s26+$0x230] =	vst v30  }
0x3b8: {  	v43 =	vadd.s32 s7, v17;
	v62 =	vadd.s32 s9, v18;
	v50 =	vadd.s32 v12, v49;
	v28 =	vld.idx.msk [tilespmem:v28+s17+$0x0], $0xffff;
	[tilespmem:s26+$0x2B0] =	vst v31  }
0x3b9: {  	v35 =	vadd.s32 s16, v18;
	v39 =	vadd.s32 s1, v18;
	v63 =	vadd.s32 v13, v62;
	v54 =	vld.idx.msk [tilespmem:v26+s17+$0x0], $0xffff;
	[tilespmem:s26+$0x330] =	vst v23  }
0x3ba: {  	v33 =	vadd.s32 s14, v18;
	v37 =	vadd.s32 s25, v18;
	v18 =	vadd.s32 v13, v39;
	v22 =	vld.idx.msk [tilespmem:v52+s17+$0x0], $0xffff;
	[tilespmem:s26+$0x140] =	vst v21  }
0x3bb: {  	v25 =	vadd.s32 v14, v43;
	v26 =	vld.idx.msk [tilespmem:v55+s17+$0x0], $0xffff;
	[tilespmem:s26+$0x1C0] =	vst v27  }
0x3bc: {  	v59 =	vadd.s32 v13, v58;
	v20 =	vld.idx.msk [tilespmem:v61+s17+$0x0], $0xffff;
	[tilespmem:s26+$0x40] =	vst v19  }
0x3bd: {  	v40 =	vadd.s32 s5, v17;
	v36 =	vadd.s32 v13, v35;
	[tilespmem:s26+$0x3D0] =	vst v28;
	v28 =	vld.idx.msk [tilespmem:v50+s17+$0x0], $0xffff  }
0x3be: {  	v51 =	vadd.s32 s25, v17;
	v38 =	vadd.s32 v13, v37;
	v43 =	vadd.s32 s8, v17;
	[tilespmem:s26+$0xC0] =	vst v54;
	v41 =	vld.idx.msk [tilespmem:v63+s17+$0x0], $0xffff  }
0x3bf: {  	v45 =	vadd.s32 s9, v17;
	v49 =	vadd.s32 s16, v17;
	v44 =	vadd.s32 v14, v43;
	v18 =	vld.idx.msk [tilespmem:v18+s17+$0x0], $0xffff;
	[tilespmem:s26+$0x2C0] =	vst v22  }
0x3c0: {  	v34 =	vadd.s32 v13, v33;
	v46 =	vadd.s32 s14, v17;
	v17 =	vadd.s32 s1, v17;
	v25 =	vld.idx.msk [tilespmem:v25+s17+$0x0], $0xffff;
	[tilespmem:s26+$0x340] =	vst v26  }
0x3c1: {  	v56 =	vadd.s32 s7, v16;
	v17 =	vadd.s32 v14, v17;
	v23 =	vld.idx.msk [tilespmem:v59+s17+$0x0], $0xffff;
	[tilespmem:s26+$0x150] =	vst v20  }
0x3c2: {  	v29 =	vadd.s32 v15, v56;
	v21 =	vld.idx.msk [tilespmem:v36+s17+$0x0], $0xffff;
	[tilespmem:s26+$0x240] =	vst v28  }
0x3c3: {  	v42 =	vadd.s32 v14, v40;
	v47 =	vld.idx.msk [tilespmem:v38+s17+$0x0], $0xffff;
	[tilespmem:s26+$0x1D0] =	vst v41  }
0x3c4: {  	v50 =	vadd.s32 v14, v49;
	v26 =	vld.idx.msk [tilespmem:v44+s17+$0x0], $0xffff;
	[tilespmem:s26+$0x50] =	vst v18  }
0x3c5: {  	v57 =	vadd.s32 s9, v16;
	v28 =	vadd.s32 v14, v45;
	[tilespmem:s26+$0x3E0] =	vst v25;
	v24 =	vld.idx.msk [tilespmem:v34+s17+$0x0], $0xffff  }
0x3c6: {  	v53 =	vadd.s32 v14, v51;
	v55 =	vadd.s32 s8, v16;
	v61 =	vadd.s32 s16, v16;
	[tilespmem:s26+$0xD0] =	vst v23;
	v17 =	vld.idx.msk [tilespmem:v17+s17+$0x0], $0xffff  }
0x3c7: {  	v56 =	vadd.s32 v15, v55;
	v54 =	vadd.s32 s5, v16;
	v63 =	vadd.s32 s25, v16;
	v29 =	vld.idx.msk [tilespmem:v29+s17+$0x0], $0xffff;
	[tilespmem:s26+$0x2D0] =	vst v21  }
0x3c8: {  	v48 =	vadd.s32 v14, v46;
	v59 =	vadd.s32 s14, v16;
	v16 =	vadd.s32 s1, v16;
	v52 =	vld.idx.msk [tilespmem:v42+s17+$0x0], $0xffff;
	[tilespmem:s26+$0x350] =	vst v47  }
0x3c9: {  	v16 =	vadd.s32 v15, v16;
	v23 =	vld.idx.msk [tilespmem:v50+s17+$0x0], $0xffff;
	[tilespmem:s26+$0x160] =	vst v26  }
0x3ca: {  	v22 =	vadd.s32 v15, v54;
	v28 =	vld.idx.msk [tilespmem:v28+s17+$0x0], $0xffff;
	[tilespmem:s26+$0x250] =	vst v24  }
0x3cb: {  	v62 =	vadd.s32 v15, v61;
	v25 =	vld.idx.msk [tilespmem:v53+s17+$0x0], $0xffff;
	[tilespmem:s26+$0x60] =	vst v17  }
0x3cc: {  	v58 =	vadd.s32 v15, v57;
	v21 =	vld.idx.msk [tilespmem:v56+s17+$0x0], $0xffff;
	[tilespmem:s26+$0x3F0] =	vst v29  }
0x3cd: {  	v24 =	vadd.s32 v15, v63;
	v27 =	vld.idx.msk [tilespmem:v48+s17+$0x0], $0xffff;
	[tilespmem:s26+$0xE0] =	vst v52  }
0x3ce: {  	v60 =	vadd.s32 v15, v59;
	v16 =	vld.idx.msk [tilespmem:v16+s17+$0x0], $0xffff;
	[tilespmem:s26+$0x2E0] =	vst v23  }
0x3cf: {  	v22 =	vld.idx.msk [tilespmem:v22+s17+$0x0], $0xffff;
	[tilespmem:s26+$0x1E0] =	vst v28  }
0x3d0: {  	[tilespmem:s26+$0x360] =	vst v25;
	v20 =	vld.idx.msk [tilespmem:v62+s17+$0x0], $0xffff  }
0x3d1: {  	v19 =	vld.idx.msk [tilespmem:v58+s17+$0x0], $0xffff;
	[tilespmem:s26+$0x170] =	vst v21  }
0x3d2: {  	v17 =	vld.idx.msk [tilespmem:v24+s17+$0x0], $0xffff;
	[tilespmem:s26+$0x260] =	vst v27  }
0x3d3: {  	s28 =	sadd.s32 $0x1, s28;
	[tilespmem:s26+$0x70] =	vst v16;
	v18 =	vld.idx.msk [tilespmem:v60+s17+$0x0], $0xffff  }
0x3d4: {  	p0 =	sne.s32 s28, $0x32;
	[tilespmem:s26+$0xF0] =	vst v22  }
.Ltmp3:
0x3d5: {  	s30 =	sshll.u32 s30, $0x13;
	[tilespmem:s26+$0x2F0] =	vst v20;
	(pc) =	sbr.rel @p0 .LBB2_2-.Ltmp3, $4  }
0x3d6: {  	s1 =	sor.u32 s29, s30;
	[tilespmem:s26+$0x1F0] =	vst v19  }
0x3d7: {  	s1 =	sshrl.u32 s1, $0x3;
	[tilespmem:s26+$0x370] =	vst v17  }
0x3d8: {  	s31 =	sadd.s32 s4, s1;
	[tilespmem:s26+$0x270] =	vst v18  }
0x3d9: {  	[hbm4b:s31+s19] =	stream.strided.scatter [tilespmem:s24], [sflag:$0x4], $0x2000, s20, s19, $0x38;
	[tilespmem:$0x14600] =	vst v63  }
0x3da: {  	s1 =	simm.s32 $0x4  }
0x3db: {  	_ =	swait.ge [sflag:s1], $0x2000  }
0x3dc: {  	s5 =	rddreg [dreg:$0x7]  }
0x3dd: {  	s0 =	rddreg [dreg:$0x6];
	s5 =	sadd.s32 $0x1, s5  }
0x3de: {  	p0 =	sne.s32 s5, s0  }
.Ltmp4:
0x3df: {  	_ = 	snop;
	(pc) =	sbr.rel @p0 .LBB2_1-.Ltmp4, $3  }
0x3e0: {  	_ =	sdelay $0x1  }
0x3e1: {  	[sflag:s1] =	ssyncset.done $0x0  }
0x3e2: {  	[sflag:s1] =	ssyncadd.s32 $0xFFFFE000  }
0x3e3: {  	_ =	sfence.sel $0x180000  }
0x3e4: {  	[bflag:$0x0] =	sbarrier.arrive $0xFFFF  }
0x3e5: {  	_ =	strace $0x90000047  }
0x3e6: {  	s0 =	stileid.u32;
	[bflag:$0x2] =	sbarrier.arrive $0xFFFF  }
0x3e7: {  	p0 =	sne.s32 s0, $0x0;
	s0 =	rddreg [dreg:$0x3]  }
0x3e8: {  	s0 =	sadd.s32 @!p0 $0x100000, s0  }
0x3e9: {  	[sflag:s0] =	ssyncadd.tile.s32 @!p0 $0x1;
	_ =	shalt  }
.Lfunc_end2:
_tile_overlayer_lowered:
.L_overlay_start_2:
0x3ea: {  	(tag) =	ssettag $0x2  }
0x3eb: {  	s0 =	rddreg [dreg:$0x0];
	s2 =	stileid.u32  }
0x3ec: {  	s1 =	rddreg [dreg:$0x1];
	p0 =	sne.s32 s2, $0x0  }
0x3ed: {  	s3 =	rddreg [dreg:$0x2];
	[bflag:$0x3] =	sbarrier.arrive $0xFFFF;
	s2 =	simm.s32 @!p0 $0x1C05  }
0x3ee: {  	[timem:s3], [sflag:s2] =	dma.local @!p0 [hbm:s0], s1  }
0x3ef: {  	s0 =	simm.s32 @!p0 $0x5  }
0x3f0: {  	_ =	swait.ge @!p0 [sflag:s0], s1  }
0x3f1: {  	s1 =	ssub.s32 @!p0 $0x0, s1;
	[sflag:s0] =	ssyncset.done @!p0 $0x0  }
0x3f2: {  	[sflag:s0] =	ssyncadd.s32 @!p0 s1  }
0x3f3: {  	[bflag:$0x3] =	sbarrier.arrive $0xFFFF  }
0x3f4: {  	_ =	shalt  }

</sc_bundles>
